<compile_context>
chip_gen: v7x
topology: tpu7x:2x2x1
jax: 0.10.2.dev20260603
libtpu: 0.0.44.dev20260713+nightly
codegen_flags: <defaults>
</compile_context>

<pallas_src>
import jax
import jax.numpy as jnp
from jax import lax
from jax.experimental import pallas as pl
from jax.experimental.pallas import tpu as pltpu
from jax.experimental.pallas import tpu_sc as plsc

N = 10000
E = 320000
B = 128
NB = 80
BLK = NB * B
NBLK = 32
E_PAD = NBLK * BLK
DUMP = N
ACC_ROWS = 10112
DEG_PAD = 10240
IDXC = 40
NCH = NB // IDXC
R = 5000
GRID = N // R

_MESH = plsc.VectorSubcoreMesh(core_axis_name="c", subcore_axis_name="s")


def _fill(ref, rows, val, cols=128):
    v = jnp.full((16,), val, jnp.float32)

    def body(i, _):
        for k in range(cols // 16):
            ref[i, pl.ds(k * 16, 16)] = v
        return 0

    lax.fori_loop(0, rows, body, 0)


def _deg(dst_r):

    def body(dst_ref, out, dst_v, ones_v, zeros_v, deg_sp):
        c = lax.axis_index("c")
        s = lax.axis_index("s")
        wid = c * 16 + s
        _fill(ones_v, 1, 1.0, cols=B)

        def zbody(i, _):
            for k in range(8):
                zeros_v[pl.ds(i * 128 + k * 16, 16)] = jnp.zeros((16,), jnp.float32)
            return 0

        lax.fori_loop(0, 5, zbody, 0)
        pltpu.sync_copy(zeros_v, deg_sp.at[pl.ds(s * 640, 640)])
        plsc.subcore_barrier()
        pltpu.sync_copy(dst_ref.at[wid], dst_v)

        def body_b(b, _):
            pltpu.sync_copy(ones_v.at[0], deg_sp.at[dst_v.at[b]], add=True)
            return 0

        lax.fori_loop(0, NB, body_b, 0)
        plsc.subcore_barrier()
        pltpu.sync_copy(deg_sp.at[pl.ds(s * 640, 640)],
                        out.at[c].at[pl.ds(s * 640, 640)])

    return pl.kernel(
        body,
        out_type=jax.ShapeDtypeStruct((2, DEG_PAD), jnp.float32),
        mesh=_MESH,
        scratch_types=[
            pltpu.VMEM((NB, B), jnp.int32),
            pltpu.VMEM((1, B), jnp.float32),
            pltpu.VMEM((640,), jnp.float32),
            pltpu.VMEM_SHARED((DEG_PAD,), jnp.float32),
        ],
    )(dst_r)


def _make_seg(two_tables):

    NRING = 2

    def body(h_ref, src_ref, dst_ref, out, src_v, dst_v, rows_v, acc,
             *sems):
        c = lax.axis_index("c")
        s = lax.axis_index("s")
        _fill(rows_v.at[0], B, 0.0)
        for k in range(4):
            pltpu.sync_copy(rows_v.at[0], acc.at[pl.ds(s * 632 + 128 * k, 128)])
        pltpu.sync_copy(rows_v.at[0].at[pl.ds(0, 120)],
                        acc.at[pl.ds(s * 632 + 512, 120)])
        plsc.subcore_barrier()

        tbl = h_ref.at[c] if two_tables else h_ref
        nblk = 2 if two_tables else 1

        def gather(b, i):
            pltpu.async_copy(tbl.at[src_v.at[b]], rows_v.at[i], sems[i])

        def gather_wait(b, i):
            pltpu.make_async_copy(tbl.at[src_v.at[b]], rows_v.at[i],
                                  sems[i]).wait()

        for j in range(nblk):
            blk = 2 * s + j if two_tables else c * 16 + s
            for h in range(NCH):
                pltpu.sync_copy(src_ref.at[blk, h], src_v)
                pltpu.sync_copy(dst_ref.at[blk, h], dst_v)

                for i in range(NRING):
                    gather(i, i)

                def body_k(k, _):
                    for i in range(NRING):
                        b = NRING * k + i
                        gather_wait(b, i)
                        pltpu.sync_copy(rows_v.at[i], acc.at[dst_v.at[b]],
                                        add=True)
                        nxt = b + NRING

                        @pl.when(nxt < IDXC)
                        def _():
                            gather(nxt, i)
                    return 0

                lax.fori_loop(0, IDXC // NRING, body_k, 0)
        plsc.subcore_barrier()
        @pl.when(s < 15)
        def _():
            pltpu.sync_copy(acc.at[pl.ds(s * 632, 632)],
                            out.at[c].at[pl.ds(s * 632, 632)])

        @pl.when(s == 15)
        def _():
            pltpu.sync_copy(acc.at[pl.ds(15 * 632, 520)],
                            out.at[c].at[pl.ds(15 * 632, 520)])

    return pl.kernel(
        body,
        out_type=jax.ShapeDtypeStruct((2, N, 128), jnp.float32),
        mesh=_MESH,
        scratch_types=[
            pltpu.VMEM((IDXC, B), jnp.int32),
            pltpu.VMEM((IDXC, B), jnp.int32),
            pltpu.VMEM((NRING, B, 128), jnp.float32),
            pltpu.VMEM_SHARED((ACC_ROWS, 128), jnp.float32),
        ] + [pltpu.SemaphoreType.DMA] * NRING,
    )


def _tc_b(x, W1, ca, cb):
    def body(x_ref, w_ref, ca_ref, cb_ref, out_ref):
        dis = lax.rsqrt(1.0 + ca_ref[...] + cb_ref[...])
        hp = jnp.dot(x_ref[...], w_ref[...],
                     preferred_element_type=jnp.float32) * dis
        out_ref[0] = hp[:, :128]
        out_ref[1] = hp[:, 128:]

    return pl.pallas_call(
        body,
        grid=(GRID,),
        in_specs=[
            pl.BlockSpec((R, 128), lambda i: (i, 0)),
            pl.BlockSpec((128, 256), lambda i: (0, 0)),
            pl.BlockSpec((R, 1), lambda i: (i, 0)),
            pl.BlockSpec((R, 1), lambda i: (i, 0)),
        ],
        out_specs=pl.BlockSpec((2, R, 128), lambda i: (0, i, 0)),
        out_shape=jax.ShapeDtypeStruct((2, N, 128), jnp.float32),
    )(x, W1, ca, cb)


def _tc_d(seg, h, ca, cb, b1, W2):
    def body(seg_ref, h_ref, ca_ref, cb_ref, b1_ref, w_ref, out_ref):
        dis = lax.rsqrt(1.0 + ca_ref[...] + cb_ref[...])
        b1v = b1_ref[...]
        o0 = jnp.maximum((seg_ref[0] + h_ref[0]) * dis + b1v[:, :128], 0.0)
        o1 = jnp.maximum((seg_ref[1] + h_ref[1]) * dis + b1v[:, 128:], 0.0)
        w = w_ref[...]
        g = (jnp.dot(o0, w[:128], preferred_element_type=jnp.float32)
             + jnp.dot(o1, w[128:], preferred_element_type=jnp.float32)) * dis
        out_ref[...] = g

    return pl.pallas_call(
        body,
        grid=(GRID,),
        in_specs=[
            pl.BlockSpec((2, R, 128), lambda i: (0, i, 0)),
            pl.BlockSpec((2, R, 128), lambda i: (0, i, 0)),
            pl.BlockSpec((R, 1), lambda i: (i, 0)),
            pl.BlockSpec((R, 1), lambda i: (i, 0)),
            pl.BlockSpec((1, 256), lambda i: (0, 0)),
            pl.BlockSpec((256, 128), lambda i: (0, 0)),
        ],
        out_specs=pl.BlockSpec((R, 128), lambda i: (i, 0)),
        out_shape=jax.ShapeDtypeStruct((N, 128), jnp.float32),
    )(seg, h, ca, cb, b1, W2)


def _tc_f(seg2, g, ca, cb, b2):
    def body(seg_ref, g_ref, ca_ref, cb_ref, b2_ref, out_ref):
        dis = lax.rsqrt(1.0 + ca_ref[...] + cb_ref[...])
        t = (seg_ref[0] + seg_ref[1] + g_ref[...]) * dis + b2_ref[...]
        out_ref[...] = jnp.maximum(t, 0.0)

    return pl.pallas_call(
        body,
        grid=(GRID,),
        in_specs=[
            pl.BlockSpec((2, R, 128), lambda i: (0, i, 0)),
            pl.BlockSpec((R, 128), lambda i: (i, 0)),
            pl.BlockSpec((R, 1), lambda i: (i, 0)),
            pl.BlockSpec((R, 1), lambda i: (i, 0)),
            pl.BlockSpec((1, 128), lambda i: (0, 0)),
        ],
        out_specs=pl.BlockSpec((R, 128), lambda i: (i, 0)),
        out_shape=jax.ShapeDtypeStruct((N, 128), jnp.float32),
    )(seg2, g, ca, cb, b2)


def kernel(x, edge_index, W1, b1, W2, b2):
    src = edge_index[0].astype(jnp.int32)
    dst = edge_index[1].astype(jnp.int32)
    npad = E_PAD - E
    src_p = jnp.concatenate([src, jnp.arange(npad, dtype=jnp.int32) % N])
    dst_p = jnp.concatenate([dst, jnp.full((npad,), DUMP, jnp.int32)])
    src_r = src_p.reshape(NBLK, NCH, IDXC, B)
    dst_r = dst_p.reshape(NBLK, NCH, IDXC, B)
    dst_r3 = dst_p.reshape(NBLK, NB, B)

    cnt2 = _deg(dst_r3)
    ca = cnt2[0, :N].reshape(N, 1)
    cb = cnt2[1, :N].reshape(N, 1)

    h = _tc_b(x, W1, ca, cb)
    seg1 = _make_seg(True)(h, src_r, dst_r)
    g = _tc_d(seg1, h, ca, cb, b1.reshape(1, 256), W2)
    seg2 = _make_seg(False)(g, src_r, dst_r)
    return _tc_f(seg2, g, ca, cb, b2.reshape(1, 128))

# --- scband reference (transcript-rebuilt; emitter-appended) ---
"""Pipeline reference for scband-di-gcl-1408749273635 (READ-ONLY COPY).

The authoritative reference and input builder live on the scoring server;
editing this copy changes nothing except your own understanding.
"""

import jax, jax.numpy as jnp
import numpy as np

N_NODES = 10000
N_EDGES = 320000
IN_CH = 128
OUT_CH = 128
HID = 2 * OUT_CH


def gcn_conv(x, W, b, src, dst, n):
    e = src.shape[0]
    loop = jnp.arange(n, dtype=src.dtype)
    src2 = jnp.concatenate([src, loop])
    dst2 = jnp.concatenate([dst, loop])
    ew2 = jnp.ones((e + n,), dtype=x.dtype)
    deg = jax.ops.segment_sum(ew2, dst2, num_segments=n)
    dis = jnp.where(deg > 0, 1.0 / jnp.sqrt(deg), 0.0)
    norm = dis[src2] * ew2 * dis[dst2]
    h = x @ W
    msg = jnp.take(h, src2, axis=0) * norm[:, None]
    out = jax.ops.segment_sum(msg, dst2, num_segments=n)
    return out + b


def setup_inputs(seed: int = 0) -> dict:
    key = jax.random.key(seed)
    k1, k2, k3, k4, k5, k6 = jax.random.split(key, 6)
    x = jax.random.normal(k1, (N_NODES, IN_CH), dtype=jnp.float32)
    edge_index = jax.random.randint(k2, (2, N_EDGES), 0, N_NODES, dtype=jnp.int64)
    W1 = jax.random.normal(k3, (IN_CH, HID), dtype=jnp.float32) * 0.05
    b1 = jnp.zeros((HID,), dtype=jnp.float32)
    W2 = jax.random.normal(k4, (HID, OUT_CH), dtype=jnp.float32) * 0.05
    b2 = jnp.zeros((OUT_CH,), dtype=jnp.float32)
    return {"x": x, "edge_index": edge_index, "W1": W1, "b1": b1, "W2": W2, "b2": b2}


def reference(x, edge_index, W1, b1, W2, b2):
    src = edge_index[0]
    dst = edge_index[1]
    n = x.shape[0]
    h = jax.nn.relu(gcn_conv(x, W1, b1, src, dst, n))
    out = jax.nn.relu(gcn_conv(h, W2, b2, src, dst, n))
    return out

if __name__ == "__main__":
    import jax
    _d = setup_inputs()
    print(jax.jit(kernel)(*tuple(_d.values())))

</pallas_src>

<mosaic_0001>
#map = affine_map<(d0, d1) -> (0, 0, 0)>
#map1 = affine_map<(d0, d1) -> (0, 0)>
module attributes {stable_mosaic.version = 14 : i64} {
  func.func @body(%arg0: i32, %arg1: i32, %arg2: memref<32x80x128xi32, #tpu.memory_space<hbm>>, %arg3: memref<2x10240xf32, #tpu.memory_space<hbm>>, %arg4: memref<80x128xi32, #tpu.memory_space<vmem>>, %arg5: memref<1x128xf32, #tpu.memory_space<vmem>>, %arg6: memref<640xf32, #tpu.memory_space<vmem>>, %arg7: memref<10240xf32, #tpu.memory_space<vmem_shared>>) attributes {dimension_semantics = [#tpu.dimension_semantics<core_parallel>, #tpu.dimension_semantics<subcore_parallel>], iteration_bounds = array<i64: 2, 16>, scalar_prefetch = 0 : i64, scratch_operands = 4 : i64, tpu.core_type = #tpu.core_type<sc_vector_subcore>, window_params = [{transform_indices = #map}, {transform_indices = #map1}]} {
    %mul3A = arith.constant 16 : i32
    %mul3A_0 = arith.muli %arg0, %mul3A : i32
    %add3A = arith.addi %mul3A_0, %arg1 : i32
    %broadcast_in_dim3A = arith.constant 1.000000e+00 : f32
    %broadcast_in_dim3A_1 = vector.broadcast %broadcast_in_dim3A : f32 to vector<16xf32>
    %scan3A = arith.constant 0 : i32
    %scan3A_2 = arith.constant 0 : i32
    %swap3A = arith.index_cast %scan3A_2 : i32 to index
    %swap3A_3 = arith.constant 0 : index
    %swap3A_4 = tpu.vector_load %arg5[%swap3A, %swap3A_3] {strides = array<i32>} : memref<1x128xf32, #tpu.memory_space<vmem>>, vector<1x16xf32>,
    %swap3A_5 = vector.shape_cast %swap3A_4 : vector<1x16xf32> to vector<16xf32>
    %swap3A_6 = vector.shape_cast %broadcast_in_dim3A_1 : vector<16xf32> to vector<1x16xf32>
    tpu.vector_store %arg5[%swap3A, %swap3A_3], %swap3A_6 {strides = array<i32>} : memref<1x128xf32, #tpu.memory_space<vmem>>, vector<1x16xf32>,
    %swap3A_7 = arith.index_cast %scan3A_2 : i32 to index
    %swap3A_8 = arith.constant 16 : index
    %swap3A_9 = tpu.vector_load %arg5[%swap3A_7, %swap3A_8] {strides = array<i32>} : memref<1x128xf32, #tpu.memory_space<vmem>>, vector<1x16xf32>,
    %swap3A_10 = vector.shape_cast %swap3A_9 : vector<1x16xf32> to vector<16xf32>
    %swap3A_11 = vector.shape_cast %broadcast_in_dim3A_1 : vector<16xf32> to vector<1x16xf32>
    tpu.vector_store %arg5[%swap3A_7, %swap3A_8], %swap3A_11 {strides = array<i32>} : memref<1x128xf32, #tpu.memory_space<vmem>>, vector<1x16xf32>,
    %swap3A_12 = arith.index_cast %scan3A_2 : i32 to index
    %swap3A_13 = arith.constant 32 : index
    %swap3A_14 = tpu.vector_load %arg5[%swap3A_12, %swap3A_13] {strides = array<i32>} : memref<1x128xf32, #tpu.memory_space<vmem>>, vector<1x16xf32>,
    %swap3A_15 = vector.shape_cast %swap3A_14 : vector<1x16xf32> to vector<16xf32>
    %swap3A_16 = vector.shape_cast %broadcast_in_dim3A_1 : vector<16xf32> to vector<1x16xf32>
    tpu.vector_store %arg5[%swap3A_12, %swap3A_13], %swap3A_16 {strides = array<i32>} : memref<1x128xf32, #tpu.memory_space<vmem>>, vector<1x16xf32>,
    %swap3A_17 = arith.index_cast %scan3A_2 : i32 to index
    %swap3A_18 = arith.constant 48 : index
    %swap3A_19 = tpu.vector_load %arg5[%swap3A_17, %swap3A_18] {strides = array<i32>} : memref<1x128xf32, #tpu.memory_space<vmem>>, vector<1x16xf32>,
    %swap3A_20 = vector.shape_cast %swap3A_19 : vector<1x16xf32> to vector<16xf32>
    %swap3A_21 = vector.shape_cast %broadcast_in_dim3A_1 : vector<16xf32> to vector<1x16xf32>
    tpu.vector_store %arg5[%swap3A_17, %swap3A_18], %swap3A_21 {strides = array<i32>} : memref<1x128xf32, #tpu.memory_space<vmem>>, vector<1x16xf32>,
    %swap3A_22 = arith.index_cast %scan3A_2 : i32 to index
    %swap3A_23 = arith.constant 64 : index
    %swap3A_24 = tpu.vector_load %arg5[%swap3A_22, %swap3A_23] {strides = array<i32>} : memref<1x128xf32, #tpu.memory_space<vmem>>, vector<1x16xf32>,
    %swap3A_25 = vector.shape_cast %swap3A_24 : vector<1x16xf32> to vector<16xf32>
    %swap3A_26 = vector.shape_cast %broadcast_in_dim3A_1 : vector<16xf32> to vector<1x16xf32>
    tpu.vector_store %arg5[%swap3A_22, %swap3A_23], %swap3A_26 {strides = array<i32>} : memref<1x128xf32, #tpu.memory_space<vmem>>, vector<1x16xf32>,
    %swap3A_27 = arith.index_cast %scan3A_2 : i32 to index
    %swap3A_28 = arith.constant 80 : index
    %swap3A_29 = tpu.vector_load %arg5[%swap3A_27, %swap3A_28] {strides = array<i32>} : memref<1x128xf32, #tpu.memory_space<vmem>>, vector<1x16xf32>,
    %swap3A_30 = vector.shape_cast %swap3A_29 : vector<1x16xf32> to vector<16xf32>
    %swap3A_31 = vector.shape_cast %broadcast_in_dim3A_1 : vector<16xf32> to vector<1x16xf32>
    tpu.vector_store %arg5[%swap3A_27, %swap3A_28], %swap3A_31 {strides = array<i32>} : memref<1x128xf32, #tpu.memory_space<vmem>>, vector<1x16xf32>,
    %swap3A_32 = arith.index_cast %scan3A_2 : i32 to index
    %swap3A_33 = arith.constant 96 : index
    %swap3A_34 = tpu.vector_load %arg5[%swap3A_32, %swap3A_33] {strides = array<i32>} : memref<1x128xf32, #tpu.memory_space<vmem>>, vector<1x16xf32>,
    %swap3A_35 = vector.shape_cast %swap3A_34 : vector<1x16xf32> to vector<16xf32>
    %swap3A_36 = vector.shape_cast %broadcast_in_dim3A_1 : vector<16xf32> to vector<1x16xf32>
    tpu.vector_store %arg5[%swap3A_32, %swap3A_33], %swap3A_36 {strides = array<i32>} : memref<1x128xf32, #tpu.memory_space<vmem>>, vector<1x16xf32>,
    %swap3A_37 = arith.index_cast %scan3A_2 : i32 to index
    %swap3A_38 = arith.constant 112 : index
    %swap3A_39 = tpu.vector_load %arg5[%swap3A_37, %swap3A_38] {strides = array<i32>} : memref<1x128xf32, #tpu.memory_space<vmem>>, vector<1x16xf32>,
    %swap3A_40 = vector.shape_cast %swap3A_39 : vector<1x16xf32> to vector<16xf32>
    %swap3A_41 = vector.shape_cast %broadcast_in_dim3A_1 : vector<16xf32> to vector<1x16xf32>
    tpu.vector_store %arg5[%swap3A_37, %swap3A_38], %swap3A_41 {strides = array<i32>} : memref<1x128xf32, #tpu.memory_space<vmem>>, vector<1x16xf32>,
    %scan3A_42 = arith.constant 0 : i32
    %scan3A_43 = arith.constant 1 : i32
    %scan3A_44 = arith.constant 0 : i32
    %scan3A_45 = arith.constant 0 : i32
    %scan3A_46 = arith.constant 5 : i32
    %scan3A_47 = arith.addi %scan3A_45, %scan3A_46 : i32
    %scan3A_48 = arith.constant 1 : i32
    %scan3A_49 = scf.for %scan3A_65 = %scan3A_45 to %scan3A_47 step %scan3A_48 iter_args(%scan3A_66 = %scan3A_44) -> (i32)  : i32 {
      %broadcast_in_dim3A_67 = arith.constant 0.000000e+00 : f32
      %broadcast_in_dim3A_68 = vector.broadcast %broadcast_in_dim3A_67 : f32 to vector<16xf32>
      %mul3A_69 = arith.constant 128 : i32
      %mul3A_70 = arith.muli %scan3A_65, %mul3A_69 : i32
      %add3A_71 = arith.constant 0 : i32
      %add3A_72 = arith.addi %mul3A_70, %add3A_71 : i32
      %swap3A_73 = arith.index_cast %add3A_72 : i32 to index
      %swap3A_74 = tpu.vector_load %arg6[%swap3A_73] {strides = array<i32>} : memref<640xf32, #tpu.memory_space<vmem>>, vector<16xf32>,
      %swap3A_75 = vector.shape_cast %swap3A_74 : vector<16xf32> to vector<16xf32>
      %swap3A_76 = vector.shape_cast %broadcast_in_dim3A_68 : vector<16xf32> to vector<16xf32>
      tpu.vector_store %arg6[%swap3A_73], %swap3A_76 {strides = array<i32>} : memref<640xf32, #tpu.memory_space<vmem>>, vector<16xf32>,
      %broadcast_in_dim3A_77 = arith.constant 0.000000e+00 : f32
      %broadcast_in_dim3A_78 = vector.broadcast %broadcast_in_dim3A_77 : f32 to vector<16xf32>
      %mul3A_79 = arith.constant 128 : i32
      %mul3A_80 = arith.muli %scan3A_65, %mul3A_79 : i32
      %add3A_81 = arith.constant 16 : i32
      %add3A_82 = arith.addi %mul3A_80, %add3A_81 : i32
      %swap3A_83 = arith.index_cast %add3A_82 : i32 to index
      %swap3A_84 = tpu.vector_load %arg6[%swap3A_83] {strides = array<i32>} : memref<640xf32, #tpu.memory_space<vmem>>, vector<16xf32>,
      %swap3A_85 = vector.shape_cast %swap3A_84 : vector<16xf32> to vector<16xf32>
      %swap3A_86 = vector.shape_cast %broadcast_in_dim3A_78 : vector<16xf32> to vector<16xf32>
      tpu.vector_store %arg6[%swap3A_83], %swap3A_86 {strides = array<i32>} : memref<640xf32, #tpu.memory_space<vmem>>, vector<16xf32>,
      %broadcast_in_dim3A_87 = arith.constant 0.000000e+00 : f32
      %broadcast_in_dim3A_88 = vector.broadcast %broadcast_in_dim3A_87 : f32 to vector<16xf32>
      %mul3A_89 = arith.constant 128 : i32
      %mul3A_90 = arith.muli %scan3A_65, %mul3A_89 : i32
      %add3A_91 = arith.constant 32 : i32
      %add3A_92 = arith.addi %mul3A_90, %add3A_91 : i32
      %swap3A_93 = arith.index_cast %add3A_92 : i32 to index
      %swap3A_94 = tpu.vector_load %arg6[%swap3A_93] {strides = array<i32>} : memref<640xf32, #tpu.memory_space<vmem>>, vector<16xf32>,
      %swap3A_95 = vector.shape_cast %swap3A_94 : vector<16xf32> to vector<16xf32>
      %swap3A_96 = vector.shape_cast %broadcast_in_dim3A_88 : vector<16xf32> to vector<16xf32>
      tpu.vector_store %arg6[%swap3A_93], %swap3A_96 {strides = array<i32>} : memref<640xf32, #tpu.memory_space<vmem>>, vector<16xf32>,
      %broadcast_in_dim3A_97 = arith.constant 0.000000e+00 : f32
      %broadcast_in_dim3A_98 = vector.broadcast %broadcast_in_dim3A_97 : f32 to vector<16xf32>
      %mul3A_99 = arith.constant 128 : i32
      %mul3A_100 = arith.muli %scan3A_65, %mul3A_99 : i32
      %add3A_101 = arith.constant 48 : i32
      %add3A_102 = arith.addi %mul3A_100, %add3A_101 : i32
      %swap3A_103 = arith.index_cast %add3A_102 : i32 to index
      %swap3A_104 = tpu.vector_load %arg6[%swap3A_103] {strides = array<i32>} : memref<640xf32, #tpu.memory_space<vmem>>, vector<16xf32>,
      %swap3A_105 = vector.shape_cast %swap3A_104 : vector<16xf32> to vector<16xf32>
      %swap3A_106 = vector.shape_cast %broadcast_in_dim3A_98 : vector<16xf32> to vector<16xf32>
      tpu.vector_store %arg6[%swap3A_103], %swap3A_106 {strides = array<i32>} : memref<640xf32, #tpu.memory_space<vmem>>, vector<16xf32>,
      %broadcast_in_dim3A_107 = arith.constant 0.000000e+00 : f32
      %broadcast_in_dim3A_108 = vector.broadcast %broadcast_in_dim3A_107 : f32 to vector<16xf32>
      %mul3A_109 = arith.constant 128 : i32
      %mul3A_110 = arith.muli %scan3A_65, %mul3A_109 : i32
      %add3A_111 = arith.constant 64 : i32
      %add3A_112 = arith.addi %mul3A_110, %add3A_111 : i32
      %swap3A_113 = arith.index_cast %add3A_112 : i32 to index
      %swap3A_114 = tpu.vector_load %arg6[%swap3A_113] {strides = array<i32>} : memref<640xf32, #tpu.memory_space<vmem>>, vector<16xf32>,
      %swap3A_115 = vector.shape_cast %swap3A_114 : vector<16xf32> to vector<16xf32>
      %swap3A_116 = vector.shape_cast %broadcast_in_dim3A_108 : vector<16xf32> to vector<16xf32>
      tpu.vector_store %arg6[%swap3A_113], %swap3A_116 {strides = array<i32>} : memref<640xf32, #tpu.memory_space<vmem>>, vector<16xf32>,
      %broadcast_in_dim3A_117 = arith.constant 0.000000e+00 : f32
      %broadcast_in_dim3A_118 = vector.broadcast %broadcast_in_dim3A_117 : f32 to vector<16xf32>
      %mul3A_119 = arith.constant 128 : i32
      %mul3A_120 = arith.muli %scan3A_65, %mul3A_119 : i32
      %add3A_121 = arith.constant 80 : i32
      %add3A_122 = arith.addi %mul3A_120, %add3A_121 : i32
      %swap3A_123 = arith.index_cast %add3A_122 : i32 to index
      %swap3A_124 = tpu.vector_load %arg6[%swap3A_123] {strides = array<i32>} : memref<640xf32, #tpu.memory_space<vmem>>, vector<16xf32>,
      %swap3A_125 = vector.shape_cast %swap3A_124 : vector<16xf32> to vector<16xf32>
      %swap3A_126 = vector.shape_cast %broadcast_in_dim3A_118 : vector<16xf32> to vector<16xf32>
      tpu.vector_store %arg6[%swap3A_123], %swap3A_126 {strides = array<i32>} : memref<640xf32, #tpu.memory_space<vmem>>, vector<16xf32>,
      %broadcast_in_dim3A_127 = arith.constant 0.000000e+00 : f32
      %broadcast_in_dim3A_128 = vector.broadcast %broadcast_in_dim3A_127 : f32 to vector<16xf32>
      %mul3A_129 = arith.constant 128 : i32
      %mul3A_130 = arith.muli %scan3A_65, %mul3A_129 : i32
      %add3A_131 = arith.constant 96 : i32
      %add3A_132 = arith.addi %mul3A_130, %add3A_131 : i32
      %swap3A_133 = arith.index_cast %add3A_132 : i32 to index
      %swap3A_134 = tpu.vector_load %arg6[%swap3A_133] {strides = array<i32>} : memref<640xf32, #tpu.memory_space<vmem>>, vector<16xf32>,
      %swap3A_135 = vector.shape_cast %swap3A_134 : vector<16xf32> to vector<16xf32>
      %swap3A_136 = vector.shape_cast %broadcast_in_dim3A_128 : vector<16xf32> to vector<16xf32>
      tpu.vector_store %arg6[%swap3A_133], %swap3A_136 {strides = array<i32>} : memref<640xf32, #tpu.memory_space<vmem>>, vector<16xf32>,
      %broadcast_in_dim3A_137 = arith.constant 0.000000e+00 : f32
      %broadcast_in_dim3A_138 = vector.broadcast %broadcast_in_dim3A_137 : f32 to vector<16xf32>
      %mul3A_139 = arith.constant 128 : i32
      %mul3A_140 = arith.muli %scan3A_65, %mul3A_139 : i32
      %add3A_141 = arith.constant 112 : i32
      %add3A_142 = arith.addi %mul3A_140, %add3A_141 : i32
      %swap3A_143 = arith.index_cast %add3A_142 : i32 to index
      %swap3A_144 = tpu.vector_load %arg6[%swap3A_143] {strides = array<i32>} : memref<640xf32, #tpu.memory_space<vmem>>, vector<16xf32>,
      %swap3A_145 = vector.shape_cast %swap3A_144 : vector<16xf32> to vector<16xf32>
      %swap3A_146 = vector.shape_cast %broadcast_in_dim3A_138 : vector<16xf32> to vector<16xf32>
      tpu.vector_store %arg6[%swap3A_143], %swap3A_146 {strides = array<i32>} : memref<640xf32, #tpu.memory_space<vmem>>, vector<16xf32>,
      %scan3A_147 = arith.constant 0 : i32
      scf.yield %scan3A_147 : i32
    }
    %scan3A_50 = arith.constant 5 : i32
    %mul3A_51 = arith.constant 640 : i32
    %mul3A_52 = arith.muli %arg1, %mul3A_51 : i32
    "tpu.region"() ({
      %run_scoped3A = tpu.sem_alloc : memref<!tpu.dma_semaphore, #tpu.memory_space<semaphore_mem>>
      %dma_start3A = tpu.memref_slice %arg7[%mul3A_52] : memref<10240xf32, #tpu.memory_space<vmem_shared>> -> memref<640xf32, #tpu.memory_space<vmem_shared>>
      %dma_start3A_65 = tpu.memref_slice %arg7[%mul3A_52] : memref<10240xf32, #tpu.memory_space<vmem_shared>> -> memref<640xf32, #tpu.memory_space<vmem_shared>>
      tpu.enqueue_dma source(%arg6 : memref<640xf32, #tpu.memory_space<vmem>>) target(%dma_start3A_65 : memref<640xf32, #tpu.memory_space<vmem_shared>>) target_semaphore(%run_scoped3A : memref<!tpu.dma_semaphore, #tpu.memory_space<semaphore_mem>>)
      %dma_wait3A = tpu.memref_slice %arg7[%mul3A_52] : memref<10240xf32, #tpu.memory_space<vmem_shared>> -> memref<640xf32, #tpu.memory_space<vmem_shared>>
      %dma_wait3A_66 = tpu.memref_slice %arg7[%mul3A_52] : memref<10240xf32, #tpu.memory_space<vmem_shared>> -> memref<640xf32, #tpu.memory_space<vmem_shared>>
      tpu.wait_dma2 semaphore(%run_scoped3A : memref<!tpu.dma_semaphore, #tpu.memory_space<semaphore_mem>>) src(%arg6 : memref<640xf32, #tpu.memory_space<vmem>>) dst(%dma_wait3A_66 : memref<640xf32, #tpu.memory_space<vmem_shared>>)
      tpu.yield
    }) : () -> ()
    %barrier3A = arith.constant 0 : index
    tpu.barrier barrier_id(%barrier3A)
    "tpu.region"() ({
      %run_scoped3A = tpu.sem_alloc : memref<!tpu.dma_semaphore, #tpu.memory_space<semaphore_mem>>
      %dma_start3A = arith.constant 0 : i32
      %dma_start3A_65 = arith.constant 0 : i32
      %dma_start3A_66 = tpu.memref_slice %arg2[%add3A, %dma_start3A, %dma_start3A_65] : memref<32x80x128xi32, #tpu.memory_space<hbm>> -> memref<1x80x128xi32, #tpu.memory_space<hbm>>
      %dma_start3A_67 = tpu.memref_squeeze %dma_start3A_66 : memref<1x80x128xi32, #tpu.memory_space<hbm>> -> memref<80x128xi32, #tpu.memory_space<hbm>>
      %dma_start3A_68 = arith.constant 0 : i32
      %dma_start3A_69 = arith.constant 0 : i32
      %dma_start3A_70 = tpu.memref_slice %arg2[%add3A, %dma_start3A_68, %dma_start3A_69] : memref<32x80x128xi32, #tpu.memory_space<hbm>> -> memref<1x80x128xi32, #tpu.memory_space<hbm>>
      %dma_start3A_71 = tpu.memref_squeeze %dma_start3A_70 : memref<1x80x128xi32, #tpu.memory_space<hbm>> -> memref<80x128xi32, #tpu.memory_space<hbm>>
      tpu.enqueue_dma source(%dma_start3A_71 : memref<80x128xi32, #tpu.memory_space<hbm>>) target(%arg4 : memref<80x128xi32, #tpu.memory_space<vmem>>) target_semaphore(%run_scoped3A : memref<!tpu.dma_semaphore, #tpu.memory_space<semaphore_mem>>)
      %dma_wait3A = arith.constant 0 : i32
      %dma_wait3A_72 = arith.constant 0 : i32
      %dma_wait3A_73 = tpu.memref_slice %arg2[%add3A, %dma_wait3A, %dma_wait3A_72] : memref<32x80x128xi32, #tpu.memory_space<hbm>> -> memref<1x80x128xi32, #tpu.memory_space<hbm>>
      %dma_wait3A_74 = tpu.memref_squeeze %dma_wait3A_73 : memref<1x80x128xi32, #tpu.memory_space<hbm>> -> memref<80x128xi32, #tpu.memory_space<hbm>>
      %dma_wait3A_75 = arith.constant 0 : i32
      %dma_wait3A_76 = arith.constant 0 : i32
      %dma_wait3A_77 = tpu.memref_slice %arg2[%add3A, %dma_wait3A_75, %dma_wait3A_76] : memref<32x80x128xi32, #tpu.memory_space<hbm>> -> memref<1x80x128xi32, #tpu.memory_space<hbm>>
      %dma_wait3A_78 = tpu.memref_squeeze %dma_wait3A_77 : memref<1x80x128xi32, #tpu.memory_space<hbm>> -> memref<80x128xi32, #tpu.memory_space<hbm>>
      tpu.wait_dma2 semaphore(%run_scoped3A : memref<!tpu.dma_semaphore, #tpu.memory_space<semaphore_mem>>) src(%dma_wait3A_78 : memref<80x128xi32, #tpu.memory_space<hbm>>) dst(%arg4 : memref<80x128xi32, #tpu.memory_space<vmem>>)
      tpu.yield
    }) : () -> ()
    %scan3A_53 = arith.constant 0 : i32
    %scan3A_54 = arith.constant 0 : i32
    %scan3A_55 = arith.constant 80 : i32
    %scan3A_56 = arith.addi %scan3A_54, %scan3A_55 : i32
    %scan3A_57 = arith.constant 1 : i32
    %scan3A_58 = scf.for %scan3A_65 = %scan3A_54 to %scan3A_56 step %scan3A_57 iter_args(%scan3A_66 = %scan3A_53) -> (i32)  : i32 {
      %run_scoped3A = arith.constant 0 : i32
      "tpu.region"() ({
        %run_scoped3A_68 = tpu.sem_alloc : memref<!tpu.dma_semaphore, #tpu.memory_space<semaphore_mem>>
        %dma_start3A = arith.constant 0 : i32
        %dma_start3A_69 = tpu.memref_slice %arg5[%run_scoped3A, %dma_start3A] : memref<1x128xf32, #tpu.memory_space<vmem>> -> memref<1x128xf32, #tpu.memory_space<vmem>>
        %dma_start3A_70 = tpu.memref_squeeze %dma_start3A_69 : memref<1x128xf32, #tpu.memory_space<vmem>> -> memref<128xf32, #tpu.memory_space<vmem>>
        %dma_start3A_71 = arith.constant 0 : i32
        %dma_start3A_72 = tpu.memref_slice %arg4[%scan3A_65, %dma_start3A_71] : memref<80x128xi32, #tpu.memory_space<vmem>> -> memref<1x128xi32, #tpu.memory_space<vmem>>
        %dma_start3A_73 = tpu.memref_squeeze %dma_start3A_72 : memref<1x128xi32, #tpu.memory_space<vmem>> -> memref<128xi32, #tpu.memory_space<vmem>>
        %dma_start3A_74 = arith.constant 0 : i32
        %dma_start3A_75 = tpu.memref_slice %arg7[%dma_start3A_74] : memref<10240xf32, #tpu.memory_space<vmem_shared>> -> memref<10240xf32, #tpu.memory_space<vmem_shared>>
        tpu.enqueue_indirect_dma source(%dma_start3A_70 : memref<128xf32, #tpu.memory_space<vmem>>) target(%dma_start3A_75 : memref<10240xf32, #tpu.memory_space<vmem_shared>>) offsets(%dma_start3A_73 : memref<128xi32, #tpu.memory_space<vmem>>) semaphore(%run_scoped3A_68 : memref<!tpu.dma_semaphore, #tpu.memory_space<semaphore_mem>>) {add = true}
        %dma_wait3A = arith.constant 0 : i32
        %dma_wait3A_76 = tpu.memref_slice %arg5[%run_scoped3A, %dma_wait3A] : memref<1x128xf32, #tpu.memory_space<vmem>> -> memref<1x128xf32, #tpu.memory_space<vmem>>
        %dma_wait3A_77 = tpu.memref_squeeze %dma_wait3A_76 : memref<1x128xf32, #tpu.memory_space<vmem>> -> memref<128xf32, #tpu.memory_space<vmem>>
        %dma_wait3A_78 = arith.constant 0 : i32
        %dma_wait3A_79 = tpu.memref_slice %arg4[%scan3A_65, %dma_wait3A_78] : memref<80x128xi32, #tpu.memory_space<vmem>> -> memref<1x128xi32, #tpu.memory_space<vmem>>
        %dma_wait3A_80 = tpu.memref_squeeze %dma_wait3A_79 : memref<1x128xi32, #tpu.memory_space<vmem>> -> memref<128xi32, #tpu.memory_space<vmem>>
        %dma_wait3A_81 = arith.constant 0 : i32
        %dma_wait3A_82 = tpu.memref_slice %arg7[%dma_wait3A_81] : memref<10240xf32, #tpu.memory_space<vmem_shared>> -> memref<10240xf32, #tpu.memory_space<vmem_shared>>
        tpu.wait_indirect_dma semaphore(%run_scoped3A_68 : memref<!tpu.dma_semaphore, #tpu.memory_space<semaphore_mem>>) src(%dma_wait3A_77 : memref<128xf32, #tpu.memory_space<vmem>>) dst(%dma_wait3A_82 : memref<10240xf32, #tpu.memory_space<vmem_shared>>)
        tpu.yield
      }) : () -> ()
      %scan3A_67 = arith.constant 0 : i32
      scf.yield %scan3A_67 : i32
    }
    %scan3A_59 = arith.constant 80 : i32
    %barrier3A_60 = arith.constant 0 : index
    tpu.barrier barrier_id(%barrier3A_60)
    %mul3A_61 = arith.constant 640 : i32
    %mul3A_62 = arith.muli %arg1, %mul3A_61 : i32
    %mul3A_63 = arith.constant 640 : i32
    %mul3A_64 = arith.muli %arg1, %mul3A_63 : i32
    "tpu.region"() ({
      %run_scoped3A = tpu.sem_alloc : memref<!tpu.dma_semaphore, #tpu.memory_space<semaphore_mem>>
      %dma_start3A = arith.constant 0 : i32
      %dma_start3A_65 = tpu.memref_slice %arg3[%arg0, %dma_start3A] : memref<2x10240xf32, #tpu.memory_space<hbm>> -> memref<1x10240xf32, #tpu.memory_space<hbm>>
      %dma_start3A_66 = tpu.memref_squeeze %dma_start3A_65 : memref<1x10240xf32, #tpu.memory_space<hbm>> -> memref<10240xf32, #tpu.memory_space<hbm>>
      %dma_start3A_67 = tpu.memref_slice %dma_start3A_66[%mul3A_64] : memref<10240xf32, #tpu.memory_space<hbm>> -> memref<640xf32, #tpu.memory_space<hbm>>
      %dma_start3A_68 = tpu.memref_slice %arg7[%mul3A_62] : memref<10240xf32, #tpu.memory_space<vmem_shared>> -> memref<640xf32, #tpu.memory_space<vmem_shared>>
      tpu.enqueue_dma source(%dma_start3A_68 : memref<640xf32, #tpu.memory_space<vmem_shared>>) target(%dma_start3A_67 : memref<640xf32, #tpu.memory_space<hbm>>) target_semaphore(%run_scoped3A : memref<!tpu.dma_semaphore, #tpu.memory_space<semaphore_mem>>)
      %dma_wait3A = arith.constant 0 : i32
      %dma_wait3A_69 = tpu.memref_slice %arg3[%arg0, %dma_wait3A] : memref<2x10240xf32, #tpu.memory_space<hbm>> -> memref<1x10240xf32, #tpu.memory_space<hbm>>
      %dma_wait3A_70 = tpu.memref_squeeze %dma_wait3A_69 : memref<1x10240xf32, #tpu.memory_space<hbm>> -> memref<10240xf32, #tpu.memory_space<hbm>>
      %dma_wait3A_71 = tpu.memref_slice %dma_wait3A_70[%mul3A_64] : memref<10240xf32, #tpu.memory_space<hbm>> -> memref<640xf32, #tpu.memory_space<hbm>>
      %dma_wait3A_72 = tpu.memref_slice %arg7[%mul3A_62] : memref<10240xf32, #tpu.memory_space<vmem_shared>> -> memref<640xf32, #tpu.memory_space<vmem_shared>>
      tpu.wait_dma2 semaphore(%run_scoped3A : memref<!tpu.dma_semaphore, #tpu.memory_space<semaphore_mem>>) src(%dma_wait3A_72 : memref<640xf32, #tpu.memory_space<vmem_shared>>) dst(%dma_wait3A_71 : memref<640xf32, #tpu.memory_space<hbm>>)
      tpu.yield
    }) : () -> ()
    return
  }
}

#map = affine_map<(d0, d1) -> (0, 0, 0)>
#map1 = affine_map<(d0, d1) -> (0, 0, 0, 0)>
module attributes {stable_mosaic.version = 14 : i64} {
  func.func @body(%arg0: i32, %arg1: i32, %arg2: memref<2x10000x128xf32, #tpu.memory_space<hbm>>, %arg3: memref<32x2x40x128xi32, #tpu.memory_space<hbm>>, %arg4: memref<32x2x40x128xi32, #tpu.memory_space<hbm>>, %arg5: memref<2x10000x128xf32, #tpu.memory_space<hbm>>, %arg6: memref<40x128xi32, #tpu.memory_space<vmem>>, %arg7: memref<40x128xi32, #tpu.memory_space<vmem>>, %arg8: memref<2x128x128xf32, #tpu.memory_space<vmem>>, %arg9: memref<10112x128xf32, #tpu.memory_space<vmem_shared>>, %arg10: memref<!tpu.dma_semaphore, #tpu.memory_space<semaphore_mem>>, %arg11: memref<!tpu.dma_semaphore, #tpu.memory_space<semaphore_mem>>) attributes {dimension_semantics = [#tpu.dimension_semantics<core_parallel>, #tpu.dimension_semantics<subcore_parallel>], iteration_bounds = array<i64: 2, 16>, scalar_prefetch = 0 : i64, scratch_operands = 6 : i64, tpu.core_type = #tpu.core_type<sc_vector_subcore>, window_params = [{transform_indices = #map}, {transform_indices = #map1}, {transform_indices = #map1}, {transform_indices = #map}]} {
    %broadcast_in_dim3A = arith.constant 0.000000e+00 : f32
    %broadcast_in_dim3A_0 = vector.broadcast %broadcast_in_dim3A : f32 to vector<16xf32>
    %scan3A = arith.constant 0 : i32
    %scan3A_1 = arith.constant 0 : i32
    %scan3A_2 = arith.constant 0 : i32
    %scan3A_3 = arith.constant 128 : i32
    %scan3A_4 = arith.addi %scan3A_2, %scan3A_3 : i32
    %scan3A_5 = arith.constant 1 : i32
    %scan3A_6 = scf.for %scan3A_208 = %scan3A_2 to %scan3A_4 step %scan3A_5 iter_args(%scan3A_209 = %scan3A_1) -> (i32)  : i32 {
      %swap3A = arith.constant 0 : i32
      %swap3A_210 = arith.constant 0 : i32
      %swap3A_211 = tpu.memref_slice %arg8[%scan3A, %swap3A, %swap3A_210] : memref<2x128x128xf32, #tpu.memory_space<vmem>> -> memref<1x128x128xf32, #tpu.memory_space<vmem>>
      %swap3A_212 = tpu.memref_squeeze %swap3A_211 : memref<1x128x128xf32, #tpu.memory_space<vmem>> -> memref<128x128xf32, #tpu.memory_space<vmem>>
      %swap3A_213 = arith.index_cast %scan3A_208 : i32 to index
      %swap3A_214 = arith.constant 0 : index
      %swap3A_215 = tpu.vector_load %swap3A_212[%swap3A_213, %swap3A_214] {strides = array<i32>} : memref<128x128xf32, #tpu.memory_space<vmem>>, vector<1x16xf32>,
      %swap3A_216 = vector.shape_cast %swap3A_215 : vector<1x16xf32> to vector<16xf32>
      %swap3A_217 = vector.shape_cast %broadcast_in_dim3A_0 : vector<16xf32> to vector<1x16xf32>
      tpu.vector_store %swap3A_212[%swap3A_213, %swap3A_214], %swap3A_217 {strides = array<i32>} : memref<128x128xf32, #tpu.memory_space<vmem>>, vector<1x16xf32>,
      %swap3A_218 = arith.constant 0 : i32
      %swap3A_219 = arith.constant 0 : i32
      %swap3A_220 = tpu.memref_slice %arg8[%scan3A, %swap3A_218, %swap3A_219] : memref<2x128x128xf32, #tpu.memory_space<vmem>> -> memref<1x128x128xf32, #tpu.memory_space<vmem>>
      %swap3A_221 = tpu.memref_squeeze %swap3A_220 : memref<1x128x128xf32, #tpu.memory_space<vmem>> -> memref<128x128xf32, #tpu.memory_space<vmem>>
      %swap3A_222 = arith.index_cast %scan3A_208 : i32 to index
      %swap3A_223 = arith.constant 16 : index
      %swap3A_224 = tpu.vector_load %swap3A_221[%swap3A_222, %swap3A_223] {strides = array<i32>} : memref<128x128xf32, #tpu.memory_space<vmem>>, vector<1x16xf32>,
      %swap3A_225 = vector.shape_cast %swap3A_224 : vector<1x16xf32> to vector<16xf32>
      %swap3A_226 = vector.shape_cast %broadcast_in_dim3A_0 : vector<16xf32> to vector<1x16xf32>
      tpu.vector_store %swap3A_221[%swap3A_222, %swap3A_223], %swap3A_226 {strides = array<i32>} : memref<128x128xf32, #tpu.memory_space<vmem>>, vector<1x16xf32>,
      %swap3A_227 = arith.constant 0 : i32
      %swap3A_228 = arith.constant 0 : i32
      %swap3A_229 = tpu.memref_slice %arg8[%scan3A, %swap3A_227, %swap3A_228] : memref<2x128x128xf32, #tpu.memory_space<vmem>> -> memref<1x128x128xf32, #tpu.memory_space<vmem>>
      %swap3A_230 = tpu.memref_squeeze %swap3A_229 : memref<1x128x128xf32, #tpu.memory_space<vmem>> -> memref<128x128xf32, #tpu.memory_space<vmem>>
      %swap3A_231 = arith.index_cast %scan3A_208 : i32 to index
      %swap3A_232 = arith.constant 32 : index
      %swap3A_233 = tpu.vector_load %swap3A_230[%swap3A_231, %swap3A_232] {strides = array<i32>} : memref<128x128xf32, #tpu.memory_space<vmem>>, vector<1x16xf32>,
      %swap3A_234 = vector.shape_cast %swap3A_233 : vector<1x16xf32> to vector<16xf32>
      %swap3A_235 = vector.shape_cast %broadcast_in_dim3A_0 : vector<16xf32> to vector<1x16xf32>
      tpu.vector_store %swap3A_230[%swap3A_231, %swap3A_232], %swap3A_235 {strides = array<i32>} : memref<128x128xf32, #tpu.memory_space<vmem>>, vector<1x16xf32>,
      %swap3A_236 = arith.constant 0 : i32
      %swap3A_237 = arith.constant 0 : i32
      %swap3A_238 = tpu.memref_slice %arg8[%scan3A, %swap3A_236, %swap3A_237] : memref<2x128x128xf32, #tpu.memory_space<vmem>> -> memref<1x128x128xf32, #tpu.memory_space<vmem>>
      %swap3A_239 = tpu.memref_squeeze %swap3A_238 : memref<1x128x128xf32, #tpu.memory_space<vmem>> -> memref<128x128xf32, #tpu.memory_space<vmem>>
      %swap3A_240 = arith.index_cast %scan3A_208 : i32 to index
      %swap3A_241 = arith.constant 48 : index
      %swap3A_242 = tpu.vector_load %swap3A_239[%swap3A_240, %swap3A_241] {strides = array<i32>} : memref<128x128xf32, #tpu.memory_space<vmem>>, vector<1x16xf32>,
      %swap3A_243 = vector.shape_cast %swap3A_242 : vector<1x16xf32> to vector<16xf32>
      %swap3A_244 = vector.shape_cast %broadcast_in_dim3A_0 : vector<16xf32> to vector<1x16xf32>
      tpu.vector_store %swap3A_239[%swap3A_240, %swap3A_241], %swap3A_244 {strides = array<i32>} : memref<128x128xf32, #tpu.memory_space<vmem>>, vector<1x16xf32>,
      %swap3A_245 = arith.constant 0 : i32
      %swap3A_246 = arith.constant 0 : i32
      %swap3A_247 = tpu.memref_slice %arg8[%scan3A, %swap3A_245, %swap3A_246] : memref<2x128x128xf32, #tpu.memory_space<vmem>> -> memref<1x128x128xf32, #tpu.memory_space<vmem>>
      %swap3A_248 = tpu.memref_squeeze %swap3A_247 : memref<1x128x128xf32, #tpu.memory_space<vmem>> -> memref<128x128xf32, #tpu.memory_space<vmem>>
      %swap3A_249 = arith.index_cast %scan3A_208 : i32 to index
      %swap3A_250 = arith.constant 64 : index
      %swap3A_251 = tpu.vector_load %swap3A_248[%swap3A_249, %swap3A_250] {strides = array<i32>} : memref<128x128xf32, #tpu.memory_space<vmem>>, vector<1x16xf32>,
      %swap3A_252 = vector.shape_cast %swap3A_251 : vector<1x16xf32> to vector<16xf32>
      %swap3A_253 = vector.shape_cast %broadcast_in_dim3A_0 : vector<16xf32> to vector<1x16xf32>
      tpu.vector_store %swap3A_248[%swap3A_249, %swap3A_250], %swap3A_253 {strides = array<i32>} : memref<128x128xf32, #tpu.memory_space<vmem>>, vector<1x16xf32>,
      %swap3A_254 = arith.constant 0 : i32
      %swap3A_255 = arith.constant 0 : i32
      %swap3A_256 = tpu.memref_slice %arg8[%scan3A, %swap3A_254, %swap3A_255] : memref<2x128x128xf32, #tpu.memory_space<vmem>> -> memref<1x128x128xf32, #tpu.memory_space<vmem>>
      %swap3A_257 = tpu.memref_squeeze %swap3A_256 : memref<1x128x128xf32, #tpu.memory_space<vmem>> -> memref<128x128xf32, #tpu.memory_space<vmem>>
      %swap3A_258 = arith.index_cast %scan3A_208 : i32 to index
      %swap3A_259 = arith.constant 80 : index
      %swap3A_260 = tpu.vector_load %swap3A_257[%swap3A_258, %swap3A_259] {strides = array<i32>} : memref<128x128xf32, #tpu.memory_space<vmem>>, vector<1x16xf32>,
      %swap3A_261 = vector.shape_cast %swap3A_260 : vector<1x16xf32> to vector<16xf32>
      %swap3A_262 = vector.shape_cast %broadcast_in_dim3A_0 : vector<16xf32> to vector<1x16xf32>
      tpu.vector_store %swap3A_257[%swap3A_258, %swap3A_259], %swap3A_262 {strides = array<i32>} : memref<128x128xf32, #tpu.memory_space<vmem>>, vector<1x16xf32>,
      %swap3A_263 = arith.constant 0 : i32
      %swap3A_264 = arith.constant 0 : i32
      %swap3A_265 = tpu.memref_slice %arg8[%scan3A, %swap3A_263, %swap3A_264] : memref<2x128x128xf32, #tpu.memory_space<vmem>> -> memref<1x128x128xf32, #tpu.memory_space<vmem>>
      %swap3A_266 = tpu.memref_squeeze %swap3A_265 : memref<1x128x128xf32, #tpu.memory_space<vmem>> -> memref<128x128xf32, #tpu.memory_space<vmem>>
      %swap3A_267 = arith.index_cast %scan3A_208 : i32 to index
      %swap3A_268 = arith.constant 96 : index
      %swap3A_269 = tpu.vector_load %swap3A_266[%swap3A_267, %swap3A_268] {strides = array<i32>} : memref<128x128xf32, #tpu.memory_space<vmem>>, vector<1x16xf32>,
      %swap3A_270 = vector.shape_cast %swap3A_269 : vector<1x16xf32> to vector<16xf32>
      %swap3A_271 = vector.shape_cast %broadcast_in_dim3A_0 : vector<16xf32> to vector<1x16xf32>
      tpu.vector_store %swap3A_266[%swap3A_267, %swap3A_268], %swap3A_271 {strides = array<i32>} : memref<128x128xf32, #tpu.memory_space<vmem>>, vector<1x16xf32>,
      %swap3A_272 = arith.constant 0 : i32
      %swap3A_273 = arith.constant 0 : i32
      %swap3A_274 = tpu.memref_slice %arg8[%scan3A, %swap3A_272, %swap3A_273] : memref<2x128x128xf32, #tpu.memory_space<vmem>> -> memref<1x128x128xf32, #tpu.memory_space<vmem>>
      %swap3A_275 = tpu.memref_squeeze %swap3A_274 : memref<1x128x128xf32, #tpu.memory_space<vmem>> -> memref<128x128xf32, #tpu.memory_space<vmem>>
      %swap3A_276 = arith.index_cast %scan3A_208 : i32 to index
      %swap3A_277 = arith.constant 112 : index
      %swap3A_278 = tpu.vector_load %swap3A_275[%swap3A_276, %swap3A_277] {strides = array<i32>} : memref<128x128xf32, #tpu.memory_space<vmem>>, vector<1x16xf32>,
      %swap3A_279 = vector.shape_cast %swap3A_278 : vector<1x16xf32> to vector<16xf32>
      %swap3A_280 = vector.shape_cast %broadcast_in_dim3A_0 : vector<16xf32> to vector<1x16xf32>
      tpu.vector_store %swap3A_275[%swap3A_276, %swap3A_277], %swap3A_280 {strides = array<i32>} : memref<128x128xf32, #tpu.memory_space<vmem>>, vector<1x16xf32>,
      %scan3A_281 = arith.constant 0 : i32
      scf.yield %scan3A_281 : i32
    }
    %scan3A_7 = arith.constant 128 : i32
    %mul3A = arith.constant 632 : i32
    %mul3A_8 = arith.muli %arg1, %mul3A : i32
    %add3A = arith.constant 0 : i32
    %add3A_9 = arith.addi %mul3A_8, %add3A : i32
    %run_scoped3A = arith.constant 0 : i32
    "tpu.region"() ({
      %run_scoped3A_208 = tpu.sem_alloc : memref<!tpu.dma_semaphore, #tpu.memory_space<semaphore_mem>>
      %dma_start3A_209 = arith.constant 0 : i32
      %dma_start3A_210 = arith.constant 0 : i32
      %dma_start3A_211 = tpu.memref_slice %arg8[%run_scoped3A, %dma_start3A_209, %dma_start3A_210] : memref<2x128x128xf32, #tpu.memory_space<vmem>> -> memref<1x128x128xf32, #tpu.memory_space<vmem>>
      %dma_start3A_212 = tpu.memref_squeeze %dma_start3A_211 : memref<1x128x128xf32, #tpu.memory_space<vmem>> -> memref<128x128xf32, #tpu.memory_space<vmem>>
      %dma_start3A_213 = arith.constant 0 : i32
      %dma_start3A_214 = tpu.memref_slice %arg9[%add3A_9, %dma_start3A_213] : memref<10112x128xf32, #tpu.memory_space<vmem_shared>> -> memref<128x128xf32, #tpu.memory_space<vmem_shared>>
      %dma_start3A_215 = arith.constant 0 : i32
      %dma_start3A_216 = tpu.memref_slice %arg9[%add3A_9, %dma_start3A_215] : memref<10112x128xf32, #tpu.memory_space<vmem_shared>> -> memref<128x128xf32, #tpu.memory_space<vmem_shared>>
      %dma_start3A_217 = arith.constant 0 : i32
      %dma_start3A_218 = arith.constant 0 : i32
      %dma_start3A_219 = tpu.memref_slice %arg8[%run_scoped3A, %dma_start3A_217, %dma_start3A_218] : memref<2x128x128xf32, #tpu.memory_space<vmem>> -> memref<1x128x128xf32, #tpu.memory_space<vmem>>
      %dma_start3A_220 = tpu.memref_squeeze %dma_start3A_219 : memref<1x128x128xf32, #tpu.memory_space<vmem>> -> memref<128x128xf32, #tpu.memory_space<vmem>>
      tpu.enqueue_dma source(%dma_start3A_220 : memref<128x128xf32, #tpu.memory_space<vmem>>) target(%dma_start3A_216 : memref<128x128xf32, #tpu.memory_space<vmem_shared>>) target_semaphore(%run_scoped3A_208 : memref<!tpu.dma_semaphore, #tpu.memory_space<semaphore_mem>>)
      %dma_wait3A = arith.constant 0 : i32
      %dma_wait3A_221 = arith.constant 0 : i32
      %dma_wait3A_222 = tpu.memref_slice %arg8[%run_scoped3A, %dma_wait3A, %dma_wait3A_221] : memref<2x128x128xf32, #tpu.memory_space<vmem>> -> memref<1x128x128xf32, #tpu.memory_space<vmem>>
      %dma_wait3A_223 = tpu.memref_squeeze %dma_wait3A_222 : memref<1x128x128xf32, #tpu.memory_space<vmem>> -> memref<128x128xf32, #tpu.memory_space<vmem>>
      %dma_wait3A_224 = arith.constant 0 : i32
      %dma_wait3A_225 = tpu.memref_slice %arg9[%add3A_9, %dma_wait3A_224] : memref<10112x128xf32, #tpu.memory_space<vmem_shared>> -> memref<128x128xf32, #tpu.memory_space<vmem_shared>>
      %dma_wait3A_226 = arith.constant 0 : i32
      %dma_wait3A_227 = tpu.memref_slice %arg9[%add3A_9, %dma_wait3A_226] : memref<10112x128xf32, #tpu.memory_space<vmem_shared>> -> memref<128x128xf32, #tpu.memory_space<vmem_shared>>
      %dma_wait3A_228 = arith.constant 0 : i32
      %dma_wait3A_229 = arith.constant 0 : i32
      %dma_wait3A_230 = tpu.memref_slice %arg8[%run_scoped3A, %dma_wait3A_228, %dma_wait3A_229] : memref<2x128x128xf32, #tpu.memory_space<vmem>> -> memref<1x128x128xf32, #tpu.memory_space<vmem>>
      %dma_wait3A_231 = tpu.memref_squeeze %dma_wait3A_230 : memref<1x128x128xf32, #tpu.memory_space<vmem>> -> memref<128x128xf32, #tpu.memory_space<vmem>>
      tpu.wait_dma2 semaphore(%run_scoped3A_208 : memref<!tpu.dma_semaphore, #tpu.memory_space<semaphore_mem>>) src(%dma_wait3A_231 : memref<128x128xf32, #tpu.memory_space<vmem>>) dst(%dma_wait3A_227 : memref<128x128xf32, #tpu.memory_space<vmem_shared>>)
      tpu.yield
    }) : () -> ()
    %mul3A_10 = arith.constant 632 : i32
    %mul3A_11 = arith.muli %arg1, %mul3A_10 : i32
    %add3A_12 = arith.constant 128 : i32
    %add3A_13 = arith.addi %mul3A_11, %add3A_12 : i32
    %run_scoped3A_14 = arith.constant 0 : i32
    "tpu.region"() ({
      %run_scoped3A_208 = tpu.sem_alloc : memref<!tpu.dma_semaphore, #tpu.memory_space<semaphore_mem>>
      %dma_start3A_209 = arith.constant 0 : i32
      %dma_start3A_210 = arith.constant 0 : i32
      %dma_start3A_211 = tpu.memref_slice %arg8[%run_scoped3A_14, %dma_start3A_209, %dma_start3A_210] : memref<2x128x128xf32, #tpu.memory_space<vmem>> -> memref<1x128x128xf32, #tpu.memory_space<vmem>>
      %dma_start3A_212 = tpu.memref_squeeze %dma_start3A_211 : memref<1x128x128xf32, #tpu.memory_space<vmem>> -> memref<128x128xf32, #tpu.memory_space<vmem>>
      %dma_start3A_213 = arith.constant 0 : i32
      %dma_start3A_214 = tpu.memref_slice %arg9[%add3A_13, %dma_start3A_213] : memref<10112x128xf32, #tpu.memory_space<vmem_shared>> -> memref<128x128xf32, #tpu.memory_space<vmem_shared>>
      %dma_start3A_215 = arith.constant 0 : i32
      %dma_start3A_216 = tpu.memref_slice %arg9[%add3A_13, %dma_start3A_215] : memref<10112x128xf32, #tpu.memory_space<vmem_shared>> -> memref<128x128xf32, #tpu.memory_space<vmem_shared>>
      %dma_start3A_217 = arith.constant 0 : i32
      %dma_start3A_218 = arith.constant 0 : i32
      %dma_start3A_219 = tpu.memref_slice %arg8[%run_scoped3A_14, %dma_start3A_217, %dma_start3A_218] : memref<2x128x128xf32, #tpu.memory_space<vmem>> -> memref<1x128x128xf32, #tpu.memory_space<vmem>>
      %dma_start3A_220 = tpu.memref_squeeze %dma_start3A_219 : memref<1x128x128xf32, #tpu.memory_space<vmem>> -> memref<128x128xf32, #tpu.memory_space<vmem>>
      tpu.enqueue_dma source(%dma_start3A_220 : memref<128x128xf32, #tpu.memory_space<vmem>>) target(%dma_start3A_216 : memref<128x128xf32, #tpu.memory_space<vmem_shared>>) target_semaphore(%run_scoped3A_208 : memref<!tpu.dma_semaphore, #tpu.memory_space<semaphore_mem>>)
      %dma_wait3A = arith.constant 0 : i32
      %dma_wait3A_221 = arith.constant 0 : i32
      %dma_wait3A_222 = tpu.memref_slice %arg8[%run_scoped3A_14, %dma_wait3A, %dma_wait3A_221] : memref<2x128x128xf32, #tpu.memory_space<vmem>> -> memref<1x128x128xf32, #tpu.memory_space<vmem>>
      %dma_wait3A_223 = tpu.memref_squeeze %dma_wait3A_222 : memref<1x128x128xf32, #tpu.memory_space<vmem>> -> memref<128x128xf32, #tpu.memory_space<vmem>>
      %dma_wait3A_224 = arith.constant 0 : i32
      %dma_wait3A_225 = tpu.memref_slice %arg9[%add3A_13, %dma_wait3A_224] : memref<10112x128xf32, #tpu.memory_space<vmem_shared>> -> memref<128x128xf32, #tpu.memory_space<vmem_shared>>
      %dma_wait3A_226 = arith.constant 0 : i32
      %dma_wait3A_227 = tpu.memref_slice %arg9[%add3A_13, %dma_wait3A_226] : memref<10112x128xf32, #tpu.memory_space<vmem_shared>> -> memref<128x128xf32, #tpu.memory_space<vmem_shared>>
      %dma_wait3A_228 = arith.constant 0 : i32
      %dma_wait3A_229 = arith.constant 0 : i32
      %dma_wait3A_230 = tpu.memref_slice %arg8[%run_scoped3A_14, %dma_wait3A_228, %dma_wait3A_229] : memref<2x128x128xf32, #tpu.memory_space<vmem>> -> memref<1x128x128xf32, #tpu.memory_space<vmem>>
      %dma_wait3A_231 = tpu.memref_squeeze %dma_wait3A_230 : memref<1x128x128xf32, #tpu.memory_space<vmem>> -> memref<128x128xf32, #tpu.memory_space<vmem>>
      tpu.wait_dma2 semaphore(%run_scoped3A_208 : memref<!tpu.dma_semaphore, #tpu.memory_space<semaphore_mem>>) src(%dma_wait3A_231 : memref<128x128xf32, #tpu.memory_space<vmem>>) dst(%dma_wait3A_227 : memref<128x128xf32, #tpu.memory_space<vmem_shared>>)
      tpu.yield
    }) : () -> ()
    %mul3A_15 = arith.constant 632 : i32
    %mul3A_16 = arith.muli %arg1, %mul3A_15 : i32
    %add3A_17 = arith.constant 256 : i32
    %add3A_18 = arith.addi %mul3A_16, %add3A_17 : i32
    %run_scoped3A_19 = arith.constant 0 : i32
    "tpu.region"() ({
      %run_scoped3A_208 = tpu.sem_alloc : memref<!tpu.dma_semaphore, #tpu.memory_space<semaphore_mem>>
      %dma_start3A_209 = arith.constant 0 : i32
      %dma_start3A_210 = arith.constant 0 : i32
      %dma_start3A_211 = tpu.memref_slice %arg8[%run_scoped3A_19, %dma_start3A_209, %dma_start3A_210] : memref<2x128x128xf32, #tpu.memory_space<vmem>> -> memref<1x128x128xf32, #tpu.memory_space<vmem>>
      %dma_start3A_212 = tpu.memref_squeeze %dma_start3A_211 : memref<1x128x128xf32, #tpu.memory_space<vmem>> -> memref<128x128xf32, #tpu.memory_space<vmem>>
      %dma_start3A_213 = arith.constant 0 : i32
      %dma_start3A_214 = tpu.memref_slice %arg9[%add3A_18, %dma_start3A_213] : memref<10112x128xf32, #tpu.memory_space<vmem_shared>> -> memref<128x128xf32, #tpu.memory_space<vmem_shared>>
      %dma_start3A_215 = arith.constant 0 : i32
      %dma_start3A_216 = tpu.memref_slice %arg9[%add3A_18, %dma_start3A_215] : memref<10112x128xf32, #tpu.memory_space<vmem_shared>> -> memref<128x128xf32, #tpu.memory_space<vmem_shared>>
      %dma_start3A_217 = arith.constant 0 : i32
      %dma_start3A_218 = arith.constant 0 : i32
      %dma_start3A_219 = tpu.memref_slice %arg8[%run_scoped3A_19, %dma_start3A_217, %dma_start3A_218] : memref<2x128x128xf32, #tpu.memory_space<vmem>> -> memref<1x128x128xf32, #tpu.memory_space<vmem>>
      %dma_start3A_220 = tpu.memref_squeeze %dma_start3A_219 : memref<1x128x128xf32, #tpu.memory_space<vmem>> -> memref<128x128xf32, #tpu.memory_space<vmem>>
      tpu.enqueue_dma source(%dma_start3A_220 : memref<128x128xf32, #tpu.memory_space<vmem>>) target(%dma_start3A_216 : memref<128x128xf32, #tpu.memory_space<vmem_shared>>) target_semaphore(%run_scoped3A_208 : memref<!tpu.dma_semaphore, #tpu.memory_space<semaphore_mem>>)
      %dma_wait3A = arith.constant 0 : i32
      %dma_wait3A_221 = arith.constant 0 : i32
      %dma_wait3A_222 = tpu.memref_slice %arg8[%run_scoped3A_19, %dma_wait3A, %dma_wait3A_221] : memref<2x128x128xf32, #tpu.memory_space<vmem>> -> memref<1x128x128xf32, #tpu.memory_space<vmem>>
      %dma_wait3A_223 = tpu.memref_squeeze %dma_wait3A_222 : memref<1x128x128xf32, #tpu.memory_space<vmem>> -> memref<128x128xf32, #tpu.memory_space<vmem>>
      %dma_wait3A_224 = arith.constant 0 : i32
      %dma_wait3A_225 = tpu.memref_slice %arg9[%add3A_18, %dma_wait3A_224] : memref<10112x128xf32, #tpu.memory_space<vmem_shared>> -> memref<128x128xf32, #tpu.memory_space<vmem_shared>>
      %dma_wait3A_226 = arith.constant 0 : i32
      %dma_wait3A_227 = tpu.memref_slice %arg9[%add3A_18, %dma_wait3A_226] : memref<10112x128xf32, #tpu.memory_space<vmem_shared>> -> memref<128x128xf32, #tpu.memory_space<vmem_shared>>
      %dma_wait3A_228 = arith.constant 0 : i32
      %dma_wait3A_229 = arith.constant 0 : i32
      %dma_wait3A_230 = tpu.memref_slice %arg8[%run_scoped3A_19, %dma_wait3A_228, %dma_wait3A_229] : memref<2x128x128xf32, #tpu.memory_space<vmem>> -> memref<1x128x128xf32, #tpu.memory_space<vmem>>
      %dma_wait3A_231 = tpu.memref_squeeze %dma_wait3A_230 : memref<1x128x128xf32, #tpu.memory_space<vmem>> -> memref<128x128xf32, #tpu.memory_space<vmem>>
      tpu.wait_dma2 semaphore(%run_scoped3A_208 : memref<!tpu.dma_semaphore, #tpu.memory_space<semaphore_mem>>) src(%dma_wait3A_231 : memref<128x128xf32, #tpu.memory_space<vmem>>) dst(%dma_wait3A_227 : memref<128x128xf32, #tpu.memory_space<vmem_shared>>)
      tpu.yield
    }) : () -> ()
    %mul3A_20 = arith.constant 632 : i32
    %mul3A_21 = arith.muli %arg1, %mul3A_20 : i32
    %add3A_22 = arith.constant 384 : i32
    %add3A_23 = arith.addi %mul3A_21, %add3A_22 : i32
    %run_scoped3A_24 = arith.constant 0 : i32
    "tpu.region"() ({
      %run_scoped3A_208 = tpu.sem_alloc : memref<!tpu.dma_semaphore, #tpu.memory_space<semaphore_mem>>
      %dma_start3A_209 = arith.constant 0 : i32
      %dma_start3A_210 = arith.constant 0 : i32
      %dma_start3A_211 = tpu.memref_slice %arg8[%run_scoped3A_24, %dma_start3A_209, %dma_start3A_210] : memref<2x128x128xf32, #tpu.memory_space<vmem>> -> memref<1x128x128xf32, #tpu.memory_space<vmem>>
      %dma_start3A_212 = tpu.memref_squeeze %dma_start3A_211 : memref<1x128x128xf32, #tpu.memory_space<vmem>> -> memref<128x128xf32, #tpu.memory_space<vmem>>
      %dma_start3A_213 = arith.constant 0 : i32
      %dma_start3A_214 = tpu.memref_slice %arg9[%add3A_23, %dma_start3A_213] : memref<10112x128xf32, #tpu.memory_space<vmem_shared>> -> memref<128x128xf32, #tpu.memory_space<vmem_shared>>
      %dma_start3A_215 = arith.constant 0 : i32
      %dma_start3A_216 = tpu.memref_slice %arg9[%add3A_23, %dma_start3A_215] : memref<10112x128xf32, #tpu.memory_space<vmem_shared>> -> memref<128x128xf32, #tpu.memory_space<vmem_shared>>
      %dma_start3A_217 = arith.constant 0 : i32
      %dma_start3A_218 = arith.constant 0 : i32
      %dma_start3A_219 = tpu.memref_slice %arg8[%run_scoped3A_24, %dma_start3A_217, %dma_start3A_218] : memref<2x128x128xf32, #tpu.memory_space<vmem>> -> memref<1x128x128xf32, #tpu.memory_space<vmem>>
      %dma_start3A_220 = tpu.memref_squeeze %dma_start3A_219 : memref<1x128x128xf32, #tpu.memory_space<vmem>> -> memref<128x128xf32, #tpu.memory_space<vmem>>
      tpu.enqueue_dma source(%dma_start3A_220 : memref<128x128xf32, #tpu.memory_space<vmem>>) target(%dma_start3A_216 : memref<128x128xf32, #tpu.memory_space<vmem_shared>>) target_semaphore(%run_scoped3A_208 : memref<!tpu.dma_semaphore, #tpu.memory_space<semaphore_mem>>)
      %dma_wait3A = arith.constant 0 : i32
      %dma_wait3A_221 = arith.constant 0 : i32
      %dma_wait3A_222 = tpu.memref_slice %arg8[%run_scoped3A_24, %dma_wait3A, %dma_wait3A_221] : memref<2x128x128xf32, #tpu.memory_space<vmem>> -> memref<1x128x128xf32, #tpu.memory_space<vmem>>
      %dma_wait3A_223 = tpu.memref_squeeze %dma_wait3A_222 : memref<1x128x128xf32, #tpu.memory_space<vmem>> -> memref<128x128xf32, #tpu.memory_space<vmem>>
      %dma_wait3A_224 = arith.constant 0 : i32
      %dma_wait3A_225 = tpu.memref_slice %arg9[%add3A_23, %dma_wait3A_224] : memref<10112x128xf32, #tpu.memory_space<vmem_shared>> -> memref<128x128xf32, #tpu.memory_space<vmem_shared>>
      %dma_wait3A_226 = arith.constant 0 : i32
      %dma_wait3A_227 = tpu.memref_slice %arg9[%add3A_23, %dma_wait3A_226] : memref<10112x128xf32, #tpu.memory_space<vmem_shared>> -> memref<128x128xf32, #tpu.memory_space<vmem_shared>>
      %dma_wait3A_228 = arith.constant 0 : i32
      %dma_wait3A_229 = arith.constant 0 : i32
      %dma_wait3A_230 = tpu.memref_slice %arg8[%run_scoped3A_24, %dma_wait3A_228, %dma_wait3A_229] : memref<2x128x128xf32, #tpu.memory_space<vmem>> -> memref<1x128x128xf32, #tpu.memory_space<vmem>>
      %dma_wait3A_231 = tpu.memref_squeeze %dma_wait3A_230 : memref<1x128x128xf32, #tpu.memory_space<vmem>> -> memref<128x128xf32, #tpu.memory_space<vmem>>
      tpu.wait_dma2 semaphore(%run_scoped3A_208 : memref<!tpu.dma_semaphore, #tpu.memory_space<semaphore_mem>>) src(%dma_wait3A_231 : memref<128x128xf32, #tpu.memory_space<vmem>>) dst(%dma_wait3A_227 : memref<128x128xf32, #tpu.memory_space<vmem_shared>>)
      tpu.yield
    }) : () -> ()
    %mul3A_25 = arith.constant 632 : i32
    %mul3A_26 = arith.muli %arg1, %mul3A_25 : i32
    %add3A_27 = arith.constant 512 : i32
    %add3A_28 = arith.addi %mul3A_26, %add3A_27 : i32
    %run_scoped3A_29 = arith.constant 0 : i32
    "tpu.region"() ({
      %run_scoped3A_208 = tpu.sem_alloc : memref<!tpu.dma_semaphore, #tpu.memory_space<semaphore_mem>>
      %dma_start3A_209 = arith.constant 0 : i32
      %dma_start3A_210 = arith.constant 0 : i32
      %dma_start3A_211 = tpu.memref_slice %arg8[%run_scoped3A_29, %dma_start3A_209, %dma_start3A_210] : memref<2x128x128xf32, #tpu.memory_space<vmem>> -> memref<1x128x128xf32, #tpu.memory_space<vmem>>
      %dma_start3A_212 = tpu.memref_squeeze %dma_start3A_211 : memref<1x128x128xf32, #tpu.memory_space<vmem>> -> memref<128x128xf32, #tpu.memory_space<vmem>>
      %dma_start3A_213 = arith.constant 0 : i32
      %dma_start3A_214 = arith.constant 0 : i32
      %dma_start3A_215 = tpu.memref_slice %dma_start3A_212[%dma_start3A_213, %dma_start3A_214] : memref<128x128xf32, #tpu.memory_space<vmem>> -> memref<120x128xf32, #tpu.memory_space<vmem>>
      %dma_start3A_216 = arith.constant 0 : i32
      %dma_start3A_217 = tpu.memref_slice %arg9[%add3A_28, %dma_start3A_216] : memref<10112x128xf32, #tpu.memory_space<vmem_shared>> -> memref<120x128xf32, #tpu.memory_space<vmem_shared>>
      %dma_start3A_218 = arith.constant 0 : i32
      %dma_start3A_219 = tpu.memref_slice %arg9[%add3A_28, %dma_start3A_218] : memref<10112x128xf32, #tpu.memory_space<vmem_shared>> -> memref<120x128xf32, #tpu.memory_space<vmem_shared>>
      %dma_start3A_220 = arith.constant 0 : i32
      %dma_start3A_221 = arith.constant 0 : i32
      %dma_start3A_222 = tpu.memref_slice %arg8[%run_scoped3A_29, %dma_start3A_220, %dma_start3A_221] : memref<2x128x128xf32, #tpu.memory_space<vmem>> -> memref<1x128x128xf32, #tpu.memory_space<vmem>>
      %dma_start3A_223 = tpu.memref_squeeze %dma_start3A_222 : memref<1x128x128xf32, #tpu.memory_space<vmem>> -> memref<128x128xf32, #tpu.memory_space<vmem>>
      %dma_start3A_224 = arith.constant 0 : i32
      %dma_start3A_225 = arith.constant 0 : i32
      %dma_start3A_226 = tpu.memref_slice %dma_start3A_223[%dma_start3A_224, %dma_start3A_225] : memref<128x128xf32, #tpu.memory_space<vmem>> -> memref<120x128xf32, #tpu.memory_space<vmem>>
      tpu.enqueue_dma source(%dma_start3A_226 : memref<120x128xf32, #tpu.memory_space<vmem>>) target(%dma_start3A_219 : memref<120x128xf32, #tpu.memory_space<vmem_shared>>) target_semaphore(%run_scoped3A_208 : memref<!tpu.dma_semaphore, #tpu.memory_space<semaphore_mem>>)
      %dma_wait3A = arith.constant 0 : i32
      %dma_wait3A_227 = arith.constant 0 : i32
      %dma_wait3A_228 = tpu.memref_slice %arg8[%run_scoped3A_29, %dma_wait3A, %dma_wait3A_227] : memref<2x128x128xf32, #tpu.memory_space<vmem>> -> memref<1x128x128xf32, #tpu.memory_space<vmem>>
      %dma_wait3A_229 = tpu.memref_squeeze %dma_wait3A_228 : memref<1x128x128xf32, #tpu.memory_space<vmem>> -> memref<128x128xf32, #tpu.memory_space<vmem>>
      %dma_wait3A_230 = arith.constant 0 : i32
      %dma_wait3A_231 = arith.constant 0 : i32
      %dma_wait3A_232 = tpu.memref_slice %dma_wait3A_229[%dma_wait3A_230, %dma_wait3A_231] : memref<128x128xf32, #tpu.memory_space<vmem>> -> memref<120x128xf32, #tpu.memory_space<vmem>>
      %dma_wait3A_233 = arith.constant 0 : i32
      %dma_wait3A_234 = tpu.memref_slice %arg9[%add3A_28, %dma_wait3A_233] : memref<10112x128xf32, #tpu.memory_space<vmem_shared>> -> memref<120x128xf32, #tpu.memory_space<vmem_shared>>
      %dma_wait3A_235 = arith.constant 0 : i32
      %dma_wait3A_236 = tpu.memref_slice %arg9[%add3A_28, %dma_wait3A_235] : memref<10112x128xf32, #tpu.memory_space<vmem_shared>> -> memref<120x128xf32, #tpu.memory_space<vmem_shared>>
      %dma_wait3A_237 = arith.constant 0 : i32
      %dma_wait3A_238 = arith.constant 0 : i32
      %dma_wait3A_239 = tpu.memref_slice %arg8[%run_scoped3A_29, %dma_wait3A_237, %dma_wait3A_238] : memref<2x128x128xf32, #tpu.memory_space<vmem>> -> memref<1x128x128xf32, #tpu.memory_space<vmem>>
      %dma_wait3A_240 = tpu.memref_squeeze %dma_wait3A_239 : memref<1x128x128xf32, #tpu.memory_space<vmem>> -> memref<128x128xf32, #tpu.memory_space<vmem>>
      %dma_wait3A_241 = arith.constant 0 : i32
      %dma_wait3A_242 = arith.constant 0 : i32
      %dma_wait3A_243 = tpu.memref_slice %dma_wait3A_240[%dma_wait3A_241, %dma_wait3A_242] : memref<128x128xf32, #tpu.memory_space<vmem>> -> memref<120x128xf32, #tpu.memory_space<vmem>>
      tpu.wait_dma2 semaphore(%run_scoped3A_208 : memref<!tpu.dma_semaphore, #tpu.memory_space<semaphore_mem>>) src(%dma_wait3A_243 : memref<120x128xf32, #tpu.memory_space<vmem>>) dst(%dma_wait3A_236 : memref<120x128xf32, #tpu.memory_space<vmem_shared>>)
      tpu.yield
    }) : () -> ()
    %barrier3A = arith.constant 0 : index
    tpu.barrier barrier_id(%barrier3A)
    %mul3A_30 = arith.constant 2 : i32
    %mul3A_31 = arith.muli %mul3A_30, %arg1 : i32
    %add3A_32 = arith.constant 0 : i32
    %add3A_33 = arith.addi %mul3A_31, %add3A_32 : i32
    %run_scoped3A_34 = arith.constant 0 : i32
    "tpu.region"() ({
      %run_scoped3A_208 = tpu.sem_alloc : memref<!tpu.dma_semaphore, #tpu.memory_space<semaphore_mem>>
      %dma_start3A_209 = arith.constant 0 : i32
      %dma_start3A_210 = arith.constant 0 : i32
      %dma_start3A_211 = tpu.memref_slice %arg3[%add3A_33, %run_scoped3A_34, %dma_start3A_209, %dma_start3A_210] : memref<32x2x40x128xi32, #tpu.memory_space<hbm>> -> memref<1x1x40x128xi32, #tpu.memory_space<hbm>>
      %dma_start3A_212 = tpu.memref_squeeze %dma_start3A_211 : memref<1x1x40x128xi32, #tpu.memory_space<hbm>> -> memref<40x128xi32, #tpu.memory_space<hbm>>
      %dma_start3A_213 = arith.constant 0 : i32
      %dma_start3A_214 = arith.constant 0 : i32
      %dma_start3A_215 = tpu.memref_slice %arg3[%add3A_33, %run_scoped3A_34, %dma_start3A_213, %dma_start3A_214] : memref<32x2x40x128xi32, #tpu.memory_space<hbm>> -> memref<1x1x40x128xi32, #tpu.memory_space<hbm>>
      %dma_start3A_216 = tpu.memref_squeeze %dma_start3A_215 : memref<1x1x40x128xi32, #tpu.memory_space<hbm>> -> memref<40x128xi32, #tpu.memory_space<hbm>>
      tpu.enqueue_dma source(%dma_start3A_216 : memref<40x128xi32, #tpu.memory_space<hbm>>) target(%arg6 : memref<40x128xi32, #tpu.memory_space<vmem>>) target_semaphore(%run_scoped3A_208 : memref<!tpu.dma_semaphore, #tpu.memory_space<semaphore_mem>>)
      %dma_wait3A = arith.constant 0 : i32
      %dma_wait3A_217 = arith.constant 0 : i32
      %dma_wait3A_218 = tpu.memref_slice %arg3[%add3A_33, %run_scoped3A_34, %dma_wait3A, %dma_wait3A_217] : memref<32x2x40x128xi32, #tpu.memory_space<hbm>> -> memref<1x1x40x128xi32, #tpu.memory_space<hbm>>
      %dma_wait3A_219 = tpu.memref_squeeze %dma_wait3A_218 : memref<1x1x40x128xi32, #tpu.memory_space<hbm>> -> memref<40x128xi32, #tpu.memory_space<hbm>>
      %dma_wait3A_220 = arith.constant 0 : i32
      %dma_wait3A_221 = arith.constant 0 : i32
      %dma_wait3A_222 = tpu.memref_slice %arg3[%add3A_33, %run_scoped3A_34, %dma_wait3A_220, %dma_wait3A_221] : memref<32x2x40x128xi32, #tpu.memory_space<hbm>> -> memref<1x1x40x128xi32, #tpu.memory_space<hbm>>
      %dma_wait3A_223 = tpu.memref_squeeze %dma_wait3A_222 : memref<1x1x40x128xi32, #tpu.memory_space<hbm>> -> memref<40x128xi32, #tpu.memory_space<hbm>>
      tpu.wait_dma2 semaphore(%run_scoped3A_208 : memref<!tpu.dma_semaphore, #tpu.memory_space<semaphore_mem>>) src(%dma_wait3A_223 : memref<40x128xi32, #tpu.memory_space<hbm>>) dst(%arg6 : memref<40x128xi32, #tpu.memory_space<vmem>>)
      tpu.yield
    }) : () -> ()
    %run_scoped3A_35 = arith.constant 0 : i32
    "tpu.region"() ({
      %run_scoped3A_208 = tpu.sem_alloc : memref<!tpu.dma_semaphore, #tpu.memory_space<semaphore_mem>>
      %dma_start3A_209 = arith.constant 0 : i32
      %dma_start3A_210 = arith.constant 0 : i32
      %dma_start3A_211 = tpu.memref_slice %arg4[%add3A_33, %run_scoped3A_35, %dma_start3A_209, %dma_start3A_210] : memref<32x2x40x128xi32, #tpu.memory_space<hbm>> -> memref<1x1x40x128xi32, #tpu.memory_space<hbm>>
      %dma_start3A_212 = tpu.memref_squeeze %dma_start3A_211 : memref<1x1x40x128xi32, #tpu.memory_space<hbm>> -> memref<40x128xi32, #tpu.memory_space<hbm>>
      %dma_start3A_213 = arith.constant 0 : i32
      %dma_start3A_214 = arith.constant 0 : i32
      %dma_start3A_215 = tpu.memref_slice %arg4[%add3A_33, %run_scoped3A_35, %dma_start3A_213, %dma_start3A_214] : memref<32x2x40x128xi32, #tpu.memory_space<hbm>> -> memref<1x1x40x128xi32, #tpu.memory_space<hbm>>
      %dma_start3A_216 = tpu.memref_squeeze %dma_start3A_215 : memref<1x1x40x128xi32, #tpu.memory_space<hbm>> -> memref<40x128xi32, #tpu.memory_space<hbm>>
      tpu.enqueue_dma source(%dma_start3A_216 : memref<40x128xi32, #tpu.memory_space<hbm>>) target(%arg7 : memref<40x128xi32, #tpu.memory_space<vmem>>) target_semaphore(%run_scoped3A_208 : memref<!tpu.dma_semaphore, #tpu.memory_space<semaphore_mem>>)
      %dma_wait3A = arith.constant 0 : i32
      %dma_wait3A_217 = arith.constant 0 : i32
      %dma_wait3A_218 = tpu.memref_slice %arg4[%add3A_33, %run_scoped3A_35, %dma_wait3A, %dma_wait3A_217] : memref<32x2x40x128xi32, #tpu.memory_space<hbm>> -> memref<1x1x40x128xi32, #tpu.memory_space<hbm>>
      %dma_wait3A_219 = tpu.memref_squeeze %dma_wait3A_218 : memref<1x1x40x128xi32, #tpu.memory_space<hbm>> -> memref<40x128xi32, #tpu.memory_space<hbm>>
      %dma_wait3A_220 = arith.constant 0 : i32
      %dma_wait3A_221 = arith.constant 0 : i32
      %dma_wait3A_222 = tpu.memref_slice %arg4[%add3A_33, %run_scoped3A_35, %dma_wait3A_220, %dma_wait3A_221] : memref<32x2x40x128xi32, #tpu.memory_space<hbm>> -> memref<1x1x40x128xi32, #tpu.memory_space<hbm>>
      %dma_wait3A_223 = tpu.memref_squeeze %dma_wait3A_222 : memref<1x1x40x128xi32, #tpu.memory_space<hbm>> -> memref<40x128xi32, #tpu.memory_space<hbm>>
      tpu.wait_dma2 semaphore(%run_scoped3A_208 : memref<!tpu.dma_semaphore, #tpu.memory_space<semaphore_mem>>) src(%dma_wait3A_223 : memref<40x128xi32, #tpu.memory_space<hbm>>) dst(%arg7 : memref<40x128xi32, #tpu.memory_space<vmem>>)
      tpu.yield
    }) : () -> ()
    %dma_start3A = arith.constant 0 : i32
    %dma_start3A_36 = arith.constant 0 : i32
    %dma_start3A_37 = arith.constant 0 : i32
    %dma_start3A_38 = arith.constant 0 : i32
    %dma_start3A_39 = tpu.memref_slice %arg8[%dma_start3A_36, %dma_start3A_37, %dma_start3A_38] : memref<2x128x128xf32, #tpu.memory_space<vmem>> -> memref<1x128x128xf32, #tpu.memory_space<vmem>>
    %dma_start3A_40 = tpu.memref_squeeze %dma_start3A_39 : memref<1x128x128xf32, #tpu.memory_space<vmem>> -> memref<128x128xf32, #tpu.memory_space<vmem>>
    %dma_start3A_41 = arith.constant 0 : i32
    %dma_start3A_42 = tpu.memref_slice %arg6[%dma_start3A, %dma_start3A_41] : memref<40x128xi32, #tpu.memory_space<vmem>> -> memref<1x128xi32, #tpu.memory_space<vmem>>
    %dma_start3A_43 = tpu.memref_squeeze %dma_start3A_42 : memref<1x128xi32, #tpu.memory_space<vmem>> -> memref<128xi32, #tpu.memory_space<vmem>>
    %dma_start3A_44 = arith.constant 0 : i32
    %dma_start3A_45 = arith.constant 0 : i32
    %dma_start3A_46 = tpu.memref_slice %arg2[%arg0, %dma_start3A_44, %dma_start3A_45] : memref<2x10000x128xf32, #tpu.memory_space<hbm>> -> memref<1x10000x128xf32, #tpu.memory_space<hbm>>
    %dma_start3A_47 = tpu.memref_squeeze %dma_start3A_46 : memref<1x10000x128xf32, #tpu.memory_space<hbm>> -> memref<10000x128xf32, #tpu.memory_space<hbm>>
    %dma_start3A_48 = arith.constant 0 : i32
    %dma_start3A_49 = arith.constant 0 : i32
    %dma_start3A_50 = tpu.memref_slice %dma_start3A_47[%dma_start3A_48, %dma_start3A_49] : memref<10000x128xf32, #tpu.memory_space<hbm>> -> memref<10000x128xf32, #tpu.memory_space<hbm>>
    tpu.enqueue_indirect_dma source(%dma_start3A_50 : memref<10000x128xf32, #tpu.memory_space<hbm>>) target(%dma_start3A_40 : memref<128x128xf32, #tpu.memory_space<vmem>>) offsets(%dma_start3A_43 : memref<128xi32, #tpu.memory_space<vmem>>) semaphore(%arg10 : memref<!tpu.dma_semaphore, #tpu.memory_space<semaphore_mem>>)
    %dma_start3A_51 = arith.constant 1 : i32
    %dma_start3A_52 = arith.constant 1 : i32
    %dma_start3A_53 = arith.constant 0 : i32
    %dma_start3A_54 = arith.constant 0 : i32
    %dma_start3A_55 = tpu.memref_slice %arg8[%dma_start3A_52, %dma_start3A_53, %dma_start3A_54] : memref<2x128x128xf32, #tpu.memory_space<vmem>> -> memref<1x128x128xf32, #tpu.memory_space<vmem>>
    %dma_start3A_56 = tpu.memref_squeeze %dma_start3A_55 : memref<1x128x128xf32, #tpu.memory_space<vmem>> -> memref<128x128xf32, #tpu.memory_space<vmem>>
    %dma_start3A_57 = arith.constant 0 : i32
    %dma_start3A_58 = tpu.memref_slice %arg6[%dma_start3A_51, %dma_start3A_57] : memref<40x128xi32, #tpu.memory_space<vmem>> -> memref<1x128xi32, #tpu.memory_space<vmem>>
    %dma_start3A_59 = tpu.memref_squeeze %dma_start3A_58 : memref<1x128xi32, #tpu.memory_space<vmem>> -> memref<128xi32, #tpu.memory_space<vmem>>
    %dma_start3A_60 = arith.constant 0 : i32
    %dma_start3A_61 = arith.constant 0 : i32
    %dma_start3A_62 = tpu.memref_slice %arg2[%arg0, %dma_start3A_60, %dma_start3A_61] : memref<2x10000x128xf32, #tpu.memory_space<hbm>> -> memref<1x10000x128xf32, #tpu.memory_space<hbm>>
    %dma_start3A_63 = tpu.memref_squeeze %dma_start3A_62 : memref<1x10000x128xf32, #tpu.memory_space<hbm>> -> memref<10000x128xf32, #tpu.memory_space<hbm>>
    %dma_start3A_64 = arith.constant 0 : i32
    %dma_start3A_65 = arith.constant 0 : i32
    %dma_start3A_66 = tpu.memref_slice %dma_start3A_63[%dma_start3A_64, %dma_start3A_65] : memref<10000x128xf32, #tpu.memory_space<hbm>> -> memref<10000x128xf32, #tpu.memory_space<hbm>>
    tpu.enqueue_indirect_dma source(%dma_start3A_66 : memref<10000x128xf32, #tpu.memory_space<hbm>>) target(%dma_start3A_56 : memref<128x128xf32, #tpu.memory_space<vmem>>) offsets(%dma_start3A_59 : memref<128xi32, #tpu.memory_space<vmem>>) semaphore(%arg11 : memref<!tpu.dma_semaphore, #tpu.memory_space<semaphore_mem>>)
    %scan3A_67 = arith.constant 0 : i32
    %scan3A_68 = arith.constant 0 : i32
    %scan3A_69 = arith.constant 20 : i32
    %scan3A_70 = arith.addi %scan3A_68, %scan3A_69 : i32
    %scan3A_71 = arith.constant 1 : i32
    %scan3A_72 = scf.for %scan3A_208 = %scan3A_68 to %scan3A_70 step %scan3A_71 iter_args(%scan3A_209 = %scan3A_67) -> (i32)  : i32 {
      %mul3A_210 = arith.constant 2 : i32
      %mul3A_211 = arith.muli %mul3A_210, %scan3A_208 : i32
      %add3A_212 = arith.constant 0 : i32
      %add3A_213 = arith.addi %mul3A_211, %add3A_212 : i32
      %dma_wait3A = arith.constant 0 : i32
      %dma_wait3A_214 = arith.constant 0 : i32
      %dma_wait3A_215 = arith.constant 0 : i32
      %dma_wait3A_216 = tpu.memref_slice %arg8[%dma_wait3A, %dma_wait3A_214, %dma_wait3A_215] : memref<2x128x128xf32, #tpu.memory_space<vmem>> -> memref<1x128x128xf32, #tpu.memory_space<vmem>>
      %dma_wait3A_217 = tpu.memref_squeeze %dma_wait3A_216 : memref<1x128x128xf32, #tpu.memory_space<vmem>> -> memref<128x128xf32, #tpu.memory_space<vmem>>
      %dma_wait3A_218 = arith.constant 0 : i32
      %dma_wait3A_219 = tpu.memref_slice %arg6[%add3A_213, %dma_wait3A_218] : memref<40x128xi32, #tpu.memory_space<vmem>> -> memref<1x128xi32, #tpu.memory_space<vmem>>
      %dma_wait3A_220 = tpu.memref_squeeze %dma_wait3A_219 : memref<1x128xi32, #tpu.memory_space<vmem>> -> memref<128xi32, #tpu.memory_space<vmem>>
      %dma_wait3A_221 = arith.constant 0 : i32
      %dma_wait3A_222 = arith.constant 0 : i32
      %dma_wait3A_223 = tpu.memref_slice %arg2[%arg0, %dma_wait3A_221, %dma_wait3A_222] : memref<2x10000x128xf32, #tpu.memory_space<hbm>> -> memref<1x10000x128xf32, #tpu.memory_space<hbm>>
      %dma_wait3A_224 = tpu.memref_squeeze %dma_wait3A_223 : memref<1x10000x128xf32, #tpu.memory_space<hbm>> -> memref<10000x128xf32, #tpu.memory_space<hbm>>
      %dma_wait3A_225 = arith.constant 0 : i32
      %dma_wait3A_226 = arith.constant 0 : i32
      %dma_wait3A_227 = tpu.memref_slice %dma_wait3A_224[%dma_wait3A_225, %dma_wait3A_226] : memref<10000x128xf32, #tpu.memory_space<hbm>> -> memref<10000x128xf32, #tpu.memory_space<hbm>>
      tpu.wait_indirect_dma semaphore(%arg10 : memref<!tpu.dma_semaphore, #tpu.memory_space<semaphore_mem>>) src(%dma_wait3A_227 : memref<10000x128xf32, #tpu.memory_space<hbm>>) dst(%dma_wait3A_217 : memref<128x128xf32, #tpu.memory_space<vmem>>)
      %run_scoped3A_228 = arith.constant 0 : i32
      "tpu.region"() ({
        %run_scoped3A_264 = tpu.sem_alloc : memref<!tpu.dma_semaphore, #tpu.memory_space<semaphore_mem>>
        %dma_start3A_265 = arith.constant 0 : i32
        %dma_start3A_266 = arith.constant 0 : i32
        %dma_start3A_267 = tpu.memref_slice %arg8[%run_scoped3A_228, %dma_start3A_265, %dma_start3A_266] : memref<2x128x128xf32, #tpu.memory_space<vmem>> -> memref<1x128x128xf32, #tpu.memory_space<vmem>>
        %dma_start3A_268 = tpu.memref_squeeze %dma_start3A_267 : memref<1x128x128xf32, #tpu.memory_space<vmem>> -> memref<128x128xf32, #tpu.memory_space<vmem>>
        %dma_start3A_269 = arith.constant 0 : i32
        %dma_start3A_270 = tpu.memref_slice %arg7[%add3A_213, %dma_start3A_269] : memref<40x128xi32, #tpu.memory_space<vmem>> -> memref<1x128xi32, #tpu.memory_space<vmem>>
        %dma_start3A_271 = tpu.memref_squeeze %dma_start3A_270 : memref<1x128xi32, #tpu.memory_space<vmem>> -> memref<128xi32, #tpu.memory_space<vmem>>
        %dma_start3A_272 = arith.constant 0 : i32
        %dma_start3A_273 = arith.constant 0 : i32
        %dma_start3A_274 = tpu.memref_slice %arg9[%dma_start3A_272, %dma_start3A_273] : memref<10112x128xf32, #tpu.memory_space<vmem_shared>> -> memref<10112x128xf32, #tpu.memory_space<vmem_shared>>
        tpu.enqueue_indirect_dma source(%dma_start3A_268 : memref<128x128xf32, #tpu.memory_space<vmem>>) target(%dma_start3A_274 : memref<10112x128xf32, #tpu.memory_space<vmem_shared>>) offsets(%dma_start3A_271 : memref<128xi32, #tpu.memory_space<vmem>>) semaphore(%run_scoped3A_264 : memref<!tpu.dma_semaphore, #tpu.memory_space<semaphore_mem>>) {add = true}
        %dma_wait3A_275 = arith.constant 0 : i32
        %dma_wait3A_276 = arith.constant 0 : i32
        %dma_wait3A_277 = tpu.memref_slice %arg8[%run_scoped3A_228, %dma_wait3A_275, %dma_wait3A_276] : memref<2x128x128xf32, #tpu.memory_space<vmem>> -> memref<1x128x128xf32, #tpu.memory_space<vmem>>
        %dma_wait3A_278 = tpu.memref_squeeze %dma_wait3A_277 : memref<1x128x128xf32, #tpu.memory_space<vmem>> -> memref<128x128xf32, #tpu.memory_space<vmem>>
        %dma_wait3A_279 = arith.constant 0 : i32
        %dma_wait3A_280 = tpu.memref_slice %arg7[%add3A_213, %dma_wait3A_279] : memref<40x128xi32, #tpu.memory_space<vmem>> -> memref<1x128xi32, #tpu.memory_space<vmem>>
        %dma_wait3A_281 = tpu.memref_squeeze %dma_wait3A_280 : memref<1x128xi32, #tpu.memory_space<vmem>> -> memref<128xi32, #tpu.memory_space<vmem>>
        %dma_wait3A_282 = arith.constant 0 : i32
        %dma_wait3A_283 = arith.constant 0 : i32
        %dma_wait3A_284 = tpu.memref_slice %arg9[%dma_wait3A_282, %dma_wait3A_283] : memref<10112x128xf32, #tpu.memory_space<vmem_shared>> -> memref<10112x128xf32, #tpu.memory_space<vmem_shared>>
        tpu.wait_indirect_dma semaphore(%run_scoped3A_264 : memref<!tpu.dma_semaphore, #tpu.memory_space<semaphore_mem>>) src(%dma_wait3A_278 : memref<128x128xf32, #tpu.memory_space<vmem>>) dst(%dma_wait3A_284 : memref<10112x128xf32, #tpu.memory_space<vmem_shared>>)
        tpu.yield
      }) : () -> ()
      %add3A_229 = arith.constant 2 : i32
      %add3A_230 = arith.addi %add3A_213, %add3A_229 : i32
      %lt3A_231 = arith.constant 40 : i32
      %lt3A_232 = arith.cmpi slt, %add3A_230, %lt3A_231 : i32
      %convert_element_type3A_233 = arith.extui %lt3A_232 : i1 to i32
      %cond3A_234 = arith.constant 0 : i32
      %cond3A_235 = arith.cmpi ne, %convert_element_type3A_233, %cond3A_234 : i32
      scf.if %cond3A_235 {
        %dma_start3A_264 = arith.constant 0 : i32
        %dma_start3A_265 = arith.constant 0 : i32
        %dma_start3A_266 = arith.constant 0 : i32
        %dma_start3A_267 = tpu.memref_slice %arg8[%dma_start3A_264, %dma_start3A_265, %dma_start3A_266] : memref<2x128x128xf32, #tpu.memory_space<vmem>> -> memref<1x128x128xf32, #tpu.memory_space<vmem>>
        %dma_start3A_268 = tpu.memref_squeeze %dma_start3A_267 : memref<1x128x128xf32, #tpu.memory_space<vmem>> -> memref<128x128xf32, #tpu.memory_space<vmem>>
        %dma_start3A_269 = arith.constant 0 : i32
        %dma_start3A_270 = tpu.memref_slice %arg6[%add3A_230, %dma_start3A_269] : memref<40x128xi32, #tpu.memory_space<vmem>> -> memref<1x128xi32, #tpu.memory_space<vmem>>
        %dma_start3A_271 = tpu.memref_squeeze %dma_start3A_270 : memref<1x128xi32, #tpu.memory_space<vmem>> -> memref<128xi32, #tpu.memory_space<vmem>>
        %dma_start3A_272 = arith.constant 0 : i32
        %dma_start3A_273 = arith.constant 0 : i32
        %dma_start3A_274 = tpu.memref_slice %arg2[%arg0, %dma_start3A_272, %dma_start3A_273] : memref<2x10000x128xf32, #tpu.memory_space<hbm>> -> memref<1x10000x128xf32, #tpu.memory_space<hbm>>
        %dma_start3A_275 = tpu.memref_squeeze %dma_start3A_274 : memref<1x10000x128xf32, #tpu.memory_space<hbm>> -> memref<10000x128xf32, #tpu.memory_space<hbm>>
        %dma_start3A_276 = arith.constant 0 : i32
        %dma_start3A_277 = arith.constant 0 : i32
        %dma_start3A_278 = tpu.memref_slice %dma_start3A_275[%dma_start3A_276, %dma_start3A_277] : memref<10000x128xf32, #tpu.memory_space<hbm>> -> memref<10000x128xf32, #tpu.memory_space<hbm>>
        tpu.enqueue_indirect_dma source(%dma_start3A_278 : memref<10000x128xf32, #tpu.memory_space<hbm>>) target(%dma_start3A_268 : memref<128x128xf32, #tpu.memory_space<vmem>>) offsets(%dma_start3A_271 : memref<128xi32, #tpu.memory_space<vmem>>) semaphore(%arg10 : memref<!tpu.dma_semaphore, #tpu.memory_space<semaphore_mem>>)
      } else {
      }
      %mul3A_236 = arith.constant 2 : i32
      %mul3A_237 = arith.muli %mul3A_236, %scan3A_208 : i32
      %add3A_238 = arith.constant 1 : i32
      %add3A_239 = arith.addi %mul3A_237, %add3A_238 : i32
      %dma_wait3A_240 = arith.constant 1 : i32
      %dma_wait3A_241 = arith.constant 0 : i32
      %dma_wait3A_242 = arith.constant 0 : i32
      %dma_wait3A_243 = tpu.memref_slice %arg8[%dma_wait3A_240, %dma_wait3A_241, %dma_wait3A_242] : memref<2x128x128xf32, #tpu.memory_space<vmem>> -> memref<1x128x128xf32, #tpu.memory_space<vmem>>
      %dma_wait3A_244 = tpu.memref_squeeze %dma_wait3A_243 : memref<1x128x128xf32, #tpu.memory_space<vmem>> -> memref<128x128xf32, #tpu.memory_space<vmem>>
      %dma_wait3A_245 = arith.constant 0 : i32
      %dma_wait3A_246 = tpu.memref_slice %arg6[%add3A_239, %dma_wait3A_245] : memref<40x128xi32, #tpu.memory_space<vmem>> -> memref<1x128xi32, #tpu.memory_space<vmem>>
      %dma_wait3A_247 = tpu.memref_squeeze %dma_wait3A_246 : memref<1x128xi32, #tpu.memory_space<vmem>> -> memref<128xi32, #tpu.memory_space<vmem>>
      %dma_wait3A_248 = arith.constant 0 : i32
      %dma_wait3A_249 = arith.constant 0 : i32
      %dma_wait3A_250 = tpu.memref_slice %arg2[%arg0, %dma_wait3A_248, %dma_wait3A_249] : memref<2x10000x128xf32, #tpu.memory_space<hbm>> -> memref<1x10000x128xf32, #tpu.memory_space<hbm>>
      %dma_wait3A_251 = tpu.memref_squeeze %dma_wait3A_250 : memref<1x10000x128xf32, #tpu.memory_space<hbm>> -> memref<10000x128xf32, #tpu.memory_space<hbm>>
      %dma_wait3A_252 = arith.constant 0 : i32
      %dma_wait3A_253 = arith.constant 0 : i32
      %dma_wait3A_254 = tpu.memref_slice %dma_wait3A_251[%dma_wait3A_252, %dma_wait3A_253] : memref<10000x128xf32, #tpu.memory_space<hbm>> -> memref<10000x128xf32, #tpu.memory_space<hbm>>
      tpu.wait_indirect_dma semaphore(%arg11 : memref<!tpu.dma_semaphore, #tpu.memory_space<semaphore_mem>>) src(%dma_wait3A_254 : memref<10000x128xf32, #tpu.memory_space<hbm>>) dst(%dma_wait3A_244 : memref<128x128xf32, #tpu.memory_space<vmem>>)
      %run_scoped3A_255 = arith.constant 1 : i32
      "tpu.region"() ({
        %run_scoped3A_264 = tpu.sem_alloc : memref<!tpu.dma_semaphore, #tpu.memory_space<semaphore_mem>>
        %dma_start3A_265 = arith.constant 0 : i32
        %dma_start3A_266 = arith.constant 0 : i32
        %dma_start3A_267 = tpu.memref_slice %arg8[%run_scoped3A_255, %dma_start3A_265, %dma_start3A_266] : memref<2x128x128xf32, #tpu.memory_space<vmem>> -> memref<1x128x128xf32, #tpu.memory_space<vmem>>
        %dma_start3A_268 = tpu.memref_squeeze %dma_start3A_267 : memref<1x128x128xf32, #tpu.memory_space<vmem>> -> memref<128x128xf32, #tpu.memory_space<vmem>>
        %dma_start3A_269 = arith.constant 0 : i32
        %dma_start3A_270 = tpu.memref_slice %arg7[%add3A_239, %dma_start3A_269] : memref<40x128xi32, #tpu.memory_space<vmem>> -> memref<1x128xi32, #tpu.memory_space<vmem>>
        %dma_start3A_271 = tpu.memref_squeeze %dma_start3A_270 : memref<1x128xi32, #tpu.memory_space<vmem>> -> memref<128xi32, #tpu.memory_space<vmem>>
        %dma_start3A_272 = arith.constant 0 : i32
        %dma_start3A_273 = arith.constant 0 : i32
        %dma_start3A_274 = tpu.memref_slice %arg9[%dma_start3A_272, %dma_start3A_273] : memref<10112x128xf32, #tpu.memory_space<vmem_shared>> -> memref<10112x128xf32, #tpu.memory_space<vmem_shared>>
        tpu.enqueue_indirect_dma source(%dma_start3A_268 : memref<128x128xf32, #tpu.memory_space<vmem>>) target(%dma_start3A_274 : memref<10112x128xf32, #tpu.memory_space<vmem_shared>>) offsets(%dma_start3A_271 : memref<128xi32, #tpu.memory_space<vmem>>) semaphore(%run_scoped3A_264 : memref<!tpu.dma_semaphore, #tpu.memory_space<semaphore_mem>>) {add = true}
        %dma_wait3A_275 = arith.constant 0 : i32
        %dma_wait3A_276 = arith.constant 0 : i32
        %dma_wait3A_277 = tpu.memref_slice %arg8[%run_scoped3A_255, %dma_wait3A_275, %dma_wait3A_276] : memref<2x128x128xf32, #tpu.memory_space<vmem>> -> memref<1x128x128xf32, #tpu.memory_space<vmem>>
        %dma_wait3A_278 = tpu.memref_squeeze %dma_wait3A_277 : memref<1x128x128xf32, #tpu.memory_space<vmem>> -> memref<128x128xf32, #tpu.memory_space<vmem>>
        %dma_wait3A_279 = arith.constant 0 : i32
        %dma_wait3A_280 = tpu.memref_slice %arg7[%add3A_239, %dma_wait3A_279] : memref<40x128xi32, #tpu.memory_space<vmem>> -> memref<1x128xi32, #tpu.memory_space<vmem>>
        %dma_wait3A_281 = tpu.memref_squeeze %dma_wait3A_280 : memref<1x128xi32, #tpu.memory_space<vmem>> -> memref<128xi32, #tpu.memory_space<vmem>>
        %dma_wait3A_282 = arith.constant 0 : i32
        %dma_wait3A_283 = arith.constant 0 : i32
        %dma_wait3A_284 = tpu.memref_slice %arg9[%dma_wait3A_282, %dma_wait3A_283] : memref<10112x128xf32, #tpu.memory_space<vmem_shared>> -> memref<10112x128xf32, #tpu.memory_space<vmem_shared>>
        tpu.wait_indirect_dma semaphore(%run_scoped3A_264 : memref<!tpu.dma_semaphore, #tpu.memory_space<semaphore_mem>>) src(%dma_wait3A_278 : memref<128x128xf32, #tpu.memory_space<vmem>>) dst(%dma_wait3A_284 : memref<10112x128xf32, #tpu.memory_space<vmem_shared>>)
        tpu.yield
      }) : () -> ()
      %add3A_256 = arith.constant 2 : i32
      %add3A_257 = arith.addi %add3A_239, %add3A_256 : i32
      %lt3A_258 = arith.constant 40 : i32
      %lt3A_259 = arith.cmpi slt, %add3A_257, %lt3A_258 : i32
      %convert_element_type3A_260 = arith.extui %lt3A_259 : i1 to i32
      %cond3A_261 = arith.constant 0 : i32
      %cond3A_262 = arith.cmpi ne, %convert_element_type3A_260, %cond3A_261 : i32
      scf.if %cond3A_262 {
        %dma_start3A_264 = arith.constant 1 : i32
        %dma_start3A_265 = arith.constant 0 : i32
        %dma_start3A_266 = arith.constant 0 : i32
        %dma_start3A_267 = tpu.memref_slice %arg8[%dma_start3A_264, %dma_start3A_265, %dma_start3A_266] : memref<2x128x128xf32, #tpu.memory_space<vmem>> -> memref<1x128x128xf32, #tpu.memory_space<vmem>>
        %dma_start3A_268 = tpu.memref_squeeze %dma_start3A_267 : memref<1x128x128xf32, #tpu.memory_space<vmem>> -> memref<128x128xf32, #tpu.memory_space<vmem>>
        %dma_start3A_269 = arith.constant 0 : i32
        %dma_start3A_270 = tpu.memref_slice %arg6[%add3A_257, %dma_start3A_269] : memref<40x128xi32, #tpu.memory_space<vmem>> -> memref<1x128xi32, #tpu.memory_space<vmem>>
        %dma_start3A_271 = tpu.memref_squeeze %dma_start3A_270 : memref<1x128xi32, #tpu.memory_space<vmem>> -> memref<128xi32, #tpu.memory_space<vmem>>
        %dma_start3A_272 = arith.constant 0 : i32
        %dma_start3A_273 = arith.constant 0 : i32
        %dma_start3A_274 = tpu.memref_slice %arg2[%arg0, %dma_start3A_272, %dma_start3A_273] : memref<2x10000x128xf32, #tpu.memory_space<hbm>> -> memref<1x10000x128xf32, #tpu.memory_space<hbm>>
        %dma_start3A_275 = tpu.memref_squeeze %dma_start3A_274 : memref<1x10000x128xf32, #tpu.memory_space<hbm>> -> memref<10000x128xf32, #tpu.memory_space<hbm>>
        %dma_start3A_276 = arith.constant 0 : i32
        %dma_start3A_277 = arith.constant 0 : i32
        %dma_start3A_278 = tpu.memref_slice %dma_start3A_275[%dma_start3A_276, %dma_start3A_277] : memref<10000x128xf32, #tpu.memory_space<hbm>> -> memref<10000x128xf32, #tpu.memory_space<hbm>>
        tpu.enqueue_indirect_dma source(%dma_start3A_278 : memref<10000x128xf32, #tpu.memory_space<hbm>>) target(%dma_start3A_268 : memref<128x128xf32, #tpu.memory_space<vmem>>) offsets(%dma_start3A_271 : memref<128xi32, #tpu.memory_space<vmem>>) semaphore(%arg11 : memref<!tpu.dma_semaphore, #tpu.memory_space<semaphore_mem>>)
      } else {
      }
      %scan3A_263 = arith.constant 0 : i32
      scf.yield %scan3A_263 : i32
    }
    %scan3A_73 = arith.constant 20 : i32
    %run_scoped3A_74 = arith.constant 1 : i32
    "tpu.region"() ({
      %run_scoped3A_208 = tpu.sem_alloc : memref<!tpu.dma_semaphore, #tpu.memory_space<semaphore_mem>>
      %dma_start3A_209 = arith.constant 0 : i32
      %dma_start3A_210 = arith.constant 0 : i32
      %dma_start3A_211 = tpu.memref_slice %arg3[%add3A_33, %run_scoped3A_74, %dma_start3A_209, %dma_start3A_210] : memref<32x2x40x128xi32, #tpu.memory_space<hbm>> -> memref<1x1x40x128xi32, #tpu.memory_space<hbm>>
      %dma_start3A_212 = tpu.memref_squeeze %dma_start3A_211 : memref<1x1x40x128xi32, #tpu.memory_space<hbm>> -> memref<40x128xi32, #tpu.memory_space<hbm>>
      %dma_start3A_213 = arith.constant 0 : i32
      %dma_start3A_214 = arith.constant 0 : i32
      %dma_start3A_215 = tpu.memref_slice %arg3[%add3A_33, %run_scoped3A_74, %dma_start3A_213, %dma_start3A_214] : memref<32x2x40x128xi32, #tpu.memory_space<hbm>> -> memref<1x1x40x128xi32, #tpu.memory_space<hbm>>
      %dma_start3A_216 = tpu.memref_squeeze %dma_start3A_215 : memref<1x1x40x128xi32, #tpu.memory_space<hbm>> -> memref<40x128xi32, #tpu.memory_space<hbm>>
      tpu.enqueue_dma source(%dma_start3A_216 : memref<40x128xi32, #tpu.memory_space<hbm>>) target(%arg6 : memref<40x128xi32, #tpu.memory_space<vmem>>) target_semaphore(%run_scoped3A_208 : memref<!tpu.dma_semaphore, #tpu.memory_space<semaphore_mem>>)
      %dma_wait3A = arith.constant 0 : i32
      %dma_wait3A_217 = arith.constant 0 : i32
      %dma_wait3A_218 = tpu.memref_slice %arg3[%add3A_33, %run_scoped3A_74, %dma_wait3A, %dma_wait3A_217] : memref<32x2x40x128xi32, #tpu.memory_space<hbm>> -> memref<1x1x40x128xi32, #tpu.memory_space<hbm>>
      %dma_wait3A_219 = tpu.memref_squeeze %dma_wait3A_218 : memref<1x1x40x128xi32, #tpu.memory_space<hbm>> -> memref<40x128xi32, #tpu.memory_space<hbm>>
      %dma_wait3A_220 = arith.constant 0 : i32
      %dma_wait3A_221 = arith.constant 0 : i32
      %dma_wait3A_222 = tpu.memref_slice %arg3[%add3A_33, %run_scoped3A_74, %dma_wait3A_220, %dma_wait3A_221] : memref<32x2x40x128xi32, #tpu.memory_space<hbm>> -> memref<1x1x40x128xi32, #tpu.memory_space<hbm>>
      %dma_wait3A_223 = tpu.memref_squeeze %dma_wait3A_222 : memref<1x1x40x128xi32, #tpu.memory_space<hbm>> -> memref<40x128xi32, #tpu.memory_space<hbm>>
      tpu.wait_dma2 semaphore(%run_scoped3A_208 : memref<!tpu.dma_semaphore, #tpu.memory_space<semaphore_mem>>) src(%dma_wait3A_223 : memref<40x128xi32, #tpu.memory_space<hbm>>) dst(%arg6 : memref<40x128xi32, #tpu.memory_space<vmem>>)
      tpu.yield
    }) : () -> ()
    %run_scoped3A_75 = arith.constant 1 : i32
    "tpu.region"() ({
      %run_scoped3A_208 = tpu.sem_alloc : memref<!tpu.dma_semaphore, #tpu.memory_space<semaphore_mem>>
      %dma_start3A_209 = arith.constant 0 : i32
      %dma_start3A_210 = arith.constant 0 : i32
      %dma_start3A_211 = tpu.memref_slice %arg4[%add3A_33, %run_scoped3A_75, %dma_start3A_209, %dma_start3A_210] : memref<32x2x40x128xi32, #tpu.memory_space<hbm>> -> memref<1x1x40x128xi32, #tpu.memory_space<hbm>>
      %dma_start3A_212 = tpu.memref_squeeze %dma_start3A_211 : memref<1x1x40x128xi32, #tpu.memory_space<hbm>> -> memref<40x128xi32, #tpu.memory_space<hbm>>
      %dma_start3A_213 = arith.constant 0 : i32
      %dma_start3A_214 = arith.constant 0 : i32
      %dma_start3A_215 = tpu.memref_slice %arg4[%add3A_33, %run_scoped3A_75, %dma_start3A_213, %dma_start3A_214] : memref<32x2x40x128xi32, #tpu.memory_space<hbm>> -> memref<1x1x40x128xi32, #tpu.memory_space<hbm>>
      %dma_start3A_216 = tpu.memref_squeeze %dma_start3A_215 : memref<1x1x40x128xi32, #tpu.memory_space<hbm>> -> memref<40x128xi32, #tpu.memory_space<hbm>>
      tpu.enqueue_dma source(%dma_start3A_216 : memref<40x128xi32, #tpu.memory_space<hbm>>) target(%arg7 : memref<40x128xi32, #tpu.memory_space<vmem>>) target_semaphore(%run_scoped3A_208 : memref<!tpu.dma_semaphore, #tpu.memory_space<semaphore_mem>>)
      %dma_wait3A = arith.constant 0 : i32
      %dma_wait3A_217 = arith.constant 0 : i32
      %dma_wait3A_218 = tpu.memref_slice %arg4[%add3A_33, %run_scoped3A_75, %dma_wait3A, %dma_wait3A_217] : memref<32x2x40x128xi32, #tpu.memory_space<hbm>> -> memref<1x1x40x128xi32, #tpu.memory_space<hbm>>
      %dma_wait3A_219 = tpu.memref_squeeze %dma_wait3A_218 : memref<1x1x40x128xi32, #tpu.memory_space<hbm>> -> memref<40x128xi32, #tpu.memory_space<hbm>>
      %dma_wait3A_220 = arith.constant 0 : i32
      %dma_wait3A_221 = arith.constant 0 : i32
      %dma_wait3A_222 = tpu.memref_slice %arg4[%add3A_33, %run_scoped3A_75, %dma_wait3A_220, %dma_wait3A_221] : memref<32x2x40x128xi32, #tpu.memory_space<hbm>> -> memref<1x1x40x128xi32, #tpu.memory_space<hbm>>
      %dma_wait3A_223 = tpu.memref_squeeze %dma_wait3A_222 : memref<1x1x40x128xi32, #tpu.memory_space<hbm>> -> memref<40x128xi32, #tpu.memory_space<hbm>>
      tpu.wait_dma2 semaphore(%run_scoped3A_208 : memref<!tpu.dma_semaphore, #tpu.memory_space<semaphore_mem>>) src(%dma_wait3A_223 : memref<40x128xi32, #tpu.memory_space<hbm>>) dst(%arg7 : memref<40x128xi32, #tpu.memory_space<vmem>>)
      tpu.yield
    }) : () -> ()
    %dma_start3A_76 = arith.constant 0 : i32
    %dma_start3A_77 = arith.constant 0 : i32
    %dma_start3A_78 = arith.constant 0 : i32
    %dma_start3A_79 = arith.constant 0 : i32
    %dma_start3A_80 = tpu.memref_slice %arg8[%dma_start3A_77, %dma_start3A_78, %dma_start3A_79] : memref<2x128x128xf32, #tpu.memory_space<vmem>> -> memref<1x128x128xf32, #tpu.memory_space<vmem>>
    %dma_start3A_81 = tpu.memref_squeeze %dma_start3A_80 : memref<1x128x128xf32, #tpu.memory_space<vmem>> -> memref<128x128xf32, #tpu.memory_space<vmem>>
    %dma_start3A_82 = arith.constant 0 : i32
    %dma_start3A_83 = tpu.memref_slice %arg6[%dma_start3A_76, %dma_start3A_82] : memref<40x128xi32, #tpu.memory_space<vmem>> -> memref<1x128xi32, #tpu.memory_space<vmem>>
    %dma_start3A_84 = tpu.memref_squeeze %dma_start3A_83 : memref<1x128xi32, #tpu.memory_space<vmem>> -> memref<128xi32, #tpu.memory_space<vmem>>
    %dma_start3A_85 = arith.constant 0 : i32
    %dma_start3A_86 = arith.constant 0 : i32
    %dma_start3A_87 = tpu.memref_slice %arg2[%arg0, %dma_start3A_85, %dma_start3A_86] : memref<2x10000x128xf32, #tpu.memory_space<hbm>> -> memref<1x10000x128xf32, #tpu.memory_space<hbm>>
    %dma_start3A_88 = tpu.memref_squeeze %dma_start3A_87 : memref<1x10000x128xf32, #tpu.memory_space<hbm>> -> memref<10000x128xf32, #tpu.memory_space<hbm>>
    %dma_start3A_89 = arith.constant 0 : i32
    %dma_start3A_90 = arith.constant 0 : i32
    %dma_start3A_91 = tpu.memref_slice %dma_start3A_88[%dma_start3A_89, %dma_start3A_90] : memref<10000x128xf32, #tpu.memory_space<hbm>> -> memref<10000x128xf32, #tpu.memory_space<hbm>>
    tpu.enqueue_indirect_dma source(%dma_start3A_91 : memref<10000x128xf32, #tpu.memory_space<hbm>>) target(%dma_start3A_81 : memref<128x128xf32, #tpu.memory_space<vmem>>) offsets(%dma_start3A_84 : memref<128xi32, #tpu.memory_space<vmem>>) semaphore(%arg10 : memref<!tpu.dma_semaphore, #tpu.memory_space<semaphore_mem>>)
    %dma_start3A_92 = arith.constant 1 : i32
    %dma_start3A_93 = arith.constant 1 : i32
    %dma_start3A_94 = arith.constant 0 : i32
    %dma_start3A_95 = arith.constant 0 : i32
    %dma_start3A_96 = tpu.memref_slice %arg8[%dma_start3A_93, %dma_start3A_94, %dma_start3A_95] : memref<2x128x128xf32, #tpu.memory_space<vmem>> -> memref<1x128x128xf32, #tpu.memory_space<vmem>>
    %dma_start3A_97 = tpu.memref_squeeze %dma_start3A_96 : memref<1x128x128xf32, #tpu.memory_space<vmem>> -> memref<128x128xf32, #tpu.memory_space<vmem>>
    %dma_start3A_98 = arith.constant 0 : i32
    %dma_start3A_99 = tpu.memref_slice %arg6[%dma_start3A_92, %dma_start3A_98] : memref<40x128xi32, #tpu.memory_space<vmem>> -> memref<1x128xi32, #tpu.memory_space<vmem>>
    %dma_start3A_100 = tpu.memref_squeeze %dma_start3A_99 : memref<1x128xi32, #tpu.memory_space<vmem>> -> memref<128xi32, #tpu.memory_space<vmem>>
    %dma_start3A_101 = arith.constant 0 : i32
    %dma_start3A_102 = arith.constant 0 : i32
    %dma_start3A_103 = tpu.memref_slice %arg2[%arg0, %dma_start3A_101, %dma_start3A_102] : memref<2x10000x128xf32, #tpu.memory_space<hbm>> -> memref<1x10000x128xf32, #tpu.memory_space<hbm>>
    %dma_start3A_104 = tpu.memref_squeeze %dma_start3A_103 : memref<1x10000x128xf32, #tpu.memory_space<hbm>> -> memref<10000x128xf32, #tpu.memory_space<hbm>>
    %dma_start3A_105 = arith.constant 0 : i32
    %dma_start3A_106 = arith.constant 0 : i32
    %dma_start3A_107 = tpu.memref_slice %dma_start3A_104[%dma_start3A_105, %dma_start3A_106] : memref<10000x128xf32, #tpu.memory_space<hbm>> -> memref<10000x128xf32, #tpu.memory_space<hbm>>
    tpu.enqueue_indirect_dma source(%dma_start3A_107 : memref<10000x128xf32, #tpu.memory_space<hbm>>) target(%dma_start3A_97 : memref<128x128xf32, #tpu.memory_space<vmem>>) offsets(%dma_start3A_100 : memref<128xi32, #tpu.memory_space<vmem>>) semaphore(%arg11 : memref<!tpu.dma_semaphore, #tpu.memory_space<semaphore_mem>>)
    %scan3A_108 = arith.constant 0 : i32
    %scan3A_109 = arith.constant 0 : i32
    %scan3A_110 = arith.constant 20 : i32
    %scan3A_111 = arith.addi %scan3A_109, %scan3A_110 : i32
    %scan3A_112 = arith.constant 1 : i32
    %scan3A_113 = scf.for %scan3A_208 = %scan3A_109 to %scan3A_111 step %scan3A_112 iter_args(%scan3A_209 = %scan3A_108) -> (i32)  : i32 {
      %mul3A_210 = arith.constant 2 : i32
      %mul3A_211 = arith.muli %mul3A_210, %scan3A_208 : i32
      %add3A_212 = arith.constant 0 : i32
      %add3A_213 = arith.addi %mul3A_211, %add3A_212 : i32
      %dma_wait3A = arith.constant 0 : i32
      %dma_wait3A_214 = arith.constant 0 : i32
      %dma_wait3A_215 = arith.constant 0 : i32
      %dma_wait3A_216 = tpu.memref_slice %arg8[%dma_wait3A, %dma_wait3A_214, %dma_wait3A_215] : memref<2x128x128xf32, #tpu.memory_space<vmem>> -> memref<1x128x128xf32, #tpu.memory_space<vmem>>
      %dma_wait3A_217 = tpu.memref_squeeze %dma_wait3A_216 : memref<1x128x128xf32, #tpu.memory_space<vmem>> -> memref<128x128xf32, #tpu.memory_space<vmem>>
      %dma_wait3A_218 = arith.constant 0 : i32
      %dma_wait3A_219 = tpu.memref_slice %arg6[%add3A_213, %dma_wait3A_218] : memref<40x128xi32, #tpu.memory_space<vmem>> -> memref<1x128xi32, #tpu.memory_space<vmem>>
      %dma_wait3A_220 = tpu.memref_squeeze %dma_wait3A_219 : memref<1x128xi32, #tpu.memory_space<vmem>> -> memref<128xi32, #tpu.memory_space<vmem>>
      %dma_wait3A_221 = arith.constant 0 : i32
      %dma_wait3A_222 = arith.constant 0 : i32
      %dma_wait3A_223 = tpu.memref_slice %arg2[%arg0, %dma_wait3A_221, %dma_wait3A_222] : memref<2x10000x128xf32, #tpu.memory_space<hbm>> -> memref<1x10000x128xf32, #tpu.memory_space<hbm>>
      %dma_wait3A_224 = tpu.memref_squeeze %dma_wait3A_223 : memref<1x10000x128xf32, #tpu.memory_space<hbm>> -> memref<10000x128xf32, #tpu.memory_space<hbm>>
      %dma_wait3A_225 = arith.constant 0 : i32
      %dma_wait3A_226 = arith.constant 0 : i32
      %dma_wait3A_227 = tpu.memref_slice %dma_wait3A_224[%dma_wait3A_225, %dma_wait3A_226] : memref<10000x128xf32, #tpu.memory_space<hbm>> -> memref<10000x128xf32, #tpu.memory_space<hbm>>
      tpu.wait_indirect_dma semaphore(%arg10 : memref<!tpu.dma_semaphore, #tpu.memory_space<semaphore_mem>>) src(%dma_wait3A_227 : memref<10000x128xf32, #tpu.memory_space<hbm>>) dst(%dma_wait3A_217 : memref<128x128xf32, #tpu.memory_space<vmem>>)
      %run_scoped3A_228 = arith.constant 0 : i32
      "tpu.region"() ({
        %run_scoped3A_264 = tpu.sem_alloc : memref<!tpu.dma_semaphore, #tpu.memory_space<semaphore_mem>>
        %dma_start3A_265 = arith.constant 0 : i32
        %dma_start3A_266 = arith.constant 0 : i32
        %dma_start3A_267 = tpu.memref_slice %arg8[%run_scoped3A_228, %dma_start3A_265, %dma_start3A_266] : memref<2x128x128xf32, #tpu.memory_space<vmem>> -> memref<1x128x128xf32, #tpu.memory_space<vmem>>
        %dma_start3A_268 = tpu.memref_squeeze %dma_start3A_267 : memref<1x128x128xf32, #tpu.memory_space<vmem>> -> memref<128x128xf32, #tpu.memory_space<vmem>>
        %dma_start3A_269 = arith.constant 0 : i32
        %dma_start3A_270 = tpu.memref_slice %arg7[%add3A_213, %dma_start3A_269] : memref<40x128xi32, #tpu.memory_space<vmem>> -> memref<1x128xi32, #tpu.memory_space<vmem>>
        %dma_start3A_271 = tpu.memref_squeeze %dma_start3A_270 : memref<1x128xi32, #tpu.memory_space<vmem>> -> memref<128xi32, #tpu.memory_space<vmem>>
        %dma_start3A_272 = arith.constant 0 : i32
        %dma_start3A_273 = arith.constant 0 : i32
        %dma_start3A_274 = tpu.memref_slice %arg9[%dma_start3A_272, %dma_start3A_273] : memref<10112x128xf32, #tpu.memory_space<vmem_shared>> -> memref<10112x128xf32, #tpu.memory_space<vmem_shared>>
        tpu.enqueue_indirect_dma source(%dma_start3A_268 : memref<128x128xf32, #tpu.memory_space<vmem>>) target(%dma_start3A_274 : memref<10112x128xf32, #tpu.memory_space<vmem_shared>>) offsets(%dma_start3A_271 : memref<128xi32, #tpu.memory_space<vmem>>) semaphore(%run_scoped3A_264 : memref<!tpu.dma_semaphore, #tpu.memory_space<semaphore_mem>>) {add = true}
        %dma_wait3A_275 = arith.constant 0 : i32
        %dma_wait3A_276 = arith.constant 0 : i32
        %dma_wait3A_277 = tpu.memref_slice %arg8[%run_scoped3A_228, %dma_wait3A_275, %dma_wait3A_276] : memref<2x128x128xf32, #tpu.memory_space<vmem>> -> memref<1x128x128xf32, #tpu.memory_space<vmem>>
        %dma_wait3A_278 = tpu.memref_squeeze %dma_wait3A_277 : memref<1x128x128xf32, #tpu.memory_space<vmem>> -> memref<128x128xf32, #tpu.memory_space<vmem>>
        %dma_wait3A_279 = arith.constant 0 : i32
        %dma_wait3A_280 = tpu.memref_slice %arg7[%add3A_213, %dma_wait3A_279] : memref<40x128xi32, #tpu.memory_space<vmem>> -> memref<1x128xi32, #tpu.memory_space<vmem>>
        %dma_wait3A_281 = tpu.memref_squeeze %dma_wait3A_280 : memref<1x128xi32, #tpu.memory_space<vmem>> -> memref<128xi32, #tpu.memory_space<vmem>>
        %dma_wait3A_282 = arith.constant 0 : i32
        %dma_wait3A_283 = arith.constant 0 : i32
        %dma_wait3A_284 = tpu.memref_slice %arg9[%dma_wait3A_282, %dma_wait3A_283] : memref<10112x128xf32, #tpu.memory_space<vmem_shared>> -> memref<10112x128xf32, #tpu.memory_space<vmem_shared>>
        tpu.wait_indirect_dma semaphore(%run_scoped3A_264 : memref<!tpu.dma_semaphore, #tpu.memory_space<semaphore_mem>>) src(%dma_wait3A_278 : memref<128x128xf32, #tpu.memory_space<vmem>>) dst(%dma_wait3A_284 : memref<10112x128xf32, #tpu.memory_space<vmem_shared>>)
        tpu.yield
      }) : () -> ()
      %add3A_229 = arith.constant 2 : i32
      %add3A_230 = arith.addi %add3A_213, %add3A_229 : i32
      %lt3A_231 = arith.constant 40 : i32
      %lt3A_232 = arith.cmpi slt, %add3A_230, %lt3A_231 : i32
      %convert_element_type3A_233 = arith.extui %lt3A_232 : i1 to i32
      %cond3A_234 = arith.constant 0 : i32
      %cond3A_235 = arith.cmpi ne, %convert_element_type3A_233, %cond3A_234 : i32
      scf.if %cond3A_235 {
        %dma_start3A_264 = arith.constant 0 : i32
        %dma_start3A_265 = arith.constant 0 : i32
        %dma_start3A_266 = arith.constant 0 : i32
        %dma_start3A_267 = tpu.memref_slice %arg8[%dma_start3A_264, %dma_start3A_265, %dma_start3A_266] : memref<2x128x128xf32, #tpu.memory_space<vmem>> -> memref<1x128x128xf32, #tpu.memory_space<vmem>>
        %dma_start3A_268 = tpu.memref_squeeze %dma_start3A_267 : memref<1x128x128xf32, #tpu.memory_space<vmem>> -> memref<128x128xf32, #tpu.memory_space<vmem>>
        %dma_start3A_269 = arith.constant 0 : i32
        %dma_start3A_270 = tpu.memref_slice %arg6[%add3A_230, %dma_start3A_269] : memref<40x128xi32, #tpu.memory_space<vmem>> -> memref<1x128xi32, #tpu.memory_space<vmem>>
        %dma_start3A_271 = tpu.memref_squeeze %dma_start3A_270 : memref<1x128xi32, #tpu.memory_space<vmem>> -> memref<128xi32, #tpu.memory_space<vmem>>
        %dma_start3A_272 = arith.constant 0 : i32
        %dma_start3A_273 = arith.constant 0 : i32
        %dma_start3A_274 = tpu.memref_slice %arg2[%arg0, %dma_start3A_272, %dma_start3A_273] : memref<2x10000x128xf32, #tpu.memory_space<hbm>> -> memref<1x10000x128xf32, #tpu.memory_space<hbm>>
        %dma_start3A_275 = tpu.memref_squeeze %dma_start3A_274 : memref<1x10000x128xf32, #tpu.memory_space<hbm>> -> memref<10000x128xf32, #tpu.memory_space<hbm>>
        %dma_start3A_276 = arith.constant 0 : i32
        %dma_start3A_277 = arith.constant 0 : i32
        %dma_start3A_278 = tpu.memref_slice %dma_start3A_275[%dma_start3A_276, %dma_start3A_277] : memref<10000x128xf32, #tpu.memory_space<hbm>> -> memref<10000x128xf32, #tpu.memory_space<hbm>>
        tpu.enqueue_indirect_dma source(%dma_start3A_278 : memref<10000x128xf32, #tpu.memory_space<hbm>>) target(%dma_start3A_268 : memref<128x128xf32, #tpu.memory_space<vmem>>) offsets(%dma_start3A_271 : memref<128xi32, #tpu.memory_space<vmem>>) semaphore(%arg10 : memref<!tpu.dma_semaphore, #tpu.memory_space<semaphore_mem>>)
      } else {
      }
      %mul3A_236 = arith.constant 2 : i32
      %mul3A_237 = arith.muli %mul3A_236, %scan3A_208 : i32
      %add3A_238 = arith.constant 1 : i32
      %add3A_239 = arith.addi %mul3A_237, %add3A_238 : i32
      %dma_wait3A_240 = arith.constant 1 : i32
      %dma_wait3A_241 = arith.constant 0 : i32
      %dma_wait3A_242 = arith.constant 0 : i32
      %dma_wait3A_243 = tpu.memref_slice %arg8[%dma_wait3A_240, %dma_wait3A_241, %dma_wait3A_242] : memref<2x128x128xf32, #tpu.memory_space<vmem>> -> memref<1x128x128xf32, #tpu.memory_space<vmem>>
      %dma_wait3A_244 = tpu.memref_squeeze %dma_wait3A_243 : memref<1x128x128xf32, #tpu.memory_space<vmem>> -> memref<128x128xf32, #tpu.memory_space<vmem>>
      %dma_wait3A_245 = arith.constant 0 : i32
      %dma_wait3A_246 = tpu.memref_slice %arg6[%add3A_239, %dma_wait3A_245] : memref<40x128xi32, #tpu.memory_space<vmem>> -> memref<1x128xi32, #tpu.memory_space<vmem>>
      %dma_wait3A_247 = tpu.memref_squeeze %dma_wait3A_246 : memref<1x128xi32, #tpu.memory_space<vmem>> -> memref<128xi32, #tpu.memory_space<vmem>>
      %dma_wait3A_248 = arith.constant 0 : i32
      %dma_wait3A_249 = arith.constant 0 : i32
      %dma_wait3A_250 = tpu.memref_slice %arg2[%arg0, %dma_wait3A_248, %dma_wait3A_249] : memref<2x10000x128xf32, #tpu.memory_space<hbm>> -> memref<1x10000x128xf32, #tpu.memory_space<hbm>>
      %dma_wait3A_251 = tpu.memref_squeeze %dma_wait3A_250 : memref<1x10000x128xf32, #tpu.memory_space<hbm>> -> memref<10000x128xf32, #tpu.memory_space<hbm>>
      %dma_wait3A_252 = arith.constant 0 : i32
      %dma_wait3A_253 = arith.constant 0 : i32
      %dma_wait3A_254 = tpu.memref_slice %dma_wait3A_251[%dma_wait3A_252, %dma_wait3A_253] : memref<10000x128xf32, #tpu.memory_space<hbm>> -> memref<10000x128xf32, #tpu.memory_space<hbm>>
      tpu.wait_indirect_dma semaphore(%arg11 : memref<!tpu.dma_semaphore, #tpu.memory_space<semaphore_mem>>) src(%dma_wait3A_254 : memref<10000x128xf32, #tpu.memory_space<hbm>>) dst(%dma_wait3A_244 : memref<128x128xf32, #tpu.memory_space<vmem>>)
      %run_scoped3A_255 = arith.constant 1 : i32
      "tpu.region"() ({
        %run_scoped3A_264 = tpu.sem_alloc : memref<!tpu.dma_semaphore, #tpu.memory_space<semaphore_mem>>
        %dma_start3A_265 = arith.constant 0 : i32
        %dma_start3A_266 = arith.constant 0 : i32
        %dma_start3A_267 = tpu.memref_slice %arg8[%run_scoped3A_255, %dma_start3A_265, %dma_start3A_266] : memref<2x128x128xf32, #tpu.memory_space<vmem>> -> memref<1x128x128xf32, #tpu.memory_space<vmem>>
        %dma_start3A_268 = tpu.memref_squeeze %dma_start3A_267 : memref<1x128x128xf32, #tpu.memory_space<vmem>> -> memref<128x128xf32, #tpu.memory_space<vmem>>
        %dma_start3A_269 = arith.constant 0 : i32
        %dma_start3A_270 = tpu.memref_slice %arg7[%add3A_239, %dma_start3A_269] : memref<40x128xi32, #tpu.memory_space<vmem>> -> memref<1x128xi32, #tpu.memory_space<vmem>>
        %dma_start3A_271 = tpu.memref_squeeze %dma_start3A_270 : memref<1x128xi32, #tpu.memory_space<vmem>> -> memref<128xi32, #tpu.memory_space<vmem>>
        %dma_start3A_272 = arith.constant 0 : i32
        %dma_start3A_273 = arith.constant 0 : i32
        %dma_start3A_274 = tpu.memref_slice %arg9[%dma_start3A_272, %dma_start3A_273] : memref<10112x128xf32, #tpu.memory_space<vmem_shared>> -> memref<10112x128xf32, #tpu.memory_space<vmem_shared>>
        tpu.enqueue_indirect_dma source(%dma_start3A_268 : memref<128x128xf32, #tpu.memory_space<vmem>>) target(%dma_start3A_274 : memref<10112x128xf32, #tpu.memory_space<vmem_shared>>) offsets(%dma_start3A_271 : memref<128xi32, #tpu.memory_space<vmem>>) semaphore(%run_scoped3A_264 : memref<!tpu.dma_semaphore, #tpu.memory_space<semaphore_mem>>) {add = true}
        %dma_wait3A_275 = arith.constant 0 : i32
        %dma_wait3A_276 = arith.constant 0 : i32
        %dma_wait3A_277 = tpu.memref_slice %arg8[%run_scoped3A_255, %dma_wait3A_275, %dma_wait3A_276] : memref<2x128x128xf32, #tpu.memory_space<vmem>> -> memref<1x128x128xf32, #tpu.memory_space<vmem>>
        %dma_wait3A_278 = tpu.memref_squeeze %dma_wait3A_277 : memref<1x128x128xf32, #tpu.memory_space<vmem>> -> memref<128x128xf32, #tpu.memory_space<vmem>>
        %dma_wait3A_279 = arith.constant 0 : i32
        %dma_wait3A_280 = tpu.memref_slice %arg7[%add3A_239, %dma_wait3A_279] : memref<40x128xi32, #tpu.memory_space<vmem>> -> memref<1x128xi32, #tpu.memory_space<vmem>>
        %dma_wait3A_281 = tpu.memref_squeeze %dma_wait3A_280 : memref<1x128xi32, #tpu.memory_space<vmem>> -> memref<128xi32, #tpu.memory_space<vmem>>
        %dma_wait3A_282 = arith.constant 0 : i32
        %dma_wait3A_283 = arith.constant 0 : i32
        %dma_wait3A_284 = tpu.memref_slice %arg9[%dma_wait3A_282, %dma_wait3A_283] : memref<10112x128xf32, #tpu.memory_space<vmem_shared>> -> memref<10112x128xf32, #tpu.memory_space<vmem_shared>>
        tpu.wait_indirect_dma semaphore(%run_scoped3A_264 : memref<!tpu.dma_semaphore, #tpu.memory_space<semaphore_mem>>) src(%dma_wait3A_278 : memref<128x128xf32, #tpu.memory_space<vmem>>) dst(%dma_wait3A_284 : memref<10112x128xf32, #tpu.memory_space<vmem_shared>>)
        tpu.yield
      }) : () -> ()
      %add3A_256 = arith.constant 2 : i32
      %add3A_257 = arith.addi %add3A_239, %add3A_256 : i32
      %lt3A_258 = arith.constant 40 : i32
      %lt3A_259 = arith.cmpi slt, %add3A_257, %lt3A_258 : i32
      %convert_element_type3A_260 = arith.extui %lt3A_259 : i1 to i32
      %cond3A_261 = arith.constant 0 : i32
      %cond3A_262 = arith.cmpi ne, %convert_element_type3A_260, %cond3A_261 : i32
      scf.if %cond3A_262 {
        %dma_start3A_264 = arith.constant 1 : i32
        %dma_start3A_265 = arith.constant 0 : i32
        %dma_start3A_266 = arith.constant 0 : i32
        %dma_start3A_267 = tpu.memref_slice %arg8[%dma_start3A_264, %dma_start3A_265, %dma_start3A_266] : memref<2x128x128xf32, #tpu.memory_space<vmem>> -> memref<1x128x128xf32, #tpu.memory_space<vmem>>
        %dma_start3A_268 = tpu.memref_squeeze %dma_start3A_267 : memref<1x128x128xf32, #tpu.memory_space<vmem>> -> memref<128x128xf32, #tpu.memory_space<vmem>>
        %dma_start3A_269 = arith.constant 0 : i32
        %dma_start3A_270 = tpu.memref_slice %arg6[%add3A_257, %dma_start3A_269] : memref<40x128xi32, #tpu.memory_space<vmem>> -> memref<1x128xi32, #tpu.memory_space<vmem>>
        %dma_start3A_271 = tpu.memref_squeeze %dma_start3A_270 : memref<1x128xi32, #tpu.memory_space<vmem>> -> memref<128xi32, #tpu.memory_space<vmem>>
        %dma_start3A_272 = arith.constant 0 : i32
        %dma_start3A_273 = arith.constant 0 : i32
        %dma_start3A_274 = tpu.memref_slice %arg2[%arg0, %dma_start3A_272, %dma_start3A_273] : memref<2x10000x128xf32, #tpu.memory_space<hbm>> -> memref<1x10000x128xf32, #tpu.memory_space<hbm>>
        %dma_start3A_275 = tpu.memref_squeeze %dma_start3A_274 : memref<1x10000x128xf32, #tpu.memory_space<hbm>> -> memref<10000x128xf32, #tpu.memory_space<hbm>>
        %dma_start3A_276 = arith.constant 0 : i32
        %dma_start3A_277 = arith.constant 0 : i32
        %dma_start3A_278 = tpu.memref_slice %dma_start3A_275[%dma_start3A_276, %dma_start3A_277] : memref<10000x128xf32, #tpu.memory_space<hbm>> -> memref<10000x128xf32, #tpu.memory_space<hbm>>
        tpu.enqueue_indirect_dma source(%dma_start3A_278 : memref<10000x128xf32, #tpu.memory_space<hbm>>) target(%dma_start3A_268 : memref<128x128xf32, #tpu.memory_space<vmem>>) offsets(%dma_start3A_271 : memref<128xi32, #tpu.memory_space<vmem>>) semaphore(%arg11 : memref<!tpu.dma_semaphore, #tpu.memory_space<semaphore_mem>>)
      } else {
      }
      %scan3A_263 = arith.constant 0 : i32
      scf.yield %scan3A_263 : i32
    }
    %scan3A_114 = arith.constant 20 : i32
    %mul3A_115 = arith.constant 2 : i32
    %mul3A_116 = arith.muli %mul3A_115, %arg1 : i32
    %add3A_117 = arith.constant 1 : i32
    %add3A_118 = arith.addi %mul3A_116, %add3A_117 : i32
    %run_scoped3A_119 = arith.constant 0 : i32
    "tpu.region"() ({
      %run_scoped3A_208 = tpu.sem_alloc : memref<!tpu.dma_semaphore, #tpu.memory_space<semaphore_mem>>
      %dma_start3A_209 = arith.constant 0 : i32
      %dma_start3A_210 = arith.constant 0 : i32
      %dma_start3A_211 = tpu.memref_slice %arg3[%add3A_118, %run_scoped3A_119, %dma_start3A_209, %dma_start3A_210] : memref<32x2x40x128xi32, #tpu.memory_space<hbm>> -> memref<1x1x40x128xi32, #tpu.memory_space<hbm>>
      %dma_start3A_212 = tpu.memref_squeeze %dma_start3A_211 : memref<1x1x40x128xi32, #tpu.memory_space<hbm>> -> memref<40x128xi32, #tpu.memory_space<hbm>>
      %dma_start3A_213 = arith.constant 0 : i32
      %dma_start3A_214 = arith.constant 0 : i32
      %dma_start3A_215 = tpu.memref_slice %arg3[%add3A_118, %run_scoped3A_119, %dma_start3A_213, %dma_start3A_214] : memref<32x2x40x128xi32, #tpu.memory_space<hbm>> -> memref<1x1x40x128xi32, #tpu.memory_space<hbm>>
      %dma_start3A_216 = tpu.memref_squeeze %dma_start3A_215 : memref<1x1x40x128xi32, #tpu.memory_space<hbm>> -> memref<40x128xi32, #tpu.memory_space<hbm>>
      tpu.enqueue_dma source(%dma_start3A_216 : memref<40x128xi32, #tpu.memory_space<hbm>>) target(%arg6 : memref<40x128xi32, #tpu.memory_space<vmem>>) target_semaphore(%run_scoped3A_208 : memref<!tpu.dma_semaphore, #tpu.memory_space<semaphore_mem>>)
      %dma_wait3A = arith.constant 0 : i32
      %dma_wait3A_217 = arith.constant 0 : i32
      %dma_wait3A_218 = tpu.memref_slice %arg3[%add3A_118, %run_scoped3A_119, %dma_wait3A, %dma_wait3A_217] : memref<32x2x40x128xi32, #tpu.memory_space<hbm>> -> memref<1x1x40x128xi32, #tpu.memory_space<hbm>>
      %dma_wait3A_219 = tpu.memref_squeeze %dma_wait3A_218 : memref<1x1x40x128xi32, #tpu.memory_space<hbm>> -> memref<40x128xi32, #tpu.memory_space<hbm>>
      %dma_wait3A_220 = arith.constant 0 : i32
      %dma_wait3A_221 = arith.constant 0 : i32
      %dma_wait3A_222 = tpu.memref_slice %arg3[%add3A_118, %run_scoped3A_119, %dma_wait3A_220, %dma_wait3A_221] : memref<32x2x40x128xi32, #tpu.memory_space<hbm>> -> memref<1x1x40x128xi32, #tpu.memory_space<hbm>>
      %dma_wait3A_223 = tpu.memref_squeeze %dma_wait3A_222 : memref<1x1x40x128xi32, #tpu.memory_space<hbm>> -> memref<40x128xi32, #tpu.memory_space<hbm>>
      tpu.wait_dma2 semaphore(%run_scoped3A_208 : memref<!tpu.dma_semaphore, #tpu.memory_space<semaphore_mem>>) src(%dma_wait3A_223 : memref<40x128xi32, #tpu.memory_space<hbm>>) dst(%arg6 : memref<40x128xi32, #tpu.memory_space<vmem>>)
      tpu.yield
    }) : () -> ()
    %run_scoped3A_120 = arith.constant 0 : i32
    "tpu.region"() ({
      %run_scoped3A_208 = tpu.sem_alloc : memref<!tpu.dma_semaphore, #tpu.memory_space<semaphore_mem>>
      %dma_start3A_209 = arith.constant 0 : i32
      %dma_start3A_210 = arith.constant 0 : i32
      %dma_start3A_211 = tpu.memref_slice %arg4[%add3A_118, %run_scoped3A_120, %dma_start3A_209, %dma_start3A_210] : memref<32x2x40x128xi32, #tpu.memory_space<hbm>> -> memref<1x1x40x128xi32, #tpu.memory_space<hbm>>
      %dma_start3A_212 = tpu.memref_squeeze %dma_start3A_211 : memref<1x1x40x128xi32, #tpu.memory_space<hbm>> -> memref<40x128xi32, #tpu.memory_space<hbm>>
      %dma_start3A_213 = arith.constant 0 : i32
      %dma_start3A_214 = arith.constant 0 : i32
      %dma_start3A_215 = tpu.memref_slice %arg4[%add3A_118, %run_scoped3A_120, %dma_start3A_213, %dma_start3A_214] : memref<32x2x40x128xi32, #tpu.memory_space<hbm>> -> memref<1x1x40x128xi32, #tpu.memory_space<hbm>>
      %dma_start3A_216 = tpu.memref_squeeze %dma_start3A_215 : memref<1x1x40x128xi32, #tpu.memory_space<hbm>> -> memref<40x128xi32, #tpu.memory_space<hbm>>
      tpu.enqueue_dma source(%dma_start3A_216 : memref<40x128xi32, #tpu.memory_space<hbm>>) target(%arg7 : memref<40x128xi32, #tpu.memory_space<vmem>>) target_semaphore(%run_scoped3A_208 : memref<!tpu.dma_semaphore, #tpu.memory_space<semaphore_mem>>)
      %dma_wait3A = arith.constant 0 : i32
      %dma_wait3A_217 = arith.constant 0 : i32
      %dma_wait3A_218 = tpu.memref_slice %arg4[%add3A_118, %run_scoped3A_120, %dma_wait3A, %dma_wait3A_217] : memref<32x2x40x128xi32, #tpu.memory_space<hbm>> -> memref<1x1x40x128xi32, #tpu.memory_space<hbm>>
      %dma_wait3A_219 = tpu.memref_squeeze %dma_wait3A_218 : memref<1x1x40x128xi32, #tpu.memory_space<hbm>> -> memref<40x128xi32, #tpu.memory_space<hbm>>
      %dma_wait3A_220 = arith.constant 0 : i32
      %dma_wait3A_221 = arith.constant 0 : i32
      %dma_wait3A_222 = tpu.memref_slice %arg4[%add3A_118, %run_scoped3A_120, %dma_wait3A_220, %dma_wait3A_221] : memref<32x2x40x128xi32, #tpu.memory_space<hbm>> -> memref<1x1x40x128xi32, #tpu.memory_space<hbm>>
      %dma_wait3A_223 = tpu.memref_squeeze %dma_wait3A_222 : memref<1x1x40x128xi32, #tpu.memory_space<hbm>> -> memref<40x128xi32, #tpu.memory_space<hbm>>
      tpu.wait_dma2 semaphore(%run_scoped3A_208 : memref<!tpu.dma_semaphore, #tpu.memory_space<semaphore_mem>>) src(%dma_wait3A_223 : memref<40x128xi32, #tpu.memory_space<hbm>>) dst(%arg7 : memref<40x128xi32, #tpu.memory_space<vmem>>)
      tpu.yield
    }) : () -> ()
    %dma_start3A_121 = arith.constant 0 : i32
    %dma_start3A_122 = arith.constant 0 : i32
    %dma_start3A_123 = arith.constant 0 : i32
    %dma_start3A_124 = arith.constant 0 : i32
    %dma_start3A_125 = tpu.memref_slice %arg8[%dma_start3A_122, %dma_start3A_123, %dma_start3A_124] : memref<2x128x128xf32, #tpu.memory_space<vmem>> -> memref<1x128x128xf32, #tpu.memory_space<vmem>>
    %dma_start3A_126 = tpu.memref_squeeze %dma_start3A_125 : memref<1x128x128xf32, #tpu.memory_space<vmem>> -> memref<128x128xf32, #tpu.memory_space<vmem>>
    %dma_start3A_127 = arith.constant 0 : i32
    %dma_start3A_128 = tpu.memref_slice %arg6[%dma_start3A_121, %dma_start3A_127] : memref<40x128xi32, #tpu.memory_space<vmem>> -> memref<1x128xi32, #tpu.memory_space<vmem>>
    %dma_start3A_129 = tpu.memref_squeeze %dma_start3A_128 : memref<1x128xi32, #tpu.memory_space<vmem>> -> memref<128xi32, #tpu.memory_space<vmem>>
    %dma_start3A_130 = arith.constant 0 : i32
    %dma_start3A_131 = arith.constant 0 : i32
    %dma_start3A_132 = tpu.memref_slice %arg2[%arg0, %dma_start3A_130, %dma_start3A_131] : memref<2x10000x128xf32, #tpu.memory_space<hbm>> -> memref<1x10000x128xf32, #tpu.memory_space<hbm>>
    %dma_start3A_133 = tpu.memref_squeeze %dma_start3A_132 : memref<1x10000x128xf32, #tpu.memory_space<hbm>> -> memref<10000x128xf32, #tpu.memory_space<hbm>>
    %dma_start3A_134 = arith.constant 0 : i32
    %dma_start3A_135 = arith.constant 0 : i32
    %dma_start3A_136 = tpu.memref_slice %dma_start3A_133[%dma_start3A_134, %dma_start3A_135] : memref<10000x128xf32, #tpu.memory_space<hbm>> -> memref<10000x128xf32, #tpu.memory_space<hbm>>
    tpu.enqueue_indirect_dma source(%dma_start3A_136 : memref<10000x128xf32, #tpu.memory_space<hbm>>) target(%dma_start3A_126 : memref<128x128xf32, #tpu.memory_space<vmem>>) offsets(%dma_start3A_129 : memref<128xi32, #tpu.memory_space<vmem>>) semaphore(%arg10 : memref<!tpu.dma_semaphore, #tpu.memory_space<semaphore_mem>>)
    %dma_start3A_137 = arith.constant 1 : i32
    %dma_start3A_138 = arith.constant 1 : i32
    %dma_start3A_139 = arith.constant 0 : i32
    %dma_start3A_140 = arith.constant 0 : i32
    %dma_start3A_141 = tpu.memref_slice %arg8[%dma_start3A_138, %dma_start3A_139, %dma_start3A_140] : memref<2x128x128xf32, #tpu.memory_space<vmem>> -> memref<1x128x128xf32, #tpu.memory_space<vmem>>
    %dma_start3A_142 = tpu.memref_squeeze %dma_start3A_141 : memref<1x128x128xf32, #tpu.memory_space<vmem>> -> memref<128x128xf32, #tpu.memory_space<vmem>>
    %dma_start3A_143 = arith.constant 0 : i32
    %dma_start3A_144 = tpu.memref_slice %arg6[%dma_start3A_137, %dma_start3A_143] : memref<40x128xi32, #tpu.memory_space<vmem>> -> memref<1x128xi32, #tpu.memory_space<vmem>>
    %dma_start3A_145 = tpu.memref_squeeze %dma_start3A_144 : memref<1x128xi32, #tpu.memory_space<vmem>> -> memref<128xi32, #tpu.memory_space<vmem>>
    %dma_start3A_146 = arith.constant 0 : i32
    %dma_start3A_147 = arith.constant 0 : i32
    %dma_start3A_148 = tpu.memref_slice %arg2[%arg0, %dma_start3A_146, %dma_start3A_147] : memref<2x10000x128xf32, #tpu.memory_space<hbm>> -> memref<1x10000x128xf32, #tpu.memory_space<hbm>>
    %dma_start3A_149 = tpu.memref_squeeze %dma_start3A_148 : memref<1x10000x128xf32, #tpu.memory_space<hbm>> -> memref<10000x128xf32, #tpu.memory_space<hbm>>
    %dma_start3A_150 = arith.constant 0 : i32
    %dma_start3A_151 = arith.constant 0 : i32
    %dma_start3A_152 = tpu.memref_slice %dma_start3A_149[%dma_start3A_150, %dma_start3A_151] : memref<10000x128xf32, #tpu.memory_space<hbm>> -> memref<10000x128xf32, #tpu.memory_space<hbm>>
    tpu.enqueue_indirect_dma source(%dma_start3A_152 : memref<10000x128xf32, #tpu.memory_space<hbm>>) target(%dma_start3A_142 : memref<128x128xf32, #tpu.memory_space<vmem>>) offsets(%dma_start3A_145 : memref<128xi32, #tpu.memory_space<vmem>>) semaphore(%arg11 : memref<!tpu.dma_semaphore, #tpu.memory_space<semaphore_mem>>)
    %scan3A_153 = arith.constant 0 : i32
    %scan3A_154 = arith.constant 0 : i32
    %scan3A_155 = arith.constant 20 : i32
    %scan3A_156 = arith.addi %scan3A_154, %scan3A_155 : i32
    %scan3A_157 = arith.constant 1 : i32
    %scan3A_158 = scf.for %scan3A_208 = %scan3A_154 to %scan3A_156 step %scan3A_157 iter_args(%scan3A_209 = %scan3A_153) -> (i32)  : i32 {
      %mul3A_210 = arith.constant 2 : i32
      %mul3A_211 = arith.muli %mul3A_210, %scan3A_208 : i32
      %add3A_212 = arith.constant 0 : i32
      %add3A_213 = arith.addi %mul3A_211, %add3A_212 : i32
      %dma_wait3A = arith.constant 0 : i32
      %dma_wait3A_214 = arith.constant 0 : i32
      %dma_wait3A_215 = arith.constant 0 : i32
      %dma_wait3A_216 = tpu.memref_slice %arg8[%dma_wait3A, %dma_wait3A_214, %dma_wait3A_215] : memref<2x128x128xf32, #tpu.memory_space<vmem>> -> memref<1x128x128xf32, #tpu.memory_space<vmem>>
      %dma_wait3A_217 = tpu.memref_squeeze %dma_wait3A_216 : memref<1x128x128xf32, #tpu.memory_space<vmem>> -> memref<128x128xf32, #tpu.memory_space<vmem>>
      %dma_wait3A_218 = arith.constant 0 : i32
      %dma_wait3A_219 = tpu.memref_slice %arg6[%add3A_213, %dma_wait3A_218] : memref<40x128xi32, #tpu.memory_space<vmem>> -> memref<1x128xi32, #tpu.memory_space<vmem>>
      %dma_wait3A_220 = tpu.memref_squeeze %dma_wait3A_219 : memref<1x128xi32, #tpu.memory_space<vmem>> -> memref<128xi32, #tpu.memory_space<vmem>>
      %dma_wait3A_221 = arith.constant 0 : i32
      %dma_wait3A_222 = arith.constant 0 : i32
      %dma_wait3A_223 = tpu.memref_slice %arg2[%arg0, %dma_wait3A_221, %dma_wait3A_222] : memref<2x10000x128xf32, #tpu.memory_space<hbm>> -> memref<1x10000x128xf32, #tpu.memory_space<hbm>>
      %dma_wait3A_224 = tpu.memref_squeeze %dma_wait3A_223 : memref<1x10000x128xf32, #tpu.memory_space<hbm>> -> memref<10000x128xf32, #tpu.memory_space<hbm>>
      %dma_wait3A_225 = arith.constant 0 : i32
      %dma_wait3A_226 = arith.constant 0 : i32
      %dma_wait3A_227 = tpu.memref_slice %dma_wait3A_224[%dma_wait3A_225, %dma_wait3A_226] : memref<10000x128xf32, #tpu.memory_space<hbm>> -> memref<10000x128xf32, #tpu.memory_space<hbm>>
      tpu.wait_indirect_dma semaphore(%arg10 : memref<!tpu.dma_semaphore, #tpu.memory_space<semaphore_mem>>) src(%dma_wait3A_227 : memref<10000x128xf32, #tpu.memory_space<hbm>>) dst(%dma_wait3A_217 : memref<128x128xf32, #tpu.memory_space<vmem>>)
      %run_scoped3A_228 = arith.constant 0 : i32
      "tpu.region"() ({
        %run_scoped3A_264 = tpu.sem_alloc : memref<!tpu.dma_semaphore, #tpu.memory_space<semaphore_mem>>
        %dma_start3A_265 = arith.constant 0 : i32
        %dma_start3A_266 = arith.constant 0 : i32
        %dma_start3A_267 = tpu.memref_slice %arg8[%run_scoped3A_228, %dma_start3A_265, %dma_start3A_266] : memref<2x128x128xf32, #tpu.memory_space<vmem>> -> memref<1x128x128xf32, #tpu.memory_space<vmem>>
        %dma_start3A_268 = tpu.memref_squeeze %dma_start3A_267 : memref<1x128x128xf32, #tpu.memory_space<vmem>> -> memref<128x128xf32, #tpu.memory_space<vmem>>
        %dma_start3A_269 = arith.constant 0 : i32
        %dma_start3A_270 = tpu.memref_slice %arg7[%add3A_213, %dma_start3A_269] : memref<40x128xi32, #tpu.memory_space<vmem>> -> memref<1x128xi32, #tpu.memory_space<vmem>>
        %dma_start3A_271 = tpu.memref_squeeze %dma_start3A_270 : memref<1x128xi32, #tpu.memory_space<vmem>> -> memref<128xi32, #tpu.memory_space<vmem>>
        %dma_start3A_272 = arith.constant 0 : i32
        %dma_start3A_273 = arith.constant 0 : i32
        %dma_start3A_274 = tpu.memref_slice %arg9[%dma_start3A_272, %dma_start3A_273] : memref<10112x128xf32, #tpu.memory_space<vmem_shared>> -> memref<10112x128xf32, #tpu.memory_space<vmem_shared>>
        tpu.enqueue_indirect_dma source(%dma_start3A_268 : memref<128x128xf32, #tpu.memory_space<vmem>>) target(%dma_start3A_274 : memref<10112x128xf32, #tpu.memory_space<vmem_shared>>) offsets(%dma_start3A_271 : memref<128xi32, #tpu.memory_space<vmem>>) semaphore(%run_scoped3A_264 : memref<!tpu.dma_semaphore, #tpu.memory_space<semaphore_mem>>) {add = true}
        %dma_wait3A_275 = arith.constant 0 : i32
        %dma_wait3A_276 = arith.constant 0 : i32
        %dma_wait3A_277 = tpu.memref_slice %arg8[%run_scoped3A_228, %dma_wait3A_275, %dma_wait3A_276] : memref<2x128x128xf32, #tpu.memory_space<vmem>> -> memref<1x128x128xf32, #tpu.memory_space<vmem>>
        %dma_wait3A_278 = tpu.memref_squeeze %dma_wait3A_277 : memref<1x128x128xf32, #tpu.memory_space<vmem>> -> memref<128x128xf32, #tpu.memory_space<vmem>>
        %dma_wait3A_279 = arith.constant 0 : i32
        %dma_wait3A_280 = tpu.memref_slice %arg7[%add3A_213, %dma_wait3A_279] : memref<40x128xi32, #tpu.memory_space<vmem>> -> memref<1x128xi32, #tpu.memory_space<vmem>>
        %dma_wait3A_281 = tpu.memref_squeeze %dma_wait3A_280 : memref<1x128xi32, #tpu.memory_space<vmem>> -> memref<128xi32, #tpu.memory_space<vmem>>
        %dma_wait3A_282 = arith.constant 0 : i32
        %dma_wait3A_283 = arith.constant 0 : i32
        %dma_wait3A_284 = tpu.memref_slice %arg9[%dma_wait3A_282, %dma_wait3A_283] : memref<10112x128xf32, #tpu.memory_space<vmem_shared>> -> memref<10112x128xf32, #tpu.memory_space<vmem_shared>>
        tpu.wait_indirect_dma semaphore(%run_scoped3A_264 : memref<!tpu.dma_semaphore, #tpu.memory_space<semaphore_mem>>) src(%dma_wait3A_278 : memref<128x128xf32, #tpu.memory_space<vmem>>) dst(%dma_wait3A_284 : memref<10112x128xf32, #tpu.memory_space<vmem_shared>>)
        tpu.yield
      }) : () -> ()
      %add3A_229 = arith.constant 2 : i32
      %add3A_230 = arith.addi %add3A_213, %add3A_229 : i32
      %lt3A_231 = arith.constant 40 : i32
      %lt3A_232 = arith.cmpi slt, %add3A_230, %lt3A_231 : i32
      %convert_element_type3A_233 = arith.extui %lt3A_232 : i1 to i32
      %cond3A_234 = arith.constant 0 : i32
      %cond3A_235 = arith.cmpi ne, %convert_element_type3A_233, %cond3A_234 : i32
      scf.if %cond3A_235 {
        %dma_start3A_264 = arith.constant 0 : i32
        %dma_start3A_265 = arith.constant 0 : i32
        %dma_start3A_266 = arith.constant 0 : i32
        %dma_start3A_267 = tpu.memref_slice %arg8[%dma_start3A_264, %dma_start3A_265, %dma_start3A_266] : memref<2x128x128xf32, #tpu.memory_space<vmem>> -> memref<1x128x128xf32, #tpu.memory_space<vmem>>
        %dma_start3A_268 = tpu.memref_squeeze %dma_start3A_267 : memref<1x128x128xf32, #tpu.memory_space<vmem>> -> memref<128x128xf32, #tpu.memory_space<vmem>>
        %dma_start3A_269 = arith.constant 0 : i32
        %dma_start3A_270 = tpu.memref_slice %arg6[%add3A_230, %dma_start3A_269] : memref<40x128xi32, #tpu.memory_space<vmem>> -> memref<1x128xi32, #tpu.memory_space<vmem>>
        %dma_start3A_271 = tpu.memref_squeeze %dma_start3A_270 : memref<1x128xi32, #tpu.memory_space<vmem>> -> memref<128xi32, #tpu.memory_space<vmem>>
        %dma_start3A_272 = arith.constant 0 : i32
        %dma_start3A_273 = arith.constant 0 : i32
        %dma_start3A_274 = tpu.memref_slice %arg2[%arg0, %dma_start3A_272, %dma_start3A_273] : memref<2x10000x128xf32, #tpu.memory_space<hbm>> -> memref<1x10000x128xf32, #tpu.memory_space<hbm>>
        %dma_start3A_275 = tpu.memref_squeeze %dma_start3A_274 : memref<1x10000x128xf32, #tpu.memory_space<hbm>> -> memref<10000x128xf32, #tpu.memory_space<hbm>>
        %dma_start3A_276 = arith.constant 0 : i32
        %dma_start3A_277 = arith.constant 0 : i32
        %dma_start3A_278 = tpu.memref_slice %dma_start3A_275[%dma_start3A_276, %dma_start3A_277] : memref<10000x128xf32, #tpu.memory_space<hbm>> -> memref<10000x128xf32, #tpu.memory_space<hbm>>
        tpu.enqueue_indirect_dma source(%dma_start3A_278 : memref<10000x128xf32, #tpu.memory_space<hbm>>) target(%dma_start3A_268 : memref<128x128xf32, #tpu.memory_space<vmem>>) offsets(%dma_start3A_271 : memref<128xi32, #tpu.memory_space<vmem>>) semaphore(%arg10 : memref<!tpu.dma_semaphore, #tpu.memory_space<semaphore_mem>>)
      } else {
      }
      %mul3A_236 = arith.constant 2 : i32
      %mul3A_237 = arith.muli %mul3A_236, %scan3A_208 : i32
      %add3A_238 = arith.constant 1 : i32
      %add3A_239 = arith.addi %mul3A_237, %add3A_238 : i32
      %dma_wait3A_240 = arith.constant 1 : i32
      %dma_wait3A_241 = arith.constant 0 : i32
      %dma_wait3A_242 = arith.constant 0 : i32
      %dma_wait3A_243 = tpu.memref_slice %arg8[%dma_wait3A_240, %dma_wait3A_241, %dma_wait3A_242] : memref<2x128x128xf32, #tpu.memory_space<vmem>> -> memref<1x128x128xf32, #tpu.memory_space<vmem>>
      %dma_wait3A_244 = tpu.memref_squeeze %dma_wait3A_243 : memref<1x128x128xf32, #tpu.memory_space<vmem>> -> memref<128x128xf32, #tpu.memory_space<vmem>>
      %dma_wait3A_245 = arith.constant 0 : i32
      %dma_wait3A_246 = tpu.memref_slice %arg6[%add3A_239, %dma_wait3A_245] : memref<40x128xi32, #tpu.memory_space<vmem>> -> memref<1x128xi32, #tpu.memory_space<vmem>>
      %dma_wait3A_247 = tpu.memref_squeeze %dma_wait3A_246 : memref<1x128xi32, #tpu.memory_space<vmem>> -> memref<128xi32, #tpu.memory_space<vmem>>
      %dma_wait3A_248 = arith.constant 0 : i32
      %dma_wait3A_249 = arith.constant 0 : i32
      %dma_wait3A_250 = tpu.memref_slice %arg2[%arg0, %dma_wait3A_248, %dma_wait3A_249] : memref<2x10000x128xf32, #tpu.memory_space<hbm>> -> memref<1x10000x128xf32, #tpu.memory_space<hbm>>
      %dma_wait3A_251 = tpu.memref_squeeze %dma_wait3A_250 : memref<1x10000x128xf32, #tpu.memory_space<hbm>> -> memref<10000x128xf32, #tpu.memory_space<hbm>>
      %dma_wait3A_252 = arith.constant 0 : i32
      %dma_wait3A_253 = arith.constant 0 : i32
      %dma_wait3A_254 = tpu.memref_slice %dma_wait3A_251[%dma_wait3A_252, %dma_wait3A_253] : memref<10000x128xf32, #tpu.memory_space<hbm>> -> memref<10000x128xf32, #tpu.memory_space<hbm>>
      tpu.wait_indirect_dma semaphore(%arg11 : memref<!tpu.dma_semaphore, #tpu.memory_space<semaphore_mem>>) src(%dma_wait3A_254 : memref<10000x128xf32, #tpu.memory_space<hbm>>) dst(%dma_wait3A_244 : memref<128x128xf32, #tpu.memory_space<vmem>>)
      %run_scoped3A_255 = arith.constant 1 : i32
      "tpu.region"() ({
        %run_scoped3A_264 = tpu.sem_alloc : memref<!tpu.dma_semaphore, #tpu.memory_space<semaphore_mem>>
        %dma_start3A_265 = arith.constant 0 : i32
        %dma_start3A_266 = arith.constant 0 : i32
        %dma_start3A_267 = tpu.memref_slice %arg8[%run_scoped3A_255, %dma_start3A_265, %dma_start3A_266] : memref<2x128x128xf32, #tpu.memory_space<vmem>> -> memref<1x128x128xf32, #tpu.memory_space<vmem>>
        %dma_start3A_268 = tpu.memref_squeeze %dma_start3A_267 : memref<1x128x128xf32, #tpu.memory_space<vmem>> -> memref<128x128xf32, #tpu.memory_space<vmem>>
        %dma_start3A_269 = arith.constant 0 : i32
        %dma_start3A_270 = tpu.memref_slice %arg7[%add3A_239, %dma_start3A_269] : memref<40x128xi32, #tpu.memory_space<vmem>> -> memref<1x128xi32, #tpu.memory_space<vmem>>
        %dma_start3A_271 = tpu.memref_squeeze %dma_start3A_270 : memref<1x128xi32, #tpu.memory_space<vmem>> -> memref<128xi32, #tpu.memory_space<vmem>>
        %dma_start3A_272 = arith.constant 0 : i32
        %dma_start3A_273 = arith.constant 0 : i32
        %dma_start3A_274 = tpu.memref_slice %arg9[%dma_start3A_272, %dma_start3A_273] : memref<10112x128xf32, #tpu.memory_space<vmem_shared>> -> memref<10112x128xf32, #tpu.memory_space<vmem_shared>>
        tpu.enqueue_indirect_dma source(%dma_start3A_268 : memref<128x128xf32, #tpu.memory_space<vmem>>) target(%dma_start3A_274 : memref<10112x128xf32, #tpu.memory_space<vmem_shared>>) offsets(%dma_start3A_271 : memref<128xi32, #tpu.memory_space<vmem>>) semaphore(%run_scoped3A_264 : memref<!tpu.dma_semaphore, #tpu.memory_space<semaphore_mem>>) {add = true}
        %dma_wait3A_275 = arith.constant 0 : i32
        %dma_wait3A_276 = arith.constant 0 : i32
        %dma_wait3A_277 = tpu.memref_slice %arg8[%run_scoped3A_255, %dma_wait3A_275, %dma_wait3A_276] : memref<2x128x128xf32, #tpu.memory_space<vmem>> -> memref<1x128x128xf32, #tpu.memory_space<vmem>>
        %dma_wait3A_278 = tpu.memref_squeeze %dma_wait3A_277 : memref<1x128x128xf32, #tpu.memory_space<vmem>> -> memref<128x128xf32, #tpu.memory_space<vmem>>
        %dma_wait3A_279 = arith.constant 0 : i32
        %dma_wait3A_280 = tpu.memref_slice %arg7[%add3A_239, %dma_wait3A_279] : memref<40x128xi32, #tpu.memory_space<vmem>> -> memref<1x128xi32, #tpu.memory_space<vmem>>
        %dma_wait3A_281 = tpu.memref_squeeze %dma_wait3A_280 : memref<1x128xi32, #tpu.memory_space<vmem>> -> memref<128xi32, #tpu.memory_space<vmem>>
        %dma_wait3A_282 = arith.constant 0 : i32
        %dma_wait3A_283 = arith.constant 0 : i32
        %dma_wait3A_284 = tpu.memref_slice %arg9[%dma_wait3A_282, %dma_wait3A_283] : memref<10112x128xf32, #tpu.memory_space<vmem_shared>> -> memref<10112x128xf32, #tpu.memory_space<vmem_shared>>
        tpu.wait_indirect_dma semaphore(%run_scoped3A_264 : memref<!tpu.dma_semaphore, #tpu.memory_space<semaphore_mem>>) src(%dma_wait3A_278 : memref<128x128xf32, #tpu.memory_space<vmem>>) dst(%dma_wait3A_284 : memref<10112x128xf32, #tpu.memory_space<vmem_shared>>)
        tpu.yield
      }) : () -> ()
      %add3A_256 = arith.constant 2 : i32
      %add3A_257 = arith.addi %add3A_239, %add3A_256 : i32
      %lt3A_258 = arith.constant 40 : i32
      %lt3A_259 = arith.cmpi slt, %add3A_257, %lt3A_258 : i32
      %convert_element_type3A_260 = arith.extui %lt3A_259 : i1 to i32
      %cond3A_261 = arith.constant 0 : i32
      %cond3A_262 = arith.cmpi ne, %convert_element_type3A_260, %cond3A_261 : i32
      scf.if %cond3A_262 {
        %dma_start3A_264 = arith.constant 1 : i32
        %dma_start3A_265 = arith.constant 0 : i32
        %dma_start3A_266 = arith.constant 0 : i32
        %dma_start3A_267 = tpu.memref_slice %arg8[%dma_start3A_264, %dma_start3A_265, %dma_start3A_266] : memref<2x128x128xf32, #tpu.memory_space<vmem>> -> memref<1x128x128xf32, #tpu.memory_space<vmem>>
        %dma_start3A_268 = tpu.memref_squeeze %dma_start3A_267 : memref<1x128x128xf32, #tpu.memory_space<vmem>> -> memref<128x128xf32, #tpu.memory_space<vmem>>
        %dma_start3A_269 = arith.constant 0 : i32
        %dma_start3A_270 = tpu.memref_slice %arg6[%add3A_257, %dma_start3A_269] : memref<40x128xi32, #tpu.memory_space<vmem>> -> memref<1x128xi32, #tpu.memory_space<vmem>>
        %dma_start3A_271 = tpu.memref_squeeze %dma_start3A_270 : memref<1x128xi32, #tpu.memory_space<vmem>> -> memref<128xi32, #tpu.memory_space<vmem>>
        %dma_start3A_272 = arith.constant 0 : i32
        %dma_start3A_273 = arith.constant 0 : i32
        %dma_start3A_274 = tpu.memref_slice %arg2[%arg0, %dma_start3A_272, %dma_start3A_273] : memref<2x10000x128xf32, #tpu.memory_space<hbm>> -> memref<1x10000x128xf32, #tpu.memory_space<hbm>>
        %dma_start3A_275 = tpu.memref_squeeze %dma_start3A_274 : memref<1x10000x128xf32, #tpu.memory_space<hbm>> -> memref<10000x128xf32, #tpu.memory_space<hbm>>
        %dma_start3A_276 = arith.constant 0 : i32
        %dma_start3A_277 = arith.constant 0 : i32
        %dma_start3A_278 = tpu.memref_slice %dma_start3A_275[%dma_start3A_276, %dma_start3A_277] : memref<10000x128xf32, #tpu.memory_space<hbm>> -> memref<10000x128xf32, #tpu.memory_space<hbm>>
        tpu.enqueue_indirect_dma source(%dma_start3A_278 : memref<10000x128xf32, #tpu.memory_space<hbm>>) target(%dma_start3A_268 : memref<128x128xf32, #tpu.memory_space<vmem>>) offsets(%dma_start3A_271 : memref<128xi32, #tpu.memory_space<vmem>>) semaphore(%arg11 : memref<!tpu.dma_semaphore, #tpu.memory_space<semaphore_mem>>)
      } else {
      }
      %scan3A_263 = arith.constant 0 : i32
      scf.yield %scan3A_263 : i32
    }
    %scan3A_159 = arith.constant 20 : i32
    %run_scoped3A_160 = arith.constant 1 : i32
    "tpu.region"() ({
      %run_scoped3A_208 = tpu.sem_alloc : memref<!tpu.dma_semaphore, #tpu.memory_space<semaphore_mem>>
      %dma_start3A_209 = arith.constant 0 : i32
      %dma_start3A_210 = arith.constant 0 : i32
      %dma_start3A_211 = tpu.memref_slice %arg3[%add3A_118, %run_scoped3A_160, %dma_start3A_209, %dma_start3A_210] : memref<32x2x40x128xi32, #tpu.memory_space<hbm>> -> memref<1x1x40x128xi32, #tpu.memory_space<hbm>>
      %dma_start3A_212 = tpu.memref_squeeze %dma_start3A_211 : memref<1x1x40x128xi32, #tpu.memory_space<hbm>> -> memref<40x128xi32, #tpu.memory_space<hbm>>
      %dma_start3A_213 = arith.constant 0 : i32
      %dma_start3A_214 = arith.constant 0 : i32
      %dma_start3A_215 = tpu.memref_slice %arg3[%add3A_118, %run_scoped3A_160, %dma_start3A_213, %dma_start3A_214] : memref<32x2x40x128xi32, #tpu.memory_space<hbm>> -> memref<1x1x40x128xi32, #tpu.memory_space<hbm>>
      %dma_start3A_216 = tpu.memref_squeeze %dma_start3A_215 : memref<1x1x40x128xi32, #tpu.memory_space<hbm>> -> memref<40x128xi32, #tpu.memory_space<hbm>>
      tpu.enqueue_dma source(%dma_start3A_216 : memref<40x128xi32, #tpu.memory_space<hbm>>) target(%arg6 : memref<40x128xi32, #tpu.memory_space<vmem>>) target_semaphore(%run_scoped3A_208 : memref<!tpu.dma_semaphore, #tpu.memory_space<semaphore_mem>>)
      %dma_wait3A = arith.constant 0 : i32
      %dma_wait3A_217 = arith.constant 0 : i32
      %dma_wait3A_218 = tpu.memref_slice %arg3[%add3A_118, %run_scoped3A_160, %dma_wait3A, %dma_wait3A_217] : memref<32x2x40x128xi32, #tpu.memory_space<hbm>> -> memref<1x1x40x128xi32, #tpu.memory_space<hbm>>
      %dma_wait3A_219 = tpu.memref_squeeze %dma_wait3A_218 : memref<1x1x40x128xi32, #tpu.memory_space<hbm>> -> memref<40x128xi32, #tpu.memory_space<hbm>>
      %dma_wait3A_220 = arith.constant 0 : i32
      %dma_wait3A_221 = arith.constant 0 : i32
      %dma_wait3A_222 = tpu.memref_slice %arg3[%add3A_118, %run_scoped3A_160, %dma_wait3A_220, %dma_wait3A_221] : memref<32x2x40x128xi32, #tpu.memory_space<hbm>> -> memref<1x1x40x128xi32, #tpu.memory_space<hbm>>
      %dma_wait3A_223 = tpu.memref_squeeze %dma_wait3A_222 : memref<1x1x40x128xi32, #tpu.memory_space<hbm>> -> memref<40x128xi32, #tpu.memory_space<hbm>>
      tpu.wait_dma2 semaphore(%run_scoped3A_208 : memref<!tpu.dma_semaphore, #tpu.memory_space<semaphore_mem>>) src(%dma_wait3A_223 : memref<40x128xi32, #tpu.memory_space<hbm>>) dst(%arg6 : memref<40x128xi32, #tpu.memory_space<vmem>>)
      tpu.yield
    }) : () -> ()
    %run_scoped3A_161 = arith.constant 1 : i32
    "tpu.region"() ({
      %run_scoped3A_208 = tpu.sem_alloc : memref<!tpu.dma_semaphore, #tpu.memory_space<semaphore_mem>>
      %dma_start3A_209 = arith.constant 0 : i32
      %dma_start3A_210 = arith.constant 0 : i32
      %dma_start3A_211 = tpu.memref_slice %arg4[%add3A_118, %run_scoped3A_161, %dma_start3A_209, %dma_start3A_210] : memref<32x2x40x128xi32, #tpu.memory_space<hbm>> -> memref<1x1x40x128xi32, #tpu.memory_space<hbm>>
      %dma_start3A_212 = tpu.memref_squeeze %dma_start3A_211 : memref<1x1x40x128xi32, #tpu.memory_space<hbm>> -> memref<40x128xi32, #tpu.memory_space<hbm>>
      %dma_start3A_213 = arith.constant 0 : i32
      %dma_start3A_214 = arith.constant 0 : i32
      %dma_start3A_215 = tpu.memref_slice %arg4[%add3A_118, %run_scoped3A_161, %dma_start3A_213, %dma_start3A_214] : memref<32x2x40x128xi32, #tpu.memory_space<hbm>> -> memref<1x1x40x128xi32, #tpu.memory_space<hbm>>
      %dma_start3A_216 = tpu.memref_squeeze %dma_start3A_215 : memref<1x1x40x128xi32, #tpu.memory_space<hbm>> -> memref<40x128xi32, #tpu.memory_space<hbm>>
      tpu.enqueue_dma source(%dma_start3A_216 : memref<40x128xi32, #tpu.memory_space<hbm>>) target(%arg7 : memref<40x128xi32, #tpu.memory_space<vmem>>) target_semaphore(%run_scoped3A_208 : memref<!tpu.dma_semaphore, #tpu.memory_space<semaphore_mem>>)
      %dma_wait3A = arith.constant 0 : i32
      %dma_wait3A_217 = arith.constant 0 : i32
      %dma_wait3A_218 = tpu.memref_slice %arg4[%add3A_118, %run_scoped3A_161, %dma_wait3A, %dma_wait3A_217] : memref<32x2x40x128xi32, #tpu.memory_space<hbm>> -> memref<1x1x40x128xi32, #tpu.memory_space<hbm>>
      %dma_wait3A_219 = tpu.memref_squeeze %dma_wait3A_218 : memref<1x1x40x128xi32, #tpu.memory_space<hbm>> -> memref<40x128xi32, #tpu.memory_space<hbm>>
      %dma_wait3A_220 = arith.constant 0 : i32
      %dma_wait3A_221 = arith.constant 0 : i32
      %dma_wait3A_222 = tpu.memref_slice %arg4[%add3A_118, %run_scoped3A_161, %dma_wait3A_220, %dma_wait3A_221] : memref<32x2x40x128xi32, #tpu.memory_space<hbm>> -> memref<1x1x40x128xi32, #tpu.memory_space<hbm>>
      %dma_wait3A_223 = tpu.memref_squeeze %dma_wait3A_222 : memref<1x1x40x128xi32, #tpu.memory_space<hbm>> -> memref<40x128xi32, #tpu.memory_space<hbm>>
      tpu.wait_dma2 semaphore(%run_scoped3A_208 : memref<!tpu.dma_semaphore, #tpu.memory_space<semaphore_mem>>) src(%dma_wait3A_223 : memref<40x128xi32, #tpu.memory_space<hbm>>) dst(%arg7 : memref<40x128xi32, #tpu.memory_space<vmem>>)
      tpu.yield
    }) : () -> ()
    %dma_start3A_162 = arith.constant 0 : i32
    %dma_start3A_163 = arith.constant 0 : i32
    %dma_start3A_164 = arith.constant 0 : i32
    %dma_start3A_165 = arith.constant 0 : i32
    %dma_start3A_166 = tpu.memref_slice %arg8[%dma_start3A_163, %dma_start3A_164, %dma_start3A_165] : memref<2x128x128xf32, #tpu.memory_space<vmem>> -> memref<1x128x128xf32, #tpu.memory_space<vmem>>
    %dma_start3A_167 = tpu.memref_squeeze %dma_start3A_166 : memref<1x128x128xf32, #tpu.memory_space<vmem>> -> memref<128x128xf32, #tpu.memory_space<vmem>>
    %dma_start3A_168 = arith.constant 0 : i32
    %dma_start3A_169 = tpu.memref_slice %arg6[%dma_start3A_162, %dma_start3A_168] : memref<40x128xi32, #tpu.memory_space<vmem>> -> memref<1x128xi32, #tpu.memory_space<vmem>>
    %dma_start3A_170 = tpu.memref_squeeze %dma_start3A_169 : memref<1x128xi32, #tpu.memory_space<vmem>> -> memref<128xi32, #tpu.memory_space<vmem>>
    %dma_start3A_171 = arith.constant 0 : i32
    %dma_start3A_172 = arith.constant 0 : i32
    %dma_start3A_173 = tpu.memref_slice %arg2[%arg0, %dma_start3A_171, %dma_start3A_172] : memref<2x10000x128xf32, #tpu.memory_space<hbm>> -> memref<1x10000x128xf32, #tpu.memory_space<hbm>>
    %dma_start3A_174 = tpu.memref_squeeze %dma_start3A_173 : memref<1x10000x128xf32, #tpu.memory_space<hbm>> -> memref<10000x128xf32, #tpu.memory_space<hbm>>
    %dma_start3A_175 = arith.constant 0 : i32
    %dma_start3A_176 = arith.constant 0 : i32
    %dma_start3A_177 = tpu.memref_slice %dma_start3A_174[%dma_start3A_175, %dma_start3A_176] : memref<10000x128xf32, #tpu.memory_space<hbm>> -> memref<10000x128xf32, #tpu.memory_space<hbm>>
    tpu.enqueue_indirect_dma source(%dma_start3A_177 : memref<10000x128xf32, #tpu.memory_space<hbm>>) target(%dma_start3A_167 : memref<128x128xf32, #tpu.memory_space<vmem>>) offsets(%dma_start3A_170 : memref<128xi32, #tpu.memory_space<vmem>>) semaphore(%arg10 : memref<!tpu.dma_semaphore, #tpu.memory_space<semaphore_mem>>)
    %dma_start3A_178 = arith.constant 1 : i32
    %dma_start3A_179 = arith.constant 1 : i32
    %dma_start3A_180 = arith.constant 0 : i32
    %dma_start3A_181 = arith.constant 0 : i32
    %dma_start3A_182 = tpu.memref_slice %arg8[%dma_start3A_179, %dma_start3A_180, %dma_start3A_181] : memref<2x128x128xf32, #tpu.memory_space<vmem>> -> memref<1x128x128xf32, #tpu.memory_space<vmem>>
    %dma_start3A_183 = tpu.memref_squeeze %dma_start3A_182 : memref<1x128x128xf32, #tpu.memory_space<vmem>> -> memref<128x128xf32, #tpu.memory_space<vmem>>
    %dma_start3A_184 = arith.constant 0 : i32
    %dma_start3A_185 = tpu.memref_slice %arg6[%dma_start3A_178, %dma_start3A_184] : memref<40x128xi32, #tpu.memory_space<vmem>> -> memref<1x128xi32, #tpu.memory_space<vmem>>
    %dma_start3A_186 = tpu.memref_squeeze %dma_start3A_185 : memref<1x128xi32, #tpu.memory_space<vmem>> -> memref<128xi32, #tpu.memory_space<vmem>>
    %dma_start3A_187 = arith.constant 0 : i32
    %dma_start3A_188 = arith.constant 0 : i32
    %dma_start3A_189 = tpu.memref_slice %arg2[%arg0, %dma_start3A_187, %dma_start3A_188] : memref<2x10000x128xf32, #tpu.memory_space<hbm>> -> memref<1x10000x128xf32, #tpu.memory_space<hbm>>
    %dma_start3A_190 = tpu.memref_squeeze %dma_start3A_189 : memref<1x10000x128xf32, #tpu.memory_space<hbm>> -> memref<10000x128xf32, #tpu.memory_space<hbm>>
    %dma_start3A_191 = arith.constant 0 : i32
    %dma_start3A_192 = arith.constant 0 : i32
    %dma_start3A_193 = tpu.memref_slice %dma_start3A_190[%dma_start3A_191, %dma_start3A_192] : memref<10000x128xf32, #tpu.memory_space<hbm>> -> memref<10000x128xf32, #tpu.memory_space<hbm>>
    tpu.enqueue_indirect_dma source(%dma_start3A_193 : memref<10000x128xf32, #tpu.memory_space<hbm>>) target(%dma_start3A_183 : memref<128x128xf32, #tpu.memory_space<vmem>>) offsets(%dma_start3A_186 : memref<128xi32, #tpu.memory_space<vmem>>) semaphore(%arg11 : memref<!tpu.dma_semaphore, #tpu.memory_space<semaphore_mem>>)
    %scan3A_194 = arith.constant 0 : i32
    %scan3A_195 = arith.constant 0 : i32
    %scan3A_196 = arith.constant 20 : i32
    %scan3A_197 = arith.addi %scan3A_195, %scan3A_196 : i32
    %scan3A_198 = arith.constant 1 : i32
    %scan3A_199 = scf.for %scan3A_208 = %scan3A_195 to %scan3A_197 step %scan3A_198 iter_args(%scan3A_209 = %scan3A_194) -> (i32)  : i32 {
      %mul3A_210 = arith.constant 2 : i32
      %mul3A_211 = arith.muli %mul3A_210, %scan3A_208 : i32
      %add3A_212 = arith.constant 0 : i32
      %add3A_213 = arith.addi %mul3A_211, %add3A_212 : i32
      %dma_wait3A = arith.constant 0 : i32
      %dma_wait3A_214 = arith.constant 0 : i32
      %dma_wait3A_215 = arith.constant 0 : i32
      %dma_wait3A_216 = tpu.memref_slice %arg8[%dma_wait3A, %dma_wait3A_214, %dma_wait3A_215] : memref<2x128x128xf32, #tpu.memory_space<vmem>> -> memref<1x128x128xf32, #tpu.memory_space<vmem>>
      %dma_wait3A_217 = tpu.memref_squeeze %dma_wait3A_216 : memref<1x128x128xf32, #tpu.memory_space<vmem>> -> memref<128x128xf32, #tpu.memory_space<vmem>>
      %dma_wait3A_218 = arith.constant 0 : i32
      %dma_wait3A_219 = tpu.memref_slice %arg6[%add3A_213, %dma_wait3A_218] : memref<40x128xi32, #tpu.memory_space<vmem>> -> memref<1x128xi32, #tpu.memory_space<vmem>>
      %dma_wait3A_220 = tpu.memref_squeeze %dma_wait3A_219 : memref<1x128xi32, #tpu.memory_space<vmem>> -> memref<128xi32, #tpu.memory_space<vmem>>
      %dma_wait3A_221 = arith.constant 0 : i32
      %dma_wait3A_222 = arith.constant 0 : i32
      %dma_wait3A_223 = tpu.memref_slice %arg2[%arg0, %dma_wait3A_221, %dma_wait3A_222] : memref<2x10000x128xf32, #tpu.memory_space<hbm>> -> memref<1x10000x128xf32, #tpu.memory_space<hbm>>
      %dma_wait3A_224 = tpu.memref_squeeze %dma_wait3A_223 : memref<1x10000x128xf32, #tpu.memory_space<hbm>> -> memref<10000x128xf32, #tpu.memory_space<hbm>>
      %dma_wait3A_225 = arith.constant 0 : i32
      %dma_wait3A_226 = arith.constant 0 : i32
      %dma_wait3A_227 = tpu.memref_slice %dma_wait3A_224[%dma_wait3A_225, %dma_wait3A_226] : memref<10000x128xf32, #tpu.memory_space<hbm>> -> memref<10000x128xf32, #tpu.memory_space<hbm>>
      tpu.wait_indirect_dma semaphore(%arg10 : memref<!tpu.dma_semaphore, #tpu.memory_space<semaphore_mem>>) src(%dma_wait3A_227 : memref<10000x128xf32, #tpu.memory_space<hbm>>) dst(%dma_wait3A_217 : memref<128x128xf32, #tpu.memory_space<vmem>>)
      %run_scoped3A_228 = arith.constant 0 : i32
      "tpu.region"() ({
        %run_scoped3A_264 = tpu.sem_alloc : memref<!tpu.dma_semaphore, #tpu.memory_space<semaphore_mem>>
        %dma_start3A_265 = arith.constant 0 : i32
        %dma_start3A_266 = arith.constant 0 : i32
        %dma_start3A_267 = tpu.memref_slice %arg8[%run_scoped3A_228, %dma_start3A_265, %dma_start3A_266] : memref<2x128x128xf32, #tpu.memory_space<vmem>> -> memref<1x128x128xf32, #tpu.memory_space<vmem>>
        %dma_start3A_268 = tpu.memref_squeeze %dma_start3A_267 : memref<1x128x128xf32, #tpu.memory_space<vmem>> -> memref<128x128xf32, #tpu.memory_space<vmem>>
        %dma_start3A_269 = arith.constant 0 : i32
        %dma_start3A_270 = tpu.memref_slice %arg7[%add3A_213, %dma_start3A_269] : memref<40x128xi32, #tpu.memory_space<vmem>> -> memref<1x128xi32, #tpu.memory_space<vmem>>
        %dma_start3A_271 = tpu.memref_squeeze %dma_start3A_270 : memref<1x128xi32, #tpu.memory_space<vmem>> -> memref<128xi32, #tpu.memory_space<vmem>>
        %dma_start3A_272 = arith.constant 0 : i32
        %dma_start3A_273 = arith.constant 0 : i32
        %dma_start3A_274 = tpu.memref_slice %arg9[%dma_start3A_272, %dma_start3A_273] : memref<10112x128xf32, #tpu.memory_space<vmem_shared>> -> memref<10112x128xf32, #tpu.memory_space<vmem_shared>>
        tpu.enqueue_indirect_dma source(%dma_start3A_268 : memref<128x128xf32, #tpu.memory_space<vmem>>) target(%dma_start3A_274 : memref<10112x128xf32, #tpu.memory_space<vmem_shared>>) offsets(%dma_start3A_271 : memref<128xi32, #tpu.memory_space<vmem>>) semaphore(%run_scoped3A_264 : memref<!tpu.dma_semaphore, #tpu.memory_space<semaphore_mem>>) {add = true}
        %dma_wait3A_275 = arith.constant 0 : i32
        %dma_wait3A_276 = arith.constant 0 : i32
        %dma_wait3A_277 = tpu.memref_slice %arg8[%run_scoped3A_228, %dma_wait3A_275, %dma_wait3A_276] : memref<2x128x128xf32, #tpu.memory_space<vmem>> -> memref<1x128x128xf32, #tpu.memory_space<vmem>>
        %dma_wait3A_278 = tpu.memref_squeeze %dma_wait3A_277 : memref<1x128x128xf32, #tpu.memory_space<vmem>> -> memref<128x128xf32, #tpu.memory_space<vmem>>
        %dma_wait3A_279 = arith.constant 0 : i32
        %dma_wait3A_280 = tpu.memref_slice %arg7[%add3A_213, %dma_wait3A_279] : memref<40x128xi32, #tpu.memory_space<vmem>> -> memref<1x128xi32, #tpu.memory_space<vmem>>
        %dma_wait3A_281 = tpu.memref_squeeze %dma_wait3A_280 : memref<1x128xi32, #tpu.memory_space<vmem>> -> memref<128xi32, #tpu.memory_space<vmem>>
        %dma_wait3A_282 = arith.constant 0 : i32
        %dma_wait3A_283 = arith.constant 0 : i32
        %dma_wait3A_284 = tpu.memref_slice %arg9[%dma_wait3A_282, %dma_wait3A_283] : memref<10112x128xf32, #tpu.memory_space<vmem_shared>> -> memref<10112x128xf32, #tpu.memory_space<vmem_shared>>
        tpu.wait_indirect_dma semaphore(%run_scoped3A_264 : memref<!tpu.dma_semaphore, #tpu.memory_space<semaphore_mem>>) src(%dma_wait3A_278 : memref<128x128xf32, #tpu.memory_space<vmem>>) dst(%dma_wait3A_284 : memref<10112x128xf32, #tpu.memory_space<vmem_shared>>)
        tpu.yield
      }) : () -> ()
      %add3A_229 = arith.constant 2 : i32
      %add3A_230 = arith.addi %add3A_213, %add3A_229 : i32
      %lt3A_231 = arith.constant 40 : i32
      %lt3A_232 = arith.cmpi slt, %add3A_230, %lt3A_231 : i32
      %convert_element_type3A_233 = arith.extui %lt3A_232 : i1 to i32
      %cond3A_234 = arith.constant 0 : i32
      %cond3A_235 = arith.cmpi ne, %convert_element_type3A_233, %cond3A_234 : i32
      scf.if %cond3A_235 {
        %dma_start3A_264 = arith.constant 0 : i32
        %dma_start3A_265 = arith.constant 0 : i32
        %dma_start3A_266 = arith.constant 0 : i32
        %dma_start3A_267 = tpu.memref_slice %arg8[%dma_start3A_264, %dma_start3A_265, %dma_start3A_266] : memref<2x128x128xf32, #tpu.memory_space<vmem>> -> memref<1x128x128xf32, #tpu.memory_space<vmem>>
        %dma_start3A_268 = tpu.memref_squeeze %dma_start3A_267 : memref<1x128x128xf32, #tpu.memory_space<vmem>> -> memref<128x128xf32, #tpu.memory_space<vmem>>
        %dma_start3A_269 = arith.constant 0 : i32
        %dma_start3A_270 = tpu.memref_slice %arg6[%add3A_230, %dma_start3A_269] : memref<40x128xi32, #tpu.memory_space<vmem>> -> memref<1x128xi32, #tpu.memory_space<vmem>>
        %dma_start3A_271 = tpu.memref_squeeze %dma_start3A_270 : memref<1x128xi32, #tpu.memory_space<vmem>> -> memref<128xi32, #tpu.memory_space<vmem>>
        %dma_start3A_272 = arith.constant 0 : i32
        %dma_start3A_273 = arith.constant 0 : i32
        %dma_start3A_274 = tpu.memref_slice %arg2[%arg0, %dma_start3A_272, %dma_start3A_273] : memref<2x10000x128xf32, #tpu.memory_space<hbm>> -> memref<1x10000x128xf32, #tpu.memory_space<hbm>>
        %dma_start3A_275 = tpu.memref_squeeze %dma_start3A_274 : memref<1x10000x128xf32, #tpu.memory_space<hbm>> -> memref<10000x128xf32, #tpu.memory_space<hbm>>
        %dma_start3A_276 = arith.constant 0 : i32
        %dma_start3A_277 = arith.constant 0 : i32
        %dma_start3A_278 = tpu.memref_slice %dma_start3A_275[%dma_start3A_276, %dma_start3A_277] : memref<10000x128xf32, #tpu.memory_space<hbm>> -> memref<10000x128xf32, #tpu.memory_space<hbm>>
        tpu.enqueue_indirect_dma source(%dma_start3A_278 : memref<10000x128xf32, #tpu.memory_space<hbm>>) target(%dma_start3A_268 : memref<128x128xf32, #tpu.memory_space<vmem>>) offsets(%dma_start3A_271 : memref<128xi32, #tpu.memory_space<vmem>>) semaphore(%arg10 : memref<!tpu.dma_semaphore, #tpu.memory_space<semaphore_mem>>)
      } else {
      }
      %mul3A_236 = arith.constant 2 : i32
      %mul3A_237 = arith.muli %mul3A_236, %scan3A_208 : i32
      %add3A_238 = arith.constant 1 : i32
      %add3A_239 = arith.addi %mul3A_237, %add3A_238 : i32
      %dma_wait3A_240 = arith.constant 1 : i32
      %dma_wait3A_241 = arith.constant 0 : i32
      %dma_wait3A_242 = arith.constant 0 : i32
      %dma_wait3A_243 = tpu.memref_slice %arg8[%dma_wait3A_240, %dma_wait3A_241, %dma_wait3A_242] : memref<2x128x128xf32, #tpu.memory_space<vmem>> -> memref<1x128x128xf32, #tpu.memory_space<vmem>>
      %dma_wait3A_244 = tpu.memref_squeeze %dma_wait3A_243 : memref<1x128x128xf32, #tpu.memory_space<vmem>> -> memref<128x128xf32, #tpu.memory_space<vmem>>
      %dma_wait3A_245 = arith.constant 0 : i32
      %dma_wait3A_246 = tpu.memref_slice %arg6[%add3A_239, %dma_wait3A_245] : memref<40x128xi32, #tpu.memory_space<vmem>> -> memref<1x128xi32, #tpu.memory_space<vmem>>
      %dma_wait3A_247 = tpu.memref_squeeze %dma_wait3A_246 : memref<1x128xi32, #tpu.memory_space<vmem>> -> memref<128xi32, #tpu.memory_space<vmem>>
      %dma_wait3A_248 = arith.constant 0 : i32
      %dma_wait3A_249 = arith.constant 0 : i32
      %dma_wait3A_250 = tpu.memref_slice %arg2[%arg0, %dma_wait3A_248, %dma_wait3A_249] : memref<2x10000x128xf32, #tpu.memory_space<hbm>> -> memref<1x10000x128xf32, #tpu.memory_space<hbm>>
      %dma_wait3A_251 = tpu.memref_squeeze %dma_wait3A_250 : memref<1x10000x128xf32, #tpu.memory_space<hbm>> -> memref<10000x128xf32, #tpu.memory_space<hbm>>
      %dma_wait3A_252 = arith.constant 0 : i32
      %dma_wait3A_253 = arith.constant 0 : i32
      %dma_wait3A_254 = tpu.memref_slice %dma_wait3A_251[%dma_wait3A_252, %dma_wait3A_253] : memref<10000x128xf32, #tpu.memory_space<hbm>> -> memref<10000x128xf32, #tpu.memory_space<hbm>>
      tpu.wait_indirect_dma semaphore(%arg11 : memref<!tpu.dma_semaphore, #tpu.memory_space<semaphore_mem>>) src(%dma_wait3A_254 : memref<10000x128xf32, #tpu.memory_space<hbm>>) dst(%dma_wait3A_244 : memref<128x128xf32, #tpu.memory_space<vmem>>)
      %run_scoped3A_255 = arith.constant 1 : i32
      "tpu.region"() ({
        %run_scoped3A_264 = tpu.sem_alloc : memref<!tpu.dma_semaphore, #tpu.memory_space<semaphore_mem>>
        %dma_start3A_265 = arith.constant 0 : i32
        %dma_start3A_266 = arith.constant 0 : i32
        %dma_start3A_267 = tpu.memref_slice %arg8[%run_scoped3A_255, %dma_start3A_265, %dma_start3A_266] : memref<2x128x128xf32, #tpu.memory_space<vmem>> -> memref<1x128x128xf32, #tpu.memory_space<vmem>>
        %dma_start3A_268 = tpu.memref_squeeze %dma_start3A_267 : memref<1x128x128xf32, #tpu.memory_space<vmem>> -> memref<128x128xf32, #tpu.memory_space<vmem>>
        %dma_start3A_269 = arith.constant 0 : i32
        %dma_start3A_270 = tpu.memref_slice %arg7[%add3A_239, %dma_start3A_269] : memref<40x128xi32, #tpu.memory_space<vmem>> -> memref<1x128xi32, #tpu.memory_space<vmem>>
        %dma_start3A_271 = tpu.memref_squeeze %dma_start3A_270 : memref<1x128xi32, #tpu.memory_space<vmem>> -> memref<128xi32, #tpu.memory_space<vmem>>
        %dma_start3A_272 = arith.constant 0 : i32
        %dma_start3A_273 = arith.constant 0 : i32
        %dma_start3A_274 = tpu.memref_slice %arg9[%dma_start3A_272, %dma_start3A_273] : memref<10112x128xf32, #tpu.memory_space<vmem_shared>> -> memref<10112x128xf32, #tpu.memory_space<vmem_shared>>
        tpu.enqueue_indirect_dma source(%dma_start3A_268 : memref<128x128xf32, #tpu.memory_space<vmem>>) target(%dma_start3A_274 : memref<10112x128xf32, #tpu.memory_space<vmem_shared>>) offsets(%dma_start3A_271 : memref<128xi32, #tpu.memory_space<vmem>>) semaphore(%run_scoped3A_264 : memref<!tpu.dma_semaphore, #tpu.memory_space<semaphore_mem>>) {add = true}
        %dma_wait3A_275 = arith.constant 0 : i32
        %dma_wait3A_276 = arith.constant 0 : i32
        %dma_wait3A_277 = tpu.memref_slice %arg8[%run_scoped3A_255, %dma_wait3A_275, %dma_wait3A_276] : memref<2x128x128xf32, #tpu.memory_space<vmem>> -> memref<1x128x128xf32, #tpu.memory_space<vmem>>
        %dma_wait3A_278 = tpu.memref_squeeze %dma_wait3A_277 : memref<1x128x128xf32, #tpu.memory_space<vmem>> -> memref<128x128xf32, #tpu.memory_space<vmem>>
        %dma_wait3A_279 = arith.constant 0 : i32
        %dma_wait3A_280 = tpu.memref_slice %arg7[%add3A_239, %dma_wait3A_279] : memref<40x128xi32, #tpu.memory_space<vmem>> -> memref<1x128xi32, #tpu.memory_space<vmem>>
        %dma_wait3A_281 = tpu.memref_squeeze %dma_wait3A_280 : memref<1x128xi32, #tpu.memory_space<vmem>> -> memref<128xi32, #tpu.memory_space<vmem>>
        %dma_wait3A_282 = arith.constant 0 : i32
        %dma_wait3A_283 = arith.constant 0 : i32
        %dma_wait3A_284 = tpu.memref_slice %arg9[%dma_wait3A_282, %dma_wait3A_283] : memref<10112x128xf32, #tpu.memory_space<vmem_shared>> -> memref<10112x128xf32, #tpu.memory_space<vmem_shared>>
        tpu.wait_indirect_dma semaphore(%run_scoped3A_264 : memref<!tpu.dma_semaphore, #tpu.memory_space<semaphore_mem>>) src(%dma_wait3A_278 : memref<128x128xf32, #tpu.memory_space<vmem>>) dst(%dma_wait3A_284 : memref<10112x128xf32, #tpu.memory_space<vmem_shared>>)
        tpu.yield
      }) : () -> ()
      %add3A_256 = arith.constant 2 : i32
      %add3A_257 = arith.addi %add3A_239, %add3A_256 : i32
      %lt3A_258 = arith.constant 40 : i32
      %lt3A_259 = arith.cmpi slt, %add3A_257, %lt3A_258 : i32
      %convert_element_type3A_260 = arith.extui %lt3A_259 : i1 to i32
      %cond3A_261 = arith.constant 0 : i32
      %cond3A_262 = arith.cmpi ne, %convert_element_type3A_260, %cond3A_261 : i32
      scf.if %cond3A_262 {
        %dma_start3A_264 = arith.constant 1 : i32
        %dma_start3A_265 = arith.constant 0 : i32
        %dma_start3A_266 = arith.constant 0 : i32
        %dma_start3A_267 = tpu.memref_slice %arg8[%dma_start3A_264, %dma_start3A_265, %dma_start3A_266] : memref<2x128x128xf32, #tpu.memory_space<vmem>> -> memref<1x128x128xf32, #tpu.memory_space<vmem>>
        %dma_start3A_268 = tpu.memref_squeeze %dma_start3A_267 : memref<1x128x128xf32, #tpu.memory_space<vmem>> -> memref<128x128xf32, #tpu.memory_space<vmem>>
        %dma_start3A_269 = arith.constant 0 : i32
        %dma_start3A_270 = tpu.memref_slice %arg6[%add3A_257, %dma_start3A_269] : memref<40x128xi32, #tpu.memory_space<vmem>> -> memref<1x128xi32, #tpu.memory_space<vmem>>
        %dma_start3A_271 = tpu.memref_squeeze %dma_start3A_270 : memref<1x128xi32, #tpu.memory_space<vmem>> -> memref<128xi32, #tpu.memory_space<vmem>>
        %dma_start3A_272 = arith.constant 0 : i32
        %dma_start3A_273 = arith.constant 0 : i32
        %dma_start3A_274 = tpu.memref_slice %arg2[%arg0, %dma_start3A_272, %dma_start3A_273] : memref<2x10000x128xf32, #tpu.memory_space<hbm>> -> memref<1x10000x128xf32, #tpu.memory_space<hbm>>
        %dma_start3A_275 = tpu.memref_squeeze %dma_start3A_274 : memref<1x10000x128xf32, #tpu.memory_space<hbm>> -> memref<10000x128xf32, #tpu.memory_space<hbm>>
        %dma_start3A_276 = arith.constant 0 : i32
        %dma_start3A_277 = arith.constant 0 : i32
        %dma_start3A_278 = tpu.memref_slice %dma_start3A_275[%dma_start3A_276, %dma_start3A_277] : memref<10000x128xf32, #tpu.memory_space<hbm>> -> memref<10000x128xf32, #tpu.memory_space<hbm>>
        tpu.enqueue_indirect_dma source(%dma_start3A_278 : memref<10000x128xf32, #tpu.memory_space<hbm>>) target(%dma_start3A_268 : memref<128x128xf32, #tpu.memory_space<vmem>>) offsets(%dma_start3A_271 : memref<128xi32, #tpu.memory_space<vmem>>) semaphore(%arg11 : memref<!tpu.dma_semaphore, #tpu.memory_space<semaphore_mem>>)
      } else {
      }
      %scan3A_263 = arith.constant 0 : i32
      scf.yield %scan3A_263 : i32
    }
    %scan3A_200 = arith.constant 20 : i32
    %barrier3A_201 = arith.constant 0 : index
    tpu.barrier barrier_id(%barrier3A_201)
    %lt3A = arith.constant 15 : i32
    %lt3A_202 = arith.cmpi slt, %arg1, %lt3A : i32
    %convert_element_type3A = arith.extui %lt3A_202 : i1 to i32
    %cond3A = arith.constant 0 : i32
    %cond3A_203 = arith.cmpi ne, %convert_element_type3A, %cond3A : i32
    scf.if %cond3A_203 {
      %mul3A_208 = arith.constant 632 : i32
      %mul3A_209 = arith.muli %arg1, %mul3A_208 : i32
      %mul3A_210 = arith.constant 632 : i32
      %mul3A_211 = arith.muli %arg1, %mul3A_210 : i32
      "tpu.region"() ({
        %run_scoped3A_212 = tpu.sem_alloc : memref<!tpu.dma_semaphore, #tpu.memory_space<semaphore_mem>>
        %dma_start3A_213 = arith.constant 0 : i32
        %dma_start3A_214 = arith.constant 0 : i32
        %dma_start3A_215 = tpu.memref_slice %arg5[%arg0, %dma_start3A_213, %dma_start3A_214] : memref<2x10000x128xf32, #tpu.memory_space<hbm>> -> memref<1x10000x128xf32, #tpu.memory_space<hbm>>
        %dma_start3A_216 = tpu.memref_squeeze %dma_start3A_215 : memref<1x10000x128xf32, #tpu.memory_space<hbm>> -> memref<10000x128xf32, #tpu.memory_space<hbm>>
        %dma_start3A_217 = arith.constant 0 : i32
        %dma_start3A_218 = tpu.memref_slice %dma_start3A_216[%mul3A_211, %dma_start3A_217] : memref<10000x128xf32, #tpu.memory_space<hbm>> -> memref<632x128xf32, #tpu.memory_space<hbm>>
        %dma_start3A_219 = arith.constant 0 : i32
        %dma_start3A_220 = tpu.memref_slice %arg9[%mul3A_209, %dma_start3A_219] : memref<10112x128xf32, #tpu.memory_space<vmem_shared>> -> memref<632x128xf32, #tpu.memory_space<vmem_shared>>
        tpu.enqueue_dma source(%dma_start3A_220 : memref<632x128xf32, #tpu.memory_space<vmem_shared>>) target(%dma_start3A_218 : memref<632x128xf32, #tpu.memory_space<hbm>>) target_semaphore(%run_scoped3A_212 : memref<!tpu.dma_semaphore, #tpu.memory_space<semaphore_mem>>)
        %dma_wait3A = arith.constant 0 : i32
        %dma_wait3A_221 = arith.constant 0 : i32
        %dma_wait3A_222 = tpu.memref_slice %arg5[%arg0, %dma_wait3A, %dma_wait3A_221] : memref<2x10000x128xf32, #tpu.memory_space<hbm>> -> memref<1x10000x128xf32, #tpu.memory_space<hbm>>
        %dma_wait3A_223 = tpu.memref_squeeze %dma_wait3A_222 : memref<1x10000x128xf32, #tpu.memory_space<hbm>> -> memref<10000x128xf32, #tpu.memory_space<hbm>>
        %dma_wait3A_224 = arith.constant 0 : i32
        %dma_wait3A_225 = tpu.memref_slice %dma_wait3A_223[%mul3A_211, %dma_wait3A_224] : memref<10000x128xf32, #tpu.memory_space<hbm>> -> memref<632x128xf32, #tpu.memory_space<hbm>>
        %dma_wait3A_226 = arith.constant 0 : i32
        %dma_wait3A_227 = tpu.memref_slice %arg9[%mul3A_209, %dma_wait3A_226] : memref<10112x128xf32, #tpu.memory_space<vmem_shared>> -> memref<632x128xf32, #tpu.memory_space<vmem_shared>>
        tpu.wait_dma2 semaphore(%run_scoped3A_212 : memref<!tpu.dma_semaphore, #tpu.memory_space<semaphore_mem>>) src(%dma_wait3A_227 : memref<632x128xf32, #tpu.memory_space<vmem_shared>>) dst(%dma_wait3A_225 : memref<632x128xf32, #tpu.memory_space<hbm>>)
        tpu.yield
      }) : () -> ()
    } else {
    }
    %eq3A = arith.constant 15 : i32
    %eq3A_204 = arith.cmpi eq, %arg1, %eq3A : i32
    %convert_element_type3A_205 = arith.extui %eq3A_204 : i1 to i32
    %cond3A_206 = arith.constant 0 : i32
    %cond3A_207 = arith.cmpi ne, %convert_element_type3A_205, %cond3A_206 : i32
    scf.if %cond3A_207 {
      "tpu.region"() ({
        %run_scoped3A_208 = tpu.sem_alloc : memref<!tpu.dma_semaphore, #tpu.memory_space<semaphore_mem>>
        %dma_start3A_209 = arith.constant 0 : i32
        %dma_start3A_210 = arith.constant 0 : i32
        %dma_start3A_211 = tpu.memref_slice %arg5[%arg0, %dma_start3A_209, %dma_start3A_210] : memref<2x10000x128xf32, #tpu.memory_space<hbm>> -> memref<1x10000x128xf32, #tpu.memory_space<hbm>>
        %dma_start3A_212 = tpu.memref_squeeze %dma_start3A_211 : memref<1x10000x128xf32, #tpu.memory_space<hbm>> -> memref<10000x128xf32, #tpu.memory_space<hbm>>
        %dma_start3A_213 = arith.constant 9480 : i32
        %dma_start3A_214 = arith.constant 0 : i32
        %dma_start3A_215 = tpu.memref_slice %dma_start3A_212[%dma_start3A_213, %dma_start3A_214] : memref<10000x128xf32, #tpu.memory_space<hbm>> -> memref<520x128xf32, #tpu.memory_space<hbm>>
        %dma_start3A_216 = arith.constant 9480 : i32
        %dma_start3A_217 = arith.constant 0 : i32
        %dma_start3A_218 = tpu.memref_slice %arg9[%dma_start3A_216, %dma_start3A_217] : memref<10112x128xf32, #tpu.memory_space<vmem_shared>> -> memref<520x128xf32, #tpu.memory_space<vmem_shared>>
        tpu.enqueue_dma source(%dma_start3A_218 : memref<520x128xf32, #tpu.memory_space<vmem_shared>>) target(%dma_start3A_215 : memref<520x128xf32, #tpu.memory_space<hbm>>) target_semaphore(%run_scoped3A_208 : memref<!tpu.dma_semaphore, #tpu.memory_space<semaphore_mem>>)
        %dma_wait3A = arith.constant 0 : i32
        %dma_wait3A_219 = arith.constant 0 : i32
        %dma_wait3A_220 = tpu.memref_slice %arg5[%arg0, %dma_wait3A, %dma_wait3A_219] : memref<2x10000x128xf32, #tpu.memory_space<hbm>> -> memref<1x10000x128xf32, #tpu.memory_space<hbm>>
        %dma_wait3A_221 = tpu.memref_squeeze %dma_wait3A_220 : memref<1x10000x128xf32, #tpu.memory_space<hbm>> -> memref<10000x128xf32, #tpu.memory_space<hbm>>
        %dma_wait3A_222 = arith.constant 9480 : i32
        %dma_wait3A_223 = arith.constant 0 : i32
        %dma_wait3A_224 = tpu.memref_slice %dma_wait3A_221[%dma_wait3A_222, %dma_wait3A_223] : memref<10000x128xf32, #tpu.memory_space<hbm>> -> memref<520x128xf32, #tpu.memory_space<hbm>>
        %dma_wait3A_225 = arith.constant 9480 : i32
        %dma_wait3A_226 = arith.constant 0 : i32
        %dma_wait3A_227 = tpu.memref_slice %arg9[%dma_wait3A_225, %dma_wait3A_226] : memref<10112x128xf32, #tpu.memory_space<vmem_shared>> -> memref<520x128xf32, #tpu.memory_space<vmem_shared>>
        tpu.wait_dma2 semaphore(%run_scoped3A_208 : memref<!tpu.dma_semaphore, #tpu.memory_space<semaphore_mem>>) src(%dma_wait3A_227 : memref<520x128xf32, #tpu.memory_space<vmem_shared>>) dst(%dma_wait3A_224 : memref<520x128xf32, #tpu.memory_space<hbm>>)
        tpu.yield
      }) : () -> ()
    } else {
    }
    return
  }
}

#map = affine_map<(d0, d1) -> (0, 0)>
#map1 = affine_map<(d0, d1) -> (0, 0, 0, 0)>
#map2 = affine_map<(d0, d1) -> (0, 0, 0)>
module attributes {stable_mosaic.version = 14 : i64} {
  func.func @body(%arg0: i32, %arg1: i32, %arg2: memref<10000x128xf32, #tpu.memory_space<hbm>>, %arg3: memref<32x2x40x128xi32, #tpu.memory_space<hbm>>, %arg4: memref<32x2x40x128xi32, #tpu.memory_space<hbm>>, %arg5: memref<2x10000x128xf32, #tpu.memory_space<hbm>>, %arg6: memref<40x128xi32, #tpu.memory_space<vmem>>, %arg7: memref<40x128xi32, #tpu.memory_space<vmem>>, %arg8: memref<2x128x128xf32, #tpu.memory_space<vmem>>, %arg9: memref<10112x128xf32, #tpu.memory_space<vmem_shared>>, %arg10: memref<!tpu.dma_semaphore, #tpu.memory_space<semaphore_mem>>, %arg11: memref<!tpu.dma_semaphore, #tpu.memory_space<semaphore_mem>>) attributes {dimension_semantics = [#tpu.dimension_semantics<core_parallel>, #tpu.dimension_semantics<subcore_parallel>], iteration_bounds = array<i64: 2, 16>, scalar_prefetch = 0 : i64, scratch_operands = 6 : i64, tpu.core_type = #tpu.core_type<sc_vector_subcore>, window_params = [{transform_indices = #map}, {transform_indices = #map1}, {transform_indices = #map1}, {transform_indices = #map2}]} {
    %broadcast_in_dim3A = arith.constant 0.000000e+00 : f32
    %broadcast_in_dim3A_0 = vector.broadcast %broadcast_in_dim3A : f32 to vector<16xf32>
    %scan3A = arith.constant 0 : i32
    %scan3A_1 = arith.constant 0 : i32
    %scan3A_2 = arith.constant 0 : i32
    %scan3A_3 = arith.constant 128 : i32
    %scan3A_4 = arith.addi %scan3A_2, %scan3A_3 : i32
    %scan3A_5 = arith.constant 1 : i32
    %scan3A_6 = scf.for %scan3A_105 = %scan3A_2 to %scan3A_4 step %scan3A_5 iter_args(%scan3A_106 = %scan3A_1) -> (i32)  : i32 {
      %swap3A = arith.constant 0 : i32
      %swap3A_107 = arith.constant 0 : i32
      %swap3A_108 = tpu.memref_slice %arg8[%scan3A, %swap3A, %swap3A_107] : memref<2x128x128xf32, #tpu.memory_space<vmem>> -> memref<1x128x128xf32, #tpu.memory_space<vmem>>
      %swap3A_109 = tpu.memref_squeeze %swap3A_108 : memref<1x128x128xf32, #tpu.memory_space<vmem>> -> memref<128x128xf32, #tpu.memory_space<vmem>>
      %swap3A_110 = arith.index_cast %scan3A_105 : i32 to index
      %swap3A_111 = arith.constant 0 : index
      %swap3A_112 = tpu.vector_load %swap3A_109[%swap3A_110, %swap3A_111] {strides = array<i32>} : memref<128x128xf32, #tpu.memory_space<vmem>>, vector<1x16xf32>,
      %swap3A_113 = vector.shape_cast %swap3A_112 : vector<1x16xf32> to vector<16xf32>
      %swap3A_114 = vector.shape_cast %broadcast_in_dim3A_0 : vector<16xf32> to vector<1x16xf32>
      tpu.vector_store %swap3A_109[%swap3A_110, %swap3A_111], %swap3A_114 {strides = array<i32>} : memref<128x128xf32, #tpu.memory_space<vmem>>, vector<1x16xf32>,
      %swap3A_115 = arith.constant 0 : i32
      %swap3A_116 = arith.constant 0 : i32
      %swap3A_117 = tpu.memref_slice %arg8[%scan3A, %swap3A_115, %swap3A_116] : memref<2x128x128xf32, #tpu.memory_space<vmem>> -> memref<1x128x128xf32, #tpu.memory_space<vmem>>
      %swap3A_118 = tpu.memref_squeeze %swap3A_117 : memref<1x128x128xf32, #tpu.memory_space<vmem>> -> memref<128x128xf32, #tpu.memory_space<vmem>>
      %swap3A_119 = arith.index_cast %scan3A_105 : i32 to index
      %swap3A_120 = arith.constant 16 : index
      %swap3A_121 = tpu.vector_load %swap3A_118[%swap3A_119, %swap3A_120] {strides = array<i32>} : memref<128x128xf32, #tpu.memory_space<vmem>>, vector<1x16xf32>,
      %swap3A_122 = vector.shape_cast %swap3A_121 : vector<1x16xf32> to vector<16xf32>
      %swap3A_123 = vector.shape_cast %broadcast_in_dim3A_0 : vector<16xf32> to vector<1x16xf32>
      tpu.vector_store %swap3A_118[%swap3A_119, %swap3A_120], %swap3A_123 {strides = array<i32>} : memref<128x128xf32, #tpu.memory_space<vmem>>, vector<1x16xf32>,
      %swap3A_124 = arith.constant 0 : i32
      %swap3A_125 = arith.constant 0 : i32
      %swap3A_126 = tpu.memref_slice %arg8[%scan3A, %swap3A_124, %swap3A_125] : memref<2x128x128xf32, #tpu.memory_space<vmem>> -> memref<1x128x128xf32, #tpu.memory_space<vmem>>
      %swap3A_127 = tpu.memref_squeeze %swap3A_126 : memref<1x128x128xf32, #tpu.memory_space<vmem>> -> memref<128x128xf32, #tpu.memory_space<vmem>>
      %swap3A_128 = arith.index_cast %scan3A_105 : i32 to index
      %swap3A_129 = arith.constant 32 : index
      %swap3A_130 = tpu.vector_load %swap3A_127[%swap3A_128, %swap3A_129] {strides = array<i32>} : memref<128x128xf32, #tpu.memory_space<vmem>>, vector<1x16xf32>,
      %swap3A_131 = vector.shape_cast %swap3A_130 : vector<1x16xf32> to vector<16xf32>
      %swap3A_132 = vector.shape_cast %broadcast_in_dim3A_0 : vector<16xf32> to vector<1x16xf32>
      tpu.vector_store %swap3A_127[%swap3A_128, %swap3A_129], %swap3A_132 {strides = array<i32>} : memref<128x128xf32, #tpu.memory_space<vmem>>, vector<1x16xf32>,
      %swap3A_133 = arith.constant 0 : i32
      %swap3A_134 = arith.constant 0 : i32
      %swap3A_135 = tpu.memref_slice %arg8[%scan3A, %swap3A_133, %swap3A_134] : memref<2x128x128xf32, #tpu.memory_space<vmem>> -> memref<1x128x128xf32, #tpu.memory_space<vmem>>
      %swap3A_136 = tpu.memref_squeeze %swap3A_135 : memref<1x128x128xf32, #tpu.memory_space<vmem>> -> memref<128x128xf32, #tpu.memory_space<vmem>>
      %swap3A_137 = arith.index_cast %scan3A_105 : i32 to index
      %swap3A_138 = arith.constant 48 : index
      %swap3A_139 = tpu.vector_load %swap3A_136[%swap3A_137, %swap3A_138] {strides = array<i32>} : memref<128x128xf32, #tpu.memory_space<vmem>>, vector<1x16xf32>,
      %swap3A_140 = vector.shape_cast %swap3A_139 : vector<1x16xf32> to vector<16xf32>
      %swap3A_141 = vector.shape_cast %broadcast_in_dim3A_0 : vector<16xf32> to vector<1x16xf32>
      tpu.vector_store %swap3A_136[%swap3A_137, %swap3A_138], %swap3A_141 {strides = array<i32>} : memref<128x128xf32, #tpu.memory_space<vmem>>, vector<1x16xf32>,
      %swap3A_142 = arith.constant 0 : i32
      %swap3A_143 = arith.constant 0 : i32
      %swap3A_144 = tpu.memref_slice %arg8[%scan3A, %swap3A_142, %swap3A_143] : memref<2x128x128xf32, #tpu.memory_space<vmem>> -> memref<1x128x128xf32, #tpu.memory_space<vmem>>
      %swap3A_145 = tpu.memref_squeeze %swap3A_144 : memref<1x128x128xf32, #tpu.memory_space<vmem>> -> memref<128x128xf32, #tpu.memory_space<vmem>>
      %swap3A_146 = arith.index_cast %scan3A_105 : i32 to index
      %swap3A_147 = arith.constant 64 : index
      %swap3A_148 = tpu.vector_load %swap3A_145[%swap3A_146, %swap3A_147] {strides = array<i32>} : memref<128x128xf32, #tpu.memory_space<vmem>>, vector<1x16xf32>,
      %swap3A_149 = vector.shape_cast %swap3A_148 : vector<1x16xf32> to vector<16xf32>
      %swap3A_150 = vector.shape_cast %broadcast_in_dim3A_0 : vector<16xf32> to vector<1x16xf32>
      tpu.vector_store %swap3A_145[%swap3A_146, %swap3A_147], %swap3A_150 {strides = array<i32>} : memref<128x128xf32, #tpu.memory_space<vmem>>, vector<1x16xf32>,
      %swap3A_151 = arith.constant 0 : i32
      %swap3A_152 = arith.constant 0 : i32
      %swap3A_153 = tpu.memref_slice %arg8[%scan3A, %swap3A_151, %swap3A_152] : memref<2x128x128xf32, #tpu.memory_space<vmem>> -> memref<1x128x128xf32, #tpu.memory_space<vmem>>
      %swap3A_154 = tpu.memref_squeeze %swap3A_153 : memref<1x128x128xf32, #tpu.memory_space<vmem>> -> memref<128x128xf32, #tpu.memory_space<vmem>>
      %swap3A_155 = arith.index_cast %scan3A_105 : i32 to index
      %swap3A_156 = arith.constant 80 : index
      %swap3A_157 = tpu.vector_load %swap3A_154[%swap3A_155, %swap3A_156] {strides = array<i32>} : memref<128x128xf32, #tpu.memory_space<vmem>>, vector<1x16xf32>,
      %swap3A_158 = vector.shape_cast %swap3A_157 : vector<1x16xf32> to vector<16xf32>
      %swap3A_159 = vector.shape_cast %broadcast_in_dim3A_0 : vector<16xf32> to vector<1x16xf32>
      tpu.vector_store %swap3A_154[%swap3A_155, %swap3A_156], %swap3A_159 {strides = array<i32>} : memref<128x128xf32, #tpu.memory_space<vmem>>, vector<1x16xf32>,
      %swap3A_160 = arith.constant 0 : i32
      %swap3A_161 = arith.constant 0 : i32
      %swap3A_162 = tpu.memref_slice %arg8[%scan3A, %swap3A_160, %swap3A_161] : memref<2x128x128xf32, #tpu.memory_space<vmem>> -> memref<1x128x128xf32, #tpu.memory_space<vmem>>
      %swap3A_163 = tpu.memref_squeeze %swap3A_162 : memref<1x128x128xf32, #tpu.memory_space<vmem>> -> memref<128x128xf32, #tpu.memory_space<vmem>>
      %swap3A_164 = arith.index_cast %scan3A_105 : i32 to index
      %swap3A_165 = arith.constant 96 : index
      %swap3A_166 = tpu.vector_load %swap3A_163[%swap3A_164, %swap3A_165] {strides = array<i32>} : memref<128x128xf32, #tpu.memory_space<vmem>>, vector<1x16xf32>,
      %swap3A_167 = vector.shape_cast %swap3A_166 : vector<1x16xf32> to vector<16xf32>
      %swap3A_168 = vector.shape_cast %broadcast_in_dim3A_0 : vector<16xf32> to vector<1x16xf32>
      tpu.vector_store %swap3A_163[%swap3A_164, %swap3A_165], %swap3A_168 {strides = array<i32>} : memref<128x128xf32, #tpu.memory_space<vmem>>, vector<1x16xf32>,
      %swap3A_169 = arith.constant 0 : i32
      %swap3A_170 = arith.constant 0 : i32
      %swap3A_171 = tpu.memref_slice %arg8[%scan3A, %swap3A_169, %swap3A_170] : memref<2x128x128xf32, #tpu.memory_space<vmem>> -> memref<1x128x128xf32, #tpu.memory_space<vmem>>
      %swap3A_172 = tpu.memref_squeeze %swap3A_171 : memref<1x128x128xf32, #tpu.memory_space<vmem>> -> memref<128x128xf32, #tpu.memory_space<vmem>>
      %swap3A_173 = arith.index_cast %scan3A_105 : i32 to index
      %swap3A_174 = arith.constant 112 : index
      %swap3A_175 = tpu.vector_load %swap3A_172[%swap3A_173, %swap3A_174] {strides = array<i32>} : memref<128x128xf32, #tpu.memory_space<vmem>>, vector<1x16xf32>,
      %swap3A_176 = vector.shape_cast %swap3A_175 : vector<1x16xf32> to vector<16xf32>
      %swap3A_177 = vector.shape_cast %broadcast_in_dim3A_0 : vector<16xf32> to vector<1x16xf32>
      tpu.vector_store %swap3A_172[%swap3A_173, %swap3A_174], %swap3A_177 {strides = array<i32>} : memref<128x128xf32, #tpu.memory_space<vmem>>, vector<1x16xf32>,
      %scan3A_178 = arith.constant 0 : i32
      scf.yield %scan3A_178 : i32
    }
    %scan3A_7 = arith.constant 128 : i32
    %mul3A = arith.constant 632 : i32
    %mul3A_8 = arith.muli %arg1, %mul3A : i32
    %add3A = arith.constant 0 : i32
    %add3A_9 = arith.addi %mul3A_8, %add3A : i32
    %run_scoped3A = arith.constant 0 : i32
    "tpu.region"() ({
      %run_scoped3A_105 = tpu.sem_alloc : memref<!tpu.dma_semaphore, #tpu.memory_space<semaphore_mem>>
      %dma_start3A_106 = arith.constant 0 : i32
      %dma_start3A_107 = arith.constant 0 : i32
      %dma_start3A_108 = tpu.memref_slice %arg8[%run_scoped3A, %dma_start3A_106, %dma_start3A_107] : memref<2x128x128xf32, #tpu.memory_space<vmem>> -> memref<1x128x128xf32, #tpu.memory_space<vmem>>
      %dma_start3A_109 = tpu.memref_squeeze %dma_start3A_108 : memref<1x128x128xf32, #tpu.memory_space<vmem>> -> memref<128x128xf32, #tpu.memory_space<vmem>>
      %dma_start3A_110 = arith.constant 0 : i32
      %dma_start3A_111 = tpu.memref_slice %arg9[%add3A_9, %dma_start3A_110] : memref<10112x128xf32, #tpu.memory_space<vmem_shared>> -> memref<128x128xf32, #tpu.memory_space<vmem_shared>>
      %dma_start3A_112 = arith.constant 0 : i32
      %dma_start3A_113 = tpu.memref_slice %arg9[%add3A_9, %dma_start3A_112] : memref<10112x128xf32, #tpu.memory_space<vmem_shared>> -> memref<128x128xf32, #tpu.memory_space<vmem_shared>>
      %dma_start3A_114 = arith.constant 0 : i32
      %dma_start3A_115 = arith.constant 0 : i32
      %dma_start3A_116 = tpu.memref_slice %arg8[%run_scoped3A, %dma_start3A_114, %dma_start3A_115] : memref<2x128x128xf32, #tpu.memory_space<vmem>> -> memref<1x128x128xf32, #tpu.memory_space<vmem>>
      %dma_start3A_117 = tpu.memref_squeeze %dma_start3A_116 : memref<1x128x128xf32, #tpu.memory_space<vmem>> -> memref<128x128xf32, #tpu.memory_space<vmem>>
      tpu.enqueue_dma source(%dma_start3A_117 : memref<128x128xf32, #tpu.memory_space<vmem>>) target(%dma_start3A_113 : memref<128x128xf32, #tpu.memory_space<vmem_shared>>) target_semaphore(%run_scoped3A_105 : memref<!tpu.dma_semaphore, #tpu.memory_space<semaphore_mem>>)
      %dma_wait3A = arith.constant 0 : i32
      %dma_wait3A_118 = arith.constant 0 : i32
      %dma_wait3A_119 = tpu.memref_slice %arg8[%run_scoped3A, %dma_wait3A, %dma_wait3A_118] : memref<2x128x128xf32, #tpu.memory_space<vmem>> -> memref<1x128x128xf32, #tpu.memory_space<vmem>>
      %dma_wait3A_120 = tpu.memref_squeeze %dma_wait3A_119 : memref<1x128x128xf32, #tpu.memory_space<vmem>> -> memref<128x128xf32, #tpu.memory_space<vmem>>
      %dma_wait3A_121 = arith.constant 0 : i32
      %dma_wait3A_122 = tpu.memref_slice %arg9[%add3A_9, %dma_wait3A_121] : memref<10112x128xf32, #tpu.memory_space<vmem_shared>> -> memref<128x128xf32, #tpu.memory_space<vmem_shared>>
      %dma_wait3A_123 = arith.constant 0 : i32
      %dma_wait3A_124 = tpu.memref_slice %arg9[%add3A_9, %dma_wait3A_123] : memref<10112x128xf32, #tpu.memory_space<vmem_shared>> -> memref<128x128xf32, #tpu.memory_space<vmem_shared>>
      %dma_wait3A_125 = arith.constant 0 : i32
      %dma_wait3A_126 = arith.constant 0 : i32
      %dma_wait3A_127 = tpu.memref_slice %arg8[%run_scoped3A, %dma_wait3A_125, %dma_wait3A_126] : memref<2x128x128xf32, #tpu.memory_space<vmem>> -> memref<1x128x128xf32, #tpu.memory_space<vmem>>
      %dma_wait3A_128 = tpu.memref_squeeze %dma_wait3A_127 : memref<1x128x128xf32, #tpu.memory_space<vmem>> -> memref<128x128xf32, #tpu.memory_space<vmem>>
      tpu.wait_dma2 semaphore(%run_scoped3A_105 : memref<!tpu.dma_semaphore, #tpu.memory_space<semaphore_mem>>) src(%dma_wait3A_128 : memref<128x128xf32, #tpu.memory_space<vmem>>) dst(%dma_wait3A_124 : memref<128x128xf32, #tpu.memory_space<vmem_shared>>)
      tpu.yield
    }) : () -> ()
    %mul3A_10 = arith.constant 632 : i32
    %mul3A_11 = arith.muli %arg1, %mul3A_10 : i32
    %add3A_12 = arith.constant 128 : i32
    %add3A_13 = arith.addi %mul3A_11, %add3A_12 : i32
    %run_scoped3A_14 = arith.constant 0 : i32
    "tpu.region"() ({
      %run_scoped3A_105 = tpu.sem_alloc : memref<!tpu.dma_semaphore, #tpu.memory_space<semaphore_mem>>
      %dma_start3A_106 = arith.constant 0 : i32
      %dma_start3A_107 = arith.constant 0 : i32
      %dma_start3A_108 = tpu.memref_slice %arg8[%run_scoped3A_14, %dma_start3A_106, %dma_start3A_107] : memref<2x128x128xf32, #tpu.memory_space<vmem>> -> memref<1x128x128xf32, #tpu.memory_space<vmem>>
      %dma_start3A_109 = tpu.memref_squeeze %dma_start3A_108 : memref<1x128x128xf32, #tpu.memory_space<vmem>> -> memref<128x128xf32, #tpu.memory_space<vmem>>
      %dma_start3A_110 = arith.constant 0 : i32
      %dma_start3A_111 = tpu.memref_slice %arg9[%add3A_13, %dma_start3A_110] : memref<10112x128xf32, #tpu.memory_space<vmem_shared>> -> memref<128x128xf32, #tpu.memory_space<vmem_shared>>
      %dma_start3A_112 = arith.constant 0 : i32
      %dma_start3A_113 = tpu.memref_slice %arg9[%add3A_13, %dma_start3A_112] : memref<10112x128xf32, #tpu.memory_space<vmem_shared>> -> memref<128x128xf32, #tpu.memory_space<vmem_shared>>
      %dma_start3A_114 = arith.constant 0 : i32
      %dma_start3A_115 = arith.constant 0 : i32
      %dma_start3A_116 = tpu.memref_slice %arg8[%run_scoped3A_14, %dma_start3A_114, %dma_start3A_115] : memref<2x128x128xf32, #tpu.memory_space<vmem>> -> memref<1x128x128xf32, #tpu.memory_space<vmem>>
      %dma_start3A_117 = tpu.memref_squeeze %dma_start3A_116 : memref<1x128x128xf32, #tpu.memory_space<vmem>> -> memref<128x128xf32, #tpu.memory_space<vmem>>
      tpu.enqueue_dma source(%dma_start3A_117 : memref<128x128xf32, #tpu.memory_space<vmem>>) target(%dma_start3A_113 : memref<128x128xf32, #tpu.memory_space<vmem_shared>>) target_semaphore(%run_scoped3A_105 : memref<!tpu.dma_semaphore, #tpu.memory_space<semaphore_mem>>)
      %dma_wait3A = arith.constant 0 : i32
      %dma_wait3A_118 = arith.constant 0 : i32
      %dma_wait3A_119 = tpu.memref_slice %arg8[%run_scoped3A_14, %dma_wait3A, %dma_wait3A_118] : memref<2x128x128xf32, #tpu.memory_space<vmem>> -> memref<1x128x128xf32, #tpu.memory_space<vmem>>
      %dma_wait3A_120 = tpu.memref_squeeze %dma_wait3A_119 : memref<1x128x128xf32, #tpu.memory_space<vmem>> -> memref<128x128xf32, #tpu.memory_space<vmem>>
      %dma_wait3A_121 = arith.constant 0 : i32
      %dma_wait3A_122 = tpu.memref_slice %arg9[%add3A_13, %dma_wait3A_121] : memref<10112x128xf32, #tpu.memory_space<vmem_shared>> -> memref<128x128xf32, #tpu.memory_space<vmem_shared>>
      %dma_wait3A_123 = arith.constant 0 : i32
      %dma_wait3A_124 = tpu.memref_slice %arg9[%add3A_13, %dma_wait3A_123] : memref<10112x128xf32, #tpu.memory_space<vmem_shared>> -> memref<128x128xf32, #tpu.memory_space<vmem_shared>>
      %dma_wait3A_125 = arith.constant 0 : i32
      %dma_wait3A_126 = arith.constant 0 : i32
      %dma_wait3A_127 = tpu.memref_slice %arg8[%run_scoped3A_14, %dma_wait3A_125, %dma_wait3A_126] : memref<2x128x128xf32, #tpu.memory_space<vmem>> -> memref<1x128x128xf32, #tpu.memory_space<vmem>>
      %dma_wait3A_128 = tpu.memref_squeeze %dma_wait3A_127 : memref<1x128x128xf32, #tpu.memory_space<vmem>> -> memref<128x128xf32, #tpu.memory_space<vmem>>
      tpu.wait_dma2 semaphore(%run_scoped3A_105 : memref<!tpu.dma_semaphore, #tpu.memory_space<semaphore_mem>>) src(%dma_wait3A_128 : memref<128x128xf32, #tpu.memory_space<vmem>>) dst(%dma_wait3A_124 : memref<128x128xf32, #tpu.memory_space<vmem_shared>>)
      tpu.yield
    }) : () -> ()
    %mul3A_15 = arith.constant 632 : i32
    %mul3A_16 = arith.muli %arg1, %mul3A_15 : i32
    %add3A_17 = arith.constant 256 : i32
    %add3A_18 = arith.addi %mul3A_16, %add3A_17 : i32
    %run_scoped3A_19 = arith.constant 0 : i32
    "tpu.region"() ({
      %run_scoped3A_105 = tpu.sem_alloc : memref<!tpu.dma_semaphore, #tpu.memory_space<semaphore_mem>>
      %dma_start3A_106 = arith.constant 0 : i32
      %dma_start3A_107 = arith.constant 0 : i32
      %dma_start3A_108 = tpu.memref_slice %arg8[%run_scoped3A_19, %dma_start3A_106, %dma_start3A_107] : memref<2x128x128xf32, #tpu.memory_space<vmem>> -> memref<1x128x128xf32, #tpu.memory_space<vmem>>
      %dma_start3A_109 = tpu.memref_squeeze %dma_start3A_108 : memref<1x128x128xf32, #tpu.memory_space<vmem>> -> memref<128x128xf32, #tpu.memory_space<vmem>>
      %dma_start3A_110 = arith.constant 0 : i32
      %dma_start3A_111 = tpu.memref_slice %arg9[%add3A_18, %dma_start3A_110] : memref<10112x128xf32, #tpu.memory_space<vmem_shared>> -> memref<128x128xf32, #tpu.memory_space<vmem_shared>>
      %dma_start3A_112 = arith.constant 0 : i32
      %dma_start3A_113 = tpu.memref_slice %arg9[%add3A_18, %dma_start3A_112] : memref<10112x128xf32, #tpu.memory_space<vmem_shared>> -> memref<128x128xf32, #tpu.memory_space<vmem_shared>>
      %dma_start3A_114 = arith.constant 0 : i32
      %dma_start3A_115 = arith.constant 0 : i32
      %dma_start3A_116 = tpu.memref_slice %arg8[%run_scoped3A_19, %dma_start3A_114, %dma_start3A_115] : memref<2x128x128xf32, #tpu.memory_space<vmem>> -> memref<1x128x128xf32, #tpu.memory_space<vmem>>
      %dma_start3A_117 = tpu.memref_squeeze %dma_start3A_116 : memref<1x128x128xf32, #tpu.memory_space<vmem>> -> memref<128x128xf32, #tpu.memory_space<vmem>>
      tpu.enqueue_dma source(%dma_start3A_117 : memref<128x128xf32, #tpu.memory_space<vmem>>) target(%dma_start3A_113 : memref<128x128xf32, #tpu.memory_space<vmem_shared>>) target_semaphore(%run_scoped3A_105 : memref<!tpu.dma_semaphore, #tpu.memory_space<semaphore_mem>>)
      %dma_wait3A = arith.constant 0 : i32
      %dma_wait3A_118 = arith.constant 0 : i32
      %dma_wait3A_119 = tpu.memref_slice %arg8[%run_scoped3A_19, %dma_wait3A, %dma_wait3A_118] : memref<2x128x128xf32, #tpu.memory_space<vmem>> -> memref<1x128x128xf32, #tpu.memory_space<vmem>>
      %dma_wait3A_120 = tpu.memref_squeeze %dma_wait3A_119 : memref<1x128x128xf32, #tpu.memory_space<vmem>> -> memref<128x128xf32, #tpu.memory_space<vmem>>
      %dma_wait3A_121 = arith.constant 0 : i32
      %dma_wait3A_122 = tpu.memref_slice %arg9[%add3A_18, %dma_wait3A_121] : memref<10112x128xf32, #tpu.memory_space<vmem_shared>> -> memref<128x128xf32, #tpu.memory_space<vmem_shared>>
      %dma_wait3A_123 = arith.constant 0 : i32
      %dma_wait3A_124 = tpu.memref_slice %arg9[%add3A_18, %dma_wait3A_123] : memref<10112x128xf32, #tpu.memory_space<vmem_shared>> -> memref<128x128xf32, #tpu.memory_space<vmem_shared>>
      %dma_wait3A_125 = arith.constant 0 : i32
      %dma_wait3A_126 = arith.constant 0 : i32
      %dma_wait3A_127 = tpu.memref_slice %arg8[%run_scoped3A_19, %dma_wait3A_125, %dma_wait3A_126] : memref<2x128x128xf32, #tpu.memory_space<vmem>> -> memref<1x128x128xf32, #tpu.memory_space<vmem>>
      %dma_wait3A_128 = tpu.memref_squeeze %dma_wait3A_127 : memref<1x128x128xf32, #tpu.memory_space<vmem>> -> memref<128x128xf32, #tpu.memory_space<vmem>>
      tpu.wait_dma2 semaphore(%run_scoped3A_105 : memref<!tpu.dma_semaphore, #tpu.memory_space<semaphore_mem>>) src(%dma_wait3A_128 : memref<128x128xf32, #tpu.memory_space<vmem>>) dst(%dma_wait3A_124 : memref<128x128xf32, #tpu.memory_space<vmem_shared>>)
      tpu.yield
    }) : () -> ()
    %mul3A_20 = arith.constant 632 : i32
    %mul3A_21 = arith.muli %arg1, %mul3A_20 : i32
    %add3A_22 = arith.constant 384 : i32
    %add3A_23 = arith.addi %mul3A_21, %add3A_22 : i32
    %run_scoped3A_24 = arith.constant 0 : i32
    "tpu.region"() ({
      %run_scoped3A_105 = tpu.sem_alloc : memref<!tpu.dma_semaphore, #tpu.memory_space<semaphore_mem>>
      %dma_start3A_106 = arith.constant 0 : i32
      %dma_start3A_107 = arith.constant 0 : i32
      %dma_start3A_108 = tpu.memref_slice %arg8[%run_scoped3A_24, %dma_start3A_106, %dma_start3A_107] : memref<2x128x128xf32, #tpu.memory_space<vmem>> -> memref<1x128x128xf32, #tpu.memory_space<vmem>>
      %dma_start3A_109 = tpu.memref_squeeze %dma_start3A_108 : memref<1x128x128xf32, #tpu.memory_space<vmem>> -> memref<128x128xf32, #tpu.memory_space<vmem>>
      %dma_start3A_110 = arith.constant 0 : i32
      %dma_start3A_111 = tpu.memref_slice %arg9[%add3A_23, %dma_start3A_110] : memref<10112x128xf32, #tpu.memory_space<vmem_shared>> -> memref<128x128xf32, #tpu.memory_space<vmem_shared>>
      %dma_start3A_112 = arith.constant 0 : i32
      %dma_start3A_113 = tpu.memref_slice %arg9[%add3A_23, %dma_start3A_112] : memref<10112x128xf32, #tpu.memory_space<vmem_shared>> -> memref<128x128xf32, #tpu.memory_space<vmem_shared>>
      %dma_start3A_114 = arith.constant 0 : i32
      %dma_start3A_115 = arith.constant 0 : i32
      %dma_start3A_116 = tpu.memref_slice %arg8[%run_scoped3A_24, %dma_start3A_114, %dma_start3A_115] : memref<2x128x128xf32, #tpu.memory_space<vmem>> -> memref<1x128x128xf32, #tpu.memory_space<vmem>>
      %dma_start3A_117 = tpu.memref_squeeze %dma_start3A_116 : memref<1x128x128xf32, #tpu.memory_space<vmem>> -> memref<128x128xf32, #tpu.memory_space<vmem>>
      tpu.enqueue_dma source(%dma_start3A_117 : memref<128x128xf32, #tpu.memory_space<vmem>>) target(%dma_start3A_113 : memref<128x128xf32, #tpu.memory_space<vmem_shared>>) target_semaphore(%run_scoped3A_105 : memref<!tpu.dma_semaphore, #tpu.memory_space<semaphore_mem>>)
      %dma_wait3A = arith.constant 0 : i32
      %dma_wait3A_118 = arith.constant 0 : i32
      %dma_wait3A_119 = tpu.memref_slice %arg8[%run_scoped3A_24, %dma_wait3A, %dma_wait3A_118] : memref<2x128x128xf32, #tpu.memory_space<vmem>> -> memref<1x128x128xf32, #tpu.memory_space<vmem>>
      %dma_wait3A_120 = tpu.memref_squeeze %dma_wait3A_119 : memref<1x128x128xf32, #tpu.memory_space<vmem>> -> memref<128x128xf32, #tpu.memory_space<vmem>>
      %dma_wait3A_121 = arith.constant 0 : i32
      %dma_wait3A_122 = tpu.memref_slice %arg9[%add3A_23, %dma_wait3A_121] : memref<10112x128xf32, #tpu.memory_space<vmem_shared>> -> memref<128x128xf32, #tpu.memory_space<vmem_shared>>
      %dma_wait3A_123 = arith.constant 0 : i32
      %dma_wait3A_124 = tpu.memref_slice %arg9[%add3A_23, %dma_wait3A_123] : memref<10112x128xf32, #tpu.memory_space<vmem_shared>> -> memref<128x128xf32, #tpu.memory_space<vmem_shared>>
      %dma_wait3A_125 = arith.constant 0 : i32
      %dma_wait3A_126 = arith.constant 0 : i32
      %dma_wait3A_127 = tpu.memref_slice %arg8[%run_scoped3A_24, %dma_wait3A_125, %dma_wait3A_126] : memref<2x128x128xf32, #tpu.memory_space<vmem>> -> memref<1x128x128xf32, #tpu.memory_space<vmem>>
      %dma_wait3A_128 = tpu.memref_squeeze %dma_wait3A_127 : memref<1x128x128xf32, #tpu.memory_space<vmem>> -> memref<128x128xf32, #tpu.memory_space<vmem>>
      tpu.wait_dma2 semaphore(%run_scoped3A_105 : memref<!tpu.dma_semaphore, #tpu.memory_space<semaphore_mem>>) src(%dma_wait3A_128 : memref<128x128xf32, #tpu.memory_space<vmem>>) dst(%dma_wait3A_124 : memref<128x128xf32, #tpu.memory_space<vmem_shared>>)
      tpu.yield
    }) : () -> ()
    %mul3A_25 = arith.constant 632 : i32
    %mul3A_26 = arith.muli %arg1, %mul3A_25 : i32
    %add3A_27 = arith.constant 512 : i32
    %add3A_28 = arith.addi %mul3A_26, %add3A_27 : i32
    %run_scoped3A_29 = arith.constant 0 : i32
    "tpu.region"() ({
      %run_scoped3A_105 = tpu.sem_alloc : memref<!tpu.dma_semaphore, #tpu.memory_space<semaphore_mem>>
      %dma_start3A_106 = arith.constant 0 : i32
      %dma_start3A_107 = arith.constant 0 : i32
      %dma_start3A_108 = tpu.memref_slice %arg8[%run_scoped3A_29, %dma_start3A_106, %dma_start3A_107] : memref<2x128x128xf32, #tpu.memory_space<vmem>> -> memref<1x128x128xf32, #tpu.memory_space<vmem>>
      %dma_start3A_109 = tpu.memref_squeeze %dma_start3A_108 : memref<1x128x128xf32, #tpu.memory_space<vmem>> -> memref<128x128xf32, #tpu.memory_space<vmem>>
      %dma_start3A_110 = arith.constant 0 : i32
      %dma_start3A_111 = arith.constant 0 : i32
      %dma_start3A_112 = tpu.memref_slice %dma_start3A_109[%dma_start3A_110, %dma_start3A_111] : memref<128x128xf32, #tpu.memory_space<vmem>> -> memref<120x128xf32, #tpu.memory_space<vmem>>
      %dma_start3A_113 = arith.constant 0 : i32
      %dma_start3A_114 = tpu.memref_slice %arg9[%add3A_28, %dma_start3A_113] : memref<10112x128xf32, #tpu.memory_space<vmem_shared>> -> memref<120x128xf32, #tpu.memory_space<vmem_shared>>
      %dma_start3A_115 = arith.constant 0 : i32
      %dma_start3A_116 = tpu.memref_slice %arg9[%add3A_28, %dma_start3A_115] : memref<10112x128xf32, #tpu.memory_space<vmem_shared>> -> memref<120x128xf32, #tpu.memory_space<vmem_shared>>
      %dma_start3A_117 = arith.constant 0 : i32
      %dma_start3A_118 = arith.constant 0 : i32
      %dma_start3A_119 = tpu.memref_slice %arg8[%run_scoped3A_29, %dma_start3A_117, %dma_start3A_118] : memref<2x128x128xf32, #tpu.memory_space<vmem>> -> memref<1x128x128xf32, #tpu.memory_space<vmem>>
      %dma_start3A_120 = tpu.memref_squeeze %dma_start3A_119 : memref<1x128x128xf32, #tpu.memory_space<vmem>> -> memref<128x128xf32, #tpu.memory_space<vmem>>
      %dma_start3A_121 = arith.constant 0 : i32
      %dma_start3A_122 = arith.constant 0 : i32
      %dma_start3A_123 = tpu.memref_slice %dma_start3A_120[%dma_start3A_121, %dma_start3A_122] : memref<128x128xf32, #tpu.memory_space<vmem>> -> memref<120x128xf32, #tpu.memory_space<vmem>>
      tpu.enqueue_dma source(%dma_start3A_123 : memref<120x128xf32, #tpu.memory_space<vmem>>) target(%dma_start3A_116 : memref<120x128xf32, #tpu.memory_space<vmem_shared>>) target_semaphore(%run_scoped3A_105 : memref<!tpu.dma_semaphore, #tpu.memory_space<semaphore_mem>>)
      %dma_wait3A = arith.constant 0 : i32
      %dma_wait3A_124 = arith.constant 0 : i32
      %dma_wait3A_125 = tpu.memref_slice %arg8[%run_scoped3A_29, %dma_wait3A, %dma_wait3A_124] : memref<2x128x128xf32, #tpu.memory_space<vmem>> -> memref<1x128x128xf32, #tpu.memory_space<vmem>>
      %dma_wait3A_126 = tpu.memref_squeeze %dma_wait3A_125 : memref<1x128x128xf32, #tpu.memory_space<vmem>> -> memref<128x128xf32, #tpu.memory_space<vmem>>
      %dma_wait3A_127 = arith.constant 0 : i32
      %dma_wait3A_128 = arith.constant 0 : i32
      %dma_wait3A_129 = tpu.memref_slice %dma_wait3A_126[%dma_wait3A_127, %dma_wait3A_128] : memref<128x128xf32, #tpu.memory_space<vmem>> -> memref<120x128xf32, #tpu.memory_space<vmem>>
      %dma_wait3A_130 = arith.constant 0 : i32
      %dma_wait3A_131 = tpu.memref_slice %arg9[%add3A_28, %dma_wait3A_130] : memref<10112x128xf32, #tpu.memory_space<vmem_shared>> -> memref<120x128xf32, #tpu.memory_space<vmem_shared>>
      %dma_wait3A_132 = arith.constant 0 : i32
      %dma_wait3A_133 = tpu.memref_slice %arg9[%add3A_28, %dma_wait3A_132] : memref<10112x128xf32, #tpu.memory_space<vmem_shared>> -> memref<120x128xf32, #tpu.memory_space<vmem_shared>>
      %dma_wait3A_134 = arith.constant 0 : i32
      %dma_wait3A_135 = arith.constant 0 : i32
      %dma_wait3A_136 = tpu.memref_slice %arg8[%run_scoped3A_29, %dma_wait3A_134, %dma_wait3A_135] : memref<2x128x128xf32, #tpu.memory_space<vmem>> -> memref<1x128x128xf32, #tpu.memory_space<vmem>>
      %dma_wait3A_137 = tpu.memref_squeeze %dma_wait3A_136 : memref<1x128x128xf32, #tpu.memory_space<vmem>> -> memref<128x128xf32, #tpu.memory_space<vmem>>
      %dma_wait3A_138 = arith.constant 0 : i32
      %dma_wait3A_139 = arith.constant 0 : i32
      %dma_wait3A_140 = tpu.memref_slice %dma_wait3A_137[%dma_wait3A_138, %dma_wait3A_139] : memref<128x128xf32, #tpu.memory_space<vmem>> -> memref<120x128xf32, #tpu.memory_space<vmem>>
      tpu.wait_dma2 semaphore(%run_scoped3A_105 : memref<!tpu.dma_semaphore, #tpu.memory_space<semaphore_mem>>) src(%dma_wait3A_140 : memref<120x128xf32, #tpu.memory_space<vmem>>) dst(%dma_wait3A_133 : memref<120x128xf32, #tpu.memory_space<vmem_shared>>)
      tpu.yield
    }) : () -> ()
    %barrier3A = arith.constant 0 : index
    tpu.barrier barrier_id(%barrier3A)
    %mul3A_30 = arith.constant 16 : i32
    %mul3A_31 = arith.muli %arg0, %mul3A_30 : i32
    %add3A_32 = arith.addi %mul3A_31, %arg1 : i32
    %run_scoped3A_33 = arith.constant 0 : i32
    "tpu.region"() ({
      %run_scoped3A_105 = tpu.sem_alloc : memref<!tpu.dma_semaphore, #tpu.memory_space<semaphore_mem>>
      %dma_start3A_106 = arith.constant 0 : i32
      %dma_start3A_107 = arith.constant 0 : i32
      %dma_start3A_108 = tpu.memref_slice %arg3[%add3A_32, %run_scoped3A_33, %dma_start3A_106, %dma_start3A_107] : memref<32x2x40x128xi32, #tpu.memory_space<hbm>> -> memref<1x1x40x128xi32, #tpu.memory_space<hbm>>
      %dma_start3A_109 = tpu.memref_squeeze %dma_start3A_108 : memref<1x1x40x128xi32, #tpu.memory_space<hbm>> -> memref<40x128xi32, #tpu.memory_space<hbm>>
      %dma_start3A_110 = arith.constant 0 : i32
      %dma_start3A_111 = arith.constant 0 : i32
      %dma_start3A_112 = tpu.memref_slice %arg3[%add3A_32, %run_scoped3A_33, %dma_start3A_110, %dma_start3A_111] : memref<32x2x40x128xi32, #tpu.memory_space<hbm>> -> memref<1x1x40x128xi32, #tpu.memory_space<hbm>>
      %dma_start3A_113 = tpu.memref_squeeze %dma_start3A_112 : memref<1x1x40x128xi32, #tpu.memory_space<hbm>> -> memref<40x128xi32, #tpu.memory_space<hbm>>
      tpu.enqueue_dma source(%dma_start3A_113 : memref<40x128xi32, #tpu.memory_space<hbm>>) target(%arg6 : memref<40x128xi32, #tpu.memory_space<vmem>>) target_semaphore(%run_scoped3A_105 : memref<!tpu.dma_semaphore, #tpu.memory_space<semaphore_mem>>)
      %dma_wait3A = arith.constant 0 : i32
      %dma_wait3A_114 = arith.constant 0 : i32
      %dma_wait3A_115 = tpu.memref_slice %arg3[%add3A_32, %run_scoped3A_33, %dma_wait3A, %dma_wait3A_114] : memref<32x2x40x128xi32, #tpu.memory_space<hbm>> -> memref<1x1x40x128xi32, #tpu.memory_space<hbm>>
      %dma_wait3A_116 = tpu.memref_squeeze %dma_wait3A_115 : memref<1x1x40x128xi32, #tpu.memory_space<hbm>> -> memref<40x128xi32, #tpu.memory_space<hbm>>
      %dma_wait3A_117 = arith.constant 0 : i32
      %dma_wait3A_118 = arith.constant 0 : i32
      %dma_wait3A_119 = tpu.memref_slice %arg3[%add3A_32, %run_scoped3A_33, %dma_wait3A_117, %dma_wait3A_118] : memref<32x2x40x128xi32, #tpu.memory_space<hbm>> -> memref<1x1x40x128xi32, #tpu.memory_space<hbm>>
      %dma_wait3A_120 = tpu.memref_squeeze %dma_wait3A_119 : memref<1x1x40x128xi32, #tpu.memory_space<hbm>> -> memref<40x128xi32, #tpu.memory_space<hbm>>
      tpu.wait_dma2 semaphore(%run_scoped3A_105 : memref<!tpu.dma_semaphore, #tpu.memory_space<semaphore_mem>>) src(%dma_wait3A_120 : memref<40x128xi32, #tpu.memory_space<hbm>>) dst(%arg6 : memref<40x128xi32, #tpu.memory_space<vmem>>)
      tpu.yield
    }) : () -> ()
    %run_scoped3A_34 = arith.constant 0 : i32
    "tpu.region"() ({
      %run_scoped3A_105 = tpu.sem_alloc : memref<!tpu.dma_semaphore, #tpu.memory_space<semaphore_mem>>
      %dma_start3A_106 = arith.constant 0 : i32
      %dma_start3A_107 = arith.constant 0 : i32
      %dma_start3A_108 = tpu.memref_slice %arg4[%add3A_32, %run_scoped3A_34, %dma_start3A_106, %dma_start3A_107] : memref<32x2x40x128xi32, #tpu.memory_space<hbm>> -> memref<1x1x40x128xi32, #tpu.memory_space<hbm>>
      %dma_start3A_109 = tpu.memref_squeeze %dma_start3A_108 : memref<1x1x40x128xi32, #tpu.memory_space<hbm>> -> memref<40x128xi32, #tpu.memory_space<hbm>>
      %dma_start3A_110 = arith.constant 0 : i32
      %dma_start3A_111 = arith.constant 0 : i32
      %dma_start3A_112 = tpu.memref_slice %arg4[%add3A_32, %run_scoped3A_34, %dma_start3A_110, %dma_start3A_111] : memref<32x2x40x128xi32, #tpu.memory_space<hbm>> -> memref<1x1x40x128xi32, #tpu.memory_space<hbm>>
      %dma_start3A_113 = tpu.memref_squeeze %dma_start3A_112 : memref<1x1x40x128xi32, #tpu.memory_space<hbm>> -> memref<40x128xi32, #tpu.memory_space<hbm>>
      tpu.enqueue_dma source(%dma_start3A_113 : memref<40x128xi32, #tpu.memory_space<hbm>>) target(%arg7 : memref<40x128xi32, #tpu.memory_space<vmem>>) target_semaphore(%run_scoped3A_105 : memref<!tpu.dma_semaphore, #tpu.memory_space<semaphore_mem>>)
      %dma_wait3A = arith.constant 0 : i32
      %dma_wait3A_114 = arith.constant 0 : i32
      %dma_wait3A_115 = tpu.memref_slice %arg4[%add3A_32, %run_scoped3A_34, %dma_wait3A, %dma_wait3A_114] : memref<32x2x40x128xi32, #tpu.memory_space<hbm>> -> memref<1x1x40x128xi32, #tpu.memory_space<hbm>>
      %dma_wait3A_116 = tpu.memref_squeeze %dma_wait3A_115 : memref<1x1x40x128xi32, #tpu.memory_space<hbm>> -> memref<40x128xi32, #tpu.memory_space<hbm>>
      %dma_wait3A_117 = arith.constant 0 : i32
      %dma_wait3A_118 = arith.constant 0 : i32
      %dma_wait3A_119 = tpu.memref_slice %arg4[%add3A_32, %run_scoped3A_34, %dma_wait3A_117, %dma_wait3A_118] : memref<32x2x40x128xi32, #tpu.memory_space<hbm>> -> memref<1x1x40x128xi32, #tpu.memory_space<hbm>>
      %dma_wait3A_120 = tpu.memref_squeeze %dma_wait3A_119 : memref<1x1x40x128xi32, #tpu.memory_space<hbm>> -> memref<40x128xi32, #tpu.memory_space<hbm>>
      tpu.wait_dma2 semaphore(%run_scoped3A_105 : memref<!tpu.dma_semaphore, #tpu.memory_space<semaphore_mem>>) src(%dma_wait3A_120 : memref<40x128xi32, #tpu.memory_space<hbm>>) dst(%arg7 : memref<40x128xi32, #tpu.memory_space<vmem>>)
      tpu.yield
    }) : () -> ()
    %dma_start3A = arith.constant 0 : i32
    %dma_start3A_35 = arith.constant 0 : i32
    %dma_start3A_36 = arith.constant 0 : i32
    %dma_start3A_37 = arith.constant 0 : i32
    %dma_start3A_38 = tpu.memref_slice %arg8[%dma_start3A_35, %dma_start3A_36, %dma_start3A_37] : memref<2x128x128xf32, #tpu.memory_space<vmem>> -> memref<1x128x128xf32, #tpu.memory_space<vmem>>
    %dma_start3A_39 = tpu.memref_squeeze %dma_start3A_38 : memref<1x128x128xf32, #tpu.memory_space<vmem>> -> memref<128x128xf32, #tpu.memory_space<vmem>>
    %dma_start3A_40 = arith.constant 0 : i32
    %dma_start3A_41 = tpu.memref_slice %arg6[%dma_start3A, %dma_start3A_40] : memref<40x128xi32, #tpu.memory_space<vmem>> -> memref<1x128xi32, #tpu.memory_space<vmem>>
    %dma_start3A_42 = tpu.memref_squeeze %dma_start3A_41 : memref<1x128xi32, #tpu.memory_space<vmem>> -> memref<128xi32, #tpu.memory_space<vmem>>
    %dma_start3A_43 = arith.constant 0 : i32
    %dma_start3A_44 = arith.constant 0 : i32
    %dma_start3A_45 = tpu.memref_slice %arg2[%dma_start3A_43, %dma_start3A_44] : memref<10000x128xf32, #tpu.memory_space<hbm>> -> memref<10000x128xf32, #tpu.memory_space<hbm>>
    tpu.enqueue_indirect_dma source(%dma_start3A_45 : memref<10000x128xf32, #tpu.memory_space<hbm>>) target(%dma_start3A_39 : memref<128x128xf32, #tpu.memory_space<vmem>>) offsets(%dma_start3A_42 : memref<128xi32, #tpu.memory_space<vmem>>) semaphore(%arg10 : memref<!tpu.dma_semaphore, #tpu.memory_space<semaphore_mem>>)
    %dma_start3A_46 = arith.constant 1 : i32
    %dma_start3A_47 = arith.constant 1 : i32
    %dma_start3A_48 = arith.constant 0 : i32
    %dma_start3A_49 = arith.constant 0 : i32
    %dma_start3A_50 = tpu.memref_slice %arg8[%dma_start3A_47, %dma_start3A_48, %dma_start3A_49] : memref<2x128x128xf32, #tpu.memory_space<vmem>> -> memref<1x128x128xf32, #tpu.memory_space<vmem>>
    %dma_start3A_51 = tpu.memref_squeeze %dma_start3A_50 : memref<1x128x128xf32, #tpu.memory_space<vmem>> -> memref<128x128xf32, #tpu.memory_space<vmem>>
    %dma_start3A_52 = arith.constant 0 : i32
    %dma_start3A_53 = tpu.memref_slice %arg6[%dma_start3A_46, %dma_start3A_52] : memref<40x128xi32, #tpu.memory_space<vmem>> -> memref<1x128xi32, #tpu.memory_space<vmem>>
    %dma_start3A_54 = tpu.memref_squeeze %dma_start3A_53 : memref<1x128xi32, #tpu.memory_space<vmem>> -> memref<128xi32, #tpu.memory_space<vmem>>
    %dma_start3A_55 = arith.constant 0 : i32
    %dma_start3A_56 = arith.constant 0 : i32
    %dma_start3A_57 = tpu.memref_slice %arg2[%dma_start3A_55, %dma_start3A_56] : memref<10000x128xf32, #tpu.memory_space<hbm>> -> memref<10000x128xf32, #tpu.memory_space<hbm>>
    tpu.enqueue_indirect_dma source(%dma_start3A_57 : memref<10000x128xf32, #tpu.memory_space<hbm>>) target(%dma_start3A_51 : memref<128x128xf32, #tpu.memory_space<vmem>>) offsets(%dma_start3A_54 : memref<128xi32, #tpu.memory_space<vmem>>) semaphore(%arg11 : memref<!tpu.dma_semaphore, #tpu.memory_space<semaphore_mem>>)
    %scan3A_58 = arith.constant 0 : i32
    %scan3A_59 = arith.constant 0 : i32
    %scan3A_60 = arith.constant 20 : i32
    %scan3A_61 = arith.addi %scan3A_59, %scan3A_60 : i32
    %scan3A_62 = arith.constant 1 : i32
    %scan3A_63 = scf.for %scan3A_105 = %scan3A_59 to %scan3A_61 step %scan3A_62 iter_args(%scan3A_106 = %scan3A_58) -> (i32)  : i32 {
      %mul3A_107 = arith.constant 2 : i32
      %mul3A_108 = arith.muli %mul3A_107, %scan3A_105 : i32
      %add3A_109 = arith.constant 0 : i32
      %add3A_110 = arith.addi %mul3A_108, %add3A_109 : i32
      %dma_wait3A = arith.constant 0 : i32
      %dma_wait3A_111 = arith.constant 0 : i32
      %dma_wait3A_112 = arith.constant 0 : i32
      %dma_wait3A_113 = tpu.memref_slice %arg8[%dma_wait3A, %dma_wait3A_111, %dma_wait3A_112] : memref<2x128x128xf32, #tpu.memory_space<vmem>> -> memref<1x128x128xf32, #tpu.memory_space<vmem>>
      %dma_wait3A_114 = tpu.memref_squeeze %dma_wait3A_113 : memref<1x128x128xf32, #tpu.memory_space<vmem>> -> memref<128x128xf32, #tpu.memory_space<vmem>>
      %dma_wait3A_115 = arith.constant 0 : i32
      %dma_wait3A_116 = tpu.memref_slice %arg6[%add3A_110, %dma_wait3A_115] : memref<40x128xi32, #tpu.memory_space<vmem>> -> memref<1x128xi32, #tpu.memory_space<vmem>>
      %dma_wait3A_117 = tpu.memref_squeeze %dma_wait3A_116 : memref<1x128xi32, #tpu.memory_space<vmem>> -> memref<128xi32, #tpu.memory_space<vmem>>
      %dma_wait3A_118 = arith.constant 0 : i32
      %dma_wait3A_119 = arith.constant 0 : i32
      %dma_wait3A_120 = tpu.memref_slice %arg2[%dma_wait3A_118, %dma_wait3A_119] : memref<10000x128xf32, #tpu.memory_space<hbm>> -> memref<10000x128xf32, #tpu.memory_space<hbm>>
      tpu.wait_indirect_dma semaphore(%arg10 : memref<!tpu.dma_semaphore, #tpu.memory_space<semaphore_mem>>) src(%dma_wait3A_120 : memref<10000x128xf32, #tpu.memory_space<hbm>>) dst(%dma_wait3A_114 : memref<128x128xf32, #tpu.memory_space<vmem>>)
      %run_scoped3A_121 = arith.constant 0 : i32
      "tpu.region"() ({
        %run_scoped3A_153 = tpu.sem_alloc : memref<!tpu.dma_semaphore, #tpu.memory_space<semaphore_mem>>
        %dma_start3A_154 = arith.constant 0 : i32
        %dma_start3A_155 = arith.constant 0 : i32
        %dma_start3A_156 = tpu.memref_slice %arg8[%run_scoped3A_121, %dma_start3A_154, %dma_start3A_155] : memref<2x128x128xf32, #tpu.memory_space<vmem>> -> memref<1x128x128xf32, #tpu.memory_space<vmem>>
        %dma_start3A_157 = tpu.memref_squeeze %dma_start3A_156 : memref<1x128x128xf32, #tpu.memory_space<vmem>> -> memref<128x128xf32, #tpu.memory_space<vmem>>
        %dma_start3A_158 = arith.constant 0 : i32
        %dma_start3A_159 = tpu.memref_slice %arg7[%add3A_110, %dma_start3A_158] : memref<40x128xi32, #tpu.memory_space<vmem>> -> memref<1x128xi32, #tpu.memory_space<vmem>>
        %dma_start3A_160 = tpu.memref_squeeze %dma_start3A_159 : memref<1x128xi32, #tpu.memory_space<vmem>> -> memref<128xi32, #tpu.memory_space<vmem>>
        %dma_start3A_161 = arith.constant 0 : i32
        %dma_start3A_162 = arith.constant 0 : i32
        %dma_start3A_163 = tpu.memref_slice %arg9[%dma_start3A_161, %dma_start3A_162] : memref<10112x128xf32, #tpu.memory_space<vmem_shared>> -> memref<10112x128xf32, #tpu.memory_space<vmem_shared>>
        tpu.enqueue_indirect_dma source(%dma_start3A_157 : memref<128x128xf32, #tpu.memory_space<vmem>>) target(%dma_start3A_163 : memref<10112x128xf32, #tpu.memory_space<vmem_shared>>) offsets(%dma_start3A_160 : memref<128xi32, #tpu.memory_space<vmem>>) semaphore(%run_scoped3A_153 : memref<!tpu.dma_semaphore, #tpu.memory_space<semaphore_mem>>) {add = true}
        %dma_wait3A_164 = arith.constant 0 : i32
        %dma_wait3A_165 = arith.constant 0 : i32
        %dma_wait3A_166 = tpu.memref_slice %arg8[%run_scoped3A_121, %dma_wait3A_164, %dma_wait3A_165] : memref<2x128x128xf32, #tpu.memory_space<vmem>> -> memref<1x128x128xf32, #tpu.memory_space<vmem>>
        %dma_wait3A_167 = tpu.memref_squeeze %dma_wait3A_166 : memref<1x128x128xf32, #tpu.memory_space<vmem>> -> memref<128x128xf32, #tpu.memory_space<vmem>>
        %dma_wait3A_168 = arith.constant 0 : i32
        %dma_wait3A_169 = tpu.memref_slice %arg7[%add3A_110, %dma_wait3A_168] : memref<40x128xi32, #tpu.memory_space<vmem>> -> memref<1x128xi32, #tpu.memory_space<vmem>>
        %dma_wait3A_170 = tpu.memref_squeeze %dma_wait3A_169 : memref<1x128xi32, #tpu.memory_space<vmem>> -> memref<128xi32, #tpu.memory_space<vmem>>
        %dma_wait3A_171 = arith.constant 0 : i32
        %dma_wait3A_172 = arith.constant 0 : i32
        %dma_wait3A_173 = tpu.memref_slice %arg9[%dma_wait3A_171, %dma_wait3A_172] : memref<10112x128xf32, #tpu.memory_space<vmem_shared>> -> memref<10112x128xf32, #tpu.memory_space<vmem_shared>>
        tpu.wait_indirect_dma semaphore(%run_scoped3A_153 : memref<!tpu.dma_semaphore, #tpu.memory_space<semaphore_mem>>) src(%dma_wait3A_167 : memref<128x128xf32, #tpu.memory_space<vmem>>) dst(%dma_wait3A_173 : memref<10112x128xf32, #tpu.memory_space<vmem_shared>>)
        tpu.yield
      }) : () -> ()
      %add3A_122 = arith.constant 2 : i32
      %add3A_123 = arith.addi %add3A_110, %add3A_122 : i32
      %lt3A_124 = arith.constant 40 : i32
      %lt3A_125 = arith.cmpi slt, %add3A_123, %lt3A_124 : i32
      %convert_element_type3A_126 = arith.extui %lt3A_125 : i1 to i32
      %cond3A_127 = arith.constant 0 : i32
      %cond3A_128 = arith.cmpi ne, %convert_element_type3A_126, %cond3A_127 : i32
      scf.if %cond3A_128 {
        %dma_start3A_153 = arith.constant 0 : i32
        %dma_start3A_154 = arith.constant 0 : i32
        %dma_start3A_155 = arith.constant 0 : i32
        %dma_start3A_156 = tpu.memref_slice %arg8[%dma_start3A_153, %dma_start3A_154, %dma_start3A_155] : memref<2x128x128xf32, #tpu.memory_space<vmem>> -> memref<1x128x128xf32, #tpu.memory_space<vmem>>
        %dma_start3A_157 = tpu.memref_squeeze %dma_start3A_156 : memref<1x128x128xf32, #tpu.memory_space<vmem>> -> memref<128x128xf32, #tpu.memory_space<vmem>>
        %dma_start3A_158 = arith.constant 0 : i32
        %dma_start3A_159 = tpu.memref_slice %arg6[%add3A_123, %dma_start3A_158] : memref<40x128xi32, #tpu.memory_space<vmem>> -> memref<1x128xi32, #tpu.memory_space<vmem>>
        %dma_start3A_160 = tpu.memref_squeeze %dma_start3A_159 : memref<1x128xi32, #tpu.memory_space<vmem>> -> memref<128xi32, #tpu.memory_space<vmem>>
        %dma_start3A_161 = arith.constant 0 : i32
        %dma_start3A_162 = arith.constant 0 : i32
        %dma_start3A_163 = tpu.memref_slice %arg2[%dma_start3A_161, %dma_start3A_162] : memref<10000x128xf32, #tpu.memory_space<hbm>> -> memref<10000x128xf32, #tpu.memory_space<hbm>>
        tpu.enqueue_indirect_dma source(%dma_start3A_163 : memref<10000x128xf32, #tpu.memory_space<hbm>>) target(%dma_start3A_157 : memref<128x128xf32, #tpu.memory_space<vmem>>) offsets(%dma_start3A_160 : memref<128xi32, #tpu.memory_space<vmem>>) semaphore(%arg10 : memref<!tpu.dma_semaphore, #tpu.memory_space<semaphore_mem>>)
      } else {
      }
      %mul3A_129 = arith.constant 2 : i32
      %mul3A_130 = arith.muli %mul3A_129, %scan3A_105 : i32
      %add3A_131 = arith.constant 1 : i32
      %add3A_132 = arith.addi %mul3A_130, %add3A_131 : i32
      %dma_wait3A_133 = arith.constant 1 : i32
      %dma_wait3A_134 = arith.constant 0 : i32
      %dma_wait3A_135 = arith.constant 0 : i32
      %dma_wait3A_136 = tpu.memref_slice %arg8[%dma_wait3A_133, %dma_wait3A_134, %dma_wait3A_135] : memref<2x128x128xf32, #tpu.memory_space<vmem>> -> memref<1x128x128xf32, #tpu.memory_space<vmem>>
      %dma_wait3A_137 = tpu.memref_squeeze %dma_wait3A_136 : memref<1x128x128xf32, #tpu.memory_space<vmem>> -> memref<128x128xf32, #tpu.memory_space<vmem>>
      %dma_wait3A_138 = arith.constant 0 : i32
      %dma_wait3A_139 = tpu.memref_slice %arg6[%add3A_132, %dma_wait3A_138] : memref<40x128xi32, #tpu.memory_space<vmem>> -> memref<1x128xi32, #tpu.memory_space<vmem>>
      %dma_wait3A_140 = tpu.memref_squeeze %dma_wait3A_139 : memref<1x128xi32, #tpu.memory_space<vmem>> -> memref<128xi32, #tpu.memory_space<vmem>>
      %dma_wait3A_141 = arith.constant 0 : i32
      %dma_wait3A_142 = arith.constant 0 : i32
      %dma_wait3A_143 = tpu.memref_slice %arg2[%dma_wait3A_141, %dma_wait3A_142] : memref<10000x128xf32, #tpu.memory_space<hbm>> -> memref<10000x128xf32, #tpu.memory_space<hbm>>
      tpu.wait_indirect_dma semaphore(%arg11 : memref<!tpu.dma_semaphore, #tpu.memory_space<semaphore_mem>>) src(%dma_wait3A_143 : memref<10000x128xf32, #tpu.memory_space<hbm>>) dst(%dma_wait3A_137 : memref<128x128xf32, #tpu.memory_space<vmem>>)
      %run_scoped3A_144 = arith.constant 1 : i32
      "tpu.region"() ({
        %run_scoped3A_153 = tpu.sem_alloc : memref<!tpu.dma_semaphore, #tpu.memory_space<semaphore_mem>>
        %dma_start3A_154 = arith.constant 0 : i32
        %dma_start3A_155 = arith.constant 0 : i32
        %dma_start3A_156 = tpu.memref_slice %arg8[%run_scoped3A_144, %dma_start3A_154, %dma_start3A_155] : memref<2x128x128xf32, #tpu.memory_space<vmem>> -> memref<1x128x128xf32, #tpu.memory_space<vmem>>
        %dma_start3A_157 = tpu.memref_squeeze %dma_start3A_156 : memref<1x128x128xf32, #tpu.memory_space<vmem>> -> memref<128x128xf32, #tpu.memory_space<vmem>>
        %dma_start3A_158 = arith.constant 0 : i32
        %dma_start3A_159 = tpu.memref_slice %arg7[%add3A_132, %dma_start3A_158] : memref<40x128xi32, #tpu.memory_space<vmem>> -> memref<1x128xi32, #tpu.memory_space<vmem>>
        %dma_start3A_160 = tpu.memref_squeeze %dma_start3A_159 : memref<1x128xi32, #tpu.memory_space<vmem>> -> memref<128xi32, #tpu.memory_space<vmem>>
        %dma_start3A_161 = arith.constant 0 : i32
        %dma_start3A_162 = arith.constant 0 : i32
        %dma_start3A_163 = tpu.memref_slice %arg9[%dma_start3A_161, %dma_start3A_162] : memref<10112x128xf32, #tpu.memory_space<vmem_shared>> -> memref<10112x128xf32, #tpu.memory_space<vmem_shared>>
        tpu.enqueue_indirect_dma source(%dma_start3A_157 : memref<128x128xf32, #tpu.memory_space<vmem>>) target(%dma_start3A_163 : memref<10112x128xf32, #tpu.memory_space<vmem_shared>>) offsets(%dma_start3A_160 : memref<128xi32, #tpu.memory_space<vmem>>) semaphore(%run_scoped3A_153 : memref<!tpu.dma_semaphore, #tpu.memory_space<semaphore_mem>>) {add = true}
        %dma_wait3A_164 = arith.constant 0 : i32
        %dma_wait3A_165 = arith.constant 0 : i32
        %dma_wait3A_166 = tpu.memref_slice %arg8[%run_scoped3A_144, %dma_wait3A_164, %dma_wait3A_165] : memref<2x128x128xf32, #tpu.memory_space<vmem>> -> memref<1x128x128xf32, #tpu.memory_space<vmem>>
        %dma_wait3A_167 = tpu.memref_squeeze %dma_wait3A_166 : memref<1x128x128xf32, #tpu.memory_space<vmem>> -> memref<128x128xf32, #tpu.memory_space<vmem>>
        %dma_wait3A_168 = arith.constant 0 : i32
        %dma_wait3A_169 = tpu.memref_slice %arg7[%add3A_132, %dma_wait3A_168] : memref<40x128xi32, #tpu.memory_space<vmem>> -> memref<1x128xi32, #tpu.memory_space<vmem>>
        %dma_wait3A_170 = tpu.memref_squeeze %dma_wait3A_169 : memref<1x128xi32, #tpu.memory_space<vmem>> -> memref<128xi32, #tpu.memory_space<vmem>>
        %dma_wait3A_171 = arith.constant 0 : i32
        %dma_wait3A_172 = arith.constant 0 : i32
        %dma_wait3A_173 = tpu.memref_slice %arg9[%dma_wait3A_171, %dma_wait3A_172] : memref<10112x128xf32, #tpu.memory_space<vmem_shared>> -> memref<10112x128xf32, #tpu.memory_space<vmem_shared>>
        tpu.wait_indirect_dma semaphore(%run_scoped3A_153 : memref<!tpu.dma_semaphore, #tpu.memory_space<semaphore_mem>>) src(%dma_wait3A_167 : memref<128x128xf32, #tpu.memory_space<vmem>>) dst(%dma_wait3A_173 : memref<10112x128xf32, #tpu.memory_space<vmem_shared>>)
        tpu.yield
      }) : () -> ()
      %add3A_145 = arith.constant 2 : i32
      %add3A_146 = arith.addi %add3A_132, %add3A_145 : i32
      %lt3A_147 = arith.constant 40 : i32
      %lt3A_148 = arith.cmpi slt, %add3A_146, %lt3A_147 : i32
      %convert_element_type3A_149 = arith.extui %lt3A_148 : i1 to i32
      %cond3A_150 = arith.constant 0 : i32
      %cond3A_151 = arith.cmpi ne, %convert_element_type3A_149, %cond3A_150 : i32
      scf.if %cond3A_151 {
        %dma_start3A_153 = arith.constant 1 : i32
        %dma_start3A_154 = arith.constant 0 : i32
        %dma_start3A_155 = arith.constant 0 : i32
        %dma_start3A_156 = tpu.memref_slice %arg8[%dma_start3A_153, %dma_start3A_154, %dma_start3A_155] : memref<2x128x128xf32, #tpu.memory_space<vmem>> -> memref<1x128x128xf32, #tpu.memory_space<vmem>>
        %dma_start3A_157 = tpu.memref_squeeze %dma_start3A_156 : memref<1x128x128xf32, #tpu.memory_space<vmem>> -> memref<128x128xf32, #tpu.memory_space<vmem>>
        %dma_start3A_158 = arith.constant 0 : i32
        %dma_start3A_159 = tpu.memref_slice %arg6[%add3A_146, %dma_start3A_158] : memref<40x128xi32, #tpu.memory_space<vmem>> -> memref<1x128xi32, #tpu.memory_space<vmem>>
        %dma_start3A_160 = tpu.memref_squeeze %dma_start3A_159 : memref<1x128xi32, #tpu.memory_space<vmem>> -> memref<128xi32, #tpu.memory_space<vmem>>
        %dma_start3A_161 = arith.constant 0 : i32
        %dma_start3A_162 = arith.constant 0 : i32
        %dma_start3A_163 = tpu.memref_slice %arg2[%dma_start3A_161, %dma_start3A_162] : memref<10000x128xf32, #tpu.memory_space<hbm>> -> memref<10000x128xf32, #tpu.memory_space<hbm>>
        tpu.enqueue_indirect_dma source(%dma_start3A_163 : memref<10000x128xf32, #tpu.memory_space<hbm>>) target(%dma_start3A_157 : memref<128x128xf32, #tpu.memory_space<vmem>>) offsets(%dma_start3A_160 : memref<128xi32, #tpu.memory_space<vmem>>) semaphore(%arg11 : memref<!tpu.dma_semaphore, #tpu.memory_space<semaphore_mem>>)
      } else {
      }
      %scan3A_152 = arith.constant 0 : i32
      scf.yield %scan3A_152 : i32
    }
    %scan3A_64 = arith.constant 20 : i32
    %run_scoped3A_65 = arith.constant 1 : i32
    "tpu.region"() ({
      %run_scoped3A_105 = tpu.sem_alloc : memref<!tpu.dma_semaphore, #tpu.memory_space<semaphore_mem>>
      %dma_start3A_106 = arith.constant 0 : i32
      %dma_start3A_107 = arith.constant 0 : i32
      %dma_start3A_108 = tpu.memref_slice %arg3[%add3A_32, %run_scoped3A_65, %dma_start3A_106, %dma_start3A_107] : memref<32x2x40x128xi32, #tpu.memory_space<hbm>> -> memref<1x1x40x128xi32, #tpu.memory_space<hbm>>
      %dma_start3A_109 = tpu.memref_squeeze %dma_start3A_108 : memref<1x1x40x128xi32, #tpu.memory_space<hbm>> -> memref<40x128xi32, #tpu.memory_space<hbm>>
      %dma_start3A_110 = arith.constant 0 : i32
      %dma_start3A_111 = arith.constant 0 : i32
      %dma_start3A_112 = tpu.memref_slice %arg3[%add3A_32, %run_scoped3A_65, %dma_start3A_110, %dma_start3A_111] : memref<32x2x40x128xi32, #tpu.memory_space<hbm>> -> memref<1x1x40x128xi32, #tpu.memory_space<hbm>>
      %dma_start3A_113 = tpu.memref_squeeze %dma_start3A_112 : memref<1x1x40x128xi32, #tpu.memory_space<hbm>> -> memref<40x128xi32, #tpu.memory_space<hbm>>
      tpu.enqueue_dma source(%dma_start3A_113 : memref<40x128xi32, #tpu.memory_space<hbm>>) target(%arg6 : memref<40x128xi32, #tpu.memory_space<vmem>>) target_semaphore(%run_scoped3A_105 : memref<!tpu.dma_semaphore, #tpu.memory_space<semaphore_mem>>)
      %dma_wait3A = arith.constant 0 : i32
      %dma_wait3A_114 = arith.constant 0 : i32
      %dma_wait3A_115 = tpu.memref_slice %arg3[%add3A_32, %run_scoped3A_65, %dma_wait3A, %dma_wait3A_114] : memref<32x2x40x128xi32, #tpu.memory_space<hbm>> -> memref<1x1x40x128xi32, #tpu.memory_space<hbm>>
      %dma_wait3A_116 = tpu.memref_squeeze %dma_wait3A_115 : memref<1x1x40x128xi32, #tpu.memory_space<hbm>> -> memref<40x128xi32, #tpu.memory_space<hbm>>
      %dma_wait3A_117 = arith.constant 0 : i32
      %dma_wait3A_118 = arith.constant 0 : i32
      %dma_wait3A_119 = tpu.memref_slice %arg3[%add3A_32, %run_scoped3A_65, %dma_wait3A_117, %dma_wait3A_118] : memref<32x2x40x128xi32, #tpu.memory_space<hbm>> -> memref<1x1x40x128xi32, #tpu.memory_space<hbm>>
      %dma_wait3A_120 = tpu.memref_squeeze %dma_wait3A_119 : memref<1x1x40x128xi32, #tpu.memory_space<hbm>> -> memref<40x128xi32, #tpu.memory_space<hbm>>
      tpu.wait_dma2 semaphore(%run_scoped3A_105 : memref<!tpu.dma_semaphore, #tpu.memory_space<semaphore_mem>>) src(%dma_wait3A_120 : memref<40x128xi32, #tpu.memory_space<hbm>>) dst(%arg6 : memref<40x128xi32, #tpu.memory_space<vmem>>)
      tpu.yield
    }) : () -> ()
    %run_scoped3A_66 = arith.constant 1 : i32
    "tpu.region"() ({
      %run_scoped3A_105 = tpu.sem_alloc : memref<!tpu.dma_semaphore, #tpu.memory_space<semaphore_mem>>
      %dma_start3A_106 = arith.constant 0 : i32
      %dma_start3A_107 = arith.constant 0 : i32
      %dma_start3A_108 = tpu.memref_slice %arg4[%add3A_32, %run_scoped3A_66, %dma_start3A_106, %dma_start3A_107] : memref<32x2x40x128xi32, #tpu.memory_space<hbm>> -> memref<1x1x40x128xi32, #tpu.memory_space<hbm>>
      %dma_start3A_109 = tpu.memref_squeeze %dma_start3A_108 : memref<1x1x40x128xi32, #tpu.memory_space<hbm>> -> memref<40x128xi32, #tpu.memory_space<hbm>>
      %dma_start3A_110 = arith.constant 0 : i32
      %dma_start3A_111 = arith.constant 0 : i32
      %dma_start3A_112 = tpu.memref_slice %arg4[%add3A_32, %run_scoped3A_66, %dma_start3A_110, %dma_start3A_111] : memref<32x2x40x128xi32, #tpu.memory_space<hbm>> -> memref<1x1x40x128xi32, #tpu.memory_space<hbm>>
      %dma_start3A_113 = tpu.memref_squeeze %dma_start3A_112 : memref<1x1x40x128xi32, #tpu.memory_space<hbm>> -> memref<40x128xi32, #tpu.memory_space<hbm>>
      tpu.enqueue_dma source(%dma_start3A_113 : memref<40x128xi32, #tpu.memory_space<hbm>>) target(%arg7 : memref<40x128xi32, #tpu.memory_space<vmem>>) target_semaphore(%run_scoped3A_105 : memref<!tpu.dma_semaphore, #tpu.memory_space<semaphore_mem>>)
      %dma_wait3A = arith.constant 0 : i32
      %dma_wait3A_114 = arith.constant 0 : i32
      %dma_wait3A_115 = tpu.memref_slice %arg4[%add3A_32, %run_scoped3A_66, %dma_wait3A, %dma_wait3A_114] : memref<32x2x40x128xi32, #tpu.memory_space<hbm>> -> memref<1x1x40x128xi32, #tpu.memory_space<hbm>>
      %dma_wait3A_116 = tpu.memref_squeeze %dma_wait3A_115 : memref<1x1x40x128xi32, #tpu.memory_space<hbm>> -> memref<40x128xi32, #tpu.memory_space<hbm>>
      %dma_wait3A_117 = arith.constant 0 : i32
      %dma_wait3A_118 = arith.constant 0 : i32
      %dma_wait3A_119 = tpu.memref_slice %arg4[%add3A_32, %run_scoped3A_66, %dma_wait3A_117, %dma_wait3A_118] : memref<32x2x40x128xi32, #tpu.memory_space<hbm>> -> memref<1x1x40x128xi32, #tpu.memory_space<hbm>>
      %dma_wait3A_120 = tpu.memref_squeeze %dma_wait3A_119 : memref<1x1x40x128xi32, #tpu.memory_space<hbm>> -> memref<40x128xi32, #tpu.memory_space<hbm>>
      tpu.wait_dma2 semaphore(%run_scoped3A_105 : memref<!tpu.dma_semaphore, #tpu.memory_space<semaphore_mem>>) src(%dma_wait3A_120 : memref<40x128xi32, #tpu.memory_space<hbm>>) dst(%arg7 : memref<40x128xi32, #tpu.memory_space<vmem>>)
      tpu.yield
    }) : () -> ()
    %dma_start3A_67 = arith.constant 0 : i32
    %dma_start3A_68 = arith.constant 0 : i32
    %dma_start3A_69 = arith.constant 0 : i32
    %dma_start3A_70 = arith.constant 0 : i32
    %dma_start3A_71 = tpu.memref_slice %arg8[%dma_start3A_68, %dma_start3A_69, %dma_start3A_70] : memref<2x128x128xf32, #tpu.memory_space<vmem>> -> memref<1x128x128xf32, #tpu.memory_space<vmem>>
    %dma_start3A_72 = tpu.memref_squeeze %dma_start3A_71 : memref<1x128x128xf32, #tpu.memory_space<vmem>> -> memref<128x128xf32, #tpu.memory_space<vmem>>
    %dma_start3A_73 = arith.constant 0 : i32
    %dma_start3A_74 = tpu.memref_slice %arg6[%dma_start3A_67, %dma_start3A_73] : memref<40x128xi32, #tpu.memory_space<vmem>> -> memref<1x128xi32, #tpu.memory_space<vmem>>
    %dma_start3A_75 = tpu.memref_squeeze %dma_start3A_74 : memref<1x128xi32, #tpu.memory_space<vmem>> -> memref<128xi32, #tpu.memory_space<vmem>>
    %dma_start3A_76 = arith.constant 0 : i32
    %dma_start3A_77 = arith.constant 0 : i32
    %dma_start3A_78 = tpu.memref_slice %arg2[%dma_start3A_76, %dma_start3A_77] : memref<10000x128xf32, #tpu.memory_space<hbm>> -> memref<10000x128xf32, #tpu.memory_space<hbm>>
    tpu.enqueue_indirect_dma source(%dma_start3A_78 : memref<10000x128xf32, #tpu.memory_space<hbm>>) target(%dma_start3A_72 : memref<128x128xf32, #tpu.memory_space<vmem>>) offsets(%dma_start3A_75 : memref<128xi32, #tpu.memory_space<vmem>>) semaphore(%arg10 : memref<!tpu.dma_semaphore, #tpu.memory_space<semaphore_mem>>)
    %dma_start3A_79 = arith.constant 1 : i32
    %dma_start3A_80 = arith.constant 1 : i32
    %dma_start3A_81 = arith.constant 0 : i32
    %dma_start3A_82 = arith.constant 0 : i32
    %dma_start3A_83 = tpu.memref_slice %arg8[%dma_start3A_80, %dma_start3A_81, %dma_start3A_82] : memref<2x128x128xf32, #tpu.memory_space<vmem>> -> memref<1x128x128xf32, #tpu.memory_space<vmem>>
    %dma_start3A_84 = tpu.memref_squeeze %dma_start3A_83 : memref<1x128x128xf32, #tpu.memory_space<vmem>> -> memref<128x128xf32, #tpu.memory_space<vmem>>
    %dma_start3A_85 = arith.constant 0 : i32
    %dma_start3A_86 = tpu.memref_slice %arg6[%dma_start3A_79, %dma_start3A_85] : memref<40x128xi32, #tpu.memory_space<vmem>> -> memref<1x128xi32, #tpu.memory_space<vmem>>
    %dma_start3A_87 = tpu.memref_squeeze %dma_start3A_86 : memref<1x128xi32, #tpu.memory_space<vmem>> -> memref<128xi32, #tpu.memory_space<vmem>>
    %dma_start3A_88 = arith.constant 0 : i32
    %dma_start3A_89 = arith.constant 0 : i32
    %dma_start3A_90 = tpu.memref_slice %arg2[%dma_start3A_88, %dma_start3A_89] : memref<10000x128xf32, #tpu.memory_space<hbm>> -> memref<10000x128xf32, #tpu.memory_space<hbm>>
    tpu.enqueue_indirect_dma source(%dma_start3A_90 : memref<10000x128xf32, #tpu.memory_space<hbm>>) target(%dma_start3A_84 : memref<128x128xf32, #tpu.memory_space<vmem>>) offsets(%dma_start3A_87 : memref<128xi32, #tpu.memory_space<vmem>>) semaphore(%arg11 : memref<!tpu.dma_semaphore, #tpu.memory_space<semaphore_mem>>)
    %scan3A_91 = arith.constant 0 : i32
    %scan3A_92 = arith.constant 0 : i32
    %scan3A_93 = arith.constant 20 : i32
    %scan3A_94 = arith.addi %scan3A_92, %scan3A_93 : i32
    %scan3A_95 = arith.constant 1 : i32
    %scan3A_96 = scf.for %scan3A_105 = %scan3A_92 to %scan3A_94 step %scan3A_95 iter_args(%scan3A_106 = %scan3A_91) -> (i32)  : i32 {
      %mul3A_107 = arith.constant 2 : i32
      %mul3A_108 = arith.muli %mul3A_107, %scan3A_105 : i32
      %add3A_109 = arith.constant 0 : i32
      %add3A_110 = arith.addi %mul3A_108, %add3A_109 : i32
      %dma_wait3A = arith.constant 0 : i32
      %dma_wait3A_111 = arith.constant 0 : i32
      %dma_wait3A_112 = arith.constant 0 : i32
      %dma_wait3A_113 = tpu.memref_slice %arg8[%dma_wait3A, %dma_wait3A_111, %dma_wait3A_112] : memref<2x128x128xf32, #tpu.memory_space<vmem>> -> memref<1x128x128xf32, #tpu.memory_space<vmem>>
      %dma_wait3A_114 = tpu.memref_squeeze %dma_wait3A_113 : memref<1x128x128xf32, #tpu.memory_space<vmem>> -> memref<128x128xf32, #tpu.memory_space<vmem>>
      %dma_wait3A_115 = arith.constant 0 : i32
      %dma_wait3A_116 = tpu.memref_slice %arg6[%add3A_110, %dma_wait3A_115] : memref<40x128xi32, #tpu.memory_space<vmem>> -> memref<1x128xi32, #tpu.memory_space<vmem>>
      %dma_wait3A_117 = tpu.memref_squeeze %dma_wait3A_116 : memref<1x128xi32, #tpu.memory_space<vmem>> -> memref<128xi32, #tpu.memory_space<vmem>>
      %dma_wait3A_118 = arith.constant 0 : i32
      %dma_wait3A_119 = arith.constant 0 : i32
      %dma_wait3A_120 = tpu.memref_slice %arg2[%dma_wait3A_118, %dma_wait3A_119] : memref<10000x128xf32, #tpu.memory_space<hbm>> -> memref<10000x128xf32, #tpu.memory_space<hbm>>
      tpu.wait_indirect_dma semaphore(%arg10 : memref<!tpu.dma_semaphore, #tpu.memory_space<semaphore_mem>>) src(%dma_wait3A_120 : memref<10000x128xf32, #tpu.memory_space<hbm>>) dst(%dma_wait3A_114 : memref<128x128xf32, #tpu.memory_space<vmem>>)
      %run_scoped3A_121 = arith.constant 0 : i32
      "tpu.region"() ({
        %run_scoped3A_153 = tpu.sem_alloc : memref<!tpu.dma_semaphore, #tpu.memory_space<semaphore_mem>>
        %dma_start3A_154 = arith.constant 0 : i32
        %dma_start3A_155 = arith.constant 0 : i32
        %dma_start3A_156 = tpu.memref_slice %arg8[%run_scoped3A_121, %dma_start3A_154, %dma_start3A_155] : memref<2x128x128xf32, #tpu.memory_space<vmem>> -> memref<1x128x128xf32, #tpu.memory_space<vmem>>
        %dma_start3A_157 = tpu.memref_squeeze %dma_start3A_156 : memref<1x128x128xf32, #tpu.memory_space<vmem>> -> memref<128x128xf32, #tpu.memory_space<vmem>>
        %dma_start3A_158 = arith.constant 0 : i32
        %dma_start3A_159 = tpu.memref_slice %arg7[%add3A_110, %dma_start3A_158] : memref<40x128xi32, #tpu.memory_space<vmem>> -> memref<1x128xi32, #tpu.memory_space<vmem>>
        %dma_start3A_160 = tpu.memref_squeeze %dma_start3A_159 : memref<1x128xi32, #tpu.memory_space<vmem>> -> memref<128xi32, #tpu.memory_space<vmem>>
        %dma_start3A_161 = arith.constant 0 : i32
        %dma_start3A_162 = arith.constant 0 : i32
        %dma_start3A_163 = tpu.memref_slice %arg9[%dma_start3A_161, %dma_start3A_162] : memref<10112x128xf32, #tpu.memory_space<vmem_shared>> -> memref<10112x128xf32, #tpu.memory_space<vmem_shared>>
        tpu.enqueue_indirect_dma source(%dma_start3A_157 : memref<128x128xf32, #tpu.memory_space<vmem>>) target(%dma_start3A_163 : memref<10112x128xf32, #tpu.memory_space<vmem_shared>>) offsets(%dma_start3A_160 : memref<128xi32, #tpu.memory_space<vmem>>) semaphore(%run_scoped3A_153 : memref<!tpu.dma_semaphore, #tpu.memory_space<semaphore_mem>>) {add = true}
        %dma_wait3A_164 = arith.constant 0 : i32
        %dma_wait3A_165 = arith.constant 0 : i32
        %dma_wait3A_166 = tpu.memref_slice %arg8[%run_scoped3A_121, %dma_wait3A_164, %dma_wait3A_165] : memref<2x128x128xf32, #tpu.memory_space<vmem>> -> memref<1x128x128xf32, #tpu.memory_space<vmem>>
        %dma_wait3A_167 = tpu.memref_squeeze %dma_wait3A_166 : memref<1x128x128xf32, #tpu.memory_space<vmem>> -> memref<128x128xf32, #tpu.memory_space<vmem>>
        %dma_wait3A_168 = arith.constant 0 : i32
        %dma_wait3A_169 = tpu.memref_slice %arg7[%add3A_110, %dma_wait3A_168] : memref<40x128xi32, #tpu.memory_space<vmem>> -> memref<1x128xi32, #tpu.memory_space<vmem>>
        %dma_wait3A_170 = tpu.memref_squeeze %dma_wait3A_169 : memref<1x128xi32, #tpu.memory_space<vmem>> -> memref<128xi32, #tpu.memory_space<vmem>>
        %dma_wait3A_171 = arith.constant 0 : i32
        %dma_wait3A_172 = arith.constant 0 : i32
        %dma_wait3A_173 = tpu.memref_slice %arg9[%dma_wait3A_171, %dma_wait3A_172] : memref<10112x128xf32, #tpu.memory_space<vmem_shared>> -> memref<10112x128xf32, #tpu.memory_space<vmem_shared>>
        tpu.wait_indirect_dma semaphore(%run_scoped3A_153 : memref<!tpu.dma_semaphore, #tpu.memory_space<semaphore_mem>>) src(%dma_wait3A_167 : memref<128x128xf32, #tpu.memory_space<vmem>>) dst(%dma_wait3A_173 : memref<10112x128xf32, #tpu.memory_space<vmem_shared>>)
        tpu.yield
      }) : () -> ()
      %add3A_122 = arith.constant 2 : i32
      %add3A_123 = arith.addi %add3A_110, %add3A_122 : i32
      %lt3A_124 = arith.constant 40 : i32
      %lt3A_125 = arith.cmpi slt, %add3A_123, %lt3A_124 : i32
      %convert_element_type3A_126 = arith.extui %lt3A_125 : i1 to i32
      %cond3A_127 = arith.constant 0 : i32
      %cond3A_128 = arith.cmpi ne, %convert_element_type3A_126, %cond3A_127 : i32
      scf.if %cond3A_128 {
        %dma_start3A_153 = arith.constant 0 : i32
        %dma_start3A_154 = arith.constant 0 : i32
        %dma_start3A_155 = arith.constant 0 : i32
        %dma_start3A_156 = tpu.memref_slice %arg8[%dma_start3A_153, %dma_start3A_154, %dma_start3A_155] : memref<2x128x128xf32, #tpu.memory_space<vmem>> -> memref<1x128x128xf32, #tpu.memory_space<vmem>>
        %dma_start3A_157 = tpu.memref_squeeze %dma_start3A_156 : memref<1x128x128xf32, #tpu.memory_space<vmem>> -> memref<128x128xf32, #tpu.memory_space<vmem>>
        %dma_start3A_158 = arith.constant 0 : i32
        %dma_start3A_159 = tpu.memref_slice %arg6[%add3A_123, %dma_start3A_158] : memref<40x128xi32, #tpu.memory_space<vmem>> -> memref<1x128xi32, #tpu.memory_space<vmem>>
        %dma_start3A_160 = tpu.memref_squeeze %dma_start3A_159 : memref<1x128xi32, #tpu.memory_space<vmem>> -> memref<128xi32, #tpu.memory_space<vmem>>
        %dma_start3A_161 = arith.constant 0 : i32
        %dma_start3A_162 = arith.constant 0 : i32
        %dma_start3A_163 = tpu.memref_slice %arg2[%dma_start3A_161, %dma_start3A_162] : memref<10000x128xf32, #tpu.memory_space<hbm>> -> memref<10000x128xf32, #tpu.memory_space<hbm>>
        tpu.enqueue_indirect_dma source(%dma_start3A_163 : memref<10000x128xf32, #tpu.memory_space<hbm>>) target(%dma_start3A_157 : memref<128x128xf32, #tpu.memory_space<vmem>>) offsets(%dma_start3A_160 : memref<128xi32, #tpu.memory_space<vmem>>) semaphore(%arg10 : memref<!tpu.dma_semaphore, #tpu.memory_space<semaphore_mem>>)
      } else {
      }
      %mul3A_129 = arith.constant 2 : i32
      %mul3A_130 = arith.muli %mul3A_129, %scan3A_105 : i32
      %add3A_131 = arith.constant 1 : i32
      %add3A_132 = arith.addi %mul3A_130, %add3A_131 : i32
      %dma_wait3A_133 = arith.constant 1 : i32
      %dma_wait3A_134 = arith.constant 0 : i32
      %dma_wait3A_135 = arith.constant 0 : i32
      %dma_wait3A_136 = tpu.memref_slice %arg8[%dma_wait3A_133, %dma_wait3A_134, %dma_wait3A_135] : memref<2x128x128xf32, #tpu.memory_space<vmem>> -> memref<1x128x128xf32, #tpu.memory_space<vmem>>
      %dma_wait3A_137 = tpu.memref_squeeze %dma_wait3A_136 : memref<1x128x128xf32, #tpu.memory_space<vmem>> -> memref<128x128xf32, #tpu.memory_space<vmem>>
      %dma_wait3A_138 = arith.constant 0 : i32
      %dma_wait3A_139 = tpu.memref_slice %arg6[%add3A_132, %dma_wait3A_138] : memref<40x128xi32, #tpu.memory_space<vmem>> -> memref<1x128xi32, #tpu.memory_space<vmem>>
      %dma_wait3A_140 = tpu.memref_squeeze %dma_wait3A_139 : memref<1x128xi32, #tpu.memory_space<vmem>> -> memref<128xi32, #tpu.memory_space<vmem>>
      %dma_wait3A_141 = arith.constant 0 : i32
      %dma_wait3A_142 = arith.constant 0 : i32
      %dma_wait3A_143 = tpu.memref_slice %arg2[%dma_wait3A_141, %dma_wait3A_142] : memref<10000x128xf32, #tpu.memory_space<hbm>> -> memref<10000x128xf32, #tpu.memory_space<hbm>>
      tpu.wait_indirect_dma semaphore(%arg11 : memref<!tpu.dma_semaphore, #tpu.memory_space<semaphore_mem>>) src(%dma_wait3A_143 : memref<10000x128xf32, #tpu.memory_space<hbm>>) dst(%dma_wait3A_137 : memref<128x128xf32, #tpu.memory_space<vmem>>)
      %run_scoped3A_144 = arith.constant 1 : i32
      "tpu.region"() ({
        %run_scoped3A_153 = tpu.sem_alloc : memref<!tpu.dma_semaphore, #tpu.memory_space<semaphore_mem>>
        %dma_start3A_154 = arith.constant 0 : i32
        %dma_start3A_155 = arith.constant 0 : i32
        %dma_start3A_156 = tpu.memref_slice %arg8[%run_scoped3A_144, %dma_start3A_154, %dma_start3A_155] : memref<2x128x128xf32, #tpu.memory_space<vmem>> -> memref<1x128x128xf32, #tpu.memory_space<vmem>>
        %dma_start3A_157 = tpu.memref_squeeze %dma_start3A_156 : memref<1x128x128xf32, #tpu.memory_space<vmem>> -> memref<128x128xf32, #tpu.memory_space<vmem>>
        %dma_start3A_158 = arith.constant 0 : i32
        %dma_start3A_159 = tpu.memref_slice %arg7[%add3A_132, %dma_start3A_158] : memref<40x128xi32, #tpu.memory_space<vmem>> -> memref<1x128xi32, #tpu.memory_space<vmem>>
        %dma_start3A_160 = tpu.memref_squeeze %dma_start3A_159 : memref<1x128xi32, #tpu.memory_space<vmem>> -> memref<128xi32, #tpu.memory_space<vmem>>
        %dma_start3A_161 = arith.constant 0 : i32
        %dma_start3A_162 = arith.constant 0 : i32
        %dma_start3A_163 = tpu.memref_slice %arg9[%dma_start3A_161, %dma_start3A_162] : memref<10112x128xf32, #tpu.memory_space<vmem_shared>> -> memref<10112x128xf32, #tpu.memory_space<vmem_shared>>
        tpu.enqueue_indirect_dma source(%dma_start3A_157 : memref<128x128xf32, #tpu.memory_space<vmem>>) target(%dma_start3A_163 : memref<10112x128xf32, #tpu.memory_space<vmem_shared>>) offsets(%dma_start3A_160 : memref<128xi32, #tpu.memory_space<vmem>>) semaphore(%run_scoped3A_153 : memref<!tpu.dma_semaphore, #tpu.memory_space<semaphore_mem>>) {add = true}
        %dma_wait3A_164 = arith.constant 0 : i32
        %dma_wait3A_165 = arith.constant 0 : i32
        %dma_wait3A_166 = tpu.memref_slice %arg8[%run_scoped3A_144, %dma_wait3A_164, %dma_wait3A_165] : memref<2x128x128xf32, #tpu.memory_space<vmem>> -> memref<1x128x128xf32, #tpu.memory_space<vmem>>
        %dma_wait3A_167 = tpu.memref_squeeze %dma_wait3A_166 : memref<1x128x128xf32, #tpu.memory_space<vmem>> -> memref<128x128xf32, #tpu.memory_space<vmem>>
        %dma_wait3A_168 = arith.constant 0 : i32
        %dma_wait3A_169 = tpu.memref_slice %arg7[%add3A_132, %dma_wait3A_168] : memref<40x128xi32, #tpu.memory_space<vmem>> -> memref<1x128xi32, #tpu.memory_space<vmem>>
        %dma_wait3A_170 = tpu.memref_squeeze %dma_wait3A_169 : memref<1x128xi32, #tpu.memory_space<vmem>> -> memref<128xi32, #tpu.memory_space<vmem>>
        %dma_wait3A_171 = arith.constant 0 : i32
        %dma_wait3A_172 = arith.constant 0 : i32
        %dma_wait3A_173 = tpu.memref_slice %arg9[%dma_wait3A_171, %dma_wait3A_172] : memref<10112x128xf32, #tpu.memory_space<vmem_shared>> -> memref<10112x128xf32, #tpu.memory_space<vmem_shared>>
        tpu.wait_indirect_dma semaphore(%run_scoped3A_153 : memref<!tpu.dma_semaphore, #tpu.memory_space<semaphore_mem>>) src(%dma_wait3A_167 : memref<128x128xf32, #tpu.memory_space<vmem>>) dst(%dma_wait3A_173 : memref<10112x128xf32, #tpu.memory_space<vmem_shared>>)
        tpu.yield
      }) : () -> ()
      %add3A_145 = arith.constant 2 : i32
      %add3A_146 = arith.addi %add3A_132, %add3A_145 : i32
      %lt3A_147 = arith.constant 40 : i32
      %lt3A_148 = arith.cmpi slt, %add3A_146, %lt3A_147 : i32
      %convert_element_type3A_149 = arith.extui %lt3A_148 : i1 to i32
      %cond3A_150 = arith.constant 0 : i32
      %cond3A_151 = arith.cmpi ne, %convert_element_type3A_149, %cond3A_150 : i32
      scf.if %cond3A_151 {
        %dma_start3A_153 = arith.constant 1 : i32
        %dma_start3A_154 = arith.constant 0 : i32
        %dma_start3A_155 = arith.constant 0 : i32
        %dma_start3A_156 = tpu.memref_slice %arg8[%dma_start3A_153, %dma_start3A_154, %dma_start3A_155] : memref<2x128x128xf32, #tpu.memory_space<vmem>> -> memref<1x128x128xf32, #tpu.memory_space<vmem>>
        %dma_start3A_157 = tpu.memref_squeeze %dma_start3A_156 : memref<1x128x128xf32, #tpu.memory_space<vmem>> -> memref<128x128xf32, #tpu.memory_space<vmem>>
        %dma_start3A_158 = arith.constant 0 : i32
        %dma_start3A_159 = tpu.memref_slice %arg6[%add3A_146, %dma_start3A_158] : memref<40x128xi32, #tpu.memory_space<vmem>> -> memref<1x128xi32, #tpu.memory_space<vmem>>
        %dma_start3A_160 = tpu.memref_squeeze %dma_start3A_159 : memref<1x128xi32, #tpu.memory_space<vmem>> -> memref<128xi32, #tpu.memory_space<vmem>>
        %dma_start3A_161 = arith.constant 0 : i32
        %dma_start3A_162 = arith.constant 0 : i32
        %dma_start3A_163 = tpu.memref_slice %arg2[%dma_start3A_161, %dma_start3A_162] : memref<10000x128xf32, #tpu.memory_space<hbm>> -> memref<10000x128xf32, #tpu.memory_space<hbm>>
        tpu.enqueue_indirect_dma source(%dma_start3A_163 : memref<10000x128xf32, #tpu.memory_space<hbm>>) target(%dma_start3A_157 : memref<128x128xf32, #tpu.memory_space<vmem>>) offsets(%dma_start3A_160 : memref<128xi32, #tpu.memory_space<vmem>>) semaphore(%arg11 : memref<!tpu.dma_semaphore, #tpu.memory_space<semaphore_mem>>)
      } else {
      }
      %scan3A_152 = arith.constant 0 : i32
      scf.yield %scan3A_152 : i32
    }
    %scan3A_97 = arith.constant 20 : i32
    %barrier3A_98 = arith.constant 0 : index
    tpu.barrier barrier_id(%barrier3A_98)
    %lt3A = arith.constant 15 : i32
    %lt3A_99 = arith.cmpi slt, %arg1, %lt3A : i32
    %convert_element_type3A = arith.extui %lt3A_99 : i1 to i32
    %cond3A = arith.constant 0 : i32
    %cond3A_100 = arith.cmpi ne, %convert_element_type3A, %cond3A : i32
    scf.if %cond3A_100 {
      %mul3A_105 = arith.constant 632 : i32
      %mul3A_106 = arith.muli %arg1, %mul3A_105 : i32
      %mul3A_107 = arith.constant 632 : i32
      %mul3A_108 = arith.muli %arg1, %mul3A_107 : i32
      "tpu.region"() ({
        %run_scoped3A_109 = tpu.sem_alloc : memref<!tpu.dma_semaphore, #tpu.memory_space<semaphore_mem>>
        %dma_start3A_110 = arith.constant 0 : i32
        %dma_start3A_111 = arith.constant 0 : i32
        %dma_start3A_112 = tpu.memref_slice %arg5[%arg0, %dma_start3A_110, %dma_start3A_111] : memref<2x10000x128xf32, #tpu.memory_space<hbm>> -> memref<1x10000x128xf32, #tpu.memory_space<hbm>>
        %dma_start3A_113 = tpu.memref_squeeze %dma_start3A_112 : memref<1x10000x128xf32, #tpu.memory_space<hbm>> -> memref<10000x128xf32, #tpu.memory_space<hbm>>
        %dma_start3A_114 = arith.constant 0 : i32
        %dma_start3A_115 = tpu.memref_slice %dma_start3A_113[%mul3A_108, %dma_start3A_114] : memref<10000x128xf32, #tpu.memory_space<hbm>> -> memref<632x128xf32, #tpu.memory_space<hbm>>
        %dma_start3A_116 = arith.constant 0 : i32
        %dma_start3A_117 = tpu.memref_slice %arg9[%mul3A_106, %dma_start3A_116] : memref<10112x128xf32, #tpu.memory_space<vmem_shared>> -> memref<632x128xf32, #tpu.memory_space<vmem_shared>>
        tpu.enqueue_dma source(%dma_start3A_117 : memref<632x128xf32, #tpu.memory_space<vmem_shared>>) target(%dma_start3A_115 : memref<632x128xf32, #tpu.memory_space<hbm>>) target_semaphore(%run_scoped3A_109 : memref<!tpu.dma_semaphore, #tpu.memory_space<semaphore_mem>>)
        %dma_wait3A = arith.constant 0 : i32
        %dma_wait3A_118 = arith.constant 0 : i32
        %dma_wait3A_119 = tpu.memref_slice %arg5[%arg0, %dma_wait3A, %dma_wait3A_118] : memref<2x10000x128xf32, #tpu.memory_space<hbm>> -> memref<1x10000x128xf32, #tpu.memory_space<hbm>>
        %dma_wait3A_120 = tpu.memref_squeeze %dma_wait3A_119 : memref<1x10000x128xf32, #tpu.memory_space<hbm>> -> memref<10000x128xf32, #tpu.memory_space<hbm>>
        %dma_wait3A_121 = arith.constant 0 : i32
        %dma_wait3A_122 = tpu.memref_slice %dma_wait3A_120[%mul3A_108, %dma_wait3A_121] : memref<10000x128xf32, #tpu.memory_space<hbm>> -> memref<632x128xf32, #tpu.memory_space<hbm>>
        %dma_wait3A_123 = arith.constant 0 : i32
        %dma_wait3A_124 = tpu.memref_slice %arg9[%mul3A_106, %dma_wait3A_123] : memref<10112x128xf32, #tpu.memory_space<vmem_shared>> -> memref<632x128xf32, #tpu.memory_space<vmem_shared>>
        tpu.wait_dma2 semaphore(%run_scoped3A_109 : memref<!tpu.dma_semaphore, #tpu.memory_space<semaphore_mem>>) src(%dma_wait3A_124 : memref<632x128xf32, #tpu.memory_space<vmem_shared>>) dst(%dma_wait3A_122 : memref<632x128xf32, #tpu.memory_space<hbm>>)
        tpu.yield
      }) : () -> ()
    } else {
    }
    %eq3A = arith.constant 15 : i32
    %eq3A_101 = arith.cmpi eq, %arg1, %eq3A : i32
    %convert_element_type3A_102 = arith.extui %eq3A_101 : i1 to i32
    %cond3A_103 = arith.constant 0 : i32
    %cond3A_104 = arith.cmpi ne, %convert_element_type3A_102, %cond3A_103 : i32
    scf.if %cond3A_104 {
      "tpu.region"() ({
        %run_scoped3A_105 = tpu.sem_alloc : memref<!tpu.dma_semaphore, #tpu.memory_space<semaphore_mem>>
        %dma_start3A_106 = arith.constant 0 : i32
        %dma_start3A_107 = arith.constant 0 : i32
        %dma_start3A_108 = tpu.memref_slice %arg5[%arg0, %dma_start3A_106, %dma_start3A_107] : memref<2x10000x128xf32, #tpu.memory_space<hbm>> -> memref<1x10000x128xf32, #tpu.memory_space<hbm>>
        %dma_start3A_109 = tpu.memref_squeeze %dma_start3A_108 : memref<1x10000x128xf32, #tpu.memory_space<hbm>> -> memref<10000x128xf32, #tpu.memory_space<hbm>>
        %dma_start3A_110 = arith.constant 9480 : i32
        %dma_start3A_111 = arith.constant 0 : i32
        %dma_start3A_112 = tpu.memref_slice %dma_start3A_109[%dma_start3A_110, %dma_start3A_111] : memref<10000x128xf32, #tpu.memory_space<hbm>> -> memref<520x128xf32, #tpu.memory_space<hbm>>
        %dma_start3A_113 = arith.constant 9480 : i32
        %dma_start3A_114 = arith.constant 0 : i32
        %dma_start3A_115 = tpu.memref_slice %arg9[%dma_start3A_113, %dma_start3A_114] : memref<10112x128xf32, #tpu.memory_space<vmem_shared>> -> memref<520x128xf32, #tpu.memory_space<vmem_shared>>
        tpu.enqueue_dma source(%dma_start3A_115 : memref<520x128xf32, #tpu.memory_space<vmem_shared>>) target(%dma_start3A_112 : memref<520x128xf32, #tpu.memory_space<hbm>>) target_semaphore(%run_scoped3A_105 : memref<!tpu.dma_semaphore, #tpu.memory_space<semaphore_mem>>)
        %dma_wait3A = arith.constant 0 : i32
        %dma_wait3A_116 = arith.constant 0 : i32
        %dma_wait3A_117 = tpu.memref_slice %arg5[%arg0, %dma_wait3A, %dma_wait3A_116] : memref<2x10000x128xf32, #tpu.memory_space<hbm>> -> memref<1x10000x128xf32, #tpu.memory_space<hbm>>
        %dma_wait3A_118 = tpu.memref_squeeze %dma_wait3A_117 : memref<1x10000x128xf32, #tpu.memory_space<hbm>> -> memref<10000x128xf32, #tpu.memory_space<hbm>>
        %dma_wait3A_119 = arith.constant 9480 : i32
        %dma_wait3A_120 = arith.constant 0 : i32
        %dma_wait3A_121 = tpu.memref_slice %dma_wait3A_118[%dma_wait3A_119, %dma_wait3A_120] : memref<10000x128xf32, #tpu.memory_space<hbm>> -> memref<520x128xf32, #tpu.memory_space<hbm>>
        %dma_wait3A_122 = arith.constant 9480 : i32
        %dma_wait3A_123 = arith.constant 0 : i32
        %dma_wait3A_124 = tpu.memref_slice %arg9[%dma_wait3A_122, %dma_wait3A_123] : memref<10112x128xf32, #tpu.memory_space<vmem_shared>> -> memref<520x128xf32, #tpu.memory_space<vmem_shared>>
        tpu.wait_dma2 semaphore(%run_scoped3A_105 : memref<!tpu.dma_semaphore, #tpu.memory_space<semaphore_mem>>) src(%dma_wait3A_124 : memref<520x128xf32, #tpu.memory_space<vmem_shared>>) dst(%dma_wait3A_121 : memref<520x128xf32, #tpu.memory_space<hbm>>)
        tpu.yield
      }) : () -> ()
    } else {
    }
    return
  }
}

module attributes {stable_mosaic.version = 14 : i64} {
  func.func @body(%arg0: i32, %arg1: memref<5000x128xf32, #tpu.memory_space<vmem>>, %arg2: memref<128x256xf32, #tpu.memory_space<vmem>>, %arg3: memref<5000x1xf32, #tpu.memory_space<vmem>>, %arg4: memref<5000x1xf32, #tpu.memory_space<vmem>>, %arg5: memref<2x5000x128xf32, #tpu.memory_space<vmem>>) attributes {dimension_semantics = [#tpu.dimension_semantics<arbitrary>], iteration_bounds = array<i64: 2>, scalar_prefetch = 0 : i64, scratch_operands = 0 : i64, tpu.core_type = #tpu.core_type<tc>, window_params = [{transform_indices = @transform_0, window_bounds = array<i64: 5000, 128>}, {pipeline_mode = #tpu.pipeline_mode<synchronous>, transform_indices = @transform_1, window_bounds = array<i64: 128, 256>}, {transform_indices = @transform_2, window_bounds = array<i64: 5000, 1>}, {transform_indices = @transform_3, window_bounds = array<i64: 5000, 1>}, {transform_indices = @transform_4, window_bounds = array<i64: 2, 5000, 128>}]} {
    %get3A = arith.constant 0 : index
    %get3A_0 = arith.constant 0 : index
    %get3A_1 = vector.load %arg3[%get3A, %get3A_0] : memref<5000x1xf32, #tpu.memory_space<vmem>>, vector<5000x1xf32>
    %add3A = arith.constant 1.000000e+00 : f32
    %add3A_2 = vector.broadcast %add3A : f32 to vector<5000x1xf32>
    %add3A_3 = arith.addf %add3A_2, %get3A_1 : vector<5000x1xf32>
    %get3A_4 = arith.constant 0 : index
    %get3A_5 = arith.constant 0 : index
    %get3A_6 = vector.load %arg4[%get3A_4, %get3A_5] : memref<5000x1xf32, #tpu.memory_space<vmem>>, vector<5000x1xf32>
    %add3A_7 = arith.addf %add3A_3, %get3A_6 : vector<5000x1xf32>
    %rsqrt3A = math.rsqrt %add3A_7 : vector<5000x1xf32>
    %get3A_8 = arith.constant 0 : index
    %get3A_9 = arith.constant 0 : index
    %get3A_10 = vector.load %arg1[%get3A_8, %get3A_9] : memref<5000x128xf32, #tpu.memory_space<vmem>>, vector<5000x128xf32>
    %get3A_11 = arith.constant 0 : index
    %get3A_12 = arith.constant 0 : index
    %get3A_13 = vector.load %arg2[%get3A_11, %get3A_12] : memref<128x256xf32, #tpu.memory_space<vmem>>, vector<128x256xf32>
    %dot_general3A = arith.constant dense<0.000000e+00> : vector<5000x256xf32>
    %dot_general3A_14 = tpu.matmul %get3A_10, %get3A_13, %dot_general3A {dimension_numbers = #tpu.dot_dimension_numbers<[1], [0], [0], [1], [0, 0, 1, 1], [], []>, transpose_lhs_hint = false} : vector<5000x128xf32>, vector<128x256xf32>, vector<5000x256xf32> -> vector<5000x256xf32>
    %mul3A = vector.broadcast %rsqrt3A : vector<5000x1xf32> to vector<5000x256xf32>
    %mul3A_15 = arith.mulf %dot_general3A_14, %mul3A : vector<5000x256xf32>
    %slice3A = vector.extract_strided_slice %mul3A_15 {offsets = [0, 0], sizes = [5000, 128], strides = [1, 1]} : vector<5000x256xf32> to vector<5000x128xf32>
    %swap3A = arith.constant 0 : index
    %swap3A_16 = arith.constant 0 : index
    %swap3A_17 = arith.constant 0 : index
    %swap3A_18 = vector.load %arg5[%swap3A, %swap3A_16, %swap3A_17] : memref<2x5000x128xf32, #tpu.memory_space<vmem>>, vector<1x5000x128xf32>
    %swap3A_19 = vector.shape_cast %swap3A_18 : vector<1x5000x128xf32> to vector<5000x128xf32>
    %swap3A_20 = vector.shape_cast %slice3A : vector<5000x128xf32> to vector<1x5000x128xf32>
    tpu.vector_store %arg5[%swap3A, %swap3A_16, %swap3A_17], %swap3A_20 {strides = array<i32>} : memref<2x5000x128xf32, #tpu.memory_space<vmem>>, vector<1x5000x128xf32>,
    %slice3A_21 = vector.extract_strided_slice %mul3A_15 {offsets = [0, 128], sizes = [5000, 128], strides = [1, 1]} : vector<5000x256xf32> to vector<5000x128xf32>
    %swap3A_22 = arith.constant 1 : index
    %swap3A_23 = arith.constant 0 : index
    %swap3A_24 = arith.constant 0 : index
    %swap3A_25 = vector.load %arg5[%swap3A_22, %swap3A_23, %swap3A_24] : memref<2x5000x128xf32, #tpu.memory_space<vmem>>, vector<1x5000x128xf32>
    %swap3A_26 = vector.shape_cast %swap3A_25 : vector<1x5000x128xf32> to vector<5000x128xf32>
    %swap3A_27 = vector.shape_cast %slice3A_21 : vector<5000x128xf32> to vector<1x5000x128xf32>
    tpu.vector_store %arg5[%swap3A_22, %swap3A_23, %swap3A_24], %swap3A_27 {strides = array<i32>} : memref<2x5000x128xf32, #tpu.memory_space<vmem>>, vector<1x5000x128xf32>,
    return
  }
  func.func @transform_0(%arg0: i32) -> (i32, i32) {
    %c0_i32 = arith.constant 0 : i32
    %c0_i32_0 = arith.constant 0 : i32
    return %arg0, %c0_i32 : i32, i32
  }
  func.func @transform_1(%arg0: i32) -> (i32, i32) {
    %c0_i32 = arith.constant 0 : i32
    %c0_i32_0 = arith.constant 0 : i32
    %c0_i32_1 = arith.constant 0 : i32
    return %c0_i32, %c0_i32_0 : i32, i32
  }
  func.func @transform_2(%arg0: i32) -> (i32, i32) {
    %c0_i32 = arith.constant 0 : i32
    %c0_i32_0 = arith.constant 0 : i32
    return %arg0, %c0_i32 : i32, i32
  }
  func.func @transform_3(%arg0: i32) -> (i32, i32) {
    %c0_i32 = arith.constant 0 : i32
    %c0_i32_0 = arith.constant 0 : i32
    return %arg0, %c0_i32 : i32, i32
  }
  func.func @transform_4(%arg0: i32) -> (i32, i32, i32) {
    %c0_i32 = arith.constant 0 : i32
    %c0_i32_0 = arith.constant 0 : i32
    %c0_i32_1 = arith.constant 0 : i32
    return %c0_i32, %arg0, %c0_i32_0 : i32, i32, i32
  }
}

module attributes {stable_mosaic.version = 14 : i64} {
  func.func @body(%arg0: i32, %arg1: memref<2x5000x128xf32, #tpu.memory_space<vmem>>, %arg2: memref<2x5000x128xf32, #tpu.memory_space<vmem>>, %arg3: memref<5000x1xf32, #tpu.memory_space<vmem>>, %arg4: memref<5000x1xf32, #tpu.memory_space<vmem>>, %arg5: memref<1x256xf32, #tpu.memory_space<vmem>>, %arg6: memref<256x128xf32, #tpu.memory_space<vmem>>, %arg7: memref<5000x128xf32, #tpu.memory_space<vmem>>) attributes {dimension_semantics = [#tpu.dimension_semantics<arbitrary>], iteration_bounds = array<i64: 2>, scalar_prefetch = 0 : i64, scratch_operands = 0 : i64, tpu.core_type = #tpu.core_type<tc>, window_params = [{transform_indices = @transform_0, window_bounds = array<i64: 2, 5000, 128>}, {transform_indices = @transform_1, window_bounds = array<i64: 2, 5000, 128>}, {transform_indices = @transform_2, window_bounds = array<i64: 5000, 1>}, {transform_indices = @transform_3, window_bounds = array<i64: 5000, 1>}, {pipeline_mode = #tpu.pipeline_mode<synchronous>, transform_indices = @transform_4, window_bounds = array<i64: 1, 256>}, {pipeline_mode = #tpu.pipeline_mode<synchronous>, transform_indices = @transform_5, window_bounds = array<i64: 256, 128>}, {transform_indices = @transform_6, window_bounds = array<i64: 5000, 128>}]} {
    %get3A = arith.constant 0 : index
    %get3A_0 = arith.constant 0 : index
    %get3A_1 = vector.load %arg3[%get3A, %get3A_0] : memref<5000x1xf32, #tpu.memory_space<vmem>>, vector<5000x1xf32>
    %add3A = arith.constant 1.000000e+00 : f32
    %add3A_2 = vector.broadcast %add3A : f32 to vector<5000x1xf32>
    %add3A_3 = arith.addf %add3A_2, %get3A_1 : vector<5000x1xf32>
    %get3A_4 = arith.constant 0 : index
    %get3A_5 = arith.constant 0 : index
    %get3A_6 = vector.load %arg4[%get3A_4, %get3A_5] : memref<5000x1xf32, #tpu.memory_space<vmem>>, vector<5000x1xf32>
    %add3A_7 = arith.addf %add3A_3, %get3A_6 : vector<5000x1xf32>
    %rsqrt3A = math.rsqrt %add3A_7 : vector<5000x1xf32>
    %get3A_8 = arith.constant 0 : index
    %get3A_9 = arith.constant 0 : index
    %get3A_10 = vector.load %arg5[%get3A_8, %get3A_9] : memref<1x256xf32, #tpu.memory_space<vmem>>, vector<1x256xf32>
    %get3A_11 = arith.constant 0 : index
    %get3A_12 = arith.constant 0 : index
    %get3A_13 = arith.constant 0 : index
    %get3A_14 = vector.load %arg1[%get3A_11, %get3A_12, %get3A_13] : memref<2x5000x128xf32, #tpu.memory_space<vmem>>, vector<1x5000x128xf32>
    %get3A_15 = vector.shape_cast %get3A_14 : vector<1x5000x128xf32> to vector<5000x128xf32>
    %get3A_16 = arith.constant 0 : index
    %get3A_17 = arith.constant 0 : index
    %get3A_18 = arith.constant 0 : index
    %get3A_19 = vector.load %arg2[%get3A_16, %get3A_17, %get3A_18] : memref<2x5000x128xf32, #tpu.memory_space<vmem>>, vector<1x5000x128xf32>
    %get3A_20 = vector.shape_cast %get3A_19 : vector<1x5000x128xf32> to vector<5000x128xf32>
    %add3A_21 = arith.addf %get3A_15, %get3A_20 : vector<5000x128xf32>
    %mul3A = vector.broadcast %rsqrt3A : vector<5000x1xf32> to vector<5000x128xf32>
    %mul3A_22 = arith.mulf %add3A_21, %mul3A : vector<5000x128xf32>
    %slice3A = vector.extract_strided_slice %get3A_10 {offsets = [0, 0], sizes = [1, 128], strides = [1, 1]} : vector<1x256xf32> to vector<1x128xf32>
    %add3A_23 = vector.broadcast %slice3A : vector<1x128xf32> to vector<5000x128xf32>
    %add3A_24 = arith.addf %mul3A_22, %add3A_23 : vector<5000x128xf32>
    %max3A = arith.constant 0.000000e+00 : f32
    %max3A_25 = vector.broadcast %max3A : f32 to vector<5000x128xf32>
    %max3A_26 = arith.maximumf %add3A_24, %max3A_25 : vector<5000x128xf32>
    %get3A_27 = arith.constant 1 : index
    %get3A_28 = arith.constant 0 : index
    %get3A_29 = arith.constant 0 : index
    %get3A_30 = vector.load %arg1[%get3A_27, %get3A_28, %get3A_29] : memref<2x5000x128xf32, #tpu.memory_space<vmem>>, vector<1x5000x128xf32>
    %get3A_31 = vector.shape_cast %get3A_30 : vector<1x5000x128xf32> to vector<5000x128xf32>
    %get3A_32 = arith.constant 1 : index
    %get3A_33 = arith.constant 0 : index
    %get3A_34 = arith.constant 0 : index
    %get3A_35 = vector.load %arg2[%get3A_32, %get3A_33, %get3A_34] : memref<2x5000x128xf32, #tpu.memory_space<vmem>>, vector<1x5000x128xf32>
    %get3A_36 = vector.shape_cast %get3A_35 : vector<1x5000x128xf32> to vector<5000x128xf32>
    %add3A_37 = arith.addf %get3A_31, %get3A_36 : vector<5000x128xf32>
    %mul3A_38 = vector.broadcast %rsqrt3A : vector<5000x1xf32> to vector<5000x128xf32>
    %mul3A_39 = arith.mulf %add3A_37, %mul3A_38 : vector<5000x128xf32>
    %slice3A_40 = vector.extract_strided_slice %get3A_10 {offsets = [0, 128], sizes = [1, 128], strides = [1, 1]} : vector<1x256xf32> to vector<1x128xf32>
    %add3A_41 = vector.broadcast %slice3A_40 : vector<1x128xf32> to vector<5000x128xf32>
    %add3A_42 = arith.addf %mul3A_39, %add3A_41 : vector<5000x128xf32>
    %max3A_43 = arith.constant 0.000000e+00 : f32
    %max3A_44 = vector.broadcast %max3A_43 : f32 to vector<5000x128xf32>
    %max3A_45 = arith.maximumf %add3A_42, %max3A_44 : vector<5000x128xf32>
    %get3A_46 = arith.constant 0 : index
    %get3A_47 = arith.constant 0 : index
    %get3A_48 = vector.load %arg6[%get3A_46, %get3A_47] : memref<256x128xf32, #tpu.memory_space<vmem>>, vector<256x128xf32>
    %slice3A_49 = vector.extract_strided_slice %get3A_48 {offsets = [0, 0], sizes = [128, 128], strides = [1, 1]} : vector<256x128xf32> to vector<128x128xf32>
    %dot_general3A = arith.constant dense<0.000000e+00> : vector<5000x128xf32>
    %dot_general3A_50 = tpu.matmul %max3A_26, %slice3A_49, %dot_general3A {dimension_numbers = #tpu.dot_dimension_numbers<[1], [0], [0], [1], [0, 0, 1, 1], [], []>, transpose_lhs_hint = false} : vector<5000x128xf32>, vector<128x128xf32>, vector<5000x128xf32> -> vector<5000x128xf32>
    %slice3A_51 = vector.extract_strided_slice %get3A_48 {offsets = [128, 0], sizes = [128, 128], strides = [1, 1]} : vector<256x128xf32> to vector<128x128xf32>
    %dot_general3A_52 = arith.constant dense<0.000000e+00> : vector<5000x128xf32>
    %dot_general3A_53 = tpu.matmul %max3A_45, %slice3A_51, %dot_general3A_52 {dimension_numbers = #tpu.dot_dimension_numbers<[1], [0], [0], [1], [0, 0, 1, 1], [], []>, transpose_lhs_hint = false} : vector<5000x128xf32>, vector<128x128xf32>, vector<5000x128xf32> -> vector<5000x128xf32>
    %add3A_54 = arith.addf %dot_general3A_50, %dot_general3A_53 : vector<5000x128xf32>
    %mul3A_55 = vector.broadcast %rsqrt3A : vector<5000x1xf32> to vector<5000x128xf32>
    %mul3A_56 = arith.mulf %add3A_54, %mul3A_55 : vector<5000x128xf32>
    %swap3A = arith.constant 0 : index
    %swap3A_57 = arith.constant 0 : index
    %swap3A_58 = vector.load %arg7[%swap3A, %swap3A_57] : memref<5000x128xf32, #tpu.memory_space<vmem>>, vector<5000x128xf32>
    tpu.vector_store %arg7[%swap3A, %swap3A_57], %mul3A_56 {strides = array<i32>} : memref<5000x128xf32, #tpu.memory_space<vmem>>, vector<5000x128xf32>,
    return
  }
  func.func @transform_0(%arg0: i32) -> (i32, i32, i32) {
    %c0_i32 = arith.constant 0 : i32
    %c0_i32_0 = arith.constant 0 : i32
    %c0_i32_1 = arith.constant 0 : i32
    return %c0_i32, %arg0, %c0_i32_0 : i32, i32, i32
  }
  func.func @transform_1(%arg0: i32) -> (i32, i32, i32) {
    %c0_i32 = arith.constant 0 : i32
    %c0_i32_0 = arith.constant 0 : i32
    %c0_i32_1 = arith.constant 0 : i32
    return %c0_i32, %arg0, %c0_i32_0 : i32, i32, i32
  }
  func.func @transform_2(%arg0: i32) -> (i32, i32) {
    %c0_i32 = arith.constant 0 : i32
    %c0_i32_0 = arith.constant 0 : i32
    return %arg0, %c0_i32 : i32, i32
  }
  func.func @transform_3(%arg0: i32) -> (i32, i32) {
    %c0_i32 = arith.constant 0 : i32
    %c0_i32_0 = arith.constant 0 : i32
    return %arg0, %c0_i32 : i32, i32
  }
  func.func @transform_4(%arg0: i32) -> (i32, i32) {
    %c0_i32 = arith.constant 0 : i32
    %c0_i32_0 = arith.constant 0 : i32
    %c0_i32_1 = arith.constant 0 : i32
    return %c0_i32, %c0_i32_0 : i32, i32
  }
  func.func @transform_5(%arg0: i32) -> (i32, i32) {
    %c0_i32 = arith.constant 0 : i32
    %c0_i32_0 = arith.constant 0 : i32
    %c0_i32_1 = arith.constant 0 : i32
    return %c0_i32, %c0_i32_0 : i32, i32
  }
  func.func @transform_6(%arg0: i32) -> (i32, i32) {
    %c0_i32 = arith.constant 0 : i32
    %c0_i32_0 = arith.constant 0 : i32
    return %arg0, %c0_i32 : i32, i32
  }
}

module attributes {stable_mosaic.version = 14 : i64} {
  func.func @body(%arg0: i32, %arg1: memref<2x5000x128xf32, #tpu.memory_space<vmem>>, %arg2: memref<5000x128xf32, #tpu.memory_space<vmem>>, %arg3: memref<5000x1xf32, #tpu.memory_space<vmem>>, %arg4: memref<5000x1xf32, #tpu.memory_space<vmem>>, %arg5: memref<1x128xf32, #tpu.memory_space<vmem>>, %arg6: memref<5000x128xf32, #tpu.memory_space<vmem>>) attributes {dimension_semantics = [#tpu.dimension_semantics<arbitrary>], iteration_bounds = array<i64: 2>, scalar_prefetch = 0 : i64, scratch_operands = 0 : i64, tpu.core_type = #tpu.core_type<tc>, window_params = [{transform_indices = @transform_0, window_bounds = array<i64: 2, 5000, 128>}, {transform_indices = @transform_1, window_bounds = array<i64: 5000, 128>}, {transform_indices = @transform_2, window_bounds = array<i64: 5000, 1>}, {transform_indices = @transform_3, window_bounds = array<i64: 5000, 1>}, {pipeline_mode = #tpu.pipeline_mode<synchronous>, transform_indices = @transform_4, window_bounds = array<i64: 1, 128>}, {transform_indices = @transform_5, window_bounds = array<i64: 5000, 128>}]} {
    %get3A = arith.constant 0 : index
    %get3A_0 = arith.constant 0 : index
    %get3A_1 = vector.load %arg3[%get3A, %get3A_0] : memref<5000x1xf32, #tpu.memory_space<vmem>>, vector<5000x1xf32>
    %add3A = arith.constant 1.000000e+00 : f32
    %add3A_2 = vector.broadcast %add3A : f32 to vector<5000x1xf32>
    %add3A_3 = arith.addf %add3A_2, %get3A_1 : vector<5000x1xf32>
    %get3A_4 = arith.constant 0 : index
    %get3A_5 = arith.constant 0 : index
    %get3A_6 = vector.load %arg4[%get3A_4, %get3A_5] : memref<5000x1xf32, #tpu.memory_space<vmem>>, vector<5000x1xf32>
    %add3A_7 = arith.addf %add3A_3, %get3A_6 : vector<5000x1xf32>
    %rsqrt3A = math.rsqrt %add3A_7 : vector<5000x1xf32>
    %get3A_8 = arith.constant 0 : index
    %get3A_9 = arith.constant 0 : index
    %get3A_10 = arith.constant 0 : index
    %get3A_11 = vector.load %arg1[%get3A_8, %get3A_9, %get3A_10] : memref<2x5000x128xf32, #tpu.memory_space<vmem>>, vector<1x5000x128xf32>
    %get3A_12 = vector.shape_cast %get3A_11 : vector<1x5000x128xf32> to vector<5000x128xf32>
    %get3A_13 = arith.constant 1 : index
    %get3A_14 = arith.constant 0 : index
    %get3A_15 = arith.constant 0 : index
    %get3A_16 = vector.load %arg1[%get3A_13, %get3A_14, %get3A_15] : memref<2x5000x128xf32, #tpu.memory_space<vmem>>, vector<1x5000x128xf32>
    %get3A_17 = vector.shape_cast %get3A_16 : vector<1x5000x128xf32> to vector<5000x128xf32>
    %add3A_18 = arith.addf %get3A_12, %get3A_17 : vector<5000x128xf32>
    %get3A_19 = arith.constant 0 : index
    %get3A_20 = arith.constant 0 : index
    %get3A_21 = vector.load %arg2[%get3A_19, %get3A_20] : memref<5000x128xf32, #tpu.memory_space<vmem>>, vector<5000x128xf32>
    %add3A_22 = arith.addf %add3A_18, %get3A_21 : vector<5000x128xf32>
    %mul3A = vector.broadcast %rsqrt3A : vector<5000x1xf32> to vector<5000x128xf32>
    %mul3A_23 = arith.mulf %add3A_22, %mul3A : vector<5000x128xf32>
    %get3A_24 = arith.constant 0 : index
    %get3A_25 = arith.constant 0 : index
    %get3A_26 = vector.load %arg5[%get3A_24, %get3A_25] : memref<1x128xf32, #tpu.memory_space<vmem>>, vector<1x128xf32>
    %add3A_27 = vector.broadcast %get3A_26 : vector<1x128xf32> to vector<5000x128xf32>
    %add3A_28 = arith.addf %mul3A_23, %add3A_27 : vector<5000x128xf32>
    %max3A = arith.constant 0.000000e+00 : f32
    %max3A_29 = vector.broadcast %max3A : f32 to vector<5000x128xf32>
    %max3A_30 = arith.maximumf %add3A_28, %max3A_29 : vector<5000x128xf32>
    %swap3A = arith.constant 0 : index
    %swap3A_31 = arith.constant 0 : index
    %swap3A_32 = vector.load %arg6[%swap3A, %swap3A_31] : memref<5000x128xf32, #tpu.memory_space<vmem>>, vector<5000x128xf32>
    tpu.vector_store %arg6[%swap3A, %swap3A_31], %max3A_30 {strides = array<i32>} : memref<5000x128xf32, #tpu.memory_space<vmem>>, vector<5000x128xf32>,
    return
  }
  func.func @transform_0(%arg0: i32) -> (i32, i32, i32) {
    %c0_i32 = arith.constant 0 : i32
    %c0_i32_0 = arith.constant 0 : i32
    %c0_i32_1 = arith.constant 0 : i32
    return %c0_i32, %arg0, %c0_i32_0 : i32, i32, i32
  }
  func.func @transform_1(%arg0: i32) -> (i32, i32) {
    %c0_i32 = arith.constant 0 : i32
    %c0_i32_0 = arith.constant 0 : i32
    return %arg0, %c0_i32 : i32, i32
  }
  func.func @transform_2(%arg0: i32) -> (i32, i32) {
    %c0_i32 = arith.constant 0 : i32
    %c0_i32_0 = arith.constant 0 : i32
    return %arg0, %c0_i32 : i32, i32
  }
  func.func @transform_3(%arg0: i32) -> (i32, i32) {
    %c0_i32 = arith.constant 0 : i32
    %c0_i32_0 = arith.constant 0 : i32
    return %arg0, %c0_i32 : i32, i32
  }
  func.func @transform_4(%arg0: i32) -> (i32, i32) {
    %c0_i32 = arith.constant 0 : i32
    %c0_i32_0 = arith.constant 0 : i32
    %c0_i32_1 = arith.constant 0 : i32
    return %c0_i32, %c0_i32_0 : i32, i32
  }
  func.func @transform_5(%arg0: i32) -> (i32, i32) {
    %c0_i32 = arith.constant 0 : i32
    %c0_i32_0 = arith.constant 0 : i32
    return %arg0, %c0_i32 : i32, i32
  }
}

</mosaic_0001>

<sc_bundles>
// kernel: kernel.11.cloned.1.call-start
scs
__scs_entry_jumppad:
0x0: {  	(pc) =	sbr.rel $0x88, $3  }
0x1: {  	(tag) =	ssettag $0x0;
	lr =	simm.s32 $0x1  }
0x2: {  	[smem:$0x3F9B] =	sst lr;
	_ =	strace $0xD0000000  }
0x3: {  	_ = 	snop  }
0x4: {  	_ = 	snop  }
0x5: {  	_ = 	snop  }
0x6: {  	_ = 	snop  }
0x7: {  	_ = 	snop  }
__scs_overlays_trampoline_lowered:
0x8: {  	[smem:$0x3FAA] =	sst s0  }
0x9: {  	[smem:$0x3FAB] =	sst s1  }
0xa: {  	[smem:$0x3FAC] =	sst s2  }
0xb: {  	[smem:$0x3FAD] =	sst s3  }
0xc: {  	[smem:$0x3FAE] =	sst s4  }
0xd: {  	[smem:$0x3FAF] =	sst s5  }
0xe: {  	[smem:$0x3FB0] =	sst s6  }
0xf: {  	[smem:$0x3FB1] =	sst s7  }
0x10: {  	[smem:$0x3FB2] =	sst s8  }
0x11: {  	[smem:$0x3FB3] =	sst s9;
	s0 =	simm.s32 @!p0 $0x0  }
0x12: {  	s1 =	sld [smem:$0x3F99];
	s0 =	simm.s32 @p0 $0x1  }
0x13: {  	[smem:$0x3FB4] =	sst s0;
	s0 =	simm.s32 @!p1 $0x0  }
0x14: {  	s2 =	sld [smem:$0x3F98];
	s0 =	simm.s32 @p1 $0x1  }
0x15: {  	[smem:$0x3FB5] =	sst s0;
	s0 =	simm.s32 @!p2 $0x0  }
0x16: {  	s3 =	sld [smem:$0x3FDB];
	s0 =	simm.s32 @p2 $0x1  }
0x17: {  	s4 =	simm.s32 $0x1BF5;
	[smem:$0x3FB7] =	sst s0  }
0x18: {  	s0 =	sld [smem:$0x3F9A];
	_ =	swait.ge [sflag:s4], $0x0  }
0x19: {  	s7 =	sld [smem:$0x3F9B]  }
0x1a: {  	s8 =	sadd.s32 $0xFFFFE003, lr  }
0x1b: {  	s9 =	sadd.s32 $0xFFFFFEF7, lr;
	s5 =	simm.s32 $0xFFFFFFFF;
	p2 =	slt.u32 s8, $0xFFFFF086  }
0x1c: {  	p1 =	slt.u32 s9, $0xF7A;
	s5 =	simm.s32 @!p2 $0x0  }
0x1d: {  	s5 =	simm.s32 @p1 $0x1;
	p0 =	seq.s32 s7, s2  }
0x1e: {  	s7 =	smul.u32 @!p0 $0xF7A, s2;
	p2 =	seq.s32 @!p0 s5, $0x0  }
0x1f: {  	s9 =	smul.u32 $0xF7A, s1;
	s8 =	simm.s32 @!p0 $0x1BF5;
	p2 =	por !p2, p0  }
0x20: {  	[sflag:s8] =	ssyncset.s32 @!p0 $0xFFFFF086;
	s6 =	sadd.s32 @!p0 s3, s7;
	s7 =	simm.s32 @!p0 $0x108  }
0x21: {  	s3 =	sadd.s32 s3, s9;
	s6 =	sadd.s32 @!p0 $0x88, s6;
	s7 =	simm.s32 @p2 $0x1082  }
0x22: {  	[simem:s7], [sflag:s8] =	dma.local @!p0 [hbm:s6], $0xF7A  }
0x23: {  	s9 =	sor.u32 $0xD0000000, s2;
	s6 =	simm.s32 $0x108;
	_ =	swait.ge @!p0 [sflag:s8], $0x0  }
0x24: {  	s3 =	sadd.s32 $0x88, s3;
	s6 =	simm.s32 @!p1 $0x1082;
	[sflag:s4] =	ssyncset.s32 $0xFFFFF086  }
0x25: {  	[simem:s6], [sflag:s4] =	dma.local [hbm:s3], $0xF7A  }
0x26: {  	[smem:$0x3F9B] =	sst s1;
	(tag) =	ssettag s2;
	_ =	strace s9  }
0x27: {  	s1 =	sld [smem:$0x3FAB]  }
0x28: {  	s2 =	sld [smem:$0x3FAC]  }
0x29: {  	s4 =	sld [smem:$0x3FAE]  }
0x2a: {  	p0 =	seq.s32 s5, $0x0;
	s5 =	sld [smem:$0x3FAF]  }
0x2b: {  	s6 =	sld [smem:$0x3FB0]  }
0x2c: {  	s7 =	sld [smem:$0x3FB1]  }
0x2d: {  	s3 =	simm.s32 $0x108;
	s8 =	sld [smem:$0x3FB2]  }
0x2e: {  	s3 =	simm.s32 @!p0 $0x1082;
	s9 =	sld [smem:$0x3FB3]  }
0x2f: {  	lr =	sadd.s32 s0, s3;
	s0 =	sld [smem:$0x3FAA]  }
0x30: {  	s3 =	sld [smem:$0x3FAD]  }
0x31: {  	[smem:$0x3FB6] =	sst s10  }
0x32: {  	s10 =	sld [smem:$0x3FB4];
	_ =	sdelay $0x3  }
0x33: {  	p0 =	seq.s32 s10, $0x1;
	s10 =	sld [smem:$0x3FB6];
	_ =	sdelay $0x3  }
0x34: {  	[smem:$0x3FB6] =	sst s10  }
0x35: {  	s10 =	sld [smem:$0x3FB5];
	_ =	sdelay $0x3  }
0x36: {  	p1 =	seq.s32 s10, $0x1;
	s10 =	sld [smem:$0x3FB6];
	_ =	sdelay $0x3  }
0x37: {  	[smem:$0x3FB6] =	sst s10  }
0x38: {  	s10 =	sld [smem:$0x3FB7]  }
0x39: {  	_ = 	snop;
	(pc) =	sbr.ind lr, $3  }
0x3a: {  	_ = 	snop  }
0x3b: {  	_ = 	snop  }
0x3c: {  	p2 =	seq.s32 s10, $0x1;
	s10 =	sld [smem:$0x3FB6]  }
0x3d: {  	_ =	shalt  }
0x3e: {  	_ =	shalt  }
0x3f: {  	_ =	shalt  }
0x40: {  	_ =	shalt  }
0x41: {  	_ =	shalt  }
0x42: {  	_ =	shalt  }
0x43: {  	_ =	shalt  }
0x44: {  	_ =	shalt  }
0x45: {  	_ =	shalt  }
0x46: {  	_ =	shalt  }
0x47: {  	_ =	shalt  }
0x48: {  	_ =	shalt  }
0x49: {  	_ =	shalt  }
0x4a: {  	_ =	shalt  }
0x4b: {  	_ =	shalt  }
0x4c: {  	_ =	shalt  }
0x4d: {  	_ =	shalt  }
0x4e: {  	_ =	shalt  }
0x4f: {  	_ =	shalt  }
0x50: {  	_ =	shalt  }
0x51: {  	_ =	shalt  }
0x52: {  	_ =	shalt  }
0x53: {  	_ =	shalt  }
0x54: {  	_ =	shalt  }
0x55: {  	_ =	shalt  }
0x56: {  	_ =	shalt  }
0x57: {  	_ =	shalt  }
0x58: {  	_ =	shalt  }
0x59: {  	_ =	shalt  }
0x5a: {  	_ =	shalt  }
0x5b: {  	_ =	shalt  }
0x5c: {  	_ =	shalt  }
0x5d: {  	_ =	shalt  }
0x5e: {  	_ =	shalt  }
0x5f: {  	_ =	shalt  }
0x60: {  	_ =	shalt  }
0x61: {  	_ =	shalt  }
0x62: {  	_ =	shalt  }
0x63: {  	_ =	shalt  }
0x64: {  	_ =	shalt  }
0x65: {  	_ =	shalt  }
0x66: {  	_ =	shalt  }
0x67: {  	_ =	shalt  }
0x68: {  	_ =	shalt  }
0x69: {  	_ =	shalt  }
0x6a: {  	_ =	shalt  }
0x6b: {  	_ =	shalt  }
0x6c: {  	_ =	shalt  }
0x6d: {  	_ =	shalt  }
0x6e: {  	_ =	shalt  }
0x6f: {  	_ =	shalt  }
0x70: {  	_ =	shalt  }
0x71: {  	_ =	shalt  }
0x72: {  	_ =	shalt  }
0x73: {  	_ =	shalt  }
0x74: {  	_ =	shalt  }
0x75: {  	_ =	shalt  }
0x76: {  	_ =	shalt  }
0x77: {  	_ =	shalt  }
0x78: {  	_ =	shalt  }
0x79: {  	_ =	shalt  }
0x7a: {  	_ =	shalt  }
0x7b: {  	_ =	shalt  }
0x7c: {  	_ =	shalt  }
0x7d: {  	_ =	shalt  }
0x7e: {  	_ =	shalt  }
0x7f: {  	_ =	shalt  }
0x80: {  	_ =	shalt  }
0x81: {  	_ =	shalt  }
0x82: {  	_ =	shalt  }
0x83: {  	_ =	shalt  }
0x84: {  	_ =	shalt  }
0x85: {  	_ =	shalt  }
0x86: {  	_ =	shalt  }
0x87: {  	_ =	shalt  }
.Lfunc_end0:
.L_simem_size_0:
called_computation.1_lowered:
.L_overlay_start_0:
0x88: {  	s2 =	sld [smem:$0x3FD9]  }
0x89: {  	s3 =	sld [smem:$0x3FFE];
	_ =	sdelay $0x1  }
0x8a: {  	s1 =	srdreg.scid  }
0x8b: {  	s0 =	sand.u32 $0x1, s1  }
0x8c: {  	s16 =	sshll.u32 s0, $0xA;
	s2 =	sadd.s32 s3, s2  }
0x8d: {  	s2 =	sadd.s32 s2, s16  }
0x8e: {  	[smem:$0x3FC2] =	sst s2  }
0x8f: {  	_ = 	snop  }
0x90: {  	(tm) =	ssettm $0x1  }
0x91: {  	s17 =	sld [smem:$0x3FFB];
	_ =	sdelay $0x3  }
0x92: {  	_ =	strace s17  }
0x93: {  	s2 =	sld [smem:$0x3FFC];
	_ =	sdelay $0x3  }
0x94: {  	_ =	strace s2  }
0x95: {  	s2 =	sld [smem:$0x3FFD];
	_ =	sdelay $0x3  }
0x96: {  	_ =	strace s2  }
0x97: {  	_ =	strace $0x8FFFFFFF  }
0x98: {  	s18 =	sld [smem:$0x3FDB];
	_ =	sdelay $0x1  }
0x99: {  	s19 =	simm.s32 $_scs_section_size  }
0x9a: {  	s4 =	simm.s32 $_size__tile_overlayer_lowered;
	s5 =	simm.s32 $_tile_overlayer_lowered  }
0x9b: {  	s22 =	simm.s32 $0x1BFF;
	s21 =	sshll.u32 s5, $0x1;
	s2 =	sadd.s32 s19, s18  }
0x9c: {  	s6 =	simm.s32 $0x0;
	s20 =	sshll.u32 s4, $0x1;
	s4 =	sadd.s32 s21, s2  }
0x9d: {  	[timem:s6], [sflag:s22] =	dma.local [hbm:s4], s20  }
0x9e: {  	_ =	swait.ge [sflag:s22], s20  }
0x9f: {  	s3 =	ssub.s32 $0x0, s20;
	[sflag:s22] =	ssyncset.done $0x0  }
0xa0: {  	[sflag:s22] =	ssyncadd.s32 s3;
	_ =	sdelay $0x1  }
0xa1: {  	s23 =	simm.s32 $0x1B8B  }
0xa2: {  	_ =	swait.ge [sflag:s23], $0x1  }
0xa3: {  	[sflag:s23] =	ssyncset.done $0x0  }
0xa4: {  	s25 =	simm.s32 $0x1B8E;
	s24 =	sld [smem:$0x3FFE];
	[sflag:s23] =	ssyncadd.s32 $0xFFFFFFFF  }
0xa5: {  	s26 =	simm.s32 $execute0_lowered;
	[smem:$0x3FD2] =	sst s25  }
0xa6: {  	s4 =	sshll.u32 s26, $0x1;
	_ =	strace $0x80000049;
	[dreg:$0x1] =	wrdreg $0xFFFFFFFF  }
0xa7: {  	s28 =	simm.s32 $_size_execute0_lowered;
	s2 =	sadd.s32 s2, s4;
	[dreg:$0x0] =	wrdreg $0x0  }
0xa8: {  	s4 =	sshll.u32 s28, $0x1;
	[dreg:$0x2] =	wrdreg s2  }
0xa9: {  	[dreg:$0x3] =	wrdreg s4  }
0xaa: {  	[dreg:$0x4] =	wrdreg $0xC0  }
0xab: {  	_ =	task [dreg:s6], $0x5FFFF  }
0xac: {  	[dreg:$0x1] =	wrdreg $0xFFFFFFFF  }
0xad: {  	[dreg:$0x0] =	wrdreg $0x60  }
0xae: {  	[dreg:$0x2] =	wrdreg s24  }
0xaf: {  	[dreg:$0x3] =	wrdreg $0xA8000  }
0xb0: {  	[dreg:$0x4] =	wrdreg $0x9  }
0xb1: {  	_ =	task.clear_ibuf [dreg:s6], $0x5FFFF;
	_ =	strace $0x90000049  }
0xb2: {  	s29 =	simm.s32 $0x9;
	_ =	strace $0x8000004B  }
0xb3: {  	_ =	swait.ge [sflag:s29], $0x1  }
0xb4: {  	[sflag:s29] =	ssyncadd.s32 $0xFFFFFFFF  }
0xb5: {  	_ =	strace $0x9000004B  }
0xb6: {  	_ =	sfence  }
0xb7: {  	s30 =	sld [smem:$0x0];
	_ =	sdelay $0x2  }
0xb8: {  	s31 =	sshll.u32 s1, $0xD;
	s1 =	sshrl.u32 s1, $0x2  }
0xb9: {  	s3 =	sand.u32 $0x4000, s31;
	s1 =	sadd.s32 s1, s30  }
0xba: {  	s0 =	sor.u32 s3, s0;
	s1 =	sshll.u32 s1, $0x11  }
0xbb: {  	s0 =	sor.u32 s1, s0  }
0xbc: {  	s0 =	sadd.s32 $0x8F2B, s0  }
0xbd: {  	[sflag:s0] =	ssyncadd.remote.s32 $0x1  }
0xbe: {  	_ =	sfence.sel $0xFFFF  }
0xbf: {  	[dreg:$0x0] =	wrdreg $0xFFFFFFFF;
	(pc) =	sbr.abs _section_cstart, $3  }
0xc0: {  	[dreg:$0x1] =	wrdreg $0xFFFFFFFF  }
0xc1: {  	_ =	task.clear_ibuf [dreg:s6], $0x2FFFF;
	_ =	strace $0x9FFFFFFF  }
0xc2: {  	(tm) =	ssettm $0x7FFFFFFF  }
0xc3: {  	_ =	shalt  }
tec
execute0_lowered:
.L_overlay_start_1:
0x0: {  	(tag) =	ssettag $0x1  }
0x1: {  	s0 =	rddreg [dreg:$0x0]  }
0x2: {  	s1 =	rddreg [dreg:$0x1]  }
0x3: {  	s3 =	simm.s32 $0x0;
	s2 =	srdreg.scid;
	s22 =	stileid.u32  }
0x4: {  	s20 =	simm.s32 $0x2800;
	s21 =	simm.s32 $0x3;
	s23 =	simm.s32 $0x80  }
0x5: {  	s28 =	simm.s32 $0x1;
	s29 =	simm.s32 $0x2;
	s30 =	simm.s32 $0x2700  }
0x6: {  	s31 =	simm.s32 $0x2780;
	[smem:$0x7FF] =	sst s3;
	s16 =	sadd.s32 $0xBA00, s0  }
0x7: {  	s2 =	sand.u32 $0x1, s2;
	s4 =	smul.u32 $0x4F000, s22;
	s17 =	sadd.s32 $0x1A00, s0  }
0x8: {  	s7 =	smul.u32 $0x5000, s22;
	s24 =	sadd.s32 $0x128400, s1;
	p0 =	seq.s32 s22, $0xF  }
0x9: {  	_ =	strace $0x8000004A;
	s5 =	smul.u32 $0x27100, s2;
	s2 =	ssub.s32 $0x2, s2  }
0xa: {  	s24 =	sshrl.u32 @p0 s24, $0x3;
	s6 =	sshrl.u32 s2, $0x1;
	s4 =	sshrl.u32 s4, $0x2  }
0xb: {  	s18 =	sshrl.u32 s7, $0x3;
	s0 =	sadd.s32 s5, s0;
	s2 =	ssub.s32 s2, s6  }
0xc: {  	s4 =	sadd.s32 s4, s1;
	s9 =	sadd.s32 s16, s18;
	s10 =	sadd.s32 s17, s18  }
0xd: {  	s13 =	sadd.s32 $0x280, s18;
	s15 =	sadd.s32 $0x500, s18;
	s18 =	sadd.s32 $0x780, s18  }
0xe: {  	s26 =	sadd.s32 $0x4000, s4;
	s6 =	sadd.s32 $0x8000, s4;
	s7 =	sadd.s32 $0xC000, s4  }
0xf: {  	s11 =	sadd.s32 $0x15A00, s0;
	s12 =	sadd.s32 s16, s13;
	s13 =	sadd.s32 s17, s13  }
0x10: {  	s14 =	sadd.s32 s16, s15;
	s15 =	sadd.s32 s17, s15;
	s16 =	sadd.s32 s16, s18  }
0x11: {  	s17 =	sadd.s32 s17, s18;
	s18 =	sadd.s32 $0x63C00, s0;
	s0 =	smul.u32 $0x2780, s22  }
0x12: {  	s8 =	sadd.s32 $0x10000, s4;
	s19 =	smax.u32 s2, $0x1;
	s22 =	simm.s32 $0x1400  }
0x13: {  	v0 =	vimm.f32 $0.0e+00;
	[dreg:$0x3] =	wrdreg s26;
	s26 =	simm.s32 $0x6800;
	s25 =	sadd.s32 @!p0 s0, s18  }
.LBB2_1:
0x14: {  	s0 =	simm.s32 $0x0;
	s2 =	simm.s32 $0x200  }
.LBB2_2:
0x15: {  	p1 =	sne.s32 s2, $0xFE00;
	[tilespmem:s0+$0x2870] =	vst v0  }
0x16: {  	[tilespmem:s0+$0x2800] =	vst v0  }
0x17: {  	[tilespmem:s0+$0x2810] =	vst v0  }
.Ltmp0:
0x18: {  	[tilespmem:s0+$0x2820] =	vst v0;
	(pc) =	sbr.rel @p1 .LBB2_2-.Ltmp0, $4  }
0x19: {  	[tilespmem:s0+$0x2830] =	vst v0  }
0x1a: {  	[tilespmem:s0+$0x2840] =	vst v0  }
0x1b: {  	[tilespmem:s0+$0x2850] =	vst v0  }
0x1c: {  	[tilespmem:s0+$0x2860] =	vst v0;
	s0 =	sshra.s32 s2, $0x2;
	s2 =	sadd.s32 $0x200, s2  }
0x1d: {  	[tilespmem:s0+$0x2870] =	vst v0  }
0x1e: {  	[tilespmem:s0+$0x2800] =	vst v0  }
0x1f: {  	[tilespmem:s0+$0x2810] =	vst v0  }
0x20: {  	[tilespmem:s0+$0x2820] =	vst v0  }
0x21: {  	[tilespmem:s0+$0x2830] =	vst v0  }
0x22: {  	[tilespmem:s0+$0x2840] =	vst v0  }
0x23: {  	[tilespmem:s0+$0x2850] =	vst v0  }
0x24: {  	[tilespmem:s0+$0x2860] =	vst v0  }
0x25: {  	[spmem:s4] =	stream.linear.scatter [tilespmem:s20], [sflag:$0x3], $0x4000, $0x38;
	[tilespmem:$0x1E400] =	vst v63  }
0x26: {  	_ =	swait.ge [sflag:s21], $0x4000  }
0x27: {  	[sflag:s21] =	ssyncset.done $0x0  }
0x28: {  	s5 =	rddreg [dreg:$0x3];
	[sflag:s21] =	ssyncadd.s32 $0xFFFFC000  }
0x29: {  	[spmem:s5] =	stream.linear.scatter [tilespmem:s20], [sflag:$0x3], $0x4000, $0x38;
	[tilespmem:$0x1E400] =	vst v63  }
0x2a: {  	_ =	swait.ge [sflag:s21], $0x4000  }
0x2b: {  	[sflag:s21] =	ssyncset.done $0x0  }
0x2c: {  	[sflag:s21] =	ssyncadd.s32 $0xFFFFC000  }
0x2d: {  	[spmem:s6] =	stream.linear.scatter [tilespmem:s20], [sflag:$0x3], $0x4000, $0x38;
	[tilespmem:$0x1E400] =	vst v63  }
0x2e: {  	_ =	swait.ge [sflag:s21], $0x4000  }
0x2f: {  	[sflag:s21] =	ssyncset.done $0x0  }
0x30: {  	[sflag:s21] =	ssyncadd.s32 $0xFFFFC000  }
0x31: {  	[spmem:s7] =	stream.linear.scatter [tilespmem:s20], [sflag:$0x3], $0x4000, $0x38;
	[tilespmem:$0x1E400] =	vst v63  }
0x32: {  	_ =	swait.ge [sflag:s21], $0x4000  }
0x33: {  	[sflag:s21] =	ssyncset.done $0x0  }
0x34: {  	[sflag:s21] =	ssyncadd.s32 $0xFFFFC000  }
0x35: {  	[spmem:s8] =	stream.linear.scatter [tilespmem:s20], [sflag:$0x3], $0x3C00, $0x38;
	[tilespmem:$0x1E400] =	vst v63  }
0x36: {  	_ =	swait.ge [sflag:s21], $0x3C00  }
0x37: {  	[sflag:s21] =	ssyncset.done $0x0  }
0x38: {  	[sflag:s21] =	ssyncadd.s32 $0xFFFFC400  }
0x39: {  	s2 =	simm.s32 $0x0;
	[bflag:$0x0] =	sbarrier.arrive $0xFFFF  }
0x3a: {  	[tilespmem:s2], [sflag:$0x3] =	stream.linear.gather [hbm4b:s9+s2], $0x1400, $0x38;
	[tilespmem:$0x1E400] =	vst v63  }
0x3b: {  	_ =	swait.ge [sflag:s21], $0x1400  }
0x3c: {  	[sflag:s21] =	ssyncset.done $0x0  }
0x3d: {  	[sflag:s21] =	ssyncadd.s32 $0xFFFFEC00  }
0x3e: {  	[tilespmem:s22], [sflag:$0x3] =	stream.linear.gather [hbm4b:s10+s2], $0x1400, $0x38;
	[tilespmem:$0x1E400] =	vst v63  }
0x3f: {  	_ =	swait.ge [sflag:s21], $0x1400  }
0x40: {  	[sflag:s21] =	ssyncset.done $0x0  }
0x41: {  	[sflag:s21] =	ssyncadd.s32 $0xFFFFEC00  }
0x42: {  	[tilespmem:s20], [sflag:$0x1] =	stream.indirect.gather [hbm4b:s11+s23], $0x80, s2, s23, $0xb8;
	[tilespmem:$0x1E400] =	vst v63  }
0x43: {  	_ = 	snop  }
0x44: {  	[tilespmem:s26], [sflag:$0x2] =	stream.indirect.gather [hbm4b:s11+s23], $0x80, s23, s23, $0xb8;
	[tilespmem:$0x1E400] =	vst v63  }
0x45: {  	_ =	swait.ge [sflag:s28], $0x4000  }
0x46: {  	[sflag:s28] =	ssyncset.done $0x0  }
0x47: {  	s5 =	simm.s32 $0x1400;
	[sflag:s28] =	ssyncadd.s32 $0xFFFFC000  }
0x48: {  	[spmem:s1] =	stream.indirect.scatter.add.f32 [tilespmem:s20], [sflag:$0x3], $0x80, s5, s23, $0xb8;
	[tilespmem:$0x1E400] =	vst v63  }
0x49: {  	_ =	swait.ge [sflag:s21], $0x4000  }
0x4a: {  	[sflag:s21] =	ssyncset.done $0x0  }
0x4b: {  	s2 =	simm.s32 $0x100;
	[sflag:s21] =	ssyncadd.s32 $0xFFFFC000  }
0x4c: {  	[tilespmem:s20], [sflag:$0x1] =	stream.indirect.gather [hbm4b:s11+s23], $0x80, s2, s23, $0xb8;
	[tilespmem:$0x1E400] =	vst v63  }
0x4d: {  	_ =	swait.ge [sflag:s29], $0x4000  }
0x4e: {  	[sflag:s29] =	ssyncset.done $0x0  }
0x4f: {  	s5 =	simm.s32 $0x1480;
	[sflag:s29] =	ssyncadd.s32 $0xFFFFC000  }
0x50: {  	[spmem:s1] =	stream.indirect.scatter.add.f32 [tilespmem:s26], [sflag:$0x3], $0x80, s5, s23, $0xb8;
	[tilespmem:$0x1E400] =	vst v63  }
0x51: {  	_ =	swait.ge [sflag:s21], $0x4000  }
0x52: {  	[sflag:s21] =	ssyncset.done $0x0  }
0x53: {  	s0 =	simm.s32 $0x400;
	s2 =	simm.s32 $0x180;
	[sflag:s21] =	ssyncadd.s32 $0xFFFFC000  }
.LBB2_4:
0x54: {  	[tilespmem:s26], [sflag:$0x2] =	stream.indirect.gather [hbm4b:s11+s23], $0x80, s2, s23, $0xb8;
	[tilespmem:$0x1E400] =	vst v63  }
0x55: {  	s2 =	smov.u32 s0  }
0x56: {  	p1 =	sne.s32 s0, $0x4800;
	s0 =	sadd.s32 $0x400, s0;
	_ =	swait.ge [sflag:s28], $0x4000  }
0x57: {  	s2 =	sshra.s32 s2, $0x2;
	[sflag:s28] =	ssyncset.done $0x0  }
0x58: {  	s5 =	sadd.s32 $0x1400, s2;
	[sflag:s28] =	ssyncadd.s32 $0xFFFFC000  }
0x59: {  	[spmem:s1] =	stream.indirect.scatter.add.f32 [tilespmem:s20], [sflag:$0x3], $0x80, s5, s23, $0xb8;
	[tilespmem:$0x1E400] =	vst v63  }
0x5a: {  	_ =	swait.ge [sflag:s21], $0x4000  }
0x5b: {  	[sflag:s21] =	ssyncset.done $0x0  }
0x5c: {  	s5 =	sadd.s32 $0x100, s2;
	[sflag:s21] =	ssyncadd.s32 $0xFFFFC000  }
0x5d: {  	[tilespmem:s20], [sflag:$0x1] =	stream.indirect.gather [hbm4b:s11+s23], $0x80, s5, s23, $0xb8;
	[tilespmem:$0x1E400] =	vst v63  }
0x5e: {  	_ =	swait.ge [sflag:s29], $0x4000  }
0x5f: {  	[sflag:s29] =	ssyncset.done $0x0  }
.Ltmp1:
0x60: {  	s5 =	sadd.s32 $0x1480, s2;
	[sflag:s29] =	ssyncadd.s32 $0xFFFFC000;
	(pc) =	sbr.rel @p1 .LBB2_4-.Ltmp1, $4  }
0x61: {  	[spmem:s1] =	stream.indirect.scatter.add.f32 [tilespmem:s26], [sflag:$0x3], $0x80, s5, s23, $0xb8;
	[tilespmem:$0x1E400] =	vst v63  }
0x62: {  	_ =	swait.ge [sflag:s21], $0x4000  }
0x63: {  	[sflag:s21] =	ssyncset.done $0x0  }
0x64: {  	s2 =	sadd.s32 $0x180, s2;
	[sflag:s21] =	ssyncadd.s32 $0xFFFFC000  }
0x65: {  	[tilespmem:s26], [sflag:$0x2] =	stream.indirect.gather [hbm4b:s11+s23], $0x80, s2, s23, $0xb8;
	[tilespmem:$0x1E400] =	vst v63  }
0x66: {  	_ =	swait.ge [sflag:s28], $0x4000  }
0x67: {  	[sflag:s28] =	ssyncset.done $0x0  }
0x68: {  	[sflag:s28] =	ssyncadd.s32 $0xFFFFC000  }
0x69: {  	[spmem:s1] =	stream.indirect.scatter.add.f32 [tilespmem:s20], [sflag:$0x3], $0x80, s30, s23, $0xb8;
	[tilespmem:$0x1E400] =	vst v63  }
0x6a: {  	_ =	swait.ge [sflag:s21], $0x4000  }
0x6b: {  	[sflag:s21] =	ssyncset.done $0x0  }
0x6c: {  	[sflag:s21] =	ssyncadd.s32 $0xFFFFC000  }
0x6d: {  	_ =	swait.ge [sflag:s29], $0x4000  }
0x6e: {  	[sflag:s29] =	ssyncset.done $0x0  }
0x6f: {  	[sflag:s29] =	ssyncadd.s32 $0xFFFFC000  }
0x70: {  	[spmem:s1] =	stream.indirect.scatter.add.f32 [tilespmem:s26], [sflag:$0x3], $0x80, s31, s23, $0xb8;
	[tilespmem:$0x1E400] =	vst v63  }
0x71: {  	_ =	swait.ge [sflag:s21], $0x4000  }
0x72: {  	[sflag:s21] =	ssyncset.done $0x0  }
0x73: {  	s0 =	simm.s32 $0x0;
	[sflag:s21] =	ssyncadd.s32 $0xFFFFC000  }
0x74: {  	[tilespmem:s0], [sflag:$0x3] =	stream.linear.gather [hbm4b:s12+s0], $0x1400, $0x38;
	[tilespmem:$0x1E400] =	vst v63  }
0x75: {  	_ =	swait.ge [sflag:s21], $0x1400  }
0x76: {  	[sflag:s21] =	ssyncset.done $0x0  }
0x77: {  	[sflag:s21] =	ssyncadd.s32 $0xFFFFEC00  }
0x78: {  	[tilespmem:s22], [sflag:$0x3] =	stream.linear.gather [hbm4b:s13+s0], $0x1400, $0x38;
	[tilespmem:$0x1E400] =	vst v63  }
0x79: {  	_ =	swait.ge [sflag:s21], $0x1400  }
0x7a: {  	[sflag:s21] =	ssyncset.done $0x0  }
0x7b: {  	[sflag:s21] =	ssyncadd.s32 $0xFFFFEC00  }
0x7c: {  	[tilespmem:s20], [sflag:$0x1] =	stream.indirect.gather [hbm4b:s11+s23], $0x80, s0, s23, $0xb8;
	[tilespmem:$0x1E400] =	vst v63  }
0x7d: {  	_ = 	snop  }
0x7e: {  	[tilespmem:s26], [sflag:$0x2] =	stream.indirect.gather [hbm4b:s11+s23], $0x80, s23, s23, $0xb8;
	[tilespmem:$0x1E400] =	vst v63  }
0x7f: {  	_ =	swait.ge [sflag:s28], $0x4000  }
0x80: {  	[sflag:s28] =	ssyncset.done $0x0  }
0x81: {  	s5 =	simm.s32 $0x1400;
	[sflag:s28] =	ssyncadd.s32 $0xFFFFC000  }
0x82: {  	[spmem:s1] =	stream.indirect.scatter.add.f32 [tilespmem:s20], [sflag:$0x3], $0x80, s5, s23, $0xb8;
	[tilespmem:$0x1E400] =	vst v63  }
0x83: {  	_ =	swait.ge [sflag:s21], $0x4000  }
0x84: {  	[sflag:s21] =	ssyncset.done $0x0  }
0x85: {  	s2 =	simm.s32 $0x100;
	[sflag:s21] =	ssyncadd.s32 $0xFFFFC000  }
0x86: {  	[tilespmem:s20], [sflag:$0x1] =	stream.indirect.gather [hbm4b:s11+s23], $0x80, s2, s23, $0xb8;
	[tilespmem:$0x1E400] =	vst v63  }
0x87: {  	_ =	swait.ge [sflag:s29], $0x4000  }
0x88: {  	[sflag:s29] =	ssyncset.done $0x0  }
0x89: {  	s5 =	simm.s32 $0x1480;
	[sflag:s29] =	ssyncadd.s32 $0xFFFFC000  }
0x8a: {  	[spmem:s1] =	stream.indirect.scatter.add.f32 [tilespmem:s26], [sflag:$0x3], $0x80, s5, s23, $0xb8;
	[tilespmem:$0x1E400] =	vst v63  }
0x8b: {  	_ =	swait.ge [sflag:s21], $0x4000  }
0x8c: {  	[sflag:s21] =	ssyncset.done $0x0  }
0x8d: {  	s0 =	simm.s32 $0x400;
	s2 =	simm.s32 $0x180;
	[sflag:s21] =	ssyncadd.s32 $0xFFFFC000  }
.LBB2_6:
0x8e: {  	[tilespmem:s26], [sflag:$0x2] =	stream.indirect.gather [hbm4b:s11+s23], $0x80, s2, s23, $0xb8;
	[tilespmem:$0x1E400] =	vst v63  }
0x8f: {  	s2 =	smov.u32 s0  }
0x90: {  	p1 =	sne.s32 s0, $0x4800;
	s0 =	sadd.s32 $0x400, s0;
	_ =	swait.ge [sflag:s28], $0x4000  }
0x91: {  	s2 =	sshra.s32 s2, $0x2;
	[sflag:s28] =	ssyncset.done $0x0  }
0x92: {  	s5 =	sadd.s32 $0x1400, s2;
	[sflag:s28] =	ssyncadd.s32 $0xFFFFC000  }
0x93: {  	[spmem:s1] =	stream.indirect.scatter.add.f32 [tilespmem:s20], [sflag:$0x3], $0x80, s5, s23, $0xb8;
	[tilespmem:$0x1E400] =	vst v63  }
0x94: {  	_ =	swait.ge [sflag:s21], $0x4000  }
0x95: {  	[sflag:s21] =	ssyncset.done $0x0  }
0x96: {  	s5 =	sadd.s32 $0x100, s2;
	[sflag:s21] =	ssyncadd.s32 $0xFFFFC000  }
0x97: {  	[tilespmem:s20], [sflag:$0x1] =	stream.indirect.gather [hbm4b:s11+s23], $0x80, s5, s23, $0xb8;
	[tilespmem:$0x1E400] =	vst v63  }
0x98: {  	_ =	swait.ge [sflag:s29], $0x4000  }
0x99: {  	[sflag:s29] =	ssyncset.done $0x0  }
.Ltmp2:
0x9a: {  	s5 =	sadd.s32 $0x1480, s2;
	[sflag:s29] =	ssyncadd.s32 $0xFFFFC000;
	(pc) =	sbr.rel @p1 .LBB2_6-.Ltmp2, $4  }
0x9b: {  	[spmem:s1] =	stream.indirect.scatter.add.f32 [tilespmem:s26], [sflag:$0x3], $0x80, s5, s23, $0xb8;
	[tilespmem:$0x1E400] =	vst v63  }
0x9c: {  	_ =	swait.ge [sflag:s21], $0x4000  }
0x9d: {  	[sflag:s21] =	ssyncset.done $0x0  }
0x9e: {  	s2 =	sadd.s32 $0x180, s2;
	[sflag:s21] =	ssyncadd.s32 $0xFFFFC000  }
0x9f: {  	[tilespmem:s26], [sflag:$0x2] =	stream.indirect.gather [hbm4b:s11+s23], $0x80, s2, s23, $0xb8;
	[tilespmem:$0x1E400] =	vst v63  }
0xa0: {  	_ =	swait.ge [sflag:s28], $0x4000  }
0xa1: {  	[sflag:s28] =	ssyncset.done $0x0  }
0xa2: {  	[sflag:s28] =	ssyncadd.s32 $0xFFFFC000  }
0xa3: {  	[spmem:s1] =	stream.indirect.scatter.add.f32 [tilespmem:s20], [sflag:$0x3], $0x80, s30, s23, $0xb8;
	[tilespmem:$0x1E400] =	vst v63  }
0xa4: {  	_ =	swait.ge [sflag:s21], $0x4000  }
0xa5: {  	[sflag:s21] =	ssyncset.done $0x0  }
0xa6: {  	[sflag:s21] =	ssyncadd.s32 $0xFFFFC000  }
0xa7: {  	_ =	swait.ge [sflag:s29], $0x4000  }
0xa8: {  	[sflag:s29] =	ssyncset.done $0x0  }
0xa9: {  	[sflag:s29] =	ssyncadd.s32 $0xFFFFC000  }
0xaa: {  	[spmem:s1] =	stream.indirect.scatter.add.f32 [tilespmem:s26], [sflag:$0x3], $0x80, s31, s23, $0xb8;
	[tilespmem:$0x1E400] =	vst v63  }
0xab: {  	_ =	swait.ge [sflag:s21], $0x4000  }
0xac: {  	[sflag:s21] =	ssyncset.done $0x0  }
0xad: {  	s0 =	simm.s32 $0x0;
	[sflag:s21] =	ssyncadd.s32 $0xFFFFC000  }
0xae: {  	[tilespmem:s0], [sflag:$0x3] =	stream.linear.gather [hbm4b:s14+s0], $0x1400, $0x38;
	[tilespmem:$0x1E400] =	vst v63  }
0xaf: {  	_ =	swait.ge [sflag:s21], $0x1400  }
0xb0: {  	[sflag:s21] =	ssyncset.done $0x0  }
0xb1: {  	[sflag:s21] =	ssyncadd.s32 $0xFFFFEC00  }
0xb2: {  	[tilespmem:s22], [sflag:$0x3] =	stream.linear.gather [hbm4b:s15+s0], $0x1400, $0x38;
	[tilespmem:$0x1E400] =	vst v63  }
0xb3: {  	_ =	swait.ge [sflag:s21], $0x1400  }
0xb4: {  	[sflag:s21] =	ssyncset.done $0x0  }
0xb5: {  	[sflag:s21] =	ssyncadd.s32 $0xFFFFEC00  }
0xb6: {  	[tilespmem:s20], [sflag:$0x1] =	stream.indirect.gather [hbm4b:s11+s23], $0x80, s0, s23, $0xb8;
	[tilespmem:$0x1E400] =	vst v63  }
0xb7: {  	_ = 	snop  }
0xb8: {  	[tilespmem:s26], [sflag:$0x2] =	stream.indirect.gather [hbm4b:s11+s23], $0x80, s23, s23, $0xb8;
	[tilespmem:$0x1E400] =	vst v63  }
0xb9: {  	_ =	swait.ge [sflag:s28], $0x4000  }
0xba: {  	[sflag:s28] =	ssyncset.done $0x0  }
0xbb: {  	s5 =	simm.s32 $0x1400;
	[sflag:s28] =	ssyncadd.s32 $0xFFFFC000  }
0xbc: {  	[spmem:s1] =	stream.indirect.scatter.add.f32 [tilespmem:s20], [sflag:$0x3], $0x80, s5, s23, $0xb8;
	[tilespmem:$0x1E400] =	vst v63  }
0xbd: {  	_ =	swait.ge [sflag:s21], $0x4000  }
0xbe: {  	[sflag:s21] =	ssyncset.done $0x0  }
0xbf: {  	s2 =	simm.s32 $0x100;
	[sflag:s21] =	ssyncadd.s32 $0xFFFFC000  }
0xc0: {  	[tilespmem:s20], [sflag:$0x1] =	stream.indirect.gather [hbm4b:s11+s23], $0x80, s2, s23, $0xb8;
	[tilespmem:$0x1E400] =	vst v63  }
0xc1: {  	_ =	swait.ge [sflag:s29], $0x4000  }
0xc2: {  	[sflag:s29] =	ssyncset.done $0x0  }
0xc3: {  	s5 =	simm.s32 $0x1480;
	[sflag:s29] =	ssyncadd.s32 $0xFFFFC000  }
0xc4: {  	[spmem:s1] =	stream.indirect.scatter.add.f32 [tilespmem:s26], [sflag:$0x3], $0x80, s5, s23, $0xb8;
	[tilespmem:$0x1E400] =	vst v63  }
0xc5: {  	_ =	swait.ge [sflag:s21], $0x4000  }
0xc6: {  	[sflag:s21] =	ssyncset.done $0x0  }
0xc7: {  	s0 =	simm.s32 $0x400;
	s2 =	simm.s32 $0x180;
	[sflag:s21] =	ssyncadd.s32 $0xFFFFC000  }
.LBB2_8:
0xc8: {  	[tilespmem:s26], [sflag:$0x2] =	stream.indirect.gather [hbm4b:s11+s23], $0x80, s2, s23, $0xb8;
	[tilespmem:$0x1E400] =	vst v63  }
0xc9: {  	s2 =	smov.u32 s0  }
0xca: {  	p1 =	sne.s32 s0, $0x4800;
	s0 =	sadd.s32 $0x400, s0;
	_ =	swait.ge [sflag:s28], $0x4000  }
0xcb: {  	s2 =	sshra.s32 s2, $0x2;
	[sflag:s28] =	ssyncset.done $0x0  }
0xcc: {  	s5 =	sadd.s32 $0x1400, s2;
	[sflag:s28] =	ssyncadd.s32 $0xFFFFC000  }
0xcd: {  	[spmem:s1] =	stream.indirect.scatter.add.f32 [tilespmem:s20], [sflag:$0x3], $0x80, s5, s23, $0xb8;
	[tilespmem:$0x1E400] =	vst v63  }
0xce: {  	_ =	swait.ge [sflag:s21], $0x4000  }
0xcf: {  	[sflag:s21] =	ssyncset.done $0x0  }
0xd0: {  	s5 =	sadd.s32 $0x100, s2;
	[sflag:s21] =	ssyncadd.s32 $0xFFFFC000  }
0xd1: {  	[tilespmem:s20], [sflag:$0x1] =	stream.indirect.gather [hbm4b:s11+s23], $0x80, s5, s23, $0xb8;
	[tilespmem:$0x1E400] =	vst v63  }
0xd2: {  	_ =	swait.ge [sflag:s29], $0x4000  }
0xd3: {  	[sflag:s29] =	ssyncset.done $0x0  }
.Ltmp3:
0xd4: {  	s5 =	sadd.s32 $0x1480, s2;
	[sflag:s29] =	ssyncadd.s32 $0xFFFFC000;
	(pc) =	sbr.rel @p1 .LBB2_8-.Ltmp3, $4  }
0xd5: {  	[spmem:s1] =	stream.indirect.scatter.add.f32 [tilespmem:s26], [sflag:$0x3], $0x80, s5, s23, $0xb8;
	[tilespmem:$0x1E400] =	vst v63  }
0xd6: {  	_ =	swait.ge [sflag:s21], $0x4000  }
0xd7: {  	[sflag:s21] =	ssyncset.done $0x0  }
0xd8: {  	s2 =	sadd.s32 $0x180, s2;
	[sflag:s21] =	ssyncadd.s32 $0xFFFFC000  }
0xd9: {  	[tilespmem:s26], [sflag:$0x2] =	stream.indirect.gather [hbm4b:s11+s23], $0x80, s2, s23, $0xb8;
	[tilespmem:$0x1E400] =	vst v63  }
0xda: {  	_ =	swait.ge [sflag:s28], $0x4000  }
0xdb: {  	[sflag:s28] =	ssyncset.done $0x0  }
0xdc: {  	[sflag:s28] =	ssyncadd.s32 $0xFFFFC000  }
0xdd: {  	[spmem:s1] =	stream.indirect.scatter.add.f32 [tilespmem:s20], [sflag:$0x3], $0x80, s30, s23, $0xb8;
	[tilespmem:$0x1E400] =	vst v63  }
0xde: {  	_ =	swait.ge [sflag:s21], $0x4000  }
0xdf: {  	[sflag:s21] =	ssyncset.done $0x0  }
0xe0: {  	[sflag:s21] =	ssyncadd.s32 $0xFFFFC000  }
0xe1: {  	_ =	swait.ge [sflag:s29], $0x4000  }
0xe2: {  	[sflag:s29] =	ssyncset.done $0x0  }
0xe3: {  	[sflag:s29] =	ssyncadd.s32 $0xFFFFC000  }
0xe4: {  	[spmem:s1] =	stream.indirect.scatter.add.f32 [tilespmem:s26], [sflag:$0x3], $0x80, s31, s23, $0xb8;
	[tilespmem:$0x1E400] =	vst v63  }
0xe5: {  	_ =	swait.ge [sflag:s21], $0x4000  }
0xe6: {  	[sflag:s21] =	ssyncset.done $0x0  }
0xe7: {  	s0 =	simm.s32 $0x0;
	[sflag:s21] =	ssyncadd.s32 $0xFFFFC000  }
0xe8: {  	[tilespmem:s0], [sflag:$0x3] =	stream.linear.gather [hbm4b:s16+s0], $0x1400, $0x38;
	[tilespmem:$0x1E400] =	vst v63  }
0xe9: {  	_ =	swait.ge [sflag:s21], $0x1400  }
0xea: {  	[sflag:s21] =	ssyncset.done $0x0  }
0xeb: {  	[sflag:s21] =	ssyncadd.s32 $0xFFFFEC00  }
0xec: {  	[tilespmem:s22], [sflag:$0x3] =	stream.linear.gather [hbm4b:s17+s0], $0x1400, $0x38;
	[tilespmem:$0x1E400] =	vst v63  }
0xed: {  	_ =	swait.ge [sflag:s21], $0x1400  }
0xee: {  	[sflag:s21] =	ssyncset.done $0x0  }
0xef: {  	[sflag:s21] =	ssyncadd.s32 $0xFFFFEC00  }
0xf0: {  	[tilespmem:s20], [sflag:$0x1] =	stream.indirect.gather [hbm4b:s11+s23], $0x80, s0, s23, $0xb8;
	[tilespmem:$0x1E400] =	vst v63  }
0xf1: {  	_ = 	snop  }
0xf2: {  	[tilespmem:s26], [sflag:$0x2] =	stream.indirect.gather [hbm4b:s11+s23], $0x80, s23, s23, $0xb8;
	[tilespmem:$0x1E400] =	vst v63  }
0xf3: {  	_ =	swait.ge [sflag:s28], $0x4000  }
0xf4: {  	[sflag:s28] =	ssyncset.done $0x0  }
0xf5: {  	s5 =	simm.s32 $0x1400;
	[sflag:s28] =	ssyncadd.s32 $0xFFFFC000  }
0xf6: {  	[spmem:s1] =	stream.indirect.scatter.add.f32 [tilespmem:s20], [sflag:$0x3], $0x80, s5, s23, $0xb8;
	[tilespmem:$0x1E400] =	vst v63  }
0xf7: {  	_ =	swait.ge [sflag:s21], $0x4000  }
0xf8: {  	[sflag:s21] =	ssyncset.done $0x0  }
0xf9: {  	s2 =	simm.s32 $0x100;
	[sflag:s21] =	ssyncadd.s32 $0xFFFFC000  }
0xfa: {  	[tilespmem:s20], [sflag:$0x1] =	stream.indirect.gather [hbm4b:s11+s23], $0x80, s2, s23, $0xb8;
	[tilespmem:$0x1E400] =	vst v63  }
0xfb: {  	_ =	swait.ge [sflag:s29], $0x4000  }
0xfc: {  	[sflag:s29] =	ssyncset.done $0x0  }
0xfd: {  	s5 =	simm.s32 $0x1480;
	[sflag:s29] =	ssyncadd.s32 $0xFFFFC000  }
0xfe: {  	[spmem:s1] =	stream.indirect.scatter.add.f32 [tilespmem:s26], [sflag:$0x3], $0x80, s5, s23, $0xb8;
	[tilespmem:$0x1E400] =	vst v63  }
0xff: {  	_ =	swait.ge [sflag:s21], $0x4000  }
0x100: {  	[sflag:s21] =	ssyncset.done $0x0  }
0x101: {  	s0 =	simm.s32 $0x400;
	s2 =	simm.s32 $0x180;
	[sflag:s21] =	ssyncadd.s32 $0xFFFFC000  }
.LBB2_10:
0x102: {  	[tilespmem:s26], [sflag:$0x2] =	stream.indirect.gather [hbm4b:s11+s23], $0x80, s2, s23, $0xb8;
	[tilespmem:$0x1E400] =	vst v63  }
0x103: {  	s2 =	smov.u32 s0  }
0x104: {  	p1 =	sne.s32 s0, $0x4800;
	s0 =	sadd.s32 $0x400, s0;
	_ =	swait.ge [sflag:s28], $0x4000  }
0x105: {  	s2 =	sshra.s32 s2, $0x2;
	[sflag:s28] =	ssyncset.done $0x0  }
0x106: {  	s5 =	sadd.s32 $0x1400, s2;
	[sflag:s28] =	ssyncadd.s32 $0xFFFFC000  }
0x107: {  	[spmem:s1] =	stream.indirect.scatter.add.f32 [tilespmem:s20], [sflag:$0x3], $0x80, s5, s23, $0xb8;
	[tilespmem:$0x1E400] =	vst v63  }
0x108: {  	_ =	swait.ge [sflag:s21], $0x4000  }
0x109: {  	[sflag:s21] =	ssyncset.done $0x0  }
0x10a: {  	s5 =	sadd.s32 $0x100, s2;
	[sflag:s21] =	ssyncadd.s32 $0xFFFFC000  }
0x10b: {  	[tilespmem:s20], [sflag:$0x1] =	stream.indirect.gather [hbm4b:s11+s23], $0x80, s5, s23, $0xb8;
	[tilespmem:$0x1E400] =	vst v63  }
0x10c: {  	_ =	swait.ge [sflag:s29], $0x4000  }
0x10d: {  	[sflag:s29] =	ssyncset.done $0x0  }
.Ltmp4:
0x10e: {  	s5 =	sadd.s32 $0x1480, s2;
	[sflag:s29] =	ssyncadd.s32 $0xFFFFC000;
	(pc) =	sbr.rel @p1 .LBB2_10-.Ltmp4, $4  }
0x10f: {  	[spmem:s1] =	stream.indirect.scatter.add.f32 [tilespmem:s26], [sflag:$0x3], $0x80, s5, s23, $0xb8;
	[tilespmem:$0x1E400] =	vst v63  }
0x110: {  	_ =	swait.ge [sflag:s21], $0x4000  }
0x111: {  	[sflag:s21] =	ssyncset.done $0x0  }
0x112: {  	s2 =	sadd.s32 $0x180, s2;
	[sflag:s21] =	ssyncadd.s32 $0xFFFFC000  }
0x113: {  	[tilespmem:s26], [sflag:$0x2] =	stream.indirect.gather [hbm4b:s11+s23], $0x80, s2, s23, $0xb8;
	[tilespmem:$0x1E400] =	vst v63  }
0x114: {  	_ =	swait.ge [sflag:s28], $0x4000  }
0x115: {  	[sflag:s28] =	ssyncset.done $0x0  }
0x116: {  	[sflag:s28] =	ssyncadd.s32 $0xFFFFC000  }
0x117: {  	[spmem:s1] =	stream.indirect.scatter.add.f32 [tilespmem:s20], [sflag:$0x3], $0x80, s30, s23, $0xb8;
	[tilespmem:$0x1E400] =	vst v63  }
0x118: {  	_ =	swait.ge [sflag:s21], $0x4000  }
0x119: {  	[sflag:s21] =	ssyncset.done $0x0  }
0x11a: {  	[sflag:s21] =	ssyncadd.s32 $0xFFFFC000  }
0x11b: {  	_ =	swait.ge [sflag:s29], $0x4000  }
0x11c: {  	[sflag:s29] =	ssyncset.done $0x0  }
0x11d: {  	[sflag:s29] =	ssyncadd.s32 $0xFFFFC000  }
0x11e: {  	[spmem:s1] =	stream.indirect.scatter.add.f32 [tilespmem:s26], [sflag:$0x3], $0x80, s31, s23, $0xb8;
	[tilespmem:$0x1E400] =	vst v63  }
0x11f: {  	_ =	swait.ge [sflag:s21], $0x4000  }
0x120: {  	[sflag:s21] =	ssyncset.done $0x0  }
0x121: {  	[sflag:s21] =	ssyncadd.s32 $0xFFFFC000  }
0x122: {  	s0 =	sadd.s32 @p0 $0x25080, s18;
	s2 =	simm.s32 @p0 $0x1FC3;
	[bflag:$0x0] =	sbarrier.arrive $0xFFFF  }
0x123: {  	[hbm:s0], [sflag:s2] =	dma.local @p0 [spmem:s24], $0x2080  }
0x124: {  	s0 =	simm.s32 @p0 $0x3  }
0x125: {  	s3 =	sadd.s32 $0x1, s3;
	s2 =	stileid.u32;
	_ =	swait.ge @p0 [sflag:s0], $0x2080  }
0x126: {  	p1 =	sne.s32 s3, s19;
	s2 =	sshll.u32 @!p0 s2, $0x6;
	[sflag:s0] =	ssyncset.done @p0 $0x0  }
0x127: {  	[sflag:s0] =	ssyncadd.s32 @p0 $0xFFFFDF80;
	s0 =	sor.u32 @!p0 $0x1C03, s2;
	s2 =	sshrl.u32 @!p0 s4, $0x3  }
0x128: {  	[hbm:s25], [sflag:s0] =	dma.local @!p0 [spmem:s2], $0x2780  }
.Ltmp5:
0x129: {  	_ = 	snop;
	(pc) =	sbr.rel @p1 .LBB2_1-.Ltmp5, $4  }
0x12a: {  	s0 =	simm.s32 @!p0 $0x3  }
0x12b: {  	_ =	swait.ge @!p0 [sflag:s0], $0x2780  }
0x12c: {  	[sflag:s0] =	ssyncset.done @!p0 $0x0  }
0x12d: {  	[sflag:s0] =	ssyncadd.s32 @!p0 $0xFFFFD880  }
0x12e: {  	_ =	sfence.sel $0x180000  }
0x12f: {  	[bflag:$0x0] =	sbarrier.arrive $0xFFFF  }
0x130: {  	_ =	strace $0x9000004A  }
0x131: {  	s0 =	stileid.u32;
	[bflag:$0x2] =	sbarrier.arrive $0xFFFF  }
0x132: {  	p0 =	sne.s32 s0, $0x0;
	s0 =	rddreg [dreg:$0x2]  }
0x133: {  	s0 =	sadd.s32 @!p0 $0x100000, s0  }
0x134: {  	[sflag:s0] =	ssyncadd.tile.s32 @!p0 $0x1;
	_ =	shalt  }
.Lfunc_end2:
_tile_overlayer_lowered:
.L_overlay_start_2:
0x135: {  	(tag) =	ssettag $0x2  }
0x136: {  	s0 =	rddreg [dreg:$0x0];
	s2 =	stileid.u32  }
0x137: {  	s1 =	rddreg [dreg:$0x1];
	p0 =	sne.s32 s2, $0x0  }
0x138: {  	s3 =	rddreg [dreg:$0x2];
	[bflag:$0x3] =	sbarrier.arrive $0xFFFF;
	s2 =	simm.s32 @!p0 $0x1C03  }
0x139: {  	[timem:s3], [sflag:s2] =	dma.local @!p0 [hbm:s0], s1  }
0x13a: {  	s0 =	simm.s32 @!p0 $0x3  }
0x13b: {  	_ =	swait.ge @!p0 [sflag:s0], s1  }
0x13c: {  	s1 =	ssub.s32 @!p0 $0x0, s1;
	[sflag:s0] =	ssyncset.done @!p0 $0x0  }
0x13d: {  	[sflag:s0] =	ssyncadd.s32 @!p0 s1  }
0x13e: {  	[bflag:$0x3] =	sbarrier.arrive $0xFFFF  }
0x13f: {  	_ =	shalt  }

// kernel: kernel.14.cloned.1.call-start
scs
__scs_entry_jumppad:
0x0: {  	(pc) =	sbr.rel $0x88, $3  }
0x1: {  	(tag) =	ssettag $0x0;
	lr =	simm.s32 $0x1  }
0x2: {  	[smem:$0x3F9B] =	sst lr;
	_ =	strace $0xD0000000  }
0x3: {  	_ = 	snop  }
0x4: {  	_ = 	snop  }
0x5: {  	_ = 	snop  }
0x6: {  	_ = 	snop  }
0x7: {  	_ = 	snop  }
__scs_overlays_trampoline_lowered:
0x8: {  	[smem:$0x3FAA] =	sst s0  }
0x9: {  	[smem:$0x3FAB] =	sst s1  }
0xa: {  	[smem:$0x3FAC] =	sst s2  }
0xb: {  	[smem:$0x3FAD] =	sst s3  }
0xc: {  	[smem:$0x3FAE] =	sst s4  }
0xd: {  	[smem:$0x3FAF] =	sst s5  }
0xe: {  	[smem:$0x3FB0] =	sst s6  }
0xf: {  	[smem:$0x3FB1] =	sst s7  }
0x10: {  	[smem:$0x3FB2] =	sst s8  }
0x11: {  	[smem:$0x3FB3] =	sst s9;
	s0 =	simm.s32 @!p0 $0x0  }
0x12: {  	s1 =	sld [smem:$0x3F99];
	s0 =	simm.s32 @p0 $0x1  }
0x13: {  	[smem:$0x3FB4] =	sst s0;
	s0 =	simm.s32 @!p1 $0x0  }
0x14: {  	s2 =	sld [smem:$0x3F98];
	s0 =	simm.s32 @p1 $0x1  }
0x15: {  	[smem:$0x3FB5] =	sst s0;
	s0 =	simm.s32 @!p2 $0x0  }
0x16: {  	s3 =	sld [smem:$0x3FDB];
	s0 =	simm.s32 @p2 $0x1  }
0x17: {  	s4 =	simm.s32 $0x1BF5;
	[smem:$0x3FB7] =	sst s0  }
0x18: {  	s0 =	sld [smem:$0x3F9A];
	_ =	swait.ge [sflag:s4], $0x0  }
0x19: {  	s7 =	sld [smem:$0x3F9B]  }
0x1a: {  	s8 =	sadd.s32 $0xFFFFE003, lr  }
0x1b: {  	s9 =	sadd.s32 $0xFFFFFEF7, lr;
	s5 =	simm.s32 $0xFFFFFFFF;
	p2 =	slt.u32 s8, $0xFFFFF086  }
0x1c: {  	p1 =	slt.u32 s9, $0xF7A;
	s5 =	simm.s32 @!p2 $0x0  }
0x1d: {  	s5 =	simm.s32 @p1 $0x1;
	p0 =	seq.s32 s7, s2  }
0x1e: {  	s7 =	smul.u32 @!p0 $0xF7A, s2;
	p2 =	seq.s32 @!p0 s5, $0x0  }
0x1f: {  	s9 =	smul.u32 $0xF7A, s1;
	s8 =	simm.s32 @!p0 $0x1BF5;
	p2 =	por !p2, p0  }
0x20: {  	[sflag:s8] =	ssyncset.s32 @!p0 $0xFFFFF086;
	s6 =	sadd.s32 @!p0 s3, s7;
	s7 =	simm.s32 @!p0 $0x108  }
0x21: {  	s3 =	sadd.s32 s3, s9;
	s6 =	sadd.s32 @!p0 $0x88, s6;
	s7 =	simm.s32 @p2 $0x1082  }
0x22: {  	[simem:s7], [sflag:s8] =	dma.local @!p0 [hbm:s6], $0xF7A  }
0x23: {  	s9 =	sor.u32 $0xD0000000, s2;
	s6 =	simm.s32 $0x108;
	_ =	swait.ge @!p0 [sflag:s8], $0x0  }
0x24: {  	s3 =	sadd.s32 $0x88, s3;
	s6 =	simm.s32 @!p1 $0x1082;
	[sflag:s4] =	ssyncset.s32 $0xFFFFF086  }
0x25: {  	[simem:s6], [sflag:s4] =	dma.local [hbm:s3], $0xF7A  }
0x26: {  	[smem:$0x3F9B] =	sst s1;
	(tag) =	ssettag s2;
	_ =	strace s9  }
0x27: {  	s1 =	sld [smem:$0x3FAB]  }
0x28: {  	s2 =	sld [smem:$0x3FAC]  }
0x29: {  	s4 =	sld [smem:$0x3FAE]  }
0x2a: {  	p0 =	seq.s32 s5, $0x0;
	s5 =	sld [smem:$0x3FAF]  }
0x2b: {  	s6 =	sld [smem:$0x3FB0]  }
0x2c: {  	s7 =	sld [smem:$0x3FB1]  }
0x2d: {  	s3 =	simm.s32 $0x108;
	s8 =	sld [smem:$0x3FB2]  }
0x2e: {  	s3 =	simm.s32 @!p0 $0x1082;
	s9 =	sld [smem:$0x3FB3]  }
0x2f: {  	lr =	sadd.s32 s0, s3;
	s0 =	sld [smem:$0x3FAA]  }
0x30: {  	s3 =	sld [smem:$0x3FAD]  }
0x31: {  	[smem:$0x3FB6] =	sst s10  }
0x32: {  	s10 =	sld [smem:$0x3FB4];
	_ =	sdelay $0x3  }
0x33: {  	p0 =	seq.s32 s10, $0x1;
	s10 =	sld [smem:$0x3FB6];
	_ =	sdelay $0x3  }
0x34: {  	[smem:$0x3FB6] =	sst s10  }
0x35: {  	s10 =	sld [smem:$0x3FB5];
	_ =	sdelay $0x3  }
0x36: {  	p1 =	seq.s32 s10, $0x1;
	s10 =	sld [smem:$0x3FB6];
	_ =	sdelay $0x3  }
0x37: {  	[smem:$0x3FB6] =	sst s10  }
0x38: {  	s10 =	sld [smem:$0x3FB7]  }
0x39: {  	_ = 	snop;
	(pc) =	sbr.ind lr, $3  }
0x3a: {  	_ = 	snop  }
0x3b: {  	_ = 	snop  }
0x3c: {  	p2 =	seq.s32 s10, $0x1;
	s10 =	sld [smem:$0x3FB6]  }
0x3d: {  	_ =	shalt  }
0x3e: {  	_ =	shalt  }
0x3f: {  	_ =	shalt  }
0x40: {  	_ =	shalt  }
0x41: {  	_ =	shalt  }
0x42: {  	_ =	shalt  }
0x43: {  	_ =	shalt  }
0x44: {  	_ =	shalt  }
0x45: {  	_ =	shalt  }
0x46: {  	_ =	shalt  }
0x47: {  	_ =	shalt  }
0x48: {  	_ =	shalt  }
0x49: {  	_ =	shalt  }
0x4a: {  	_ =	shalt  }
0x4b: {  	_ =	shalt  }
0x4c: {  	_ =	shalt  }
0x4d: {  	_ =	shalt  }
0x4e: {  	_ =	shalt  }
0x4f: {  	_ =	shalt  }
0x50: {  	_ =	shalt  }
0x51: {  	_ =	shalt  }
0x52: {  	_ =	shalt  }
0x53: {  	_ =	shalt  }
0x54: {  	_ =	shalt  }
0x55: {  	_ =	shalt  }
0x56: {  	_ =	shalt  }
0x57: {  	_ =	shalt  }
0x58: {  	_ =	shalt  }
0x59: {  	_ =	shalt  }
0x5a: {  	_ =	shalt  }
0x5b: {  	_ =	shalt  }
0x5c: {  	_ =	shalt  }
0x5d: {  	_ =	shalt  }
0x5e: {  	_ =	shalt  }
0x5f: {  	_ =	shalt  }
0x60: {  	_ =	shalt  }
0x61: {  	_ =	shalt  }
0x62: {  	_ =	shalt  }
0x63: {  	_ =	shalt  }
0x64: {  	_ =	shalt  }
0x65: {  	_ =	shalt  }
0x66: {  	_ =	shalt  }
0x67: {  	_ =	shalt  }
0x68: {  	_ =	shalt  }
0x69: {  	_ =	shalt  }
0x6a: {  	_ =	shalt  }
0x6b: {  	_ =	shalt  }
0x6c: {  	_ =	shalt  }
0x6d: {  	_ =	shalt  }
0x6e: {  	_ =	shalt  }
0x6f: {  	_ =	shalt  }
0x70: {  	_ =	shalt  }
0x71: {  	_ =	shalt  }
0x72: {  	_ =	shalt  }
0x73: {  	_ =	shalt  }
0x74: {  	_ =	shalt  }
0x75: {  	_ =	shalt  }
0x76: {  	_ =	shalt  }
0x77: {  	_ =	shalt  }
0x78: {  	_ =	shalt  }
0x79: {  	_ =	shalt  }
0x7a: {  	_ =	shalt  }
0x7b: {  	_ =	shalt  }
0x7c: {  	_ =	shalt  }
0x7d: {  	_ =	shalt  }
0x7e: {  	_ =	shalt  }
0x7f: {  	_ =	shalt  }
0x80: {  	_ =	shalt  }
0x81: {  	_ =	shalt  }
0x82: {  	_ =	shalt  }
0x83: {  	_ =	shalt  }
0x84: {  	_ =	shalt  }
0x85: {  	_ =	shalt  }
0x86: {  	_ =	shalt  }
0x87: {  	_ =	shalt  }
.Lfunc_end0:
.L_simem_size_0:
called_computation.2_lowered:
.L_overlay_start_0:
0x88: {  	s2 =	sld [smem:$0x3FD9]  }
0x89: {  	s3 =	sld [smem:$0x3FFE];
	_ =	sdelay $0x1  }
0x8a: {  	s1 =	srdreg.scid  }
0x8b: {  	s0 =	sand.u32 $0x1, s1  }
0x8c: {  	s17 =	sshll.u32 s0, $0xA;
	s2 =	sadd.s32 s3, s2  }
0x8d: {  	s2 =	sadd.s32 s2, s17  }
0x8e: {  	[smem:$0x3FC2] =	sst s2  }
0x8f: {  	_ = 	snop  }
0x90: {  	s2 =	sld [smem:$0x3FD0];
	(tm) =	ssettm $0x1  }
0x91: {  	s18 =	sld [smem:$0x3FFB];
	_ =	sdelay $0x3  }
0x92: {  	_ =	strace s18  }
0x93: {  	s3 =	sld [smem:$0x3FFC];
	_ =	sdelay $0x3  }
0x94: {  	_ =	strace s3  }
0x95: {  	s3 =	sld [smem:$0x3FFD];
	_ =	sdelay $0x3  }
0x96: {  	_ =	strace s3  }
0x97: {  	_ =	strace $0x8FFFFFFF  }
0x98: {  	s19 =	sld [smem:$0x3FDB];
	_ =	sdelay $0x1  }
0x99: {  	s4 =	simm.s32 $_scs_section_size  }
0x9a: {  	s5 =	simm.s32 $_size__tile_overlayer_lowered;
	s6 =	simm.s32 $_tile_overlayer_lowered  }
0x9b: {  	s22 =	simm.s32 $0x1BFF;
	s21 =	sshll.u32 s6, $0x1;
	s3 =	sadd.s32 s4, s19  }
0x9c: {  	s7 =	simm.s32 $0x0;
	s20 =	sshll.u32 s5, $0x1;
	s5 =	sadd.s32 s21, s3  }
0x9d: {  	[timem:s7], [sflag:s22] =	dma.local [hbm:s5], s20  }
0x9e: {  	_ =	swait.ge [sflag:s22], s20  }
0x9f: {  	s4 =	ssub.s32 $0x0, s20;
	[sflag:s22] =	ssyncset.done $0x0  }
0xa0: {  	[sflag:s22] =	ssyncadd.s32 s4;
	_ =	sdelay $0x1  }
0xa1: {  	s23 =	simm.s32 $0x1B8B  }
0xa2: {  	_ =	swait.ge [sflag:s23], $0x1  }
0xa3: {  	[sflag:s23] =	ssyncset.done $0x0  }
0xa4: {  	s25 =	simm.s32 $0x1B8E;
	s24 =	sld [smem:$0x3FFE];
	[sflag:s23] =	ssyncadd.s32 $0xFFFFFFFF  }
0xa5: {  	s26 =	simm.s32 $execute0_lowered;
	[smem:$0x3FD2] =	sst s25  }
0xa6: {  	s5 =	sshll.u32 s26, $0x1;
	_ =	strace $0x8000004C;
	[dreg:$0x1] =	wrdreg $0xFFFFFFFF  }
0xa7: {  	s28 =	simm.s32 $_size_execute0_lowered;
	s3 =	sadd.s32 s3, s5;
	[dreg:$0x0] =	wrdreg $0x0  }
0xa8: {  	s5 =	sshll.u32 s28, $0x1;
	[dreg:$0x2] =	wrdreg s3  }
0xa9: {  	[dreg:$0x3] =	wrdreg s5  }
0xaa: {  	[dreg:$0x4] =	wrdreg $0xC0  }
0xab: {  	_ =	task [dreg:s7], $0x5FFFF  }
0xac: {  	[dreg:$0x1] =	wrdreg $0xFFFFFFFF  }
0xad: {  	[dreg:$0x0] =	wrdreg $0x60  }
0xae: {  	[dreg:$0x2] =	wrdreg s2  }
0xaf: {  	[dreg:$0x3] =	wrdreg s24  }
0xb0: {  	[dreg:$0x4] =	wrdreg $0xA8000  }
0xb1: {  	[dreg:$0x5] =	wrdreg $0x9  }
0xb2: {  	_ =	task.clear_ibuf [dreg:s7], $0x6FFFF;
	_ =	strace $0x9000004C  }
0xb3: {  	s29 =	simm.s32 $0x9;
	_ =	strace $0x8000004E  }
0xb4: {  	_ =	swait.ge [sflag:s29], $0x1  }
0xb5: {  	[sflag:s29] =	ssyncadd.s32 $0xFFFFFFFF  }
0xb6: {  	_ =	strace $0x9000004E  }
0xb7: {  	_ =	sfence  }
0xb8: {  	s30 =	sld [smem:$0x0];
	_ =	sdelay $0x2  }
0xb9: {  	s31 =	sshll.u32 s1, $0xD;
	s1 =	sshrl.u32 s1, $0x2  }
0xba: {  	s3 =	sand.u32 $0x4000, s31;
	s1 =	sadd.s32 s1, s30  }
0xbb: {  	s0 =	sor.u32 s3, s0;
	s1 =	sshll.u32 s1, $0x11  }
0xbc: {  	s0 =	sor.u32 s1, s0  }
0xbd: {  	s0 =	sadd.s32 $0x8F2B, s0  }
0xbe: {  	[sflag:s0] =	ssyncadd.remote.s32 $0x1  }
0xbf: {  	_ =	sfence.sel $0xFFFF  }
0xc0: {  	[dreg:$0x0] =	wrdreg $0xFFFFFFFF;
	(pc) =	sbr.abs _section_cstart, $3  }
0xc1: {  	[dreg:$0x1] =	wrdreg $0xFFFFFFFF  }
0xc2: {  	_ =	task.clear_ibuf [dreg:s7], $0x2FFFF;
	_ =	strace $0x9FFFFFFF  }
0xc3: {  	(tm) =	ssettm $0x7FFFFFFF  }
tec
execute0_lowered:
.L_overlay_start_1:
0x0: {  	(tag) =	ssettag $0x1  }
0x1: {  	s1 =	rddreg [dreg:$0x0]  }
0x2: {  	s5 =	rddreg [dreg:$0x1]  }
0x3: {  	s2 =	rddreg [dreg:$0x2]  }
0x4: {  	s0 =	rddreg [dreg:$0x3]  }
0x5: {  	s3 =	simm.s32 $0x0;
	s4 =	srdreg.scid;
	s17 =	simm.s32 $0x3  }
0x6: {  	s18 =	simm.s32 $0x1400;
	s19 =	simm.s32 $0x80;
	s20 =	simm.s32 $0x6800  }
0x7: {  	s21 =	simm.s32 $0x1;
	s22 =	simm.s32 $0x2;
	s23 =	simm.s32 $0x2700  }
0x8: {  	s26 =	simm.s32 $0x2780;
	[smem:$0x7FF] =	sst s3;
	s6 =	sand.u32 $0x1, s4  }
0x9: {  	s4 =	stileid.u32;
	s12 =	sadd.s32 $0xBA00, s5;
	s24 =	sadd.s32 $0x128400, s2  }
0xa: {  	s13 =	sadd.s32 $0x1A00, s5;
	s7 =	smul.u32 $0x27100, s6;
	_ =	strace $0x8000004D  }
0xb: {  	s8 =	smul.u32 $0x4F000, s4;
	s29 =	sshll.u32 s6, $0x4;
	s6 =	ssub.s32 $0x2, s6  }
0xc: {  	s25 =	smul.u32 $0x2780, s4;
	p0 =	seq.s32 s4, $0xF;
	s31 =	sor.u32 s4, s29  }
0xd: {  	s9 =	sshrl.u32 s6, $0x1;
	s24 =	sshrl.u32 @p0 s24, $0x3;
	s14 =	sadd.s32 s7, s5  }
0xe: {  	s30 =	sshrl.u32 s8, $0x2;
	s10 =	smul.u32 $0x2800, s31;
	s15 =	ssub.s32 s6, s9  }
0xf: {  	s5 =	sadd.s32 s30, s2;
	s14 =	sadd.s32 $0x15A00, s14;
	s15 =	smax.u32 s15, $0x1  }
0x10: {  	s6 =	sadd.s32 $0x4000, s5;
	s7 =	sadd.s32 $0x8000, s5;
	s8 =	sadd.s32 $0xC000, s5  }
0x11: {  	s9 =	sadd.s32 $0x10000, s5;
	s16 =	sshrl.u32 s10, $0x3;
	s25 =	sadd.s32 @!p0 s25, s14  }
0x12: {  	s10 =	sadd.s32 s12, s16;
	s11 =	sadd.s32 s13, s16;
	s16 =	sadd.s32 $0x280, s16  }
0x13: {  	v0 =	vimm.f32 $0.0e+00;
	s12 =	sadd.s32 s12, s16;
	s13 =	sadd.s32 s13, s16;
	s16 =	simm.s32 $0x2800  }
.LBB2_1:
0x14: {  	s28 =	simm.s32 $0x0;
	s29 =	simm.s32 $0x200  }
.LBB2_2:
0x15: {  	p1 =	sne.s32 s29, $0xFE00;
	[tilespmem:s28+$0x2870] =	vst v0  }
0x16: {  	[tilespmem:s28+$0x2800] =	vst v0  }
0x17: {  	[tilespmem:s28+$0x2810] =	vst v0  }
.Ltmp0:
0x18: {  	[tilespmem:s28+$0x2820] =	vst v0;
	(pc) =	sbr.rel @p1 .LBB2_2-.Ltmp0, $4  }
0x19: {  	[tilespmem:s28+$0x2830] =	vst v0  }
0x1a: {  	[tilespmem:s28+$0x2840] =	vst v0  }
0x1b: {  	[tilespmem:s28+$0x2850] =	vst v0  }
0x1c: {  	[tilespmem:s28+$0x2860] =	vst v0;
	s28 =	sshra.s32 s29, $0x2;
	s29 =	sadd.s32 $0x200, s29  }
0x1d: {  	[tilespmem:s28+$0x2870] =	vst v0  }
0x1e: {  	[tilespmem:s28+$0x2800] =	vst v0  }
0x1f: {  	[tilespmem:s28+$0x2810] =	vst v0  }
0x20: {  	[tilespmem:s28+$0x2820] =	vst v0  }
0x21: {  	[tilespmem:s28+$0x2830] =	vst v0  }
0x22: {  	[tilespmem:s28+$0x2840] =	vst v0  }
0x23: {  	[tilespmem:s28+$0x2850] =	vst v0  }
0x24: {  	[tilespmem:s28+$0x2860] =	vst v0  }
0x25: {  	[spmem:s5] =	stream.linear.scatter [tilespmem:s16], [sflag:$0x3], $0x4000, $0x38;
	[tilespmem:$0x1E400] =	vst v63  }
0x26: {  	_ =	swait.ge [sflag:s17], $0x4000  }
0x27: {  	[sflag:s17] =	ssyncset.done $0x0  }
0x28: {  	[sflag:s17] =	ssyncadd.s32 $0xFFFFC000  }
0x29: {  	[spmem:s6] =	stream.linear.scatter [tilespmem:s16], [sflag:$0x3], $0x4000, $0x38;
	[tilespmem:$0x1E400] =	vst v63  }
0x2a: {  	_ =	swait.ge [sflag:s17], $0x4000  }
0x2b: {  	[sflag:s17] =	ssyncset.done $0x0  }
0x2c: {  	[sflag:s17] =	ssyncadd.s32 $0xFFFFC000  }
0x2d: {  	[spmem:s7] =	stream.linear.scatter [tilespmem:s16], [sflag:$0x3], $0x4000, $0x38;
	[tilespmem:$0x1E400] =	vst v63  }
0x2e: {  	_ =	swait.ge [sflag:s17], $0x4000  }
0x2f: {  	[sflag:s17] =	ssyncset.done $0x0  }
0x30: {  	[sflag:s17] =	ssyncadd.s32 $0xFFFFC000  }
0x31: {  	[spmem:s8] =	stream.linear.scatter [tilespmem:s16], [sflag:$0x3], $0x4000, $0x38;
	[tilespmem:$0x1E400] =	vst v63  }
0x32: {  	_ =	swait.ge [sflag:s17], $0x4000  }
0x33: {  	[sflag:s17] =	ssyncset.done $0x0  }
0x34: {  	[sflag:s17] =	ssyncadd.s32 $0xFFFFC000  }
0x35: {  	[spmem:s9] =	stream.linear.scatter [tilespmem:s16], [sflag:$0x3], $0x3C00, $0x38;
	[tilespmem:$0x1E400] =	vst v63  }
0x36: {  	_ =	swait.ge [sflag:s17], $0x3C00  }
0x37: {  	[sflag:s17] =	ssyncset.done $0x0  }
0x38: {  	[sflag:s17] =	ssyncadd.s32 $0xFFFFC400  }
0x39: {  	s28 =	simm.s32 $0x0;
	[bflag:$0x0] =	sbarrier.arrive $0xFFFF  }
0x3a: {  	[tilespmem:s28], [sflag:$0x3] =	stream.linear.gather [hbm4b:s10+s28], $0x1400, $0x38;
	[tilespmem:$0x1E400] =	vst v63  }
0x3b: {  	_ =	swait.ge [sflag:s17], $0x1400  }
0x3c: {  	[sflag:s17] =	ssyncset.done $0x0  }
0x3d: {  	[sflag:s17] =	ssyncadd.s32 $0xFFFFEC00  }
0x3e: {  	[tilespmem:s18], [sflag:$0x3] =	stream.linear.gather [hbm4b:s11+s28], $0x1400, $0x38;
	[tilespmem:$0x1E400] =	vst v63  }
0x3f: {  	_ =	swait.ge [sflag:s17], $0x1400  }
0x40: {  	[sflag:s17] =	ssyncset.done $0x0  }
0x41: {  	[sflag:s17] =	ssyncadd.s32 $0xFFFFEC00  }
0x42: {  	[tilespmem:s16], [sflag:$0x1] =	stream.indirect.gather [hbm4b:s1+s19], $0x80, s28, s19, $0xb8;
	[tilespmem:$0x1E400] =	vst v63  }
0x43: {  	_ = 	snop  }
0x44: {  	[tilespmem:s20], [sflag:$0x2] =	stream.indirect.gather [hbm4b:s1+s19], $0x80, s19, s19, $0xb8;
	[tilespmem:$0x1E400] =	vst v63  }
0x45: {  	_ =	swait.ge [sflag:s21], $0x4000  }
0x46: {  	[sflag:s21] =	ssyncset.done $0x0  }
0x47: {  	s28 =	simm.s32 $0x1400;
	[sflag:s21] =	ssyncadd.s32 $0xFFFFC000  }
0x48: {  	[spmem:s2] =	stream.indirect.scatter.add.f32 [tilespmem:s16], [sflag:$0x3], $0x80, s28, s19, $0xb8;
	[tilespmem:$0x1E400] =	vst v63  }
0x49: {  	_ =	swait.ge [sflag:s17], $0x4000  }
0x4a: {  	[sflag:s17] =	ssyncset.done $0x0  }
0x4b: {  	s28 =	simm.s32 $0x100;
	[sflag:s17] =	ssyncadd.s32 $0xFFFFC000  }
0x4c: {  	[tilespmem:s16], [sflag:$0x1] =	stream.indirect.gather [hbm4b:s1+s19], $0x80, s28, s19, $0xb8;
	[tilespmem:$0x1E400] =	vst v63  }
0x4d: {  	_ =	swait.ge [sflag:s22], $0x4000  }
0x4e: {  	[sflag:s22] =	ssyncset.done $0x0  }
0x4f: {  	s28 =	simm.s32 $0x1480;
	[sflag:s22] =	ssyncadd.s32 $0xFFFFC000  }
0x50: {  	[spmem:s2] =	stream.indirect.scatter.add.f32 [tilespmem:s20], [sflag:$0x3], $0x80, s28, s19, $0xb8;
	[tilespmem:$0x1E400] =	vst v63  }
0x51: {  	_ =	swait.ge [sflag:s17], $0x4000  }
0x52: {  	[sflag:s17] =	ssyncset.done $0x0  }
0x53: {  	s29 =	simm.s32 $0x180;
	s28 =	simm.s32 $0x400;
	[sflag:s17] =	ssyncadd.s32 $0xFFFFC000  }
.LBB2_4:
0x54: {  	[tilespmem:s20], [sflag:$0x2] =	stream.indirect.gather [hbm4b:s1+s19], $0x80, s29, s19, $0xb8;
	[tilespmem:$0x1E400] =	vst v63  }
0x55: {  	s29 =	smov.u32 s28  }
0x56: {  	p1 =	sne.s32 s28, $0x4800;
	s28 =	sadd.s32 $0x400, s28;
	_ =	swait.ge [sflag:s21], $0x4000  }
0x57: {  	s29 =	sshra.s32 s29, $0x2;
	[sflag:s21] =	ssyncset.done $0x0  }
0x58: {  	s30 =	sadd.s32 $0x1400, s29;
	[sflag:s21] =	ssyncadd.s32 $0xFFFFC000  }
0x59: {  	[spmem:s2] =	stream.indirect.scatter.add.f32 [tilespmem:s16], [sflag:$0x3], $0x80, s30, s19, $0xb8;
	[tilespmem:$0x1E400] =	vst v63  }
0x5a: {  	_ =	swait.ge [sflag:s17], $0x4000  }
0x5b: {  	[sflag:s17] =	ssyncset.done $0x0  }
0x5c: {  	s30 =	sadd.s32 $0x100, s29;
	[sflag:s17] =	ssyncadd.s32 $0xFFFFC000  }
0x5d: {  	[tilespmem:s16], [sflag:$0x1] =	stream.indirect.gather [hbm4b:s1+s19], $0x80, s30, s19, $0xb8;
	[tilespmem:$0x1E400] =	vst v63  }
0x5e: {  	_ =	swait.ge [sflag:s22], $0x4000  }
0x5f: {  	[sflag:s22] =	ssyncset.done $0x0  }
.Ltmp1:
0x60: {  	s30 =	sadd.s32 $0x1480, s29;
	[sflag:s22] =	ssyncadd.s32 $0xFFFFC000;
	(pc) =	sbr.rel @p1 .LBB2_4-.Ltmp1, $4  }
0x61: {  	[spmem:s2] =	stream.indirect.scatter.add.f32 [tilespmem:s20], [sflag:$0x3], $0x80, s30, s19, $0xb8;
	[tilespmem:$0x1E400] =	vst v63  }
0x62: {  	_ =	swait.ge [sflag:s17], $0x4000  }
0x63: {  	[sflag:s17] =	ssyncset.done $0x0  }
0x64: {  	s29 =	sadd.s32 $0x180, s29;
	[sflag:s17] =	ssyncadd.s32 $0xFFFFC000  }
0x65: {  	[tilespmem:s20], [sflag:$0x2] =	stream.indirect.gather [hbm4b:s1+s19], $0x80, s29, s19, $0xb8;
	[tilespmem:$0x1E400] =	vst v63  }
0x66: {  	_ =	swait.ge [sflag:s21], $0x4000  }
0x67: {  	[sflag:s21] =	ssyncset.done $0x0  }
0x68: {  	[sflag:s21] =	ssyncadd.s32 $0xFFFFC000  }
0x69: {  	[spmem:s2] =	stream.indirect.scatter.add.f32 [tilespmem:s16], [sflag:$0x3], $0x80, s23, s19, $0xb8;
	[tilespmem:$0x1E400] =	vst v63  }
0x6a: {  	_ =	swait.ge [sflag:s17], $0x4000  }
0x6b: {  	[sflag:s17] =	ssyncset.done $0x0  }
0x6c: {  	[sflag:s17] =	ssyncadd.s32 $0xFFFFC000  }
0x6d: {  	_ =	swait.ge [sflag:s22], $0x4000  }
0x6e: {  	[sflag:s22] =	ssyncset.done $0x0  }
0x6f: {  	[sflag:s22] =	ssyncadd.s32 $0xFFFFC000  }
0x70: {  	[spmem:s2] =	stream.indirect.scatter.add.f32 [tilespmem:s20], [sflag:$0x3], $0x80, s26, s19, $0xb8;
	[tilespmem:$0x1E400] =	vst v63  }
0x71: {  	_ =	swait.ge [sflag:s17], $0x4000  }
0x72: {  	[sflag:s17] =	ssyncset.done $0x0  }
0x73: {  	s28 =	simm.s32 $0x0;
	[sflag:s17] =	ssyncadd.s32 $0xFFFFC000  }
0x74: {  	[tilespmem:s28], [sflag:$0x3] =	stream.linear.gather [hbm4b:s12+s28], $0x1400, $0x38;
	[tilespmem:$0x1E400] =	vst v63  }
0x75: {  	_ =	swait.ge [sflag:s17], $0x1400  }
0x76: {  	[sflag:s17] =	ssyncset.done $0x0  }
0x77: {  	[sflag:s17] =	ssyncadd.s32 $0xFFFFEC00  }
0x78: {  	[tilespmem:s18], [sflag:$0x3] =	stream.linear.gather [hbm4b:s13+s28], $0x1400, $0x38;
	[tilespmem:$0x1E400] =	vst v63  }
0x79: {  	_ =	swait.ge [sflag:s17], $0x1400  }
0x7a: {  	[sflag:s17] =	ssyncset.done $0x0  }
0x7b: {  	[sflag:s17] =	ssyncadd.s32 $0xFFFFEC00  }
0x7c: {  	[tilespmem:s16], [sflag:$0x1] =	stream.indirect.gather [hbm4b:s1+s19], $0x80, s28, s19, $0xb8;
	[tilespmem:$0x1E400] =	vst v63  }
0x7d: {  	_ = 	snop  }
0x7e: {  	[tilespmem:s20], [sflag:$0x2] =	stream.indirect.gather [hbm4b:s1+s19], $0x80, s19, s19, $0xb8;
	[tilespmem:$0x1E400] =	vst v63  }
0x7f: {  	_ =	swait.ge [sflag:s21], $0x4000  }
0x80: {  	[sflag:s21] =	ssyncset.done $0x0  }
0x81: {  	s28 =	simm.s32 $0x1400;
	[sflag:s21] =	ssyncadd.s32 $0xFFFFC000  }
0x82: {  	[spmem:s2] =	stream.indirect.scatter.add.f32 [tilespmem:s16], [sflag:$0x3], $0x80, s28, s19, $0xb8;
	[tilespmem:$0x1E400] =	vst v63  }
0x83: {  	_ =	swait.ge [sflag:s17], $0x4000  }
0x84: {  	[sflag:s17] =	ssyncset.done $0x0  }
0x85: {  	s28 =	simm.s32 $0x100;
	[sflag:s17] =	ssyncadd.s32 $0xFFFFC000  }
0x86: {  	[tilespmem:s16], [sflag:$0x1] =	stream.indirect.gather [hbm4b:s1+s19], $0x80, s28, s19, $0xb8;
	[tilespmem:$0x1E400] =	vst v63  }
0x87: {  	_ =	swait.ge [sflag:s22], $0x4000  }
0x88: {  	[sflag:s22] =	ssyncset.done $0x0  }
0x89: {  	s28 =	simm.s32 $0x1480;
	[sflag:s22] =	ssyncadd.s32 $0xFFFFC000  }
0x8a: {  	[spmem:s2] =	stream.indirect.scatter.add.f32 [tilespmem:s20], [sflag:$0x3], $0x80, s28, s19, $0xb8;
	[tilespmem:$0x1E400] =	vst v63  }
0x8b: {  	_ =	swait.ge [sflag:s17], $0x4000  }
0x8c: {  	[sflag:s17] =	ssyncset.done $0x0  }
0x8d: {  	s29 =	simm.s32 $0x180;
	s28 =	simm.s32 $0x400;
	[sflag:s17] =	ssyncadd.s32 $0xFFFFC000  }
.LBB2_6:
0x8e: {  	[tilespmem:s20], [sflag:$0x2] =	stream.indirect.gather [hbm4b:s1+s19], $0x80, s29, s19, $0xb8;
	[tilespmem:$0x1E400] =	vst v63  }
0x8f: {  	s29 =	smov.u32 s28  }
0x90: {  	p1 =	sne.s32 s28, $0x4800;
	s28 =	sadd.s32 $0x400, s28;
	_ =	swait.ge [sflag:s21], $0x4000  }
0x91: {  	s29 =	sshra.s32 s29, $0x2;
	[sflag:s21] =	ssyncset.done $0x0  }
0x92: {  	s30 =	sadd.s32 $0x1400, s29;
	[sflag:s21] =	ssyncadd.s32 $0xFFFFC000  }
0x93: {  	[spmem:s2] =	stream.indirect.scatter.add.f32 [tilespmem:s16], [sflag:$0x3], $0x80, s30, s19, $0xb8;
	[tilespmem:$0x1E400] =	vst v63  }
0x94: {  	_ =	swait.ge [sflag:s17], $0x4000  }
0x95: {  	[sflag:s17] =	ssyncset.done $0x0  }
0x96: {  	s30 =	sadd.s32 $0x100, s29;
	[sflag:s17] =	ssyncadd.s32 $0xFFFFC000  }
0x97: {  	[tilespmem:s16], [sflag:$0x1] =	stream.indirect.gather [hbm4b:s1+s19], $0x80, s30, s19, $0xb8;
	[tilespmem:$0x1E400] =	vst v63  }
0x98: {  	_ =	swait.ge [sflag:s22], $0x4000  }
0x99: {  	[sflag:s22] =	ssyncset.done $0x0  }
.Ltmp2:
0x9a: {  	s30 =	sadd.s32 $0x1480, s29;
	[sflag:s22] =	ssyncadd.s32 $0xFFFFC000;
	(pc) =	sbr.rel @p1 .LBB2_6-.Ltmp2, $4  }
0x9b: {  	[spmem:s2] =	stream.indirect.scatter.add.f32 [tilespmem:s20], [sflag:$0x3], $0x80, s30, s19, $0xb8;
	[tilespmem:$0x1E400] =	vst v63  }
0x9c: {  	_ =	swait.ge [sflag:s17], $0x4000  }
0x9d: {  	[sflag:s17] =	ssyncset.done $0x0  }
0x9e: {  	s29 =	sadd.s32 $0x180, s29;
	[sflag:s17] =	ssyncadd.s32 $0xFFFFC000  }
0x9f: {  	[tilespmem:s20], [sflag:$0x2] =	stream.indirect.gather [hbm4b:s1+s19], $0x80, s29, s19, $0xb8;
	[tilespmem:$0x1E400] =	vst v63  }
0xa0: {  	_ =	swait.ge [sflag:s21], $0x4000  }
0xa1: {  	[sflag:s21] =	ssyncset.done $0x0  }
0xa2: {  	[sflag:s21] =	ssyncadd.s32 $0xFFFFC000  }
0xa3: {  	[spmem:s2] =	stream.indirect.scatter.add.f32 [tilespmem:s16], [sflag:$0x3], $0x80, s23, s19, $0xb8;
	[tilespmem:$0x1E400] =	vst v63  }
0xa4: {  	_ =	swait.ge [sflag:s17], $0x4000  }
0xa5: {  	[sflag:s17] =	ssyncset.done $0x0  }
0xa6: {  	[sflag:s17] =	ssyncadd.s32 $0xFFFFC000  }
0xa7: {  	_ =	swait.ge [sflag:s22], $0x4000  }
0xa8: {  	[sflag:s22] =	ssyncset.done $0x0  }
0xa9: {  	[sflag:s22] =	ssyncadd.s32 $0xFFFFC000  }
0xaa: {  	[spmem:s2] =	stream.indirect.scatter.add.f32 [tilespmem:s20], [sflag:$0x3], $0x80, s26, s19, $0xb8;
	[tilespmem:$0x1E400] =	vst v63  }
0xab: {  	_ =	swait.ge [sflag:s17], $0x4000  }
0xac: {  	[sflag:s17] =	ssyncset.done $0x0  }
0xad: {  	[sflag:s17] =	ssyncadd.s32 $0xFFFFC000  }
0xae: {  	s28 =	sadd.s32 @p0 $0x25080, s14;
	s29 =	simm.s32 @p0 $0x1FC3;
	[bflag:$0x0] =	sbarrier.arrive $0xFFFF  }
0xaf: {  	[hbm:s28], [sflag:s29] =	dma.local @p0 [spmem:s24], $0x2080  }
0xb0: {  	s28 =	simm.s32 @p0 $0x3  }
0xb1: {  	s3 =	sadd.s32 $0x1, s3;
	_ =	swait.ge @p0 [sflag:s28], $0x2080  }
0xb2: {  	p1 =	sne.s32 s3, s15;
	s29 =	sshll.u32 @!p0 s4, $0x6;
	[sflag:s28] =	ssyncset.done @p0 $0x0  }
0xb3: {  	[sflag:s28] =	ssyncadd.s32 @p0 $0xFFFFDF80;
	s28 =	sor.u32 @!p0 $0x1C03, s29;
	s29 =	sshrl.u32 @!p0 s5, $0x3  }
0xb4: {  	[hbm:s25], [sflag:s28] =	dma.local @!p0 [spmem:s29], $0x2780  }
.Ltmp3:
0xb5: {  	_ = 	snop;
	(pc) =	sbr.rel @p1 .LBB2_1-.Ltmp3, $4  }
0xb6: {  	s28 =	simm.s32 @!p0 $0x3  }
0xb7: {  	_ =	swait.ge @!p0 [sflag:s28], $0x2780  }
0xb8: {  	[sflag:s28] =	ssyncset.done @!p0 $0x0  }
0xb9: {  	[sflag:s28] =	ssyncadd.s32 @!p0 $0xFFFFD880  }
0xba: {  	_ =	sfence.sel $0x180000  }
0xbb: {  	[bflag:$0x0] =	sbarrier.arrive $0xFFFF  }
0xbc: {  	p0 =	sne.s32 s4, $0x0;
	_ =	strace $0x9000004D  }
0xbd: {  	s0 =	sadd.s32 @!p0 $0x100000, s0;
	[bflag:$0x2] =	sbarrier.arrive $0xFFFF  }
0xbe: {  	[sflag:s0] =	ssyncadd.tile.s32 @!p0 $0x1;
	_ =	shalt  }
.Lfunc_end2:
_tile_overlayer_lowered:
.L_overlay_start_2:
0xbf: {  	(tag) =	ssettag $0x2  }
0xc0: {  	s0 =	rddreg [dreg:$0x0];
	s2 =	stileid.u32  }
0xc1: {  	s1 =	rddreg [dreg:$0x1];
	p0 =	sne.s32 s2, $0x0  }
0xc2: {  	s3 =	rddreg [dreg:$0x2];
	[bflag:$0x3] =	sbarrier.arrive $0xFFFF;
	s2 =	simm.s32 @!p0 $0x1C03  }
0xc3: {  	[timem:s3], [sflag:s2] =	dma.local @!p0 [hbm:s0], s1  }
0xc4: {  	s0 =	simm.s32 @!p0 $0x3  }
0xc5: {  	_ =	swait.ge @!p0 [sflag:s0], s1  }
0xc6: {  	s1 =	ssub.s32 @!p0 $0x0, s1;
	[sflag:s0] =	ssyncset.done @!p0 $0x0  }
0xc7: {  	[sflag:s0] =	ssyncadd.s32 @!p0 s1  }
0xc8: {  	[bflag:$0x3] =	sbarrier.arrive $0xFFFF  }
0xc9: {  	_ =	shalt  }

// kernel: kernel.8.cloned.1.call-start
scs
__scs_entry_jumppad:
0x0: {  	(pc) =	sbr.rel $0x88, $3  }
0x1: {  	(tag) =	ssettag $0x0;
	lr =	simm.s32 $0x1  }
0x2: {  	[smem:$0x3F9B] =	sst lr;
	_ =	strace $0xD0000000  }
0x3: {  	_ = 	snop  }
0x4: {  	_ = 	snop  }
0x5: {  	_ = 	snop  }
0x6: {  	_ = 	snop  }
0x7: {  	_ = 	snop  }
__scs_overlays_trampoline_lowered:
0x8: {  	[smem:$0x3FAA] =	sst s0  }
0x9: {  	[smem:$0x3FAB] =	sst s1  }
0xa: {  	[smem:$0x3FAC] =	sst s2  }
0xb: {  	[smem:$0x3FAD] =	sst s3  }
0xc: {  	[smem:$0x3FAE] =	sst s4  }
0xd: {  	[smem:$0x3FAF] =	sst s5  }
0xe: {  	[smem:$0x3FB0] =	sst s6  }
0xf: {  	[smem:$0x3FB1] =	sst s7  }
0x10: {  	[smem:$0x3FB2] =	sst s8  }
0x11: {  	[smem:$0x3FB3] =	sst s9;
	s0 =	simm.s32 @!p0 $0x0  }
0x12: {  	s1 =	sld [smem:$0x3F99];
	s0 =	simm.s32 @p0 $0x1  }
0x13: {  	[smem:$0x3FB4] =	sst s0;
	s0 =	simm.s32 @!p1 $0x0  }
0x14: {  	s2 =	sld [smem:$0x3F98];
	s0 =	simm.s32 @p1 $0x1  }
0x15: {  	[smem:$0x3FB5] =	sst s0;
	s0 =	simm.s32 @!p2 $0x0  }
0x16: {  	s3 =	sld [smem:$0x3FDB];
	s0 =	simm.s32 @p2 $0x1  }
0x17: {  	s4 =	simm.s32 $0x1BF5;
	[smem:$0x3FB7] =	sst s0  }
0x18: {  	s0 =	sld [smem:$0x3F9A];
	_ =	swait.ge [sflag:s4], $0x0  }
0x19: {  	s7 =	sld [smem:$0x3F9B]  }
0x1a: {  	s8 =	sadd.s32 $0xFFFFE003, lr  }
0x1b: {  	s9 =	sadd.s32 $0xFFFFFEF7, lr;
	s5 =	simm.s32 $0xFFFFFFFF;
	p2 =	slt.u32 s8, $0xFFFFF086  }
0x1c: {  	p1 =	slt.u32 s9, $0xF7A;
	s5 =	simm.s32 @!p2 $0x0  }
0x1d: {  	s5 =	simm.s32 @p1 $0x1;
	p0 =	seq.s32 s7, s2  }
0x1e: {  	s7 =	smul.u32 @!p0 $0xF7A, s2;
	p2 =	seq.s32 @!p0 s5, $0x0  }
0x1f: {  	s9 =	smul.u32 $0xF7A, s1;
	s8 =	simm.s32 @!p0 $0x1BF5;
	p2 =	por !p2, p0  }
0x20: {  	[sflag:s8] =	ssyncset.s32 @!p0 $0xFFFFF086;
	s6 =	sadd.s32 @!p0 s3, s7;
	s7 =	simm.s32 @!p0 $0x108  }
0x21: {  	s3 =	sadd.s32 s3, s9;
	s6 =	sadd.s32 @!p0 $0x88, s6;
	s7 =	simm.s32 @p2 $0x1082  }
0x22: {  	[simem:s7], [sflag:s8] =	dma.local @!p0 [hbm:s6], $0xF7A  }
0x23: {  	s9 =	sor.u32 $0xD0000000, s2;
	s6 =	simm.s32 $0x108;
	_ =	swait.ge @!p0 [sflag:s8], $0x0  }
0x24: {  	s3 =	sadd.s32 $0x88, s3;
	s6 =	simm.s32 @!p1 $0x1082;
	[sflag:s4] =	ssyncset.s32 $0xFFFFF086  }
0x25: {  	[simem:s6], [sflag:s4] =	dma.local [hbm:s3], $0xF7A  }
0x26: {  	[smem:$0x3F9B] =	sst s1;
	(tag) =	ssettag s2;
	_ =	strace s9  }
0x27: {  	s1 =	sld [smem:$0x3FAB]  }
0x28: {  	s2 =	sld [smem:$0x3FAC]  }
0x29: {  	s4 =	sld [smem:$0x3FAE]  }
0x2a: {  	p0 =	seq.s32 s5, $0x0;
	s5 =	sld [smem:$0x3FAF]  }
0x2b: {  	s6 =	sld [smem:$0x3FB0]  }
0x2c: {  	s7 =	sld [smem:$0x3FB1]  }
0x2d: {  	s3 =	simm.s32 $0x108;
	s8 =	sld [smem:$0x3FB2]  }
0x2e: {  	s3 =	simm.s32 @!p0 $0x1082;
	s9 =	sld [smem:$0x3FB3]  }
0x2f: {  	lr =	sadd.s32 s0, s3;
	s0 =	sld [smem:$0x3FAA]  }
0x30: {  	s3 =	sld [smem:$0x3FAD]  }
0x31: {  	[smem:$0x3FB6] =	sst s10  }
0x32: {  	s10 =	sld [smem:$0x3FB4];
	_ =	sdelay $0x3  }
0x33: {  	p0 =	seq.s32 s10, $0x1;
	s10 =	sld [smem:$0x3FB6];
	_ =	sdelay $0x3  }
0x34: {  	[smem:$0x3FB6] =	sst s10  }
0x35: {  	s10 =	sld [smem:$0x3FB5];
	_ =	sdelay $0x3  }
0x36: {  	p1 =	seq.s32 s10, $0x1;
	s10 =	sld [smem:$0x3FB6];
	_ =	sdelay $0x3  }
0x37: {  	[smem:$0x3FB6] =	sst s10  }
0x38: {  	s10 =	sld [smem:$0x3FB7]  }
0x39: {  	_ = 	snop;
	(pc) =	sbr.ind lr, $3  }
0x3a: {  	_ = 	snop  }
0x3b: {  	_ = 	snop  }
0x3c: {  	p2 =	seq.s32 s10, $0x1;
	s10 =	sld [smem:$0x3FB6]  }
0x3d: {  	_ =	shalt  }
0x3e: {  	_ =	shalt  }
0x3f: {  	_ =	shalt  }
0x40: {  	_ =	shalt  }
0x41: {  	_ =	shalt  }
0x42: {  	_ =	shalt  }
0x43: {  	_ =	shalt  }
0x44: {  	_ =	shalt  }
0x45: {  	_ =	shalt  }
0x46: {  	_ =	shalt  }
0x47: {  	_ =	shalt  }
0x48: {  	_ =	shalt  }
0x49: {  	_ =	shalt  }
0x4a: {  	_ =	shalt  }
0x4b: {  	_ =	shalt  }
0x4c: {  	_ =	shalt  }
0x4d: {  	_ =	shalt  }
0x4e: {  	_ =	shalt  }
0x4f: {  	_ =	shalt  }
0x50: {  	_ =	shalt  }
0x51: {  	_ =	shalt  }
0x52: {  	_ =	shalt  }
0x53: {  	_ =	shalt  }
0x54: {  	_ =	shalt  }
0x55: {  	_ =	shalt  }
0x56: {  	_ =	shalt  }
0x57: {  	_ =	shalt  }
0x58: {  	_ =	shalt  }
0x59: {  	_ =	shalt  }
0x5a: {  	_ =	shalt  }
0x5b: {  	_ =	shalt  }
0x5c: {  	_ =	shalt  }
0x5d: {  	_ =	shalt  }
0x5e: {  	_ =	shalt  }
0x5f: {  	_ =	shalt  }
0x60: {  	_ =	shalt  }
0x61: {  	_ =	shalt  }
0x62: {  	_ =	shalt  }
0x63: {  	_ =	shalt  }
0x64: {  	_ =	shalt  }
0x65: {  	_ =	shalt  }
0x66: {  	_ =	shalt  }
0x67: {  	_ =	shalt  }
0x68: {  	_ =	shalt  }
0x69: {  	_ =	shalt  }
0x6a: {  	_ =	shalt  }
0x6b: {  	_ =	shalt  }
0x6c: {  	_ =	shalt  }
0x6d: {  	_ =	shalt  }
0x6e: {  	_ =	shalt  }
0x6f: {  	_ =	shalt  }
0x70: {  	_ =	shalt  }
0x71: {  	_ =	shalt  }
0x72: {  	_ =	shalt  }
0x73: {  	_ =	shalt  }
0x74: {  	_ =	shalt  }
0x75: {  	_ =	shalt  }
0x76: {  	_ =	shalt  }
0x77: {  	_ =	shalt  }
0x78: {  	_ =	shalt  }
0x79: {  	_ =	shalt  }
0x7a: {  	_ =	shalt  }
0x7b: {  	_ =	shalt  }
0x7c: {  	_ =	shalt  }
0x7d: {  	_ =	shalt  }
0x7e: {  	_ =	shalt  }
0x7f: {  	_ =	shalt  }
0x80: {  	_ =	shalt  }
0x81: {  	_ =	shalt  }
0x82: {  	_ =	shalt  }
0x83: {  	_ =	shalt  }
0x84: {  	_ =	shalt  }
0x85: {  	_ =	shalt  }
0x86: {  	_ =	shalt  }
0x87: {  	_ =	shalt  }
.Lfunc_end0:
.L_simem_size_0:
called_computation_lowered:
.L_overlay_start_0:
0x88: {  	s2 =	sld [smem:$0x3FD9]  }
0x89: {  	s3 =	sld [smem:$0x3FFE];
	_ =	sdelay $0x1  }
0x8a: {  	s1 =	srdreg.scid  }
0x8b: {  	s0 =	sand.u32 $0x1, s1  }
0x8c: {  	s17 =	sshll.u32 s0, $0xA;
	s2 =	sadd.s32 s3, s2  }
0x8d: {  	s2 =	sadd.s32 s2, s17  }
0x8e: {  	[smem:$0x3FC2] =	sst s2  }
0x8f: {  	_ = 	snop  }
0x90: {  	s2 =	sld [smem:$0x3FD0];
	(tm) =	ssettm $0x1  }
0x91: {  	s18 =	sld [smem:$0x3FFB];
	_ =	sdelay $0x3  }
0x92: {  	_ =	strace s18  }
0x93: {  	s3 =	sld [smem:$0x3FFC];
	_ =	sdelay $0x3  }
0x94: {  	_ =	strace s3  }
0x95: {  	s3 =	sld [smem:$0x3FFD];
	_ =	sdelay $0x3  }
0x96: {  	_ =	strace s3  }
0x97: {  	_ =	strace $0x8FFFFFFF  }
0x98: {  	s19 =	sld [smem:$0x3FDB];
	_ =	sdelay $0x1  }
0x99: {  	s4 =	simm.s32 $_scs_section_size  }
0x9a: {  	s5 =	simm.s32 $_size__tile_overlayer_lowered;
	s6 =	simm.s32 $_tile_overlayer_lowered  }
0x9b: {  	s22 =	simm.s32 $0x1BFF;
	s21 =	sshll.u32 s6, $0x1;
	s3 =	sadd.s32 s4, s19  }
0x9c: {  	s7 =	simm.s32 $0x0;
	s20 =	sshll.u32 s5, $0x1;
	s5 =	sadd.s32 s21, s3  }
0x9d: {  	[timem:s7], [sflag:s22] =	dma.local [hbm:s5], s20  }
0x9e: {  	_ =	swait.ge [sflag:s22], s20  }
0x9f: {  	s4 =	ssub.s32 $0x0, s20;
	[sflag:s22] =	ssyncset.done $0x0  }
0xa0: {  	[sflag:s22] =	ssyncadd.s32 s4;
	_ =	sdelay $0x1  }
0xa1: {  	s23 =	simm.s32 $0x1B8B  }
0xa2: {  	_ =	swait.ge [sflag:s23], $0x1  }
0xa3: {  	[sflag:s23] =	ssyncset.done $0x0  }
0xa4: {  	s25 =	simm.s32 $0x1B8E;
	s24 =	sld [smem:$0x3FFE];
	[sflag:s23] =	ssyncadd.s32 $0xFFFFFFFF  }
0xa5: {  	s26 =	simm.s32 $execute0_lowered;
	[smem:$0x3FD2] =	sst s25  }
0xa6: {  	s5 =	sshll.u32 s26, $0x1;
	_ =	strace $0x80000046;
	[dreg:$0x1] =	wrdreg $0xFFFFFFFF  }
0xa7: {  	s28 =	simm.s32 $_size_execute0_lowered;
	s3 =	sadd.s32 s3, s5;
	[dreg:$0x0] =	wrdreg $0x0  }
0xa8: {  	s5 =	sshll.u32 s28, $0x1;
	[dreg:$0x2] =	wrdreg s3  }
0xa9: {  	[dreg:$0x3] =	wrdreg s5  }
0xaa: {  	[dreg:$0x4] =	wrdreg $0xC0  }
0xab: {  	_ =	task [dreg:s7], $0x5FFFF  }
0xac: {  	[dreg:$0x1] =	wrdreg $0xFFFFFFFF  }
0xad: {  	[dreg:$0x0] =	wrdreg $0x60  }
0xae: {  	[dreg:$0x2] =	wrdreg s24  }
0xaf: {  	[dreg:$0x3] =	wrdreg s2  }
0xb0: {  	[dreg:$0x4] =	wrdreg $0x2B000  }
0xb1: {  	[dreg:$0x5] =	wrdreg $0x9  }
0xb2: {  	_ =	task.clear_ibuf [dreg:s7], $0x6FFFF;
	_ =	strace $0x90000046  }
0xb3: {  	s29 =	simm.s32 $0x9;
	_ =	strace $0x80000048  }
0xb4: {  	_ =	swait.ge [sflag:s29], $0x1  }
0xb5: {  	[sflag:s29] =	ssyncadd.s32 $0xFFFFFFFF  }
0xb6: {  	_ =	strace $0x90000048  }
0xb7: {  	_ =	sfence  }
0xb8: {  	s30 =	sld [smem:$0x0];
	_ =	sdelay $0x2  }
0xb9: {  	s31 =	sshll.u32 s1, $0xD;
	s1 =	sshrl.u32 s1, $0x2  }
0xba: {  	s3 =	sand.u32 $0x4000, s31;
	s1 =	sadd.s32 s1, s30  }
0xbb: {  	s0 =	sor.u32 s3, s0;
	s1 =	sshll.u32 s1, $0x11  }
0xbc: {  	s0 =	sor.u32 s1, s0  }
0xbd: {  	s0 =	sadd.s32 $0x8F2B, s0  }
0xbe: {  	[sflag:s0] =	ssyncadd.remote.s32 $0x1  }
0xbf: {  	_ =	sfence.sel $0xFFFF  }
0xc0: {  	[dreg:$0x0] =	wrdreg $0xFFFFFFFF;
	(pc) =	sbr.abs _section_cstart, $3  }
0xc1: {  	[dreg:$0x1] =	wrdreg $0xFFFFFFFF  }
0xc2: {  	_ =	task.clear_ibuf [dreg:s7], $0x2FFFF;
	_ =	strace $0x9FFFFFFF  }
0xc3: {  	(tm) =	ssettm $0x7FFFFFFF  }
tec
execute0_lowered:
.L_overlay_start_1:
0x0: {  	(tag) =	ssettag $0x1  }
0x1: {  	s4 =	rddreg [dreg:$0x0]  }
0x2: {  	s6 =	rddreg [dreg:$0x1];
	s0 =	srdreg.scid  }
0x3: {  	s2 =	rddreg [dreg:$0x2];
	s1 =	stileid.u32  }
0x4: {  	s3 =	simm.s32 $0x0;
	s14 =	simm.s32 $0x20;
	s15 =	simm.s32 $0x10  }
0x5: {  	s5 =	sand.u32 $0x1, s0;
	s0 =	rddreg [dreg:$0x3];
	s9 =	smul.u32 $0xA00, s1  }
0x6: {  	s16 =	simm.s32 $0x0;
	[smem:$0x7FF] =	sst s3;
	s12 =	smul.u32 $0xA0, s1  }
0x7: {  	s13 =	sshll.u32 s1, $0x6;
	s7 =	sshll.u32 s5, $0x4;
	s5 =	ssub.s32 $0x2, s5  }
0x8: {  	_ =	strace $0x80000047;
	s8 =	sor.u32 s1, s7;
	s10 =	sshrl.u32 s5, $0x1  }
0x9: {  	s9 =	sshrl.u32 s9, $0x2;
	s11 =	sadd.s32 s6, s7;
	s7 =	simm.s32 $0x2880  }
0xa: {  	s8 =	smul.u32 $0x500, s8;
	s10 =	ssub.s32 s5, s10;
	s11 =	sadd.s32 s12, s11  }
0xb: {  	s12 =	sor.u32 $0x1C01, s13;
	s6 =	smax.u32 s10, $0x1;
	s10 =	simm.s32 $0x2800  }
0xc: {  	s8 =	sadd.s32 s8, s4;
	s4 =	sadd.s32 s9, s2;
	s9 =	simm.s32 $0x80  }
0xd: {  	v0 =	vimm.f32 $1.000000000e+00;
	v1 =	vimm.f32 $0.0e+00;
	s5 =	sadd.s32 $0x1A00, s8;
	s8 =	simm.s32 $0x1;
	s13 =	sshrl.u32 s4, $0x3  }
.LBB2_1:
0xe: {  	[tilespmem:$0x2800] =	vst v0  }
0xf: {  	[tilespmem:$0x2810] =	vst v0  }
0x10: {  	[tilespmem:$0x2820] =	vst v0  }
0x11: {  	[tilespmem:$0x2830] =	vst v0  }
0x12: {  	[tilespmem:$0x2840] =	vst v0  }
0x13: {  	[tilespmem:$0x2850] =	vst v0  }
0x14: {  	[tilespmem:$0x2860] =	vst v0  }
0x15: {  	[tilespmem:$0x2870] =	vst v0  }
0x16: {  	[tilespmem:$0x2880] =	vst v1  }
0x17: {  	[tilespmem:$0x2890] =	vst v1  }
0x18: {  	[tilespmem:$0x28A0] =	vst v1  }
0x19: {  	[tilespmem:$0x28B0] =	vst v1  }
0x1a: {  	[tilespmem:$0x28C0] =	vst v1  }
0x1b: {  	[tilespmem:$0x28D0] =	vst v1  }
0x1c: {  	[tilespmem:$0x28E0] =	vst v1  }
0x1d: {  	[tilespmem:$0x28F0] =	vst v1  }
0x1e: {  	[tilespmem:$0x2900] =	vst v1  }
0x1f: {  	[tilespmem:$0x2910] =	vst v1  }
0x20: {  	[tilespmem:$0x2920] =	vst v1  }
0x21: {  	[tilespmem:$0x2930] =	vst v1  }
0x22: {  	[tilespmem:$0x2940] =	vst v1  }
0x23: {  	[tilespmem:$0x2950] =	vst v1  }
0x24: {  	[tilespmem:$0x2960] =	vst v1  }
0x25: {  	[tilespmem:$0x2970] =	vst v1  }
0x26: {  	[tilespmem:$0x2980] =	vst v1  }
0x27: {  	[tilespmem:$0x2990] =	vst v1  }
0x28: {  	[tilespmem:$0x29A0] =	vst v1  }
0x29: {  	[tilespmem:$0x29B0] =	vst v1  }
0x2a: {  	[tilespmem:$0x29C0] =	vst v1  }
0x2b: {  	[tilespmem:$0x29D0] =	vst v1  }
0x2c: {  	[tilespmem:$0x29E0] =	vst v1  }
0x2d: {  	[tilespmem:$0x29F0] =	vst v1  }
0x2e: {  	[tilespmem:$0x2A00] =	vst v1  }
0x2f: {  	[tilespmem:$0x2A10] =	vst v1  }
0x30: {  	[tilespmem:$0x2A20] =	vst v1  }
0x31: {  	[tilespmem:$0x2A30] =	vst v1  }
0x32: {  	[tilespmem:$0x2A40] =	vst v1  }
0x33: {  	[tilespmem:$0x2A50] =	vst v1  }
0x34: {  	[tilespmem:$0x2A60] =	vst v1  }
0x35: {  	[tilespmem:$0x2A70] =	vst v1  }
0x36: {  	[tilespmem:$0x2A80] =	vst v1  }
0x37: {  	[tilespmem:$0x2A90] =	vst v1  }
0x38: {  	[tilespmem:$0x2AA0] =	vst v1  }
0x39: {  	[tilespmem:$0x2AB0] =	vst v1  }
0x3a: {  	[tilespmem:$0x2AC0] =	vst v1  }
0x3b: {  	[tilespmem:$0x2AD0] =	vst v1  }
0x3c: {  	[tilespmem:$0x2AE0] =	vst v1  }
0x3d: {  	[tilespmem:$0x2AF0] =	vst v1  }
0x3e: {  	[spmem:s4] =	stream.linear.scatter [tilespmem:s7], [sflag:$0x1], $0x280, $0x38;
	[tilespmem:$0x2D80] =	vst v63  }
0x3f: {  	_ =	swait.ge [sflag:s8], $0x280  }
0x40: {  	[sflag:s8] =	ssyncset.done $0x0  }
0x41: {  	[sflag:s8] =	ssyncadd.s32 $0xFFFFFD80  }
0x42: {  	[bflag:$0x0] =	sbarrier.arrive $0xFFFF  }
0x43: {  	[tilespmem:s3], [sflag:$0x1] =	stream.linear.gather [hbm4b:s5+s3], $0x2800, $0x38;
	[tilespmem:$0x2D80] =	vst v63  }
0x44: {  	_ =	swait.ge [sflag:s8], $0x2800  }
0x45: {  	[sflag:s8] =	ssyncset.done $0x0  }
0x46: {  	s17 =	simm.s32 $0x0;
	[sflag:s8] =	ssyncadd.s32 $0xFFFFD800  }
0x47: {  	[spmem:s2] =	stream.indirect.scatter.add.f32 [tilespmem:s10], [sflag:$0x1], $0x1, s17, s9, $0xb8;
	[tilespmem:$0x2D80] =	vst v63  }
0x48: {  	_ =	swait.ge [sflag:s8], $0x80  }
0x49: {  	s17 =	simm.s32 $0x200;
	[sflag:s8] =	ssyncset.done $0x0  }
.LBB2_2:
0x4a: {  	s18 =	sshra.s32 s17, $0x2;
	[sflag:s8] =	ssyncadd.s32 $0xFFFFFF80;
	p0 =	sne.s32 s17, $0x9E00  }
0x4b: {  	[spmem:s2] =	stream.indirect.scatter.add.f32 [tilespmem:s10], [sflag:$0x1], $0x1, s18, s9, $0xb8;
	[tilespmem:$0x2D80] =	vst v63  }
.Ltmp0:
0x4c: {  	_ = 	snop;
	(pc) =	sbr.rel @p0 .LBB2_2-.Ltmp0, $4  }
0x4d: {  	_ = 	snop  }
0x4e: {  	s17 =	sadd.s32 $0x200, s17  }
0x4f: {  	_ =	swait.ge [sflag:s8], $0x80  }
0x50: {  	[sflag:s8] =	ssyncset.done $0x0  }
0x51: {  	s16 =	sadd.s32 $0x1, s16  }
0x52: {  	[sflag:s8] =	ssyncadd.s32 $0xFFFFFF80;
	p0 =	sne.s32 s16, s6  }
.Ltmp1:
0x53: {  	[bflag:$0x0] =	sbarrier.arrive $0xFFFF;
	(pc) =	sbr.rel @p0 .LBB2_1-.Ltmp1, $4  }
0x54: {  	[hbm:s11@s14], [sflag:s12] =	dma.strided [spmem:s13@s15], $0x50, s8, $0x10   }
0x55: {  	_ =	swait.ge [sflag:s8], $0x50  }
0x56: {  	[sflag:s8] =	ssyncset.done $0x0  }
0x57: {  	[sflag:s8] =	ssyncadd.s32 $0xFFFFFFB0  }
0x58: {  	_ =	sfence.sel $0x180000  }
0x59: {  	[bflag:$0x0] =	sbarrier.arrive $0xFFFF  }
0x5a: {  	p0 =	sne.s32 s1, $0x0;
	_ =	strace $0x90000047  }
0x5b: {  	s0 =	sadd.s32 @!p0 $0x100000, s0;
	[bflag:$0x2] =	sbarrier.arrive $0xFFFF  }
0x5c: {  	[sflag:s0] =	ssyncadd.tile.s32 @!p0 $0x1;
	_ =	shalt  }
.Lfunc_end2:
_tile_overlayer_lowered:
.L_overlay_start_2:
0x5d: {  	(tag) =	ssettag $0x2  }
0x5e: {  	s0 =	rddreg [dreg:$0x0];
	s2 =	stileid.u32  }
0x5f: {  	s1 =	rddreg [dreg:$0x1];
	p0 =	sne.s32 s2, $0x0  }
0x60: {  	s3 =	rddreg [dreg:$0x2];
	[bflag:$0x3] =	sbarrier.arrive $0xFFFF;
	s2 =	simm.s32 @!p0 $0x1C01  }
0x61: {  	[timem:s3], [sflag:s2] =	dma.local @!p0 [hbm:s0], s1  }
0x62: {  	s0 =	simm.s32 @!p0 $0x1  }
0x63: {  	_ =	swait.ge @!p0 [sflag:s0], s1  }
0x64: {  	s1 =	ssub.s32 @!p0 $0x0, s1;
	[sflag:s0] =	ssyncset.done @!p0 $0x0  }
0x65: {  	[sflag:s0] =	ssyncadd.s32 @!p0 s1  }
0x66: {  	[bflag:$0x3] =	sbarrier.arrive $0xFFFF  }
0x67: {  	_ =	shalt  }

</sc_bundles>
